<compile_context>
chip_gen: v7x
topology: tpu7x:2x2x1
jax: 0.10.2.dev20260603
libtpu: 0.0.44.dev20260713+nightly
codegen_flags: <defaults>
</compile_context>

<pallas_src>
import jax
import jax.numpy as jnp
from jax.experimental import pallas as pl
from jax.experimental.pallas import tpu as pltpu

_B, _C, _L = 512, 64, 2048
_DS = 32
_LS = _L // _DS
_BB = 8
_R = _BB * _LS
_STEPS = _B // _BB


_LQ = _LS // 4


def _im2col_copies(x_hbm, scratch, sems, step, slot):
    for c in range(_C):
        yield pltpu.make_async_copy(
            x_hbm.at[pl.ds(step * _BB, _BB), c],
            scratch.at[slot, c],
            sems.at[slot, c])


def _pre_block_body(x_hbm, wmat_ref, convb_ref, cb_ref, cbh_ref, w1_ref,
                    b1_ref, w2_ref, b2_ref, out_ref, scratch, sems):
    i = pl.program_id(0)
    slot = jax.lax.rem(i, 2)
    nxt = jax.lax.rem(i + 1, 2)

    @pl.when(i == 0)
    def _():
        for cp in _im2col_copies(x_hbm, scratch, sems, i, slot):
            cp.start()

    @pl.when(i + 1 < _STEPS)
    def _():
        for cp in _im2col_copies(x_hbm, scratch, sems, i + 1, nxt):
            cp.start()

    for cp in _im2col_copies(x_hbm, scratch, sems, i, slot):
        cp.wait()

    wmatT = wmat_ref[...]
    conv_b = convb_ref[...]
    cb = cb_ref[...]
    cbh = cbh_ref[...]
    w1 = w1_ref[...]
    b1 = b1_ref[...]
    w2 = w2_ref[...]
    b2 = b2_ref[...]
    cb_sq = jnp.sum(cb * cb, axis=1, keepdims=True).T

    y4 = conv_b
    for c in range(_C):
        xc = scratch[slot, c].reshape(_BB * _LQ, 128).astype(jnp.bfloat16)
        y4 = y4 + jnp.dot(xc, wmatT[c * 128:(c + 1) * 128, :],
                          preferred_element_type=jnp.float32)
    x_de = jnp.transpose(y4.reshape(_BB, _LQ, _C, 4),
                         (0, 2, 1, 3)).reshape(_R, _LS)

    dotc = jax.lax.dot_general(
        x_de.astype(jnp.bfloat16), cbh, (((1,), (1,)), ((), ())),
        preferred_element_type=jnp.float32)
    x_sq = jnp.sum(x_de * x_de, axis=1, keepdims=True)
    d2 = jnp.maximum(x_sq + cb_sq - 2.0 * dotc, 0.0)
    idx = jnp.argmin(d2, axis=1, keepdims=True)

    iota = jax.lax.broadcasted_iota(jnp.int32, (_R, _LS), 1)
    onehot = (iota == idx).astype(jnp.float32)
    q = jnp.dot(onehot, cb, preferred_element_type=jnp.float32)

    t = x_de - q
    tp = jnp.transpose(t.reshape(_BB, _C, _LS), (0, 2, 1)).reshape(_R, _C)
    h = jax.lax.dot_general(
        tp.astype(jnp.bfloat16), w1, (((1,), (1,)), ((), ())),
        preferred_element_type=jnp.float32) + b1
    h = jnp.maximum(h, 0.0)
    mp = jax.lax.dot_general(
        h.astype(jnp.bfloat16), w2, (((1,), (1,)), ((), ())),
        preferred_element_type=jnp.float32) + b2
    mpT = jnp.transpose(mp.reshape(_BB, _LS, _C), (0, 2, 1)).reshape(_R, _LS)
    out_ref[...] = (mpT + q).reshape(_BB, _C, _LS)


def kernel(x, conv_w, conv_b, codebook, W1, b1, W2, b2):
    x4 = x.reshape(_B, _C, _LQ, 128)
    wk = conv_w.transpose(1, 2, 0)
    eye4 = jnp.eye(4, dtype=conv_w.dtype)
    wbig = (eye4[None, :, None, None, :]
            * wk[:, None, :, :, None])
    wmatT = wbig.reshape(_C * 128, 4 * _C).astype(jnp.bfloat16)
    convb2 = jnp.repeat(conv_b.reshape(_C, 1), 4, axis=1).reshape(1, 4 * _C)
    cbh = codebook.astype(jnp.bfloat16)
    w1h = W1.astype(jnp.bfloat16)
    w2h = W2.astype(jnp.bfloat16)
    b1r = b1.reshape(1, _LS)
    b2r = b2.reshape(1, _LS)

    grid = (_STEPS,)
    full = lambda i: (0, 0)
    out = pl.pallas_call(
        _pre_block_body,
        grid=grid,
        in_specs=[
            pl.BlockSpec(memory_space=pltpu.MemorySpace.HBM),
            pl.BlockSpec((_C * 128, 4 * _C), full),
            pl.BlockSpec((1, 4 * _C), full),
            pl.BlockSpec((_LS, _C), full),
            pl.BlockSpec((_LS, _C), full),
            pl.BlockSpec((_LS, _LS), full),
            pl.BlockSpec((1, _LS), full),
            pl.BlockSpec((_LS, _LS), full),
            pl.BlockSpec((1, _LS), full),
        ],
        out_specs=pl.BlockSpec((_BB, _C, _LS), lambda i: (i, 0, 0)),
        out_shape=jax.ShapeDtypeStruct((_B, _C, _LS), jnp.float32),
        scratch_shapes=[
            pltpu.VMEM((2, _C, _BB, _LQ, 128), jnp.float32),
            pltpu.SemaphoreType.DMA((2, _C)),
        ],
    )(x4, wmatT, convb2, codebook, cbh, w1h, b1r, w2h, b2r)
    return out

# --- scband reference (transcript-rebuilt; emitter-appended) ---
"""Pipeline reference for scband-pre-block-27015344292114 (READ-ONLY COPY).

The authoritative reference and input builder live on the scoring server;
editing this copy changes nothing except your own understanding.
"""

import jax, jax.numpy as jnp
import numpy as np

B, C, L = 512, 64, 2048
DS = 32          # 2**downsam_time, conv kernel == stride
LS = L // DS     # l_size = 64 (== C, required for shape consistency)


def setup_inputs(seed: int = 0) -> dict:
    key = jax.random.key(seed)
    ks = jax.random.split(key, 8)
    x = jax.random.normal(ks[0], (B, C, L), dtype=jnp.float32)
    conv_w = jax.random.normal(ks[1], (C, C, DS), dtype=jnp.float32) * (1.0 / np.sqrt(C * DS))
    conv_b = jax.random.normal(ks[2], (C,), dtype=jnp.float32) * 0.01
    codebook = jax.random.normal(ks[3], (LS, C), dtype=jnp.float32)
    W1 = jax.random.normal(ks[4], (LS, LS), dtype=jnp.float32) * (1.0 / np.sqrt(LS))
    b1 = jnp.zeros((LS,), dtype=jnp.float32)
    W2 = jax.random.normal(ks[5], (LS, LS), dtype=jnp.float32) * (1.0 / np.sqrt(LS))
    b2 = jnp.zeros((LS,), dtype=jnp.float32)
    return {"x": x, "conv_w": conv_w, "conv_b": conv_b, "codebook": codebook,
            "W1": W1, "b1": b1, "W2": W2, "b2": b2}


def reference(x, conv_w, conv_b, codebook, W1, b1, W2, b2):
    # Conv1d with kernel_size == stride == DS: non-overlapping windows -> reshape + einsum
    xr = x.reshape(B, C, LS, DS)
    x_de = jnp.einsum('bclk,ock->bol', xr, conv_w) + conv_b[None, :, None]   # [B, C, LS]
    # use_revin is undefined in the original module; treated as False (revin skipped)
    # torch.cdist(x_de, codebook): euclidean distance, feature dim = last dim (LS == C)
    d2 = (jnp.sum(x_de ** 2, axis=-1, keepdims=True)
          + jnp.sum(codebook ** 2, axis=-1)[None, None, :]
          - 2.0 * jnp.einsum('bcl,jl->bcj', x_de, codebook))
    distances = jnp.sqrt(jnp.maximum(d2, 0.0))                                # [B, C, LS]
    encoding_indices = jnp.argmin(distances, axis=-1)                         # [B, C]
    quantized = jnp.take(codebook, encoding_indices, axis=0)                  # [B, C, C]
    x_de_trend = x_de - quantized
    tp = jnp.transpose(x_de_trend, (0, 2, 1))                                 # [B, LS, C]
    h = jax.nn.relu(tp @ W1.T + b1)
    mp = h @ W2.T + b2
    x_de_trend = jnp.transpose(mp, (0, 2, 1))
    x_de_out = x_de_trend + quantized
    return x_de_out

if __name__ == "__main__":
    import jax
    _d = setup_inputs()
    print(jax.jit(kernel)(*tuple(_d.values())))

</pallas_src>

<mosaic_0001>
module attributes {stable_mosaic.version = 14 : i64} {
  func.func @_pre_block_body(%arg0: i32, %arg1: memref<512x64x16x128xf32, #tpu.memory_space<hbm>>, %arg2: memref<8192x256xbf16, #tpu.memory_space<vmem>>, %arg3: memref<1x256xf32, #tpu.memory_space<vmem>>, %arg4: memref<64x64xf32, #tpu.memory_space<vmem>>, %arg5: memref<64x64xbf16, #tpu.memory_space<vmem>>, %arg6: memref<64x64xbf16, #tpu.memory_space<vmem>>, %arg7: memref<1x64xf32, #tpu.memory_space<vmem>>, %arg8: memref<64x64xbf16, #tpu.memory_space<vmem>>, %arg9: memref<1x64xf32, #tpu.memory_space<vmem>>, %arg10: memref<8x64x64xf32, #tpu.memory_space<vmem>>, %arg11: memref<2x64x8x16x128xf32, #tpu.memory_space<vmem>>, %arg12: memref<2x64x!tpu.dma_semaphore, #tpu.memory_space<semaphore_mem>>) attributes {dimension_semantics = [#tpu.dimension_semantics<arbitrary>], iteration_bounds = array<i64: 64>, scalar_prefetch = 0 : i64, scratch_operands = 2 : i64, tpu.core_type = #tpu.core_type<tc>, window_params = [{}, {pipeline_mode = #tpu.pipeline_mode<synchronous>, transform_indices = @transform_1, window_bounds = array<i64: 8192, 256>}, {pipeline_mode = #tpu.pipeline_mode<synchronous>, transform_indices = @transform_2, window_bounds = array<i64: 1, 256>}, {pipeline_mode = #tpu.pipeline_mode<synchronous>, transform_indices = @transform_3, window_bounds = array<i64: 64, 64>}, {pipeline_mode = #tpu.pipeline_mode<synchronous>, transform_indices = @transform_4, window_bounds = array<i64: 64, 64>}, {pipeline_mode = #tpu.pipeline_mode<synchronous>, transform_indices = @transform_5, window_bounds = array<i64: 64, 64>}, {pipeline_mode = #tpu.pipeline_mode<synchronous>, transform_indices = @transform_6, window_bounds = array<i64: 1, 64>}, {pipeline_mode = #tpu.pipeline_mode<synchronous>, transform_indices = @transform_7, window_bounds = array<i64: 64, 64>}, {pipeline_mode = #tpu.pipeline_mode<synchronous>, transform_indices = @transform_8, window_bounds = array<i64: 1, 64>}, {transform_indices = @transform_9, window_bounds = array<i64: 8, 64, 64>}]} {
    %rem3A = arith.constant 2 : i32
    %rem3A_0 = arith.remsi %arg0, %rem3A : i32
    %add3A = arith.constant 1 : i32
    %add3A_1 = arith.addi %arg0, %add3A : i32
    %rem3A_2 = arith.constant 2 : i32
    %rem3A_3 = arith.remsi %add3A_1, %rem3A_2 : i32
    %eq3A = arith.constant 0 : i32
    %eq3A_4 = arith.cmpi eq, %arg0, %eq3A : i32
    %convert_element_type3A = arith.extui %eq3A_4 : i1 to i32
    %cond3A = arith.constant 0 : i32
    %cond3A_5 = arith.cmpi ne, %convert_element_type3A, %cond3A : i32
    scf.if %cond3A_5 {
      %mul3A_1939 = arith.constant 8 : i32
      %mul3A_1940 = arith.muli %arg0, %mul3A_1939 : i32
      %dma_start3A = arith.constant 0 : i32
      %dma_start3A_1941 = arith.constant 0 : i32
      %dma_start3A_1942 = arith.constant 0 : i32
      %dma_start3A_1943 = tpu.memref_slice %arg12[%rem3A_0, %dma_start3A_1942] : memref<2x64x!tpu.dma_semaphore, #tpu.memory_space<semaphore_mem>> -> memref<1x1x!tpu.dma_semaphore, #tpu.memory_space<semaphore_mem>>
      %dma_start3A_1944 = tpu.memref_squeeze %dma_start3A_1943 : memref<1x1x!tpu.dma_semaphore, #tpu.memory_space<semaphore_mem>> -> memref<!tpu.dma_semaphore, #tpu.memory_space<semaphore_mem>>
      %dma_start3A_1945 = arith.constant 0 : i32
      %dma_start3A_1946 = arith.constant 0 : i32
      %dma_start3A_1947 = arith.constant 0 : i32
      %dma_start3A_1948 = tpu.memref_slice %arg11[%rem3A_0, %dma_start3A_1941, %dma_start3A_1945, %dma_start3A_1946, %dma_start3A_1947] : memref<2x64x8x16x128xf32, #tpu.memory_space<vmem>> -> memref<1x1x8x16x128xf32, #tpu.memory_space<vmem>>
      %dma_start3A_1949 = tpu.memref_squeeze %dma_start3A_1948 : memref<1x1x8x16x128xf32, #tpu.memory_space<vmem>> -> memref<8x16x128xf32, #tpu.memory_space<vmem>>
      %dma_start3A_1950 = arith.constant 0 : i32
      %dma_start3A_1951 = arith.constant 0 : i32
      %dma_start3A_1952 = tpu.memref_slice %arg1[%mul3A_1940, %dma_start3A, %dma_start3A_1950, %dma_start3A_1951] : memref<512x64x16x128xf32, #tpu.memory_space<hbm>> -> memref<8x1x16x128xf32, #tpu.memory_space<hbm>>
      %dma_start3A_1953 = tpu.memref_squeeze %dma_start3A_1952 : memref<8x1x16x128xf32, #tpu.memory_space<hbm>> -> memref<8x16x128xf32, #tpu.memory_space<hbm>>
      tpu.enqueue_dma source(%dma_start3A_1953 : memref<8x16x128xf32, #tpu.memory_space<hbm>>) target(%dma_start3A_1949 : memref<8x16x128xf32, #tpu.memory_space<vmem>>) target_semaphore(%dma_start3A_1944 : memref<!tpu.dma_semaphore, #tpu.memory_space<semaphore_mem>>)
      %mul3A_1954 = arith.constant 8 : i32
      %mul3A_1955 = arith.muli %arg0, %mul3A_1954 : i32
      %dma_start3A_1956 = arith.constant 1 : i32
      %dma_start3A_1957 = arith.constant 1 : i32
      %dma_start3A_1958 = arith.constant 1 : i32
      %dma_start3A_1959 = tpu.memref_slice %arg12[%rem3A_0, %dma_start3A_1958] : memref<2x64x!tpu.dma_semaphore, #tpu.memory_space<semaphore_mem>> -> memref<1x1x!tpu.dma_semaphore, #tpu.memory_space<semaphore_mem>>
      %dma_start3A_1960 = tpu.memref_squeeze %dma_start3A_1959 : memref<1x1x!tpu.dma_semaphore, #tpu.memory_space<semaphore_mem>> -> memref<!tpu.dma_semaphore, #tpu.memory_space<semaphore_mem>>
      %dma_start3A_1961 = arith.constant 0 : i32
      %dma_start3A_1962 = arith.constant 0 : i32
      %dma_start3A_1963 = arith.constant 0 : i32
      %dma_start3A_1964 = tpu.memref_slice %arg11[%rem3A_0, %dma_start3A_1957, %dma_start3A_1961, %dma_start3A_1962, %dma_start3A_1963] : memref<2x64x8x16x128xf32, #tpu.memory_space<vmem>> -> memref<1x1x8x16x128xf32, #tpu.memory_space<vmem>>
      %dma_start3A_1965 = tpu.memref_squeeze %dma_start3A_1964 : memref<1x1x8x16x128xf32, #tpu.memory_space<vmem>> -> memref<8x16x128xf32, #tpu.memory_space<vmem>>
      %dma_start3A_1966 = arith.constant 0 : i32
      %dma_start3A_1967 = arith.constant 0 : i32
      %dma_start3A_1968 = tpu.memref_slice %arg1[%mul3A_1955, %dma_start3A_1956, %dma_start3A_1966, %dma_start3A_1967] : memref<512x64x16x128xf32, #tpu.memory_space<hbm>> -> memref<8x1x16x128xf32, #tpu.memory_space<hbm>>
      %dma_start3A_1969 = tpu.memref_squeeze %dma_start3A_1968 : memref<8x1x16x128xf32, #tpu.memory_space<hbm>> -> memref<8x16x128xf32, #tpu.memory_space<hbm>>
      tpu.enqueue_dma source(%dma_start3A_1969 : memref<8x16x128xf32, #tpu.memory_space<hbm>>) target(%dma_start3A_1965 : memref<8x16x128xf32, #tpu.memory_space<vmem>>) target_semaphore(%dma_start3A_1960 : memref<!tpu.dma_semaphore, #tpu.memory_space<semaphore_mem>>)
      %mul3A_1970 = arith.constant 8 : i32
      %mul3A_1971 = arith.muli %arg0, %mul3A_1970 : i32
      %dma_start3A_1972 = arith.constant 2 : i32
      %dma_start3A_1973 = arith.constant 2 : i32
      %dma_start3A_1974 = arith.constant 2 : i32
      %dma_start3A_1975 = tpu.memref_slice %arg12[%rem3A_0, %dma_start3A_1974] : memref<2x64x!tpu.dma_semaphore, #tpu.memory_space<semaphore_mem>> -> memref<1x1x!tpu.dma_semaphore, #tpu.memory_space<semaphore_mem>>
      %dma_start3A_1976 = tpu.memref_squeeze %dma_start3A_1975 : memref<1x1x!tpu.dma_semaphore, #tpu.memory_space<semaphore_mem>> -> memref<!tpu.dma_semaphore, #tpu.memory_space<semaphore_mem>>
      %dma_start3A_1977 = arith.constant 0 : i32
      %dma_start3A_1978 = arith.constant 0 : i32
      %dma_start3A_1979 = arith.constant 0 : i32
      %dma_start3A_1980 = tpu.memref_slice %arg11[%rem3A_0, %dma_start3A_1973, %dma_start3A_1977, %dma_start3A_1978, %dma_start3A_1979] : memref<2x64x8x16x128xf32, #tpu.memory_space<vmem>> -> memref<1x1x8x16x128xf32, #tpu.memory_space<vmem>>
      %dma_start3A_1981 = tpu.memref_squeeze %dma_start3A_1980 : memref<1x1x8x16x128xf32, #tpu.memory_space<vmem>> -> memref<8x16x128xf32, #tpu.memory_space<vmem>>
      %dma_start3A_1982 = arith.constant 0 : i32
      %dma_start3A_1983 = arith.constant 0 : i32
      %dma_start3A_1984 = tpu.memref_slice %arg1[%mul3A_1971, %dma_start3A_1972, %dma_start3A_1982, %dma_start3A_1983] : memref<512x64x16x128xf32, #tpu.memory_space<hbm>> -> memref<8x1x16x128xf32, #tpu.memory_space<hbm>>
      %dma_start3A_1985 = tpu.memref_squeeze %dma_start3A_1984 : memref<8x1x16x128xf32, #tpu.memory_space<hbm>> -> memref<8x16x128xf32, #tpu.memory_space<hbm>>
      tpu.enqueue_dma source(%dma_start3A_1985 : memref<8x16x128xf32, #tpu.memory_space<hbm>>) target(%dma_start3A_1981 : memref<8x16x128xf32, #tpu.memory_space<vmem>>) target_semaphore(%dma_start3A_1976 : memref<!tpu.dma_semaphore, #tpu.memory_space<semaphore_mem>>)
      %mul3A_1986 = arith.constant 8 : i32
      %mul3A_1987 = arith.muli %arg0, %mul3A_1986 : i32
      %dma_start3A_1988 = arith.constant 3 : i32
      %dma_start3A_1989 = arith.constant 3 : i32
      %dma_start3A_1990 = arith.constant 3 : i32
      %dma_start3A_1991 = tpu.memref_slice %arg12[%rem3A_0, %dma_start3A_1990] : memref<2x64x!tpu.dma_semaphore, #tpu.memory_space<semaphore_mem>> -> memref<1x1x!tpu.dma_semaphore, #tpu.memory_space<semaphore_mem>>
      %dma_start3A_1992 = tpu.memref_squeeze %dma_start3A_1991 : memref<1x1x!tpu.dma_semaphore, #tpu.memory_space<semaphore_mem>> -> memref<!tpu.dma_semaphore, #tpu.memory_space<semaphore_mem>>
      %dma_start3A_1993 = arith.constant 0 : i32
      %dma_start3A_1994 = arith.constant 0 : i32
      %dma_start3A_1995 = arith.constant 0 : i32
      %dma_start3A_1996 = tpu.memref_slice %arg11[%rem3A_0, %dma_start3A_1989, %dma_start3A_1993, %dma_start3A_1994, %dma_start3A_1995] : memref<2x64x8x16x128xf32, #tpu.memory_space<vmem>> -> memref<1x1x8x16x128xf32, #tpu.memory_space<vmem>>
      %dma_start3A_1997 = tpu.memref_squeeze %dma_start3A_1996 : memref<1x1x8x16x128xf32, #tpu.memory_space<vmem>> -> memref<8x16x128xf32, #tpu.memory_space<vmem>>
      %dma_start3A_1998 = arith.constant 0 : i32
      %dma_start3A_1999 = arith.constant 0 : i32
      %dma_start3A_2000 = tpu.memref_slice %arg1[%mul3A_1987, %dma_start3A_1988, %dma_start3A_1998, %dma_start3A_1999] : memref<512x64x16x128xf32, #tpu.memory_space<hbm>> -> memref<8x1x16x128xf32, #tpu.memory_space<hbm>>
      %dma_start3A_2001 = tpu.memref_squeeze %dma_start3A_2000 : memref<8x1x16x128xf32, #tpu.memory_space<hbm>> -> memref<8x16x128xf32, #tpu.memory_space<hbm>>
      tpu.enqueue_dma source(%dma_start3A_2001 : memref<8x16x128xf32, #tpu.memory_space<hbm>>) target(%dma_start3A_1997 : memref<8x16x128xf32, #tpu.memory_space<vmem>>) target_semaphore(%dma_start3A_1992 : memref<!tpu.dma_semaphore, #tpu.memory_space<semaphore_mem>>)
      %mul3A_2002 = arith.constant 8 : i32
      %mul3A_2003 = arith.muli %arg0, %mul3A_2002 : i32
      %dma_start3A_2004 = arith.constant 4 : i32
      %dma_start3A_2005 = arith.constant 4 : i32
      %dma_start3A_2006 = arith.constant 4 : i32
      %dma_start3A_2007 = tpu.memref_slice %arg12[%rem3A_0, %dma_start3A_2006] : memref<2x64x!tpu.dma_semaphore, #tpu.memory_space<semaphore_mem>> -> memref<1x1x!tpu.dma_semaphore, #tpu.memory_space<semaphore_mem>>
      %dma_start3A_2008 = tpu.memref_squeeze %dma_start3A_2007 : memref<1x1x!tpu.dma_semaphore, #tpu.memory_space<semaphore_mem>> -> memref<!tpu.dma_semaphore, #tpu.memory_space<semaphore_mem>>
      %dma_start3A_2009 = arith.constant 0 : i32
      %dma_start3A_2010 = arith.constant 0 : i32
      %dma_start3A_2011 = arith.constant 0 : i32
      %dma_start3A_2012 = tpu.memref_slice %arg11[%rem3A_0, %dma_start3A_2005, %dma_start3A_2009, %dma_start3A_2010, %dma_start3A_2011] : memref<2x64x8x16x128xf32, #tpu.memory_space<vmem>> -> memref<1x1x8x16x128xf32, #tpu.memory_space<vmem>>
      %dma_start3A_2013 = tpu.memref_squeeze %dma_start3A_2012 : memref<1x1x8x16x128xf32, #tpu.memory_space<vmem>> -> memref<8x16x128xf32, #tpu.memory_space<vmem>>
      %dma_start3A_2014 = arith.constant 0 : i32
      %dma_start3A_2015 = arith.constant 0 : i32
      %dma_start3A_2016 = tpu.memref_slice %arg1[%mul3A_2003, %dma_start3A_2004, %dma_start3A_2014, %dma_start3A_2015] : memref<512x64x16x128xf32, #tpu.memory_space<hbm>> -> memref<8x1x16x128xf32, #tpu.memory_space<hbm>>
      %dma_start3A_2017 = tpu.memref_squeeze %dma_start3A_2016 : memref<8x1x16x128xf32, #tpu.memory_space<hbm>> -> memref<8x16x128xf32, #tpu.memory_space<hbm>>
      tpu.enqueue_dma source(%dma_start3A_2017 : memref<8x16x128xf32, #tpu.memory_space<hbm>>) target(%dma_start3A_2013 : memref<8x16x128xf32, #tpu.memory_space<vmem>>) target_semaphore(%dma_start3A_2008 : memref<!tpu.dma_semaphore, #tpu.memory_space<semaphore_mem>>)
      %mul3A_2018 = arith.constant 8 : i32
      %mul3A_2019 = arith.muli %arg0, %mul3A_2018 : i32
      %dma_start3A_2020 = arith.constant 5 : i32
      %dma_start3A_2021 = arith.constant 5 : i32
      %dma_start3A_2022 = arith.constant 5 : i32
      %dma_start3A_2023 = tpu.memref_slice %arg12[%rem3A_0, %dma_start3A_2022] : memref<2x64x!tpu.dma_semaphore, #tpu.memory_space<semaphore_mem>> -> memref<1x1x!tpu.dma_semaphore, #tpu.memory_space<semaphore_mem>>
      %dma_start3A_2024 = tpu.memref_squeeze %dma_start3A_2023 : memref<1x1x!tpu.dma_semaphore, #tpu.memory_space<semaphore_mem>> -> memref<!tpu.dma_semaphore, #tpu.memory_space<semaphore_mem>>
      %dma_start3A_2025 = arith.constant 0 : i32
      %dma_start3A_2026 = arith.constant 0 : i32
      %dma_start3A_2027 = arith.constant 0 : i32
      %dma_start3A_2028 = tpu.memref_slice %arg11[%rem3A_0, %dma_start3A_2021, %dma_start3A_2025, %dma_start3A_2026, %dma_start3A_2027] : memref<2x64x8x16x128xf32, #tpu.memory_space<vmem>> -> memref<1x1x8x16x128xf32, #tpu.memory_space<vmem>>
      %dma_start3A_2029 = tpu.memref_squeeze %dma_start3A_2028 : memref<1x1x8x16x128xf32, #tpu.memory_space<vmem>> -> memref<8x16x128xf32, #tpu.memory_space<vmem>>
      %dma_start3A_2030 = arith.constant 0 : i32
      %dma_start3A_2031 = arith.constant 0 : i32
      %dma_start3A_2032 = tpu.memref_slice %arg1[%mul3A_2019, %dma_start3A_2020, %dma_start3A_2030, %dma_start3A_2031] : memref<512x64x16x128xf32, #tpu.memory_space<hbm>> -> memref<8x1x16x128xf32, #tpu.memory_space<hbm>>
      %dma_start3A_2033 = tpu.memref_squeeze %dma_start3A_2032 : memref<8x1x16x128xf32, #tpu.memory_space<hbm>> -> memref<8x16x128xf32, #tpu.memory_space<hbm>>
      tpu.enqueue_dma source(%dma_start3A_2033 : memref<8x16x128xf32, #tpu.memory_space<hbm>>) target(%dma_start3A_2029 : memref<8x16x128xf32, #tpu.memory_space<vmem>>) target_semaphore(%dma_start3A_2024 : memref<!tpu.dma_semaphore, #tpu.memory_space<semaphore_mem>>)
      %mul3A_2034 = arith.constant 8 : i32
      %mul3A_2035 = arith.muli %arg0, %mul3A_2034 : i32
      %dma_start3A_2036 = arith.constant 6 : i32
      %dma_start3A_2037 = arith.constant 6 : i32
      %dma_start3A_2038 = arith.constant 6 : i32
      %dma_start3A_2039 = tpu.memref_slice %arg12[%rem3A_0, %dma_start3A_2038] : memref<2x64x!tpu.dma_semaphore, #tpu.memory_space<semaphore_mem>> -> memref<1x1x!tpu.dma_semaphore, #tpu.memory_space<semaphore_mem>>
      %dma_start3A_2040 = tpu.memref_squeeze %dma_start3A_2039 : memref<1x1x!tpu.dma_semaphore, #tpu.memory_space<semaphore_mem>> -> memref<!tpu.dma_semaphore, #tpu.memory_space<semaphore_mem>>
      %dma_start3A_2041 = arith.constant 0 : i32
      %dma_start3A_2042 = arith.constant 0 : i32
      %dma_start3A_2043 = arith.constant 0 : i32
      %dma_start3A_2044 = tpu.memref_slice %arg11[%rem3A_0, %dma_start3A_2037, %dma_start3A_2041, %dma_start3A_2042, %dma_start3A_2043] : memref<2x64x8x16x128xf32, #tpu.memory_space<vmem>> -> memref<1x1x8x16x128xf32, #tpu.memory_space<vmem>>
      %dma_start3A_2045 = tpu.memref_squeeze %dma_start3A_2044 : memref<1x1x8x16x128xf32, #tpu.memory_space<vmem>> -> memref<8x16x128xf32, #tpu.memory_space<vmem>>
      %dma_start3A_2046 = arith.constant 0 : i32
      %dma_start3A_2047 = arith.constant 0 : i32
      %dma_start3A_2048 = tpu.memref_slice %arg1[%mul3A_2035, %dma_start3A_2036, %dma_start3A_2046, %dma_start3A_2047] : memref<512x64x16x128xf32, #tpu.memory_space<hbm>> -> memref<8x1x16x128xf32, #tpu.memory_space<hbm>>
      %dma_start3A_2049 = tpu.memref_squeeze %dma_start3A_2048 : memref<8x1x16x128xf32, #tpu.memory_space<hbm>> -> memref<8x16x128xf32, #tpu.memory_space<hbm>>
      tpu.enqueue_dma source(%dma_start3A_2049 : memref<8x16x128xf32, #tpu.memory_space<hbm>>) target(%dma_start3A_2045 : memref<8x16x128xf32, #tpu.memory_space<vmem>>) target_semaphore(%dma_start3A_2040 : memref<!tpu.dma_semaphore, #tpu.memory_space<semaphore_mem>>)
      %mul3A_2050 = arith.constant 8 : i32
      %mul3A_2051 = arith.muli %arg0, %mul3A_2050 : i32
      %dma_start3A_2052 = arith.constant 7 : i32
      %dma_start3A_2053 = arith.constant 7 : i32
      %dma_start3A_2054 = arith.constant 7 : i32
      %dma_start3A_2055 = tpu.memref_slice %arg12[%rem3A_0, %dma_start3A_2054] : memref<2x64x!tpu.dma_semaphore, #tpu.memory_space<semaphore_mem>> -> memref<1x1x!tpu.dma_semaphore, #tpu.memory_space<semaphore_mem>>
      %dma_start3A_2056 = tpu.memref_squeeze %dma_start3A_2055 : memref<1x1x!tpu.dma_semaphore, #tpu.memory_space<semaphore_mem>> -> memref<!tpu.dma_semaphore, #tpu.memory_space<semaphore_mem>>
      %dma_start3A_2057 = arith.constant 0 : i32
      %dma_start3A_2058 = arith.constant 0 : i32
      %dma_start3A_2059 = arith.constant 0 : i32
      %dma_start3A_2060 = tpu.memref_slice %arg11[%rem3A_0, %dma_start3A_2053, %dma_start3A_2057, %dma_start3A_2058, %dma_start3A_2059] : memref<2x64x8x16x128xf32, #tpu.memory_space<vmem>> -> memref<1x1x8x16x128xf32, #tpu.memory_space<vmem>>
      %dma_start3A_2061 = tpu.memref_squeeze %dma_start3A_2060 : memref<1x1x8x16x128xf32, #tpu.memory_space<vmem>> -> memref<8x16x128xf32, #tpu.memory_space<vmem>>
      %dma_start3A_2062 = arith.constant 0 : i32
      %dma_start3A_2063 = arith.constant 0 : i32
      %dma_start3A_2064 = tpu.memref_slice %arg1[%mul3A_2051, %dma_start3A_2052, %dma_start3A_2062, %dma_start3A_2063] : memref<512x64x16x128xf32, #tpu.memory_space<hbm>> -> memref<8x1x16x128xf32, #tpu.memory_space<hbm>>
      %dma_start3A_2065 = tpu.memref_squeeze %dma_start3A_2064 : memref<8x1x16x128xf32, #tpu.memory_space<hbm>> -> memref<8x16x128xf32, #tpu.memory_space<hbm>>
      tpu.enqueue_dma source(%dma_start3A_2065 : memref<8x16x128xf32, #tpu.memory_space<hbm>>) target(%dma_start3A_2061 : memref<8x16x128xf32, #tpu.memory_space<vmem>>) target_semaphore(%dma_start3A_2056 : memref<!tpu.dma_semaphore, #tpu.memory_space<semaphore_mem>>)
      %mul3A_2066 = arith.constant 8 : i32
      %mul3A_2067 = arith.muli %arg0, %mul3A_2066 : i32
      %dma_start3A_2068 = arith.constant 8 : i32
      %dma_start3A_2069 = arith.constant 8 : i32
      %dma_start3A_2070 = arith.constant 8 : i32
      %dma_start3A_2071 = tpu.memref_slice %arg12[%rem3A_0, %dma_start3A_2070] : memref<2x64x!tpu.dma_semaphore, #tpu.memory_space<semaphore_mem>> -> memref<1x1x!tpu.dma_semaphore, #tpu.memory_space<semaphore_mem>>
      %dma_start3A_2072 = tpu.memref_squeeze %dma_start3A_2071 : memref<1x1x!tpu.dma_semaphore, #tpu.memory_space<semaphore_mem>> -> memref<!tpu.dma_semaphore, #tpu.memory_space<semaphore_mem>>
      %dma_start3A_2073 = arith.constant 0 : i32
      %dma_start3A_2074 = arith.constant 0 : i32
      %dma_start3A_2075 = arith.constant 0 : i32
      %dma_start3A_2076 = tpu.memref_slice %arg11[%rem3A_0, %dma_start3A_2069, %dma_start3A_2073, %dma_start3A_2074, %dma_start3A_2075] : memref<2x64x8x16x128xf32, #tpu.memory_space<vmem>> -> memref<1x1x8x16x128xf32, #tpu.memory_space<vmem>>
      %dma_start3A_2077 = tpu.memref_squeeze %dma_start3A_2076 : memref<1x1x8x16x128xf32, #tpu.memory_space<vmem>> -> memref<8x16x128xf32, #tpu.memory_space<vmem>>
      %dma_start3A_2078 = arith.constant 0 : i32
      %dma_start3A_2079 = arith.constant 0 : i32
      %dma_start3A_2080 = tpu.memref_slice %arg1[%mul3A_2067, %dma_start3A_2068, %dma_start3A_2078, %dma_start3A_2079] : memref<512x64x16x128xf32, #tpu.memory_space<hbm>> -> memref<8x1x16x128xf32, #tpu.memory_space<hbm>>
      %dma_start3A_2081 = tpu.memref_squeeze %dma_start3A_2080 : memref<8x1x16x128xf32, #tpu.memory_space<hbm>> -> memref<8x16x128xf32, #tpu.memory_space<hbm>>
      tpu.enqueue_dma source(%dma_start3A_2081 : memref<8x16x128xf32, #tpu.memory_space<hbm>>) target(%dma_start3A_2077 : memref<8x16x128xf32, #tpu.memory_space<vmem>>) target_semaphore(%dma_start3A_2072 : memref<!tpu.dma_semaphore, #tpu.memory_space<semaphore_mem>>)
      %mul3A_2082 = arith.constant 8 : i32
      %mul3A_2083 = arith.muli %arg0, %mul3A_2082 : i32
      %dma_start3A_2084 = arith.constant 9 : i32
      %dma_start3A_2085 = arith.constant 9 : i32
      %dma_start3A_2086 = arith.constant 9 : i32
      %dma_start3A_2087 = tpu.memref_slice %arg12[%rem3A_0, %dma_start3A_2086] : memref<2x64x!tpu.dma_semaphore, #tpu.memory_space<semaphore_mem>> -> memref<1x1x!tpu.dma_semaphore, #tpu.memory_space<semaphore_mem>>
      %dma_start3A_2088 = tpu.memref_squeeze %dma_start3A_2087 : memref<1x1x!tpu.dma_semaphore, #tpu.memory_space<semaphore_mem>> -> memref<!tpu.dma_semaphore, #tpu.memory_space<semaphore_mem>>
      %dma_start3A_2089 = arith.constant 0 : i32
      %dma_start3A_2090 = arith.constant 0 : i32
      %dma_start3A_2091 = arith.constant 0 : i32
      %dma_start3A_2092 = tpu.memref_slice %arg11[%rem3A_0, %dma_start3A_2085, %dma_start3A_2089, %dma_start3A_2090, %dma_start3A_2091] : memref<2x64x8x16x128xf32, #tpu.memory_space<vmem>> -> memref<1x1x8x16x128xf32, #tpu.memory_space<vmem>>
      %dma_start3A_2093 = tpu.memref_squeeze %dma_start3A_2092 : memref<1x1x8x16x128xf32, #tpu.memory_space<vmem>> -> memref<8x16x128xf32, #tpu.memory_space<vmem>>
      %dma_start3A_2094 = arith.constant 0 : i32
      %dma_start3A_2095 = arith.constant 0 : i32
      %dma_start3A_2096 = tpu.memref_slice %arg1[%mul3A_2083, %dma_start3A_2084, %dma_start3A_2094, %dma_start3A_2095] : memref<512x64x16x128xf32, #tpu.memory_space<hbm>> -> memref<8x1x16x128xf32, #tpu.memory_space<hbm>>
      %dma_start3A_2097 = tpu.memref_squeeze %dma_start3A_2096 : memref<8x1x16x128xf32, #tpu.memory_space<hbm>> -> memref<8x16x128xf32, #tpu.memory_space<hbm>>
      tpu.enqueue_dma source(%dma_start3A_2097 : memref<8x16x128xf32, #tpu.memory_space<hbm>>) target(%dma_start3A_2093 : memref<8x16x128xf32, #tpu.memory_space<vmem>>) target_semaphore(%dma_start3A_2088 : memref<!tpu.dma_semaphore, #tpu.memory_space<semaphore_mem>>)
      %mul3A_2098 = arith.constant 8 : i32
      %mul3A_2099 = arith.muli %arg0, %mul3A_2098 : i32
      %dma_start3A_2100 = arith.constant 10 : i32
      %dma_start3A_2101 = arith.constant 10 : i32
      %dma_start3A_2102 = arith.constant 10 : i32
      %dma_start3A_2103 = tpu.memref_slice %arg12[%rem3A_0, %dma_start3A_2102] : memref<2x64x!tpu.dma_semaphore, #tpu.memory_space<semaphore_mem>> -> memref<1x1x!tpu.dma_semaphore, #tpu.memory_space<semaphore_mem>>
      %dma_start3A_2104 = tpu.memref_squeeze %dma_start3A_2103 : memref<1x1x!tpu.dma_semaphore, #tpu.memory_space<semaphore_mem>> -> memref<!tpu.dma_semaphore, #tpu.memory_space<semaphore_mem>>
      %dma_start3A_2105 = arith.constant 0 : i32
      %dma_start3A_2106 = arith.constant 0 : i32
      %dma_start3A_2107 = arith.constant 0 : i32
      %dma_start3A_2108 = tpu.memref_slice %arg11[%rem3A_0, %dma_start3A_2101, %dma_start3A_2105, %dma_start3A_2106, %dma_start3A_2107] : memref<2x64x8x16x128xf32, #tpu.memory_space<vmem>> -> memref<1x1x8x16x128xf32, #tpu.memory_space<vmem>>
      %dma_start3A_2109 = tpu.memref_squeeze %dma_start3A_2108 : memref<1x1x8x16x128xf32, #tpu.memory_space<vmem>> -> memref<8x16x128xf32, #tpu.memory_space<vmem>>
      %dma_start3A_2110 = arith.constant 0 : i32
      %dma_start3A_2111 = arith.constant 0 : i32
      %dma_start3A_2112 = tpu.memref_slice %arg1[%mul3A_2099, %dma_start3A_2100, %dma_start3A_2110, %dma_start3A_2111] : memref<512x64x16x128xf32, #tpu.memory_space<hbm>> -> memref<8x1x16x128xf32, #tpu.memory_space<hbm>>
      %dma_start3A_2113 = tpu.memref_squeeze %dma_start3A_2112 : memref<8x1x16x128xf32, #tpu.memory_space<hbm>> -> memref<8x16x128xf32, #tpu.memory_space<hbm>>
      tpu.enqueue_dma source(%dma_start3A_2113 : memref<8x16x128xf32, #tpu.memory_space<hbm>>) target(%dma_start3A_2109 : memref<8x16x128xf32, #tpu.memory_space<vmem>>) target_semaphore(%dma_start3A_2104 : memref<!tpu.dma_semaphore, #tpu.memory_space<semaphore_mem>>)
      %mul3A_2114 = arith.constant 8 : i32
      %mul3A_2115 = arith.muli %arg0, %mul3A_2114 : i32
      %dma_start3A_2116 = arith.constant 11 : i32
      %dma_start3A_2117 = arith.constant 11 : i32
      %dma_start3A_2118 = arith.constant 11 : i32
      %dma_start3A_2119 = tpu.memref_slice %arg12[%rem3A_0, %dma_start3A_2118] : memref<2x64x!tpu.dma_semaphore, #tpu.memory_space<semaphore_mem>> -> memref<1x1x!tpu.dma_semaphore, #tpu.memory_space<semaphore_mem>>
      %dma_start3A_2120 = tpu.memref_squeeze %dma_start3A_2119 : memref<1x1x!tpu.dma_semaphore, #tpu.memory_space<semaphore_mem>> -> memref<!tpu.dma_semaphore, #tpu.memory_space<semaphore_mem>>
      %dma_start3A_2121 = arith.constant 0 : i32
      %dma_start3A_2122 = arith.constant 0 : i32
      %dma_start3A_2123 = arith.constant 0 : i32
      %dma_start3A_2124 = tpu.memref_slice %arg11[%rem3A_0, %dma_start3A_2117, %dma_start3A_2121, %dma_start3A_2122, %dma_start3A_2123] : memref<2x64x8x16x128xf32, #tpu.memory_space<vmem>> -> memref<1x1x8x16x128xf32, #tpu.memory_space<vmem>>
      %dma_start3A_2125 = tpu.memref_squeeze %dma_start3A_2124 : memref<1x1x8x16x128xf32, #tpu.memory_space<vmem>> -> memref<8x16x128xf32, #tpu.memory_space<vmem>>
      %dma_start3A_2126 = arith.constant 0 : i32
      %dma_start3A_2127 = arith.constant 0 : i32
      %dma_start3A_2128 = tpu.memref_slice %arg1[%mul3A_2115, %dma_start3A_2116, %dma_start3A_2126, %dma_start3A_2127] : memref<512x64x16x128xf32, #tpu.memory_space<hbm>> -> memref<8x1x16x128xf32, #tpu.memory_space<hbm>>
      %dma_start3A_2129 = tpu.memref_squeeze %dma_start3A_2128 : memref<8x1x16x128xf32, #tpu.memory_space<hbm>> -> memref<8x16x128xf32, #tpu.memory_space<hbm>>
      tpu.enqueue_dma source(%dma_start3A_2129 : memref<8x16x128xf32, #tpu.memory_space<hbm>>) target(%dma_start3A_2125 : memref<8x16x128xf32, #tpu.memory_space<vmem>>) target_semaphore(%dma_start3A_2120 : memref<!tpu.dma_semaphore, #tpu.memory_space<semaphore_mem>>)
      %mul3A_2130 = arith.constant 8 : i32
      %mul3A_2131 = arith.muli %arg0, %mul3A_2130 : i32
      %dma_start3A_2132 = arith.constant 12 : i32
      %dma_start3A_2133 = arith.constant 12 : i32
      %dma_start3A_2134 = arith.constant 12 : i32
      %dma_start3A_2135 = tpu.memref_slice %arg12[%rem3A_0, %dma_start3A_2134] : memref<2x64x!tpu.dma_semaphore, #tpu.memory_space<semaphore_mem>> -> memref<1x1x!tpu.dma_semaphore, #tpu.memory_space<semaphore_mem>>
      %dma_start3A_2136 = tpu.memref_squeeze %dma_start3A_2135 : memref<1x1x!tpu.dma_semaphore, #tpu.memory_space<semaphore_mem>> -> memref<!tpu.dma_semaphore, #tpu.memory_space<semaphore_mem>>
      %dma_start3A_2137 = arith.constant 0 : i32
      %dma_start3A_2138 = arith.constant 0 : i32
      %dma_start3A_2139 = arith.constant 0 : i32
      %dma_start3A_2140 = tpu.memref_slice %arg11[%rem3A_0, %dma_start3A_2133, %dma_start3A_2137, %dma_start3A_2138, %dma_start3A_2139] : memref<2x64x8x16x128xf32, #tpu.memory_space<vmem>> -> memref<1x1x8x16x128xf32, #tpu.memory_space<vmem>>
      %dma_start3A_2141 = tpu.memref_squeeze %dma_start3A_2140 : memref<1x1x8x16x128xf32, #tpu.memory_space<vmem>> -> memref<8x16x128xf32, #tpu.memory_space<vmem>>
      %dma_start3A_2142 = arith.constant 0 : i32
      %dma_start3A_2143 = arith.constant 0 : i32
      %dma_start3A_2144 = tpu.memref_slice %arg1[%mul3A_2131, %dma_start3A_2132, %dma_start3A_2142, %dma_start3A_2143] : memref<512x64x16x128xf32, #tpu.memory_space<hbm>> -> memref<8x1x16x128xf32, #tpu.memory_space<hbm>>
      %dma_start3A_2145 = tpu.memref_squeeze %dma_start3A_2144 : memref<8x1x16x128xf32, #tpu.memory_space<hbm>> -> memref<8x16x128xf32, #tpu.memory_space<hbm>>
      tpu.enqueue_dma source(%dma_start3A_2145 : memref<8x16x128xf32, #tpu.memory_space<hbm>>) target(%dma_start3A_2141 : memref<8x16x128xf32, #tpu.memory_space<vmem>>) target_semaphore(%dma_start3A_2136 : memref<!tpu.dma_semaphore, #tpu.memory_space<semaphore_mem>>)
      %mul3A_2146 = arith.constant 8 : i32
      %mul3A_2147 = arith.muli %arg0, %mul3A_2146 : i32
      %dma_start3A_2148 = arith.constant 13 : i32
      %dma_start3A_2149 = arith.constant 13 : i32
      %dma_start3A_2150 = arith.constant 13 : i32
      %dma_start3A_2151 = tpu.memref_slice %arg12[%rem3A_0, %dma_start3A_2150] : memref<2x64x!tpu.dma_semaphore, #tpu.memory_space<semaphore_mem>> -> memref<1x1x!tpu.dma_semaphore, #tpu.memory_space<semaphore_mem>>
      %dma_start3A_2152 = tpu.memref_squeeze %dma_start3A_2151 : memref<1x1x!tpu.dma_semaphore, #tpu.memory_space<semaphore_mem>> -> memref<!tpu.dma_semaphore, #tpu.memory_space<semaphore_mem>>
      %dma_start3A_2153 = arith.constant 0 : i32
      %dma_start3A_2154 = arith.constant 0 : i32
      %dma_start3A_2155 = arith.constant 0 : i32
      %dma_start3A_2156 = tpu.memref_slice %arg11[%rem3A_0, %dma_start3A_2149, %dma_start3A_2153, %dma_start3A_2154, %dma_start3A_2155] : memref<2x64x8x16x128xf32, #tpu.memory_space<vmem>> -> memref<1x1x8x16x128xf32, #tpu.memory_space<vmem>>
      %dma_start3A_2157 = tpu.memref_squeeze %dma_start3A_2156 : memref<1x1x8x16x128xf32, #tpu.memory_space<vmem>> -> memref<8x16x128xf32, #tpu.memory_space<vmem>>
      %dma_start3A_2158 = arith.constant 0 : i32
      %dma_start3A_2159 = arith.constant 0 : i32
      %dma_start3A_2160 = tpu.memref_slice %arg1[%mul3A_2147, %dma_start3A_2148, %dma_start3A_2158, %dma_start3A_2159] : memref<512x64x16x128xf32, #tpu.memory_space<hbm>> -> memref<8x1x16x128xf32, #tpu.memory_space<hbm>>
      %dma_start3A_2161 = tpu.memref_squeeze %dma_start3A_2160 : memref<8x1x16x128xf32, #tpu.memory_space<hbm>> -> memref<8x16x128xf32, #tpu.memory_space<hbm>>
      tpu.enqueue_dma source(%dma_start3A_2161 : memref<8x16x128xf32, #tpu.memory_space<hbm>>) target(%dma_start3A_2157 : memref<8x16x128xf32, #tpu.memory_space<vmem>>) target_semaphore(%dma_start3A_2152 : memref<!tpu.dma_semaphore, #tpu.memory_space<semaphore_mem>>)
      %mul3A_2162 = arith.constant 8 : i32
      %mul3A_2163 = arith.muli %arg0, %mul3A_2162 : i32
      %dma_start3A_2164 = arith.constant 14 : i32
      %dma_start3A_2165 = arith.constant 14 : i32
      %dma_start3A_2166 = arith.constant 14 : i32
      %dma_start3A_2167 = tpu.memref_slice %arg12[%rem3A_0, %dma_start3A_2166] : memref<2x64x!tpu.dma_semaphore, #tpu.memory_space<semaphore_mem>> -> memref<1x1x!tpu.dma_semaphore, #tpu.memory_space<semaphore_mem>>
      %dma_start3A_2168 = tpu.memref_squeeze %dma_start3A_2167 : memref<1x1x!tpu.dma_semaphore, #tpu.memory_space<semaphore_mem>> -> memref<!tpu.dma_semaphore, #tpu.memory_space<semaphore_mem>>
      %dma_start3A_2169 = arith.constant 0 : i32
      %dma_start3A_2170 = arith.constant 0 : i32
      %dma_start3A_2171 = arith.constant 0 : i32
      %dma_start3A_2172 = tpu.memref_slice %arg11[%rem3A_0, %dma_start3A_2165, %dma_start3A_2169, %dma_start3A_2170, %dma_start3A_2171] : memref<2x64x8x16x128xf32, #tpu.memory_space<vmem>> -> memref<1x1x8x16x128xf32, #tpu.memory_space<vmem>>
      %dma_start3A_2173 = tpu.memref_squeeze %dma_start3A_2172 : memref<1x1x8x16x128xf32, #tpu.memory_space<vmem>> -> memref<8x16x128xf32, #tpu.memory_space<vmem>>
      %dma_start3A_2174 = arith.constant 0 : i32
      %dma_start3A_2175 = arith.constant 0 : i32
      %dma_start3A_2176 = tpu.memref_slice %arg1[%mul3A_2163, %dma_start3A_2164, %dma_start3A_2174, %dma_start3A_2175] : memref<512x64x16x128xf32, #tpu.memory_space<hbm>> -> memref<8x1x16x128xf32, #tpu.memory_space<hbm>>
      %dma_start3A_2177 = tpu.memref_squeeze %dma_start3A_2176 : memref<8x1x16x128xf32, #tpu.memory_space<hbm>> -> memref<8x16x128xf32, #tpu.memory_space<hbm>>
      tpu.enqueue_dma source(%dma_start3A_2177 : memref<8x16x128xf32, #tpu.memory_space<hbm>>) target(%dma_start3A_2173 : memref<8x16x128xf32, #tpu.memory_space<vmem>>) target_semaphore(%dma_start3A_2168 : memref<!tpu.dma_semaphore, #tpu.memory_space<semaphore_mem>>)
      %mul3A_2178 = arith.constant 8 : i32
      %mul3A_2179 = arith.muli %arg0, %mul3A_2178 : i32
      %dma_start3A_2180 = arith.constant 15 : i32
      %dma_start3A_2181 = arith.constant 15 : i32
      %dma_start3A_2182 = arith.constant 15 : i32
      %dma_start3A_2183 = tpu.memref_slice %arg12[%rem3A_0, %dma_start3A_2182] : memref<2x64x!tpu.dma_semaphore, #tpu.memory_space<semaphore_mem>> -> memref<1x1x!tpu.dma_semaphore, #tpu.memory_space<semaphore_mem>>
      %dma_start3A_2184 = tpu.memref_squeeze %dma_start3A_2183 : memref<1x1x!tpu.dma_semaphore, #tpu.memory_space<semaphore_mem>> -> memref<!tpu.dma_semaphore, #tpu.memory_space<semaphore_mem>>
      %dma_start3A_2185 = arith.constant 0 : i32
      %dma_start3A_2186 = arith.constant 0 : i32
      %dma_start3A_2187 = arith.constant 0 : i32
      %dma_start3A_2188 = tpu.memref_slice %arg11[%rem3A_0, %dma_start3A_2181, %dma_start3A_2185, %dma_start3A_2186, %dma_start3A_2187] : memref<2x64x8x16x128xf32, #tpu.memory_space<vmem>> -> memref<1x1x8x16x128xf32, #tpu.memory_space<vmem>>
      %dma_start3A_2189 = tpu.memref_squeeze %dma_start3A_2188 : memref<1x1x8x16x128xf32, #tpu.memory_space<vmem>> -> memref<8x16x128xf32, #tpu.memory_space<vmem>>
      %dma_start3A_2190 = arith.constant 0 : i32
      %dma_start3A_2191 = arith.constant 0 : i32
      %dma_start3A_2192 = tpu.memref_slice %arg1[%mul3A_2179, %dma_start3A_2180, %dma_start3A_2190, %dma_start3A_2191] : memref<512x64x16x128xf32, #tpu.memory_space<hbm>> -> memref<8x1x16x128xf32, #tpu.memory_space<hbm>>
      %dma_start3A_2193 = tpu.memref_squeeze %dma_start3A_2192 : memref<8x1x16x128xf32, #tpu.memory_space<hbm>> -> memref<8x16x128xf32, #tpu.memory_space<hbm>>
      tpu.enqueue_dma source(%dma_start3A_2193 : memref<8x16x128xf32, #tpu.memory_space<hbm>>) target(%dma_start3A_2189 : memref<8x16x128xf32, #tpu.memory_space<vmem>>) target_semaphore(%dma_start3A_2184 : memref<!tpu.dma_semaphore, #tpu.memory_space<semaphore_mem>>)
      %mul3A_2194 = arith.constant 8 : i32
      %mul3A_2195 = arith.muli %arg0, %mul3A_2194 : i32
      %dma_start3A_2196 = arith.constant 16 : i32
      %dma_start3A_2197 = arith.constant 16 : i32
      %dma_start3A_2198 = arith.constant 16 : i32
      %dma_start3A_2199 = tpu.memref_slice %arg12[%rem3A_0, %dma_start3A_2198] : memref<2x64x!tpu.dma_semaphore, #tpu.memory_space<semaphore_mem>> -> memref<1x1x!tpu.dma_semaphore, #tpu.memory_space<semaphore_mem>>
      %dma_start3A_2200 = tpu.memref_squeeze %dma_start3A_2199 : memref<1x1x!tpu.dma_semaphore, #tpu.memory_space<semaphore_mem>> -> memref<!tpu.dma_semaphore, #tpu.memory_space<semaphore_mem>>
      %dma_start3A_2201 = arith.constant 0 : i32
      %dma_start3A_2202 = arith.constant 0 : i32
      %dma_start3A_2203 = arith.constant 0 : i32
      %dma_start3A_2204 = tpu.memref_slice %arg11[%rem3A_0, %dma_start3A_2197, %dma_start3A_2201, %dma_start3A_2202, %dma_start3A_2203] : memref<2x64x8x16x128xf32, #tpu.memory_space<vmem>> -> memref<1x1x8x16x128xf32, #tpu.memory_space<vmem>>
      %dma_start3A_2205 = tpu.memref_squeeze %dma_start3A_2204 : memref<1x1x8x16x128xf32, #tpu.memory_space<vmem>> -> memref<8x16x128xf32, #tpu.memory_space<vmem>>
      %dma_start3A_2206 = arith.constant 0 : i32
      %dma_start3A_2207 = arith.constant 0 : i32
      %dma_start3A_2208 = tpu.memref_slice %arg1[%mul3A_2195, %dma_start3A_2196, %dma_start3A_2206, %dma_start3A_2207] : memref<512x64x16x128xf32, #tpu.memory_space<hbm>> -> memref<8x1x16x128xf32, #tpu.memory_space<hbm>>
      %dma_start3A_2209 = tpu.memref_squeeze %dma_start3A_2208 : memref<8x1x16x128xf32, #tpu.memory_space<hbm>> -> memref<8x16x128xf32, #tpu.memory_space<hbm>>
      tpu.enqueue_dma source(%dma_start3A_2209 : memref<8x16x128xf32, #tpu.memory_space<hbm>>) target(%dma_start3A_2205 : memref<8x16x128xf32, #tpu.memory_space<vmem>>) target_semaphore(%dma_start3A_2200 : memref<!tpu.dma_semaphore, #tpu.memory_space<semaphore_mem>>)
      %mul3A_2210 = arith.constant 8 : i32
      %mul3A_2211 = arith.muli %arg0, %mul3A_2210 : i32
      %dma_start3A_2212 = arith.constant 17 : i32
      %dma_start3A_2213 = arith.constant 17 : i32
      %dma_start3A_2214 = arith.constant 17 : i32
      %dma_start3A_2215 = tpu.memref_slice %arg12[%rem3A_0, %dma_start3A_2214] : memref<2x64x!tpu.dma_semaphore, #tpu.memory_space<semaphore_mem>> -> memref<1x1x!tpu.dma_semaphore, #tpu.memory_space<semaphore_mem>>
      %dma_start3A_2216 = tpu.memref_squeeze %dma_start3A_2215 : memref<1x1x!tpu.dma_semaphore, #tpu.memory_space<semaphore_mem>> -> memref<!tpu.dma_semaphore, #tpu.memory_space<semaphore_mem>>
      %dma_start3A_2217 = arith.constant 0 : i32
      %dma_start3A_2218 = arith.constant 0 : i32
      %dma_start3A_2219 = arith.constant 0 : i32
      %dma_start3A_2220 = tpu.memref_slice %arg11[%rem3A_0, %dma_start3A_2213, %dma_start3A_2217, %dma_start3A_2218, %dma_start3A_2219] : memref<2x64x8x16x128xf32, #tpu.memory_space<vmem>> -> memref<1x1x8x16x128xf32, #tpu.memory_space<vmem>>
      %dma_start3A_2221 = tpu.memref_squeeze %dma_start3A_2220 : memref<1x1x8x16x128xf32, #tpu.memory_space<vmem>> -> memref<8x16x128xf32, #tpu.memory_space<vmem>>
      %dma_start3A_2222 = arith.constant 0 : i32
      %dma_start3A_2223 = arith.constant 0 : i32
      %dma_start3A_2224 = tpu.memref_slice %arg1[%mul3A_2211, %dma_start3A_2212, %dma_start3A_2222, %dma_start3A_2223] : memref<512x64x16x128xf32, #tpu.memory_space<hbm>> -> memref<8x1x16x128xf32, #tpu.memory_space<hbm>>
      %dma_start3A_2225 = tpu.memref_squeeze %dma_start3A_2224 : memref<8x1x16x128xf32, #tpu.memory_space<hbm>> -> memref<8x16x128xf32, #tpu.memory_space<hbm>>
      tpu.enqueue_dma source(%dma_start3A_2225 : memref<8x16x128xf32, #tpu.memory_space<hbm>>) target(%dma_start3A_2221 : memref<8x16x128xf32, #tpu.memory_space<vmem>>) target_semaphore(%dma_start3A_2216 : memref<!tpu.dma_semaphore, #tpu.memory_space<semaphore_mem>>)
      %mul3A_2226 = arith.constant 8 : i32
      %mul3A_2227 = arith.muli %arg0, %mul3A_2226 : i32
      %dma_start3A_2228 = arith.constant 18 : i32
      %dma_start3A_2229 = arith.constant 18 : i32
      %dma_start3A_2230 = arith.constant 18 : i32
      %dma_start3A_2231 = tpu.memref_slice %arg12[%rem3A_0, %dma_start3A_2230] : memref<2x64x!tpu.dma_semaphore, #tpu.memory_space<semaphore_mem>> -> memref<1x1x!tpu.dma_semaphore, #tpu.memory_space<semaphore_mem>>
      %dma_start3A_2232 = tpu.memref_squeeze %dma_start3A_2231 : memref<1x1x!tpu.dma_semaphore, #tpu.memory_space<semaphore_mem>> -> memref<!tpu.dma_semaphore, #tpu.memory_space<semaphore_mem>>
      %dma_start3A_2233 = arith.constant 0 : i32
      %dma_start3A_2234 = arith.constant 0 : i32
      %dma_start3A_2235 = arith.constant 0 : i32
      %dma_start3A_2236 = tpu.memref_slice %arg11[%rem3A_0, %dma_start3A_2229, %dma_start3A_2233, %dma_start3A_2234, %dma_start3A_2235] : memref<2x64x8x16x128xf32, #tpu.memory_space<vmem>> -> memref<1x1x8x16x128xf32, #tpu.memory_space<vmem>>
      %dma_start3A_2237 = tpu.memref_squeeze %dma_start3A_2236 : memref<1x1x8x16x128xf32, #tpu.memory_space<vmem>> -> memref<8x16x128xf32, #tpu.memory_space<vmem>>
      %dma_start3A_2238 = arith.constant 0 : i32
      %dma_start3A_2239 = arith.constant 0 : i32
      %dma_start3A_2240 = tpu.memref_slice %arg1[%mul3A_2227, %dma_start3A_2228, %dma_start3A_2238, %dma_start3A_2239] : memref<512x64x16x128xf32, #tpu.memory_space<hbm>> -> memref<8x1x16x128xf32, #tpu.memory_space<hbm>>
      %dma_start3A_2241 = tpu.memref_squeeze %dma_start3A_2240 : memref<8x1x16x128xf32, #tpu.memory_space<hbm>> -> memref<8x16x128xf32, #tpu.memory_space<hbm>>
      tpu.enqueue_dma source(%dma_start3A_2241 : memref<8x16x128xf32, #tpu.memory_space<hbm>>) target(%dma_start3A_2237 : memref<8x16x128xf32, #tpu.memory_space<vmem>>) target_semaphore(%dma_start3A_2232 : memref<!tpu.dma_semaphore, #tpu.memory_space<semaphore_mem>>)
      %mul3A_2242 = arith.constant 8 : i32
      %mul3A_2243 = arith.muli %arg0, %mul3A_2242 : i32
      %dma_start3A_2244 = arith.constant 19 : i32
      %dma_start3A_2245 = arith.constant 19 : i32
      %dma_start3A_2246 = arith.constant 19 : i32
      %dma_start3A_2247 = tpu.memref_slice %arg12[%rem3A_0, %dma_start3A_2246] : memref<2x64x!tpu.dma_semaphore, #tpu.memory_space<semaphore_mem>> -> memref<1x1x!tpu.dma_semaphore, #tpu.memory_space<semaphore_mem>>
      %dma_start3A_2248 = tpu.memref_squeeze %dma_start3A_2247 : memref<1x1x!tpu.dma_semaphore, #tpu.memory_space<semaphore_mem>> -> memref<!tpu.dma_semaphore, #tpu.memory_space<semaphore_mem>>
      %dma_start3A_2249 = arith.constant 0 : i32
      %dma_start3A_2250 = arith.constant 0 : i32
      %dma_start3A_2251 = arith.constant 0 : i32
      %dma_start3A_2252 = tpu.memref_slice %arg11[%rem3A_0, %dma_start3A_2245, %dma_start3A_2249, %dma_start3A_2250, %dma_start3A_2251] : memref<2x64x8x16x128xf32, #tpu.memory_space<vmem>> -> memref<1x1x8x16x128xf32, #tpu.memory_space<vmem>>
      %dma_start3A_2253 = tpu.memref_squeeze %dma_start3A_2252 : memref<1x1x8x16x128xf32, #tpu.memory_space<vmem>> -> memref<8x16x128xf32, #tpu.memory_space<vmem>>
      %dma_start3A_2254 = arith.constant 0 : i32
      %dma_start3A_2255 = arith.constant 0 : i32
      %dma_start3A_2256 = tpu.memref_slice %arg1[%mul3A_2243, %dma_start3A_2244, %dma_start3A_2254, %dma_start3A_2255] : memref<512x64x16x128xf32, #tpu.memory_space<hbm>> -> memref<8x1x16x128xf32, #tpu.memory_space<hbm>>
      %dma_start3A_2257 = tpu.memref_squeeze %dma_start3A_2256 : memref<8x1x16x128xf32, #tpu.memory_space<hbm>> -> memref<8x16x128xf32, #tpu.memory_space<hbm>>
      tpu.enqueue_dma source(%dma_start3A_2257 : memref<8x16x128xf32, #tpu.memory_space<hbm>>) target(%dma_start3A_2253 : memref<8x16x128xf32, #tpu.memory_space<vmem>>) target_semaphore(%dma_start3A_2248 : memref<!tpu.dma_semaphore, #tpu.memory_space<semaphore_mem>>)
      %mul3A_2258 = arith.constant 8 : i32
      %mul3A_2259 = arith.muli %arg0, %mul3A_2258 : i32
      %dma_start3A_2260 = arith.constant 20 : i32
      %dma_start3A_2261 = arith.constant 20 : i32
      %dma_start3A_2262 = arith.constant 20 : i32
      %dma_start3A_2263 = tpu.memref_slice %arg12[%rem3A_0, %dma_start3A_2262] : memref<2x64x!tpu.dma_semaphore, #tpu.memory_space<semaphore_mem>> -> memref<1x1x!tpu.dma_semaphore, #tpu.memory_space<semaphore_mem>>
      %dma_start3A_2264 = tpu.memref_squeeze %dma_start3A_2263 : memref<1x1x!tpu.dma_semaphore, #tpu.memory_space<semaphore_mem>> -> memref<!tpu.dma_semaphore, #tpu.memory_space<semaphore_mem>>
      %dma_start3A_2265 = arith.constant 0 : i32
      %dma_start3A_2266 = arith.constant 0 : i32
      %dma_start3A_2267 = arith.constant 0 : i32
      %dma_start3A_2268 = tpu.memref_slice %arg11[%rem3A_0, %dma_start3A_2261, %dma_start3A_2265, %dma_start3A_2266, %dma_start3A_2267] : memref<2x64x8x16x128xf32, #tpu.memory_space<vmem>> -> memref<1x1x8x16x128xf32, #tpu.memory_space<vmem>>
      %dma_start3A_2269 = tpu.memref_squeeze %dma_start3A_2268 : memref<1x1x8x16x128xf32, #tpu.memory_space<vmem>> -> memref<8x16x128xf32, #tpu.memory_space<vmem>>
      %dma_start3A_2270 = arith.constant 0 : i32
      %dma_start3A_2271 = arith.constant 0 : i32
      %dma_start3A_2272 = tpu.memref_slice %arg1[%mul3A_2259, %dma_start3A_2260, %dma_start3A_2270, %dma_start3A_2271] : memref<512x64x16x128xf32, #tpu.memory_space<hbm>> -> memref<8x1x16x128xf32, #tpu.memory_space<hbm>>
      %dma_start3A_2273 = tpu.memref_squeeze %dma_start3A_2272 : memref<8x1x16x128xf32, #tpu.memory_space<hbm>> -> memref<8x16x128xf32, #tpu.memory_space<hbm>>
      tpu.enqueue_dma source(%dma_start3A_2273 : memref<8x16x128xf32, #tpu.memory_space<hbm>>) target(%dma_start3A_2269 : memref<8x16x128xf32, #tpu.memory_space<vmem>>) target_semaphore(%dma_start3A_2264 : memref<!tpu.dma_semaphore, #tpu.memory_space<semaphore_mem>>)
      %mul3A_2274 = arith.constant 8 : i32
      %mul3A_2275 = arith.muli %arg0, %mul3A_2274 : i32
      %dma_start3A_2276 = arith.constant 21 : i32
      %dma_start3A_2277 = arith.constant 21 : i32
      %dma_start3A_2278 = arith.constant 21 : i32
      %dma_start3A_2279 = tpu.memref_slice %arg12[%rem3A_0, %dma_start3A_2278] : memref<2x64x!tpu.dma_semaphore, #tpu.memory_space<semaphore_mem>> -> memref<1x1x!tpu.dma_semaphore, #tpu.memory_space<semaphore_mem>>
      %dma_start3A_2280 = tpu.memref_squeeze %dma_start3A_2279 : memref<1x1x!tpu.dma_semaphore, #tpu.memory_space<semaphore_mem>> -> memref<!tpu.dma_semaphore, #tpu.memory_space<semaphore_mem>>
      %dma_start3A_2281 = arith.constant 0 : i32
      %dma_start3A_2282 = arith.constant 0 : i32
      %dma_start3A_2283 = arith.constant 0 : i32
      %dma_start3A_2284 = tpu.memref_slice %arg11[%rem3A_0, %dma_start3A_2277, %dma_start3A_2281, %dma_start3A_2282, %dma_start3A_2283] : memref<2x64x8x16x128xf32, #tpu.memory_space<vmem>> -> memref<1x1x8x16x128xf32, #tpu.memory_space<vmem>>
      %dma_start3A_2285 = tpu.memref_squeeze %dma_start3A_2284 : memref<1x1x8x16x128xf32, #tpu.memory_space<vmem>> -> memref<8x16x128xf32, #tpu.memory_space<vmem>>
      %dma_start3A_2286 = arith.constant 0 : i32
      %dma_start3A_2287 = arith.constant 0 : i32
      %dma_start3A_2288 = tpu.memref_slice %arg1[%mul3A_2275, %dma_start3A_2276, %dma_start3A_2286, %dma_start3A_2287] : memref<512x64x16x128xf32, #tpu.memory_space<hbm>> -> memref<8x1x16x128xf32, #tpu.memory_space<hbm>>
      %dma_start3A_2289 = tpu.memref_squeeze %dma_start3A_2288 : memref<8x1x16x128xf32, #tpu.memory_space<hbm>> -> memref<8x16x128xf32, #tpu.memory_space<hbm>>
      tpu.enqueue_dma source(%dma_start3A_2289 : memref<8x16x128xf32, #tpu.memory_space<hbm>>) target(%dma_start3A_2285 : memref<8x16x128xf32, #tpu.memory_space<vmem>>) target_semaphore(%dma_start3A_2280 : memref<!tpu.dma_semaphore, #tpu.memory_space<semaphore_mem>>)
      %mul3A_2290 = arith.constant 8 : i32
      %mul3A_2291 = arith.muli %arg0, %mul3A_2290 : i32
      %dma_start3A_2292 = arith.constant 22 : i32
      %dma_start3A_2293 = arith.constant 22 : i32
      %dma_start3A_2294 = arith.constant 22 : i32
      %dma_start3A_2295 = tpu.memref_slice %arg12[%rem3A_0, %dma_start3A_2294] : memref<2x64x!tpu.dma_semaphore, #tpu.memory_space<semaphore_mem>> -> memref<1x1x!tpu.dma_semaphore, #tpu.memory_space<semaphore_mem>>
      %dma_start3A_2296 = tpu.memref_squeeze %dma_start3A_2295 : memref<1x1x!tpu.dma_semaphore, #tpu.memory_space<semaphore_mem>> -> memref<!tpu.dma_semaphore, #tpu.memory_space<semaphore_mem>>
      %dma_start3A_2297 = arith.constant 0 : i32
      %dma_start3A_2298 = arith.constant 0 : i32
      %dma_start3A_2299 = arith.constant 0 : i32
      %dma_start3A_2300 = tpu.memref_slice %arg11[%rem3A_0, %dma_start3A_2293, %dma_start3A_2297, %dma_start3A_2298, %dma_start3A_2299] : memref<2x64x8x16x128xf32, #tpu.memory_space<vmem>> -> memref<1x1x8x16x128xf32, #tpu.memory_space<vmem>>
      %dma_start3A_2301 = tpu.memref_squeeze %dma_start3A_2300 : memref<1x1x8x16x128xf32, #tpu.memory_space<vmem>> -> memref<8x16x128xf32, #tpu.memory_space<vmem>>
      %dma_start3A_2302 = arith.constant 0 : i32
      %dma_start3A_2303 = arith.constant 0 : i32
      %dma_start3A_2304 = tpu.memref_slice %arg1[%mul3A_2291, %dma_start3A_2292, %dma_start3A_2302, %dma_start3A_2303] : memref<512x64x16x128xf32, #tpu.memory_space<hbm>> -> memref<8x1x16x128xf32, #tpu.memory_space<hbm>>
      %dma_start3A_2305 = tpu.memref_squeeze %dma_start3A_2304 : memref<8x1x16x128xf32, #tpu.memory_space<hbm>> -> memref<8x16x128xf32, #tpu.memory_space<hbm>>
      tpu.enqueue_dma source(%dma_start3A_2305 : memref<8x16x128xf32, #tpu.memory_space<hbm>>) target(%dma_start3A_2301 : memref<8x16x128xf32, #tpu.memory_space<vmem>>) target_semaphore(%dma_start3A_2296 : memref<!tpu.dma_semaphore, #tpu.memory_space<semaphore_mem>>)
      %mul3A_2306 = arith.constant 8 : i32
      %mul3A_2307 = arith.muli %arg0, %mul3A_2306 : i32
      %dma_start3A_2308 = arith.constant 23 : i32
      %dma_start3A_2309 = arith.constant 23 : i32
      %dma_start3A_2310 = arith.constant 23 : i32
      %dma_start3A_2311 = tpu.memref_slice %arg12[%rem3A_0, %dma_start3A_2310] : memref<2x64x!tpu.dma_semaphore, #tpu.memory_space<semaphore_mem>> -> memref<1x1x!tpu.dma_semaphore, #tpu.memory_space<semaphore_mem>>
      %dma_start3A_2312 = tpu.memref_squeeze %dma_start3A_2311 : memref<1x1x!tpu.dma_semaphore, #tpu.memory_space<semaphore_mem>> -> memref<!tpu.dma_semaphore, #tpu.memory_space<semaphore_mem>>
      %dma_start3A_2313 = arith.constant 0 : i32
      %dma_start3A_2314 = arith.constant 0 : i32
      %dma_start3A_2315 = arith.constant 0 : i32
      %dma_start3A_2316 = tpu.memref_slice %arg11[%rem3A_0, %dma_start3A_2309, %dma_start3A_2313, %dma_start3A_2314, %dma_start3A_2315] : memref<2x64x8x16x128xf32, #tpu.memory_space<vmem>> -> memref<1x1x8x16x128xf32, #tpu.memory_space<vmem>>
      %dma_start3A_2317 = tpu.memref_squeeze %dma_start3A_2316 : memref<1x1x8x16x128xf32, #tpu.memory_space<vmem>> -> memref<8x16x128xf32, #tpu.memory_space<vmem>>
      %dma_start3A_2318 = arith.constant 0 : i32
      %dma_start3A_2319 = arith.constant 0 : i32
      %dma_start3A_2320 = tpu.memref_slice %arg1[%mul3A_2307, %dma_start3A_2308, %dma_start3A_2318, %dma_start3A_2319] : memref<512x64x16x128xf32, #tpu.memory_space<hbm>> -> memref<8x1x16x128xf32, #tpu.memory_space<hbm>>
      %dma_start3A_2321 = tpu.memref_squeeze %dma_start3A_2320 : memref<8x1x16x128xf32, #tpu.memory_space<hbm>> -> memref<8x16x128xf32, #tpu.memory_space<hbm>>
      tpu.enqueue_dma source(%dma_start3A_2321 : memref<8x16x128xf32, #tpu.memory_space<hbm>>) target(%dma_start3A_2317 : memref<8x16x128xf32, #tpu.memory_space<vmem>>) target_semaphore(%dma_start3A_2312 : memref<!tpu.dma_semaphore, #tpu.memory_space<semaphore_mem>>)
      %mul3A_2322 = arith.constant 8 : i32
      %mul3A_2323 = arith.muli %arg0, %mul3A_2322 : i32
      %dma_start3A_2324 = arith.constant 24 : i32
      %dma_start3A_2325 = arith.constant 24 : i32
      %dma_start3A_2326 = arith.constant 24 : i32
      %dma_start3A_2327 = tpu.memref_slice %arg12[%rem3A_0, %dma_start3A_2326] : memref<2x64x!tpu.dma_semaphore, #tpu.memory_space<semaphore_mem>> -> memref<1x1x!tpu.dma_semaphore, #tpu.memory_space<semaphore_mem>>
      %dma_start3A_2328 = tpu.memref_squeeze %dma_start3A_2327 : memref<1x1x!tpu.dma_semaphore, #tpu.memory_space<semaphore_mem>> -> memref<!tpu.dma_semaphore, #tpu.memory_space<semaphore_mem>>
      %dma_start3A_2329 = arith.constant 0 : i32
      %dma_start3A_2330 = arith.constant 0 : i32
      %dma_start3A_2331 = arith.constant 0 : i32
      %dma_start3A_2332 = tpu.memref_slice %arg11[%rem3A_0, %dma_start3A_2325, %dma_start3A_2329, %dma_start3A_2330, %dma_start3A_2331] : memref<2x64x8x16x128xf32, #tpu.memory_space<vmem>> -> memref<1x1x8x16x128xf32, #tpu.memory_space<vmem>>
      %dma_start3A_2333 = tpu.memref_squeeze %dma_start3A_2332 : memref<1x1x8x16x128xf32, #tpu.memory_space<vmem>> -> memref<8x16x128xf32, #tpu.memory_space<vmem>>
      %dma_start3A_2334 = arith.constant 0 : i32
      %dma_start3A_2335 = arith.constant 0 : i32
      %dma_start3A_2336 = tpu.memref_slice %arg1[%mul3A_2323, %dma_start3A_2324, %dma_start3A_2334, %dma_start3A_2335] : memref<512x64x16x128xf32, #tpu.memory_space<hbm>> -> memref<8x1x16x128xf32, #tpu.memory_space<hbm>>
      %dma_start3A_2337 = tpu.memref_squeeze %dma_start3A_2336 : memref<8x1x16x128xf32, #tpu.memory_space<hbm>> -> memref<8x16x128xf32, #tpu.memory_space<hbm>>
      tpu.enqueue_dma source(%dma_start3A_2337 : memref<8x16x128xf32, #tpu.memory_space<hbm>>) target(%dma_start3A_2333 : memref<8x16x128xf32, #tpu.memory_space<vmem>>) target_semaphore(%dma_start3A_2328 : memref<!tpu.dma_semaphore, #tpu.memory_space<semaphore_mem>>)
      %mul3A_2338 = arith.constant 8 : i32
      %mul3A_2339 = arith.muli %arg0, %mul3A_2338 : i32
      %dma_start3A_2340 = arith.constant 25 : i32
      %dma_start3A_2341 = arith.constant 25 : i32
      %dma_start3A_2342 = arith.constant 25 : i32
      %dma_start3A_2343 = tpu.memref_slice %arg12[%rem3A_0, %dma_start3A_2342] : memref<2x64x!tpu.dma_semaphore, #tpu.memory_space<semaphore_mem>> -> memref<1x1x!tpu.dma_semaphore, #tpu.memory_space<semaphore_mem>>
      %dma_start3A_2344 = tpu.memref_squeeze %dma_start3A_2343 : memref<1x1x!tpu.dma_semaphore, #tpu.memory_space<semaphore_mem>> -> memref<!tpu.dma_semaphore, #tpu.memory_space<semaphore_mem>>
      %dma_start3A_2345 = arith.constant 0 : i32
      %dma_start3A_2346 = arith.constant 0 : i32
      %dma_start3A_2347 = arith.constant 0 : i32
      %dma_start3A_2348 = tpu.memref_slice %arg11[%rem3A_0, %dma_start3A_2341, %dma_start3A_2345, %dma_start3A_2346, %dma_start3A_2347] : memref<2x64x8x16x128xf32, #tpu.memory_space<vmem>> -> memref<1x1x8x16x128xf32, #tpu.memory_space<vmem>>
      %dma_start3A_2349 = tpu.memref_squeeze %dma_start3A_2348 : memref<1x1x8x16x128xf32, #tpu.memory_space<vmem>> -> memref<8x16x128xf32, #tpu.memory_space<vmem>>
      %dma_start3A_2350 = arith.constant 0 : i32
      %dma_start3A_2351 = arith.constant 0 : i32
      %dma_start3A_2352 = tpu.memref_slice %arg1[%mul3A_2339, %dma_start3A_2340, %dma_start3A_2350, %dma_start3A_2351] : memref<512x64x16x128xf32, #tpu.memory_space<hbm>> -> memref<8x1x16x128xf32, #tpu.memory_space<hbm>>
      %dma_start3A_2353 = tpu.memref_squeeze %dma_start3A_2352 : memref<8x1x16x128xf32, #tpu.memory_space<hbm>> -> memref<8x16x128xf32, #tpu.memory_space<hbm>>
      tpu.enqueue_dma source(%dma_start3A_2353 : memref<8x16x128xf32, #tpu.memory_space<hbm>>) target(%dma_start3A_2349 : memref<8x16x128xf32, #tpu.memory_space<vmem>>) target_semaphore(%dma_start3A_2344 : memref<!tpu.dma_semaphore, #tpu.memory_space<semaphore_mem>>)
      %mul3A_2354 = arith.constant 8 : i32
      %mul3A_2355 = arith.muli %arg0, %mul3A_2354 : i32
      %dma_start3A_2356 = arith.constant 26 : i32
      %dma_start3A_2357 = arith.constant 26 : i32
      %dma_start3A_2358 = arith.constant 26 : i32
      %dma_start3A_2359 = tpu.memref_slice %arg12[%rem3A_0, %dma_start3A_2358] : memref<2x64x!tpu.dma_semaphore, #tpu.memory_space<semaphore_mem>> -> memref<1x1x!tpu.dma_semaphore, #tpu.memory_space<semaphore_mem>>
      %dma_start3A_2360 = tpu.memref_squeeze %dma_start3A_2359 : memref<1x1x!tpu.dma_semaphore, #tpu.memory_space<semaphore_mem>> -> memref<!tpu.dma_semaphore, #tpu.memory_space<semaphore_mem>>
      %dma_start3A_2361 = arith.constant 0 : i32
      %dma_start3A_2362 = arith.constant 0 : i32
      %dma_start3A_2363 = arith.constant 0 : i32
      %dma_start3A_2364 = tpu.memref_slice %arg11[%rem3A_0, %dma_start3A_2357, %dma_start3A_2361, %dma_start3A_2362, %dma_start3A_2363] : memref<2x64x8x16x128xf32, #tpu.memory_space<vmem>> -> memref<1x1x8x16x128xf32, #tpu.memory_space<vmem>>
      %dma_start3A_2365 = tpu.memref_squeeze %dma_start3A_2364 : memref<1x1x8x16x128xf32, #tpu.memory_space<vmem>> -> memref<8x16x128xf32, #tpu.memory_space<vmem>>
      %dma_start3A_2366 = arith.constant 0 : i32
      %dma_start3A_2367 = arith.constant 0 : i32
      %dma_start3A_2368 = tpu.memref_slice %arg1[%mul3A_2355, %dma_start3A_2356, %dma_start3A_2366, %dma_start3A_2367] : memref<512x64x16x128xf32, #tpu.memory_space<hbm>> -> memref<8x1x16x128xf32, #tpu.memory_space<hbm>>
      %dma_start3A_2369 = tpu.memref_squeeze %dma_start3A_2368 : memref<8x1x16x128xf32, #tpu.memory_space<hbm>> -> memref<8x16x128xf32, #tpu.memory_space<hbm>>
      tpu.enqueue_dma source(%dma_start3A_2369 : memref<8x16x128xf32, #tpu.memory_space<hbm>>) target(%dma_start3A_2365 : memref<8x16x128xf32, #tpu.memory_space<vmem>>) target_semaphore(%dma_start3A_2360 : memref<!tpu.dma_semaphore, #tpu.memory_space<semaphore_mem>>)
      %mul3A_2370 = arith.constant 8 : i32
      %mul3A_2371 = arith.muli %arg0, %mul3A_2370 : i32
      %dma_start3A_2372 = arith.constant 27 : i32
      %dma_start3A_2373 = arith.constant 27 : i32
      %dma_start3A_2374 = arith.constant 27 : i32
      %dma_start3A_2375 = tpu.memref_slice %arg12[%rem3A_0, %dma_start3A_2374] : memref<2x64x!tpu.dma_semaphore, #tpu.memory_space<semaphore_mem>> -> memref<1x1x!tpu.dma_semaphore, #tpu.memory_space<semaphore_mem>>
      %dma_start3A_2376 = tpu.memref_squeeze %dma_start3A_2375 : memref<1x1x!tpu.dma_semaphore, #tpu.memory_space<semaphore_mem>> -> memref<!tpu.dma_semaphore, #tpu.memory_space<semaphore_mem>>
      %dma_start3A_2377 = arith.constant 0 : i32
      %dma_start3A_2378 = arith.constant 0 : i32
      %dma_start3A_2379 = arith.constant 0 : i32
      %dma_start3A_2380 = tpu.memref_slice %arg11[%rem3A_0, %dma_start3A_2373, %dma_start3A_2377, %dma_start3A_2378, %dma_start3A_2379] : memref<2x64x8x16x128xf32, #tpu.memory_space<vmem>> -> memref<1x1x8x16x128xf32, #tpu.memory_space<vmem>>
      %dma_start3A_2381 = tpu.memref_squeeze %dma_start3A_2380 : memref<1x1x8x16x128xf32, #tpu.memory_space<vmem>> -> memref<8x16x128xf32, #tpu.memory_space<vmem>>
      %dma_start3A_2382 = arith.constant 0 : i32
      %dma_start3A_2383 = arith.constant 0 : i32
      %dma_start3A_2384 = tpu.memref_slice %arg1[%mul3A_2371, %dma_start3A_2372, %dma_start3A_2382, %dma_start3A_2383] : memref<512x64x16x128xf32, #tpu.memory_space<hbm>> -> memref<8x1x16x128xf32, #tpu.memory_space<hbm>>
      %dma_start3A_2385 = tpu.memref_squeeze %dma_start3A_2384 : memref<8x1x16x128xf32, #tpu.memory_space<hbm>> -> memref<8x16x128xf32, #tpu.memory_space<hbm>>
      tpu.enqueue_dma source(%dma_start3A_2385 : memref<8x16x128xf32, #tpu.memory_space<hbm>>) target(%dma_start3A_2381 : memref<8x16x128xf32, #tpu.memory_space<vmem>>) target_semaphore(%dma_start3A_2376 : memref<!tpu.dma_semaphore, #tpu.memory_space<semaphore_mem>>)
      %mul3A_2386 = arith.constant 8 : i32
      %mul3A_2387 = arith.muli %arg0, %mul3A_2386 : i32
      %dma_start3A_2388 = arith.constant 28 : i32
      %dma_start3A_2389 = arith.constant 28 : i32
      %dma_start3A_2390 = arith.constant 28 : i32
      %dma_start3A_2391 = tpu.memref_slice %arg12[%rem3A_0, %dma_start3A_2390] : memref<2x64x!tpu.dma_semaphore, #tpu.memory_space<semaphore_mem>> -> memref<1x1x!tpu.dma_semaphore, #tpu.memory_space<semaphore_mem>>
      %dma_start3A_2392 = tpu.memref_squeeze %dma_start3A_2391 : memref<1x1x!tpu.dma_semaphore, #tpu.memory_space<semaphore_mem>> -> memref<!tpu.dma_semaphore, #tpu.memory_space<semaphore_mem>>
      %dma_start3A_2393 = arith.constant 0 : i32
      %dma_start3A_2394 = arith.constant 0 : i32
      %dma_start3A_2395 = arith.constant 0 : i32
      %dma_start3A_2396 = tpu.memref_slice %arg11[%rem3A_0, %dma_start3A_2389, %dma_start3A_2393, %dma_start3A_2394, %dma_start3A_2395] : memref<2x64x8x16x128xf32, #tpu.memory_space<vmem>> -> memref<1x1x8x16x128xf32, #tpu.memory_space<vmem>>
      %dma_start3A_2397 = tpu.memref_squeeze %dma_start3A_2396 : memref<1x1x8x16x128xf32, #tpu.memory_space<vmem>> -> memref<8x16x128xf32, #tpu.memory_space<vmem>>
      %dma_start3A_2398 = arith.constant 0 : i32
      %dma_start3A_2399 = arith.constant 0 : i32
      %dma_start3A_2400 = tpu.memref_slice %arg1[%mul3A_2387, %dma_start3A_2388, %dma_start3A_2398, %dma_start3A_2399] : memref<512x64x16x128xf32, #tpu.memory_space<hbm>> -> memref<8x1x16x128xf32, #tpu.memory_space<hbm>>
      %dma_start3A_2401 = tpu.memref_squeeze %dma_start3A_2400 : memref<8x1x16x128xf32, #tpu.memory_space<hbm>> -> memref<8x16x128xf32, #tpu.memory_space<hbm>>
      tpu.enqueue_dma source(%dma_start3A_2401 : memref<8x16x128xf32, #tpu.memory_space<hbm>>) target(%dma_start3A_2397 : memref<8x16x128xf32, #tpu.memory_space<vmem>>) target_semaphore(%dma_start3A_2392 : memref<!tpu.dma_semaphore, #tpu.memory_space<semaphore_mem>>)
      %mul3A_2402 = arith.constant 8 : i32
      %mul3A_2403 = arith.muli %arg0, %mul3A_2402 : i32
      %dma_start3A_2404 = arith.constant 29 : i32
      %dma_start3A_2405 = arith.constant 29 : i32
      %dma_start3A_2406 = arith.constant 29 : i32
      %dma_start3A_2407 = tpu.memref_slice %arg12[%rem3A_0, %dma_start3A_2406] : memref<2x64x!tpu.dma_semaphore, #tpu.memory_space<semaphore_mem>> -> memref<1x1x!tpu.dma_semaphore, #tpu.memory_space<semaphore_mem>>
      %dma_start3A_2408 = tpu.memref_squeeze %dma_start3A_2407 : memref<1x1x!tpu.dma_semaphore, #tpu.memory_space<semaphore_mem>> -> memref<!tpu.dma_semaphore, #tpu.memory_space<semaphore_mem>>
      %dma_start3A_2409 = arith.constant 0 : i32
      %dma_start3A_2410 = arith.constant 0 : i32
      %dma_start3A_2411 = arith.constant 0 : i32
      %dma_start3A_2412 = tpu.memref_slice %arg11[%rem3A_0, %dma_start3A_2405, %dma_start3A_2409, %dma_start3A_2410, %dma_start3A_2411] : memref<2x64x8x16x128xf32, #tpu.memory_space<vmem>> -> memref<1x1x8x16x128xf32, #tpu.memory_space<vmem>>
      %dma_start3A_2413 = tpu.memref_squeeze %dma_start3A_2412 : memref<1x1x8x16x128xf32, #tpu.memory_space<vmem>> -> memref<8x16x128xf32, #tpu.memory_space<vmem>>
      %dma_start3A_2414 = arith.constant 0 : i32
      %dma_start3A_2415 = arith.constant 0 : i32
      %dma_start3A_2416 = tpu.memref_slice %arg1[%mul3A_2403, %dma_start3A_2404, %dma_start3A_2414, %dma_start3A_2415] : memref<512x64x16x128xf32, #tpu.memory_space<hbm>> -> memref<8x1x16x128xf32, #tpu.memory_space<hbm>>
      %dma_start3A_2417 = tpu.memref_squeeze %dma_start3A_2416 : memref<8x1x16x128xf32, #tpu.memory_space<hbm>> -> memref<8x16x128xf32, #tpu.memory_space<hbm>>
      tpu.enqueue_dma source(%dma_start3A_2417 : memref<8x16x128xf32, #tpu.memory_space<hbm>>) target(%dma_start3A_2413 : memref<8x16x128xf32, #tpu.memory_space<vmem>>) target_semaphore(%dma_start3A_2408 : memref<!tpu.dma_semaphore, #tpu.memory_space<semaphore_mem>>)
      %mul3A_2418 = arith.constant 8 : i32
      %mul3A_2419 = arith.muli %arg0, %mul3A_2418 : i32
      %dma_start3A_2420 = arith.constant 30 : i32
      %dma_start3A_2421 = arith.constant 30 : i32
      %dma_start3A_2422 = arith.constant 30 : i32
      %dma_start3A_2423 = tpu.memref_slice %arg12[%rem3A_0, %dma_start3A_2422] : memref<2x64x!tpu.dma_semaphore, #tpu.memory_space<semaphore_mem>> -> memref<1x1x!tpu.dma_semaphore, #tpu.memory_space<semaphore_mem>>
      %dma_start3A_2424 = tpu.memref_squeeze %dma_start3A_2423 : memref<1x1x!tpu.dma_semaphore, #tpu.memory_space<semaphore_mem>> -> memref<!tpu.dma_semaphore, #tpu.memory_space<semaphore_mem>>
      %dma_start3A_2425 = arith.constant 0 : i32
      %dma_start3A_2426 = arith.constant 0 : i32
      %dma_start3A_2427 = arith.constant 0 : i32
      %dma_start3A_2428 = tpu.memref_slice %arg11[%rem3A_0, %dma_start3A_2421, %dma_start3A_2425, %dma_start3A_2426, %dma_start3A_2427] : memref<2x64x8x16x128xf32, #tpu.memory_space<vmem>> -> memref<1x1x8x16x128xf32, #tpu.memory_space<vmem>>
      %dma_start3A_2429 = tpu.memref_squeeze %dma_start3A_2428 : memref<1x1x8x16x128xf32, #tpu.memory_space<vmem>> -> memref<8x16x128xf32, #tpu.memory_space<vmem>>
      %dma_start3A_2430 = arith.constant 0 : i32
      %dma_start3A_2431 = arith.constant 0 : i32
      %dma_start3A_2432 = tpu.memref_slice %arg1[%mul3A_2419, %dma_start3A_2420, %dma_start3A_2430, %dma_start3A_2431] : memref<512x64x16x128xf32, #tpu.memory_space<hbm>> -> memref<8x1x16x128xf32, #tpu.memory_space<hbm>>
      %dma_start3A_2433 = tpu.memref_squeeze %dma_start3A_2432 : memref<8x1x16x128xf32, #tpu.memory_space<hbm>> -> memref<8x16x128xf32, #tpu.memory_space<hbm>>
      tpu.enqueue_dma source(%dma_start3A_2433 : memref<8x16x128xf32, #tpu.memory_space<hbm>>) target(%dma_start3A_2429 : memref<8x16x128xf32, #tpu.memory_space<vmem>>) target_semaphore(%dma_start3A_2424 : memref<!tpu.dma_semaphore, #tpu.memory_space<semaphore_mem>>)
      %mul3A_2434 = arith.constant 8 : i32
      %mul3A_2435 = arith.muli %arg0, %mul3A_2434 : i32
      %dma_start3A_2436 = arith.constant 31 : i32
      %dma_start3A_2437 = arith.constant 31 : i32
      %dma_start3A_2438 = arith.constant 31 : i32
      %dma_start3A_2439 = tpu.memref_slice %arg12[%rem3A_0, %dma_start3A_2438] : memref<2x64x!tpu.dma_semaphore, #tpu.memory_space<semaphore_mem>> -> memref<1x1x!tpu.dma_semaphore, #tpu.memory_space<semaphore_mem>>
      %dma_start3A_2440 = tpu.memref_squeeze %dma_start3A_2439 : memref<1x1x!tpu.dma_semaphore, #tpu.memory_space<semaphore_mem>> -> memref<!tpu.dma_semaphore, #tpu.memory_space<semaphore_mem>>
      %dma_start3A_2441 = arith.constant 0 : i32
      %dma_start3A_2442 = arith.constant 0 : i32
      %dma_start3A_2443 = arith.constant 0 : i32
      %dma_start3A_2444 = tpu.memref_slice %arg11[%rem3A_0, %dma_start3A_2437, %dma_start3A_2441, %dma_start3A_2442, %dma_start3A_2443] : memref<2x64x8x16x128xf32, #tpu.memory_space<vmem>> -> memref<1x1x8x16x128xf32, #tpu.memory_space<vmem>>
      %dma_start3A_2445 = tpu.memref_squeeze %dma_start3A_2444 : memref<1x1x8x16x128xf32, #tpu.memory_space<vmem>> -> memref<8x16x128xf32, #tpu.memory_space<vmem>>
      %dma_start3A_2446 = arith.constant 0 : i32
      %dma_start3A_2447 = arith.constant 0 : i32
      %dma_start3A_2448 = tpu.memref_slice %arg1[%mul3A_2435, %dma_start3A_2436, %dma_start3A_2446, %dma_start3A_2447] : memref<512x64x16x128xf32, #tpu.memory_space<hbm>> -> memref<8x1x16x128xf32, #tpu.memory_space<hbm>>
      %dma_start3A_2449 = tpu.memref_squeeze %dma_start3A_2448 : memref<8x1x16x128xf32, #tpu.memory_space<hbm>> -> memref<8x16x128xf32, #tpu.memory_space<hbm>>
      tpu.enqueue_dma source(%dma_start3A_2449 : memref<8x16x128xf32, #tpu.memory_space<hbm>>) target(%dma_start3A_2445 : memref<8x16x128xf32, #tpu.memory_space<vmem>>) target_semaphore(%dma_start3A_2440 : memref<!tpu.dma_semaphore, #tpu.memory_space<semaphore_mem>>)
      %mul3A_2450 = arith.constant 8 : i32
      %mul3A_2451 = arith.muli %arg0, %mul3A_2450 : i32
      %dma_start3A_2452 = arith.constant 32 : i32
      %dma_start3A_2453 = arith.constant 32 : i32
      %dma_start3A_2454 = arith.constant 32 : i32
      %dma_start3A_2455 = tpu.memref_slice %arg12[%rem3A_0, %dma_start3A_2454] : memref<2x64x!tpu.dma_semaphore, #tpu.memory_space<semaphore_mem>> -> memref<1x1x!tpu.dma_semaphore, #tpu.memory_space<semaphore_mem>>
      %dma_start3A_2456 = tpu.memref_squeeze %dma_start3A_2455 : memref<1x1x!tpu.dma_semaphore, #tpu.memory_space<semaphore_mem>> -> memref<!tpu.dma_semaphore, #tpu.memory_space<semaphore_mem>>
      %dma_start3A_2457 = arith.constant 0 : i32
      %dma_start3A_2458 = arith.constant 0 : i32
      %dma_start3A_2459 = arith.constant 0 : i32
      %dma_start3A_2460 = tpu.memref_slice %arg11[%rem3A_0, %dma_start3A_2453, %dma_start3A_2457, %dma_start3A_2458, %dma_start3A_2459] : memref<2x64x8x16x128xf32, #tpu.memory_space<vmem>> -> memref<1x1x8x16x128xf32, #tpu.memory_space<vmem>>
      %dma_start3A_2461 = tpu.memref_squeeze %dma_start3A_2460 : memref<1x1x8x16x128xf32, #tpu.memory_space<vmem>> -> memref<8x16x128xf32, #tpu.memory_space<vmem>>
      %dma_start3A_2462 = arith.constant 0 : i32
      %dma_start3A_2463 = arith.constant 0 : i32
      %dma_start3A_2464 = tpu.memref_slice %arg1[%mul3A_2451, %dma_start3A_2452, %dma_start3A_2462, %dma_start3A_2463] : memref<512x64x16x128xf32, #tpu.memory_space<hbm>> -> memref<8x1x16x128xf32, #tpu.memory_space<hbm>>
      %dma_start3A_2465 = tpu.memref_squeeze %dma_start3A_2464 : memref<8x1x16x128xf32, #tpu.memory_space<hbm>> -> memref<8x16x128xf32, #tpu.memory_space<hbm>>
      tpu.enqueue_dma source(%dma_start3A_2465 : memref<8x16x128xf32, #tpu.memory_space<hbm>>) target(%dma_start3A_2461 : memref<8x16x128xf32, #tpu.memory_space<vmem>>) target_semaphore(%dma_start3A_2456 : memref<!tpu.dma_semaphore, #tpu.memory_space<semaphore_mem>>)
      %mul3A_2466 = arith.constant 8 : i32
      %mul3A_2467 = arith.muli %arg0, %mul3A_2466 : i32
      %dma_start3A_2468 = arith.constant 33 : i32
      %dma_start3A_2469 = arith.constant 33 : i32
      %dma_start3A_2470 = arith.constant 33 : i32
      %dma_start3A_2471 = tpu.memref_slice %arg12[%rem3A_0, %dma_start3A_2470] : memref<2x64x!tpu.dma_semaphore, #tpu.memory_space<semaphore_mem>> -> memref<1x1x!tpu.dma_semaphore, #tpu.memory_space<semaphore_mem>>
      %dma_start3A_2472 = tpu.memref_squeeze %dma_start3A_2471 : memref<1x1x!tpu.dma_semaphore, #tpu.memory_space<semaphore_mem>> -> memref<!tpu.dma_semaphore, #tpu.memory_space<semaphore_mem>>
      %dma_start3A_2473 = arith.constant 0 : i32
      %dma_start3A_2474 = arith.constant 0 : i32
      %dma_start3A_2475 = arith.constant 0 : i32
      %dma_start3A_2476 = tpu.memref_slice %arg11[%rem3A_0, %dma_start3A_2469, %dma_start3A_2473, %dma_start3A_2474, %dma_start3A_2475] : memref<2x64x8x16x128xf32, #tpu.memory_space<vmem>> -> memref<1x1x8x16x128xf32, #tpu.memory_space<vmem>>
      %dma_start3A_2477 = tpu.memref_squeeze %dma_start3A_2476 : memref<1x1x8x16x128xf32, #tpu.memory_space<vmem>> -> memref<8x16x128xf32, #tpu.memory_space<vmem>>
      %dma_start3A_2478 = arith.constant 0 : i32
      %dma_start3A_2479 = arith.constant 0 : i32
      %dma_start3A_2480 = tpu.memref_slice %arg1[%mul3A_2467, %dma_start3A_2468, %dma_start3A_2478, %dma_start3A_2479] : memref<512x64x16x128xf32, #tpu.memory_space<hbm>> -> memref<8x1x16x128xf32, #tpu.memory_space<hbm>>
      %dma_start3A_2481 = tpu.memref_squeeze %dma_start3A_2480 : memref<8x1x16x128xf32, #tpu.memory_space<hbm>> -> memref<8x16x128xf32, #tpu.memory_space<hbm>>
      tpu.enqueue_dma source(%dma_start3A_2481 : memref<8x16x128xf32, #tpu.memory_space<hbm>>) target(%dma_start3A_2477 : memref<8x16x128xf32, #tpu.memory_space<vmem>>) target_semaphore(%dma_start3A_2472 : memref<!tpu.dma_semaphore, #tpu.memory_space<semaphore_mem>>)
      %mul3A_2482 = arith.constant 8 : i32
      %mul3A_2483 = arith.muli %arg0, %mul3A_2482 : i32
      %dma_start3A_2484 = arith.constant 34 : i32
      %dma_start3A_2485 = arith.constant 34 : i32
      %dma_start3A_2486 = arith.constant 34 : i32
      %dma_start3A_2487 = tpu.memref_slice %arg12[%rem3A_0, %dma_start3A_2486] : memref<2x64x!tpu.dma_semaphore, #tpu.memory_space<semaphore_mem>> -> memref<1x1x!tpu.dma_semaphore, #tpu.memory_space<semaphore_mem>>
      %dma_start3A_2488 = tpu.memref_squeeze %dma_start3A_2487 : memref<1x1x!tpu.dma_semaphore, #tpu.memory_space<semaphore_mem>> -> memref<!tpu.dma_semaphore, #tpu.memory_space<semaphore_mem>>
      %dma_start3A_2489 = arith.constant 0 : i32
      %dma_start3A_2490 = arith.constant 0 : i32
      %dma_start3A_2491 = arith.constant 0 : i32
      %dma_start3A_2492 = tpu.memref_slice %arg11[%rem3A_0, %dma_start3A_2485, %dma_start3A_2489, %dma_start3A_2490, %dma_start3A_2491] : memref<2x64x8x16x128xf32, #tpu.memory_space<vmem>> -> memref<1x1x8x16x128xf32, #tpu.memory_space<vmem>>
      %dma_start3A_2493 = tpu.memref_squeeze %dma_start3A_2492 : memref<1x1x8x16x128xf32, #tpu.memory_space<vmem>> -> memref<8x16x128xf32, #tpu.memory_space<vmem>>
      %dma_start3A_2494 = arith.constant 0 : i32
      %dma_start3A_2495 = arith.constant 0 : i32
      %dma_start3A_2496 = tpu.memref_slice %arg1[%mul3A_2483, %dma_start3A_2484, %dma_start3A_2494, %dma_start3A_2495] : memref<512x64x16x128xf32, #tpu.memory_space<hbm>> -> memref<8x1x16x128xf32, #tpu.memory_space<hbm>>
      %dma_start3A_2497 = tpu.memref_squeeze %dma_start3A_2496 : memref<8x1x16x128xf32, #tpu.memory_space<hbm>> -> memref<8x16x128xf32, #tpu.memory_space<hbm>>
      tpu.enqueue_dma source(%dma_start3A_2497 : memref<8x16x128xf32, #tpu.memory_space<hbm>>) target(%dma_start3A_2493 : memref<8x16x128xf32, #tpu.memory_space<vmem>>) target_semaphore(%dma_start3A_2488 : memref<!tpu.dma_semaphore, #tpu.memory_space<semaphore_mem>>)
      %mul3A_2498 = arith.constant 8 : i32
      %mul3A_2499 = arith.muli %arg0, %mul3A_2498 : i32
      %dma_start3A_2500 = arith.constant 35 : i32
      %dma_start3A_2501 = arith.constant 35 : i32
      %dma_start3A_2502 = arith.constant 35 : i32
      %dma_start3A_2503 = tpu.memref_slice %arg12[%rem3A_0, %dma_start3A_2502] : memref<2x64x!tpu.dma_semaphore, #tpu.memory_space<semaphore_mem>> -> memref<1x1x!tpu.dma_semaphore, #tpu.memory_space<semaphore_mem>>
      %dma_start3A_2504 = tpu.memref_squeeze %dma_start3A_2503 : memref<1x1x!tpu.dma_semaphore, #tpu.memory_space<semaphore_mem>> -> memref<!tpu.dma_semaphore, #tpu.memory_space<semaphore_mem>>
      %dma_start3A_2505 = arith.constant 0 : i32
      %dma_start3A_2506 = arith.constant 0 : i32
      %dma_start3A_2507 = arith.constant 0 : i32
      %dma_start3A_2508 = tpu.memref_slice %arg11[%rem3A_0, %dma_start3A_2501, %dma_start3A_2505, %dma_start3A_2506, %dma_start3A_2507] : memref<2x64x8x16x128xf32, #tpu.memory_space<vmem>> -> memref<1x1x8x16x128xf32, #tpu.memory_space<vmem>>
      %dma_start3A_2509 = tpu.memref_squeeze %dma_start3A_2508 : memref<1x1x8x16x128xf32, #tpu.memory_space<vmem>> -> memref<8x16x128xf32, #tpu.memory_space<vmem>>
      %dma_start3A_2510 = arith.constant 0 : i32
      %dma_start3A_2511 = arith.constant 0 : i32
      %dma_start3A_2512 = tpu.memref_slice %arg1[%mul3A_2499, %dma_start3A_2500, %dma_start3A_2510, %dma_start3A_2511] : memref<512x64x16x128xf32, #tpu.memory_space<hbm>> -> memref<8x1x16x128xf32, #tpu.memory_space<hbm>>
      %dma_start3A_2513 = tpu.memref_squeeze %dma_start3A_2512 : memref<8x1x16x128xf32, #tpu.memory_space<hbm>> -> memref<8x16x128xf32, #tpu.memory_space<hbm>>
      tpu.enqueue_dma source(%dma_start3A_2513 : memref<8x16x128xf32, #tpu.memory_space<hbm>>) target(%dma_start3A_2509 : memref<8x16x128xf32, #tpu.memory_space<vmem>>) target_semaphore(%dma_start3A_2504 : memref<!tpu.dma_semaphore, #tpu.memory_space<semaphore_mem>>)
      %mul3A_2514 = arith.constant 8 : i32
      %mul3A_2515 = arith.muli %arg0, %mul3A_2514 : i32
      %dma_start3A_2516 = arith.constant 36 : i32
      %dma_start3A_2517 = arith.constant 36 : i32
      %dma_start3A_2518 = arith.constant 36 : i32
      %dma_start3A_2519 = tpu.memref_slice %arg12[%rem3A_0, %dma_start3A_2518] : memref<2x64x!tpu.dma_semaphore, #tpu.memory_space<semaphore_mem>> -> memref<1x1x!tpu.dma_semaphore, #tpu.memory_space<semaphore_mem>>
      %dma_start3A_2520 = tpu.memref_squeeze %dma_start3A_2519 : memref<1x1x!tpu.dma_semaphore, #tpu.memory_space<semaphore_mem>> -> memref<!tpu.dma_semaphore, #tpu.memory_space<semaphore_mem>>
      %dma_start3A_2521 = arith.constant 0 : i32
      %dma_start3A_2522 = arith.constant 0 : i32
      %dma_start3A_2523 = arith.constant 0 : i32
      %dma_start3A_2524 = tpu.memref_slice %arg11[%rem3A_0, %dma_start3A_2517, %dma_start3A_2521, %dma_start3A_2522, %dma_start3A_2523] : memref<2x64x8x16x128xf32, #tpu.memory_space<vmem>> -> memref<1x1x8x16x128xf32, #tpu.memory_space<vmem>>
      %dma_start3A_2525 = tpu.memref_squeeze %dma_start3A_2524 : memref<1x1x8x16x128xf32, #tpu.memory_space<vmem>> -> memref<8x16x128xf32, #tpu.memory_space<vmem>>
      %dma_start3A_2526 = arith.constant 0 : i32
      %dma_start3A_2527 = arith.constant 0 : i32
      %dma_start3A_2528 = tpu.memref_slice %arg1[%mul3A_2515, %dma_start3A_2516, %dma_start3A_2526, %dma_start3A_2527] : memref<512x64x16x128xf32, #tpu.memory_space<hbm>> -> memref<8x1x16x128xf32, #tpu.memory_space<hbm>>
      %dma_start3A_2529 = tpu.memref_squeeze %dma_start3A_2528 : memref<8x1x16x128xf32, #tpu.memory_space<hbm>> -> memref<8x16x128xf32, #tpu.memory_space<hbm>>
      tpu.enqueue_dma source(%dma_start3A_2529 : memref<8x16x128xf32, #tpu.memory_space<hbm>>) target(%dma_start3A_2525 : memref<8x16x128xf32, #tpu.memory_space<vmem>>) target_semaphore(%dma_start3A_2520 : memref<!tpu.dma_semaphore, #tpu.memory_space<semaphore_mem>>)
      %mul3A_2530 = arith.constant 8 : i32
      %mul3A_2531 = arith.muli %arg0, %mul3A_2530 : i32
      %dma_start3A_2532 = arith.constant 37 : i32
      %dma_start3A_2533 = arith.constant 37 : i32
      %dma_start3A_2534 = arith.constant 37 : i32
      %dma_start3A_2535 = tpu.memref_slice %arg12[%rem3A_0, %dma_start3A_2534] : memref<2x64x!tpu.dma_semaphore, #tpu.memory_space<semaphore_mem>> -> memref<1x1x!tpu.dma_semaphore, #tpu.memory_space<semaphore_mem>>
      %dma_start3A_2536 = tpu.memref_squeeze %dma_start3A_2535 : memref<1x1x!tpu.dma_semaphore, #tpu.memory_space<semaphore_mem>> -> memref<!tpu.dma_semaphore, #tpu.memory_space<semaphore_mem>>
      %dma_start3A_2537 = arith.constant 0 : i32
      %dma_start3A_2538 = arith.constant 0 : i32
      %dma_start3A_2539 = arith.constant 0 : i32
      %dma_start3A_2540 = tpu.memref_slice %arg11[%rem3A_0, %dma_start3A_2533, %dma_start3A_2537, %dma_start3A_2538, %dma_start3A_2539] : memref<2x64x8x16x128xf32, #tpu.memory_space<vmem>> -> memref<1x1x8x16x128xf32, #tpu.memory_space<vmem>>
      %dma_start3A_2541 = tpu.memref_squeeze %dma_start3A_2540 : memref<1x1x8x16x128xf32, #tpu.memory_space<vmem>> -> memref<8x16x128xf32, #tpu.memory_space<vmem>>
      %dma_start3A_2542 = arith.constant 0 : i32
      %dma_start3A_2543 = arith.constant 0 : i32
      %dma_start3A_2544 = tpu.memref_slice %arg1[%mul3A_2531, %dma_start3A_2532, %dma_start3A_2542, %dma_start3A_2543] : memref<512x64x16x128xf32, #tpu.memory_space<hbm>> -> memref<8x1x16x128xf32, #tpu.memory_space<hbm>>
      %dma_start3A_2545 = tpu.memref_squeeze %dma_start3A_2544 : memref<8x1x16x128xf32, #tpu.memory_space<hbm>> -> memref<8x16x128xf32, #tpu.memory_space<hbm>>
      tpu.enqueue_dma source(%dma_start3A_2545 : memref<8x16x128xf32, #tpu.memory_space<hbm>>) target(%dma_start3A_2541 : memref<8x16x128xf32, #tpu.memory_space<vmem>>) target_semaphore(%dma_start3A_2536 : memref<!tpu.dma_semaphore, #tpu.memory_space<semaphore_mem>>)
      %mul3A_2546 = arith.constant 8 : i32
      %mul3A_2547 = arith.muli %arg0, %mul3A_2546 : i32
      %dma_start3A_2548 = arith.constant 38 : i32
      %dma_start3A_2549 = arith.constant 38 : i32
      %dma_start3A_2550 = arith.constant 38 : i32
      %dma_start3A_2551 = tpu.memref_slice %arg12[%rem3A_0, %dma_start3A_2550] : memref<2x64x!tpu.dma_semaphore, #tpu.memory_space<semaphore_mem>> -> memref<1x1x!tpu.dma_semaphore, #tpu.memory_space<semaphore_mem>>
      %dma_start3A_2552 = tpu.memref_squeeze %dma_start3A_2551 : memref<1x1x!tpu.dma_semaphore, #tpu.memory_space<semaphore_mem>> -> memref<!tpu.dma_semaphore, #tpu.memory_space<semaphore_mem>>
      %dma_start3A_2553 = arith.constant 0 : i32
      %dma_start3A_2554 = arith.constant 0 : i32
      %dma_start3A_2555 = arith.constant 0 : i32
      %dma_start3A_2556 = tpu.memref_slice %arg11[%rem3A_0, %dma_start3A_2549, %dma_start3A_2553, %dma_start3A_2554, %dma_start3A_2555] : memref<2x64x8x16x128xf32, #tpu.memory_space<vmem>> -> memref<1x1x8x16x128xf32, #tpu.memory_space<vmem>>
      %dma_start3A_2557 = tpu.memref_squeeze %dma_start3A_2556 : memref<1x1x8x16x128xf32, #tpu.memory_space<vmem>> -> memref<8x16x128xf32, #tpu.memory_space<vmem>>
      %dma_start3A_2558 = arith.constant 0 : i32
      %dma_start3A_2559 = arith.constant 0 : i32
      %dma_start3A_2560 = tpu.memref_slice %arg1[%mul3A_2547, %dma_start3A_2548, %dma_start3A_2558, %dma_start3A_2559] : memref<512x64x16x128xf32, #tpu.memory_space<hbm>> -> memref<8x1x16x128xf32, #tpu.memory_space<hbm>>
      %dma_start3A_2561 = tpu.memref_squeeze %dma_start3A_2560 : memref<8x1x16x128xf32, #tpu.memory_space<hbm>> -> memref<8x16x128xf32, #tpu.memory_space<hbm>>
      tpu.enqueue_dma source(%dma_start3A_2561 : memref<8x16x128xf32, #tpu.memory_space<hbm>>) target(%dma_start3A_2557 : memref<8x16x128xf32, #tpu.memory_space<vmem>>) target_semaphore(%dma_start3A_2552 : memref<!tpu.dma_semaphore, #tpu.memory_space<semaphore_mem>>)
      %mul3A_2562 = arith.constant 8 : i32
      %mul3A_2563 = arith.muli %arg0, %mul3A_2562 : i32
      %dma_start3A_2564 = arith.constant 39 : i32
      %dma_start3A_2565 = arith.constant 39 : i32
      %dma_start3A_2566 = arith.constant 39 : i32
      %dma_start3A_2567 = tpu.memref_slice %arg12[%rem3A_0, %dma_start3A_2566] : memref<2x64x!tpu.dma_semaphore, #tpu.memory_space<semaphore_mem>> -> memref<1x1x!tpu.dma_semaphore, #tpu.memory_space<semaphore_mem>>
      %dma_start3A_2568 = tpu.memref_squeeze %dma_start3A_2567 : memref<1x1x!tpu.dma_semaphore, #tpu.memory_space<semaphore_mem>> -> memref<!tpu.dma_semaphore, #tpu.memory_space<semaphore_mem>>
      %dma_start3A_2569 = arith.constant 0 : i32
      %dma_start3A_2570 = arith.constant 0 : i32
      %dma_start3A_2571 = arith.constant 0 : i32
      %dma_start3A_2572 = tpu.memref_slice %arg11[%rem3A_0, %dma_start3A_2565, %dma_start3A_2569, %dma_start3A_2570, %dma_start3A_2571] : memref<2x64x8x16x128xf32, #tpu.memory_space<vmem>> -> memref<1x1x8x16x128xf32, #tpu.memory_space<vmem>>
      %dma_start3A_2573 = tpu.memref_squeeze %dma_start3A_2572 : memref<1x1x8x16x128xf32, #tpu.memory_space<vmem>> -> memref<8x16x128xf32, #tpu.memory_space<vmem>>
      %dma_start3A_2574 = arith.constant 0 : i32
      %dma_start3A_2575 = arith.constant 0 : i32
      %dma_start3A_2576 = tpu.memref_slice %arg1[%mul3A_2563, %dma_start3A_2564, %dma_start3A_2574, %dma_start3A_2575] : memref<512x64x16x128xf32, #tpu.memory_space<hbm>> -> memref<8x1x16x128xf32, #tpu.memory_space<hbm>>
      %dma_start3A_2577 = tpu.memref_squeeze %dma_start3A_2576 : memref<8x1x16x128xf32, #tpu.memory_space<hbm>> -> memref<8x16x128xf32, #tpu.memory_space<hbm>>
      tpu.enqueue_dma source(%dma_start3A_2577 : memref<8x16x128xf32, #tpu.memory_space<hbm>>) target(%dma_start3A_2573 : memref<8x16x128xf32, #tpu.memory_space<vmem>>) target_semaphore(%dma_start3A_2568 : memref<!tpu.dma_semaphore, #tpu.memory_space<semaphore_mem>>)
      %mul3A_2578 = arith.constant 8 : i32
      %mul3A_2579 = arith.muli %arg0, %mul3A_2578 : i32
      %dma_start3A_2580 = arith.constant 40 : i32
      %dma_start3A_2581 = arith.constant 40 : i32
      %dma_start3A_2582 = arith.constant 40 : i32
      %dma_start3A_2583 = tpu.memref_slice %arg12[%rem3A_0, %dma_start3A_2582] : memref<2x64x!tpu.dma_semaphore, #tpu.memory_space<semaphore_mem>> -> memref<1x1x!tpu.dma_semaphore, #tpu.memory_space<semaphore_mem>>
      %dma_start3A_2584 = tpu.memref_squeeze %dma_start3A_2583 : memref<1x1x!tpu.dma_semaphore, #tpu.memory_space<semaphore_mem>> -> memref<!tpu.dma_semaphore, #tpu.memory_space<semaphore_mem>>
      %dma_start3A_2585 = arith.constant 0 : i32
      %dma_start3A_2586 = arith.constant 0 : i32
      %dma_start3A_2587 = arith.constant 0 : i32
      %dma_start3A_2588 = tpu.memref_slice %arg11[%rem3A_0, %dma_start3A_2581, %dma_start3A_2585, %dma_start3A_2586, %dma_start3A_2587] : memref<2x64x8x16x128xf32, #tpu.memory_space<vmem>> -> memref<1x1x8x16x128xf32, #tpu.memory_space<vmem>>
      %dma_start3A_2589 = tpu.memref_squeeze %dma_start3A_2588 : memref<1x1x8x16x128xf32, #tpu.memory_space<vmem>> -> memref<8x16x128xf32, #tpu.memory_space<vmem>>
      %dma_start3A_2590 = arith.constant 0 : i32
      %dma_start3A_2591 = arith.constant 0 : i32
      %dma_start3A_2592 = tpu.memref_slice %arg1[%mul3A_2579, %dma_start3A_2580, %dma_start3A_2590, %dma_start3A_2591] : memref<512x64x16x128xf32, #tpu.memory_space<hbm>> -> memref<8x1x16x128xf32, #tpu.memory_space<hbm>>
      %dma_start3A_2593 = tpu.memref_squeeze %dma_start3A_2592 : memref<8x1x16x128xf32, #tpu.memory_space<hbm>> -> memref<8x16x128xf32, #tpu.memory_space<hbm>>
      tpu.enqueue_dma source(%dma_start3A_2593 : memref<8x16x128xf32, #tpu.memory_space<hbm>>) target(%dma_start3A_2589 : memref<8x16x128xf32, #tpu.memory_space<vmem>>) target_semaphore(%dma_start3A_2584 : memref<!tpu.dma_semaphore, #tpu.memory_space<semaphore_mem>>)
      %mul3A_2594 = arith.constant 8 : i32
      %mul3A_2595 = arith.muli %arg0, %mul3A_2594 : i32
      %dma_start3A_2596 = arith.constant 41 : i32
      %dma_start3A_2597 = arith.constant 41 : i32
      %dma_start3A_2598 = arith.constant 41 : i32
      %dma_start3A_2599 = tpu.memref_slice %arg12[%rem3A_0, %dma_start3A_2598] : memref<2x64x!tpu.dma_semaphore, #tpu.memory_space<semaphore_mem>> -> memref<1x1x!tpu.dma_semaphore, #tpu.memory_space<semaphore_mem>>
      %dma_start3A_2600 = tpu.memref_squeeze %dma_start3A_2599 : memref<1x1x!tpu.dma_semaphore, #tpu.memory_space<semaphore_mem>> -> memref<!tpu.dma_semaphore, #tpu.memory_space<semaphore_mem>>
      %dma_start3A_2601 = arith.constant 0 : i32
      %dma_start3A_2602 = arith.constant 0 : i32
      %dma_start3A_2603 = arith.constant 0 : i32
      %dma_start3A_2604 = tpu.memref_slice %arg11[%rem3A_0, %dma_start3A_2597, %dma_start3A_2601, %dma_start3A_2602, %dma_start3A_2603] : memref<2x64x8x16x128xf32, #tpu.memory_space<vmem>> -> memref<1x1x8x16x128xf32, #tpu.memory_space<vmem>>
      %dma_start3A_2605 = tpu.memref_squeeze %dma_start3A_2604 : memref<1x1x8x16x128xf32, #tpu.memory_space<vmem>> -> memref<8x16x128xf32, #tpu.memory_space<vmem>>
      %dma_start3A_2606 = arith.constant 0 : i32
      %dma_start3A_2607 = arith.constant 0 : i32
      %dma_start3A_2608 = tpu.memref_slice %arg1[%mul3A_2595, %dma_start3A_2596, %dma_start3A_2606, %dma_start3A_2607] : memref<512x64x16x128xf32, #tpu.memory_space<hbm>> -> memref<8x1x16x128xf32, #tpu.memory_space<hbm>>
      %dma_start3A_2609 = tpu.memref_squeeze %dma_start3A_2608 : memref<8x1x16x128xf32, #tpu.memory_space<hbm>> -> memref<8x16x128xf32, #tpu.memory_space<hbm>>
      tpu.enqueue_dma source(%dma_start3A_2609 : memref<8x16x128xf32, #tpu.memory_space<hbm>>) target(%dma_start3A_2605 : memref<8x16x128xf32, #tpu.memory_space<vmem>>) target_semaphore(%dma_start3A_2600 : memref<!tpu.dma_semaphore, #tpu.memory_space<semaphore_mem>>)
      %mul3A_2610 = arith.constant 8 : i32
      %mul3A_2611 = arith.muli %arg0, %mul3A_2610 : i32
      %dma_start3A_2612 = arith.constant 42 : i32
      %dma_start3A_2613 = arith.constant 42 : i32
      %dma_start3A_2614 = arith.constant 42 : i32
      %dma_start3A_2615 = tpu.memref_slice %arg12[%rem3A_0, %dma_start3A_2614] : memref<2x64x!tpu.dma_semaphore, #tpu.memory_space<semaphore_mem>> -> memref<1x1x!tpu.dma_semaphore, #tpu.memory_space<semaphore_mem>>
      %dma_start3A_2616 = tpu.memref_squeeze %dma_start3A_2615 : memref<1x1x!tpu.dma_semaphore, #tpu.memory_space<semaphore_mem>> -> memref<!tpu.dma_semaphore, #tpu.memory_space<semaphore_mem>>
      %dma_start3A_2617 = arith.constant 0 : i32
      %dma_start3A_2618 = arith.constant 0 : i32
      %dma_start3A_2619 = arith.constant 0 : i32
      %dma_start3A_2620 = tpu.memref_slice %arg11[%rem3A_0, %dma_start3A_2613, %dma_start3A_2617, %dma_start3A_2618, %dma_start3A_2619] : memref<2x64x8x16x128xf32, #tpu.memory_space<vmem>> -> memref<1x1x8x16x128xf32, #tpu.memory_space<vmem>>
      %dma_start3A_2621 = tpu.memref_squeeze %dma_start3A_2620 : memref<1x1x8x16x128xf32, #tpu.memory_space<vmem>> -> memref<8x16x128xf32, #tpu.memory_space<vmem>>
      %dma_start3A_2622 = arith.constant 0 : i32
      %dma_start3A_2623 = arith.constant 0 : i32
      %dma_start3A_2624 = tpu.memref_slice %arg1[%mul3A_2611, %dma_start3A_2612, %dma_start3A_2622, %dma_start3A_2623] : memref<512x64x16x128xf32, #tpu.memory_space<hbm>> -> memref<8x1x16x128xf32, #tpu.memory_space<hbm>>
      %dma_start3A_2625 = tpu.memref_squeeze %dma_start3A_2624 : memref<8x1x16x128xf32, #tpu.memory_space<hbm>> -> memref<8x16x128xf32, #tpu.memory_space<hbm>>
      tpu.enqueue_dma source(%dma_start3A_2625 : memref<8x16x128xf32, #tpu.memory_space<hbm>>) target(%dma_start3A_2621 : memref<8x16x128xf32, #tpu.memory_space<vmem>>) target_semaphore(%dma_start3A_2616 : memref<!tpu.dma_semaphore, #tpu.memory_space<semaphore_mem>>)
      %mul3A_2626 = arith.constant 8 : i32
      %mul3A_2627 = arith.muli %arg0, %mul3A_2626 : i32
      %dma_start3A_2628 = arith.constant 43 : i32
      %dma_start3A_2629 = arith.constant 43 : i32
      %dma_start3A_2630 = arith.constant 43 : i32
      %dma_start3A_2631 = tpu.memref_slice %arg12[%rem3A_0, %dma_start3A_2630] : memref<2x64x!tpu.dma_semaphore, #tpu.memory_space<semaphore_mem>> -> memref<1x1x!tpu.dma_semaphore, #tpu.memory_space<semaphore_mem>>
      %dma_start3A_2632 = tpu.memref_squeeze %dma_start3A_2631 : memref<1x1x!tpu.dma_semaphore, #tpu.memory_space<semaphore_mem>> -> memref<!tpu.dma_semaphore, #tpu.memory_space<semaphore_mem>>
      %dma_start3A_2633 = arith.constant 0 : i32
      %dma_start3A_2634 = arith.constant 0 : i32
      %dma_start3A_2635 = arith.constant 0 : i32
      %dma_start3A_2636 = tpu.memref_slice %arg11[%rem3A_0, %dma_start3A_2629, %dma_start3A_2633, %dma_start3A_2634, %dma_start3A_2635] : memref<2x64x8x16x128xf32, #tpu.memory_space<vmem>> -> memref<1x1x8x16x128xf32, #tpu.memory_space<vmem>>
      %dma_start3A_2637 = tpu.memref_squeeze %dma_start3A_2636 : memref<1x1x8x16x128xf32, #tpu.memory_space<vmem>> -> memref<8x16x128xf32, #tpu.memory_space<vmem>>
      %dma_start3A_2638 = arith.constant 0 : i32
      %dma_start3A_2639 = arith.constant 0 : i32
      %dma_start3A_2640 = tpu.memref_slice %arg1[%mul3A_2627, %dma_start3A_2628, %dma_start3A_2638, %dma_start3A_2639] : memref<512x64x16x128xf32, #tpu.memory_space<hbm>> -> memref<8x1x16x128xf32, #tpu.memory_space<hbm>>
      %dma_start3A_2641 = tpu.memref_squeeze %dma_start3A_2640 : memref<8x1x16x128xf32, #tpu.memory_space<hbm>> -> memref<8x16x128xf32, #tpu.memory_space<hbm>>
      tpu.enqueue_dma source(%dma_start3A_2641 : memref<8x16x128xf32, #tpu.memory_space<hbm>>) target(%dma_start3A_2637 : memref<8x16x128xf32, #tpu.memory_space<vmem>>) target_semaphore(%dma_start3A_2632 : memref<!tpu.dma_semaphore, #tpu.memory_space<semaphore_mem>>)
      %mul3A_2642 = arith.constant 8 : i32
      %mul3A_2643 = arith.muli %arg0, %mul3A_2642 : i32
      %dma_start3A_2644 = arith.constant 44 : i32
      %dma_start3A_2645 = arith.constant 44 : i32
      %dma_start3A_2646 = arith.constant 44 : i32
      %dma_start3A_2647 = tpu.memref_slice %arg12[%rem3A_0, %dma_start3A_2646] : memref<2x64x!tpu.dma_semaphore, #tpu.memory_space<semaphore_mem>> -> memref<1x1x!tpu.dma_semaphore, #tpu.memory_space<semaphore_mem>>
      %dma_start3A_2648 = tpu.memref_squeeze %dma_start3A_2647 : memref<1x1x!tpu.dma_semaphore, #tpu.memory_space<semaphore_mem>> -> memref<!tpu.dma_semaphore, #tpu.memory_space<semaphore_mem>>
      %dma_start3A_2649 = arith.constant 0 : i32
      %dma_start3A_2650 = arith.constant 0 : i32
      %dma_start3A_2651 = arith.constant 0 : i32
      %dma_start3A_2652 = tpu.memref_slice %arg11[%rem3A_0, %dma_start3A_2645, %dma_start3A_2649, %dma_start3A_2650, %dma_start3A_2651] : memref<2x64x8x16x128xf32, #tpu.memory_space<vmem>> -> memref<1x1x8x16x128xf32, #tpu.memory_space<vmem>>
      %dma_start3A_2653 = tpu.memref_squeeze %dma_start3A_2652 : memref<1x1x8x16x128xf32, #tpu.memory_space<vmem>> -> memref<8x16x128xf32, #tpu.memory_space<vmem>>
      %dma_start3A_2654 = arith.constant 0 : i32
      %dma_start3A_2655 = arith.constant 0 : i32
      %dma_start3A_2656 = tpu.memref_slice %arg1[%mul3A_2643, %dma_start3A_2644, %dma_start3A_2654, %dma_start3A_2655] : memref<512x64x16x128xf32, #tpu.memory_space<hbm>> -> memref<8x1x16x128xf32, #tpu.memory_space<hbm>>
      %dma_start3A_2657 = tpu.memref_squeeze %dma_start3A_2656 : memref<8x1x16x128xf32, #tpu.memory_space<hbm>> -> memref<8x16x128xf32, #tpu.memory_space<hbm>>
      tpu.enqueue_dma source(%dma_start3A_2657 : memref<8x16x128xf32, #tpu.memory_space<hbm>>) target(%dma_start3A_2653 : memref<8x16x128xf32, #tpu.memory_space<vmem>>) target_semaphore(%dma_start3A_2648 : memref<!tpu.dma_semaphore, #tpu.memory_space<semaphore_mem>>)
      %mul3A_2658 = arith.constant 8 : i32
      %mul3A_2659 = arith.muli %arg0, %mul3A_2658 : i32
      %dma_start3A_2660 = arith.constant 45 : i32
      %dma_start3A_2661 = arith.constant 45 : i32
      %dma_start3A_2662 = arith.constant 45 : i32
      %dma_start3A_2663 = tpu.memref_slice %arg12[%rem3A_0, %dma_start3A_2662] : memref<2x64x!tpu.dma_semaphore, #tpu.memory_space<semaphore_mem>> -> memref<1x1x!tpu.dma_semaphore, #tpu.memory_space<semaphore_mem>>
      %dma_start3A_2664 = tpu.memref_squeeze %dma_start3A_2663 : memref<1x1x!tpu.dma_semaphore, #tpu.memory_space<semaphore_mem>> -> memref<!tpu.dma_semaphore, #tpu.memory_space<semaphore_mem>>
      %dma_start3A_2665 = arith.constant 0 : i32
      %dma_start3A_2666 = arith.constant 0 : i32
      %dma_start3A_2667 = arith.constant 0 : i32
      %dma_start3A_2668 = tpu.memref_slice %arg11[%rem3A_0, %dma_start3A_2661, %dma_start3A_2665, %dma_start3A_2666, %dma_start3A_2667] : memref<2x64x8x16x128xf32, #tpu.memory_space<vmem>> -> memref<1x1x8x16x128xf32, #tpu.memory_space<vmem>>
      %dma_start3A_2669 = tpu.memref_squeeze %dma_start3A_2668 : memref<1x1x8x16x128xf32, #tpu.memory_space<vmem>> -> memref<8x16x128xf32, #tpu.memory_space<vmem>>
      %dma_start3A_2670 = arith.constant 0 : i32
      %dma_start3A_2671 = arith.constant 0 : i32
      %dma_start3A_2672 = tpu.memref_slice %arg1[%mul3A_2659, %dma_start3A_2660, %dma_start3A_2670, %dma_start3A_2671] : memref<512x64x16x128xf32, #tpu.memory_space<hbm>> -> memref<8x1x16x128xf32, #tpu.memory_space<hbm>>
      %dma_start3A_2673 = tpu.memref_squeeze %dma_start3A_2672 : memref<8x1x16x128xf32, #tpu.memory_space<hbm>> -> memref<8x16x128xf32, #tpu.memory_space<hbm>>
      tpu.enqueue_dma source(%dma_start3A_2673 : memref<8x16x128xf32, #tpu.memory_space<hbm>>) target(%dma_start3A_2669 : memref<8x16x128xf32, #tpu.memory_space<vmem>>) target_semaphore(%dma_start3A_2664 : memref<!tpu.dma_semaphore, #tpu.memory_space<semaphore_mem>>)
      %mul3A_2674 = arith.constant 8 : i32
      %mul3A_2675 = arith.muli %arg0, %mul3A_2674 : i32
      %dma_start3A_2676 = arith.constant 46 : i32
      %dma_start3A_2677 = arith.constant 46 : i32
      %dma_start3A_2678 = arith.constant 46 : i32
      %dma_start3A_2679 = tpu.memref_slice %arg12[%rem3A_0, %dma_start3A_2678] : memref<2x64x!tpu.dma_semaphore, #tpu.memory_space<semaphore_mem>> -> memref<1x1x!tpu.dma_semaphore, #tpu.memory_space<semaphore_mem>>
      %dma_start3A_2680 = tpu.memref_squeeze %dma_start3A_2679 : memref<1x1x!tpu.dma_semaphore, #tpu.memory_space<semaphore_mem>> -> memref<!tpu.dma_semaphore, #tpu.memory_space<semaphore_mem>>
      %dma_start3A_2681 = arith.constant 0 : i32
      %dma_start3A_2682 = arith.constant 0 : i32
      %dma_start3A_2683 = arith.constant 0 : i32
      %dma_start3A_2684 = tpu.memref_slice %arg11[%rem3A_0, %dma_start3A_2677, %dma_start3A_2681, %dma_start3A_2682, %dma_start3A_2683] : memref<2x64x8x16x128xf32, #tpu.memory_space<vmem>> -> memref<1x1x8x16x128xf32, #tpu.memory_space<vmem>>
      %dma_start3A_2685 = tpu.memref_squeeze %dma_start3A_2684 : memref<1x1x8x16x128xf32, #tpu.memory_space<vmem>> -> memref<8x16x128xf32, #tpu.memory_space<vmem>>
      %dma_start3A_2686 = arith.constant 0 : i32
      %dma_start3A_2687 = arith.constant 0 : i32
      %dma_start3A_2688 = tpu.memref_slice %arg1[%mul3A_2675, %dma_start3A_2676, %dma_start3A_2686, %dma_start3A_2687] : memref<512x64x16x128xf32, #tpu.memory_space<hbm>> -> memref<8x1x16x128xf32, #tpu.memory_space<hbm>>
      %dma_start3A_2689 = tpu.memref_squeeze %dma_start3A_2688 : memref<8x1x16x128xf32, #tpu.memory_space<hbm>> -> memref<8x16x128xf32, #tpu.memory_space<hbm>>
      tpu.enqueue_dma source(%dma_start3A_2689 : memref<8x16x128xf32, #tpu.memory_space<hbm>>) target(%dma_start3A_2685 : memref<8x16x128xf32, #tpu.memory_space<vmem>>) target_semaphore(%dma_start3A_2680 : memref<!tpu.dma_semaphore, #tpu.memory_space<semaphore_mem>>)
      %mul3A_2690 = arith.constant 8 : i32
      %mul3A_2691 = arith.muli %arg0, %mul3A_2690 : i32
      %dma_start3A_2692 = arith.constant 47 : i32
      %dma_start3A_2693 = arith.constant 47 : i32
      %dma_start3A_2694 = arith.constant 47 : i32
      %dma_start3A_2695 = tpu.memref_slice %arg12[%rem3A_0, %dma_start3A_2694] : memref<2x64x!tpu.dma_semaphore, #tpu.memory_space<semaphore_mem>> -> memref<1x1x!tpu.dma_semaphore, #tpu.memory_space<semaphore_mem>>
      %dma_start3A_2696 = tpu.memref_squeeze %dma_start3A_2695 : memref<1x1x!tpu.dma_semaphore, #tpu.memory_space<semaphore_mem>> -> memref<!tpu.dma_semaphore, #tpu.memory_space<semaphore_mem>>
      %dma_start3A_2697 = arith.constant 0 : i32
      %dma_start3A_2698 = arith.constant 0 : i32
      %dma_start3A_2699 = arith.constant 0 : i32
      %dma_start3A_2700 = tpu.memref_slice %arg11[%rem3A_0, %dma_start3A_2693, %dma_start3A_2697, %dma_start3A_2698, %dma_start3A_2699] : memref<2x64x8x16x128xf32, #tpu.memory_space<vmem>> -> memref<1x1x8x16x128xf32, #tpu.memory_space<vmem>>
      %dma_start3A_2701 = tpu.memref_squeeze %dma_start3A_2700 : memref<1x1x8x16x128xf32, #tpu.memory_space<vmem>> -> memref<8x16x128xf32, #tpu.memory_space<vmem>>
      %dma_start3A_2702 = arith.constant 0 : i32
      %dma_start3A_2703 = arith.constant 0 : i32
      %dma_start3A_2704 = tpu.memref_slice %arg1[%mul3A_2691, %dma_start3A_2692, %dma_start3A_2702, %dma_start3A_2703] : memref<512x64x16x128xf32, #tpu.memory_space<hbm>> -> memref<8x1x16x128xf32, #tpu.memory_space<hbm>>
      %dma_start3A_2705 = tpu.memref_squeeze %dma_start3A_2704 : memref<8x1x16x128xf32, #tpu.memory_space<hbm>> -> memref<8x16x128xf32, #tpu.memory_space<hbm>>
      tpu.enqueue_dma source(%dma_start3A_2705 : memref<8x16x128xf32, #tpu.memory_space<hbm>>) target(%dma_start3A_2701 : memref<8x16x128xf32, #tpu.memory_space<vmem>>) target_semaphore(%dma_start3A_2696 : memref<!tpu.dma_semaphore, #tpu.memory_space<semaphore_mem>>)
      %mul3A_2706 = arith.constant 8 : i32
      %mul3A_2707 = arith.muli %arg0, %mul3A_2706 : i32
      %dma_start3A_2708 = arith.constant 48 : i32
      %dma_start3A_2709 = arith.constant 48 : i32
      %dma_start3A_2710 = arith.constant 48 : i32
      %dma_start3A_2711 = tpu.memref_slice %arg12[%rem3A_0, %dma_start3A_2710] : memref<2x64x!tpu.dma_semaphore, #tpu.memory_space<semaphore_mem>> -> memref<1x1x!tpu.dma_semaphore, #tpu.memory_space<semaphore_mem>>
      %dma_start3A_2712 = tpu.memref_squeeze %dma_start3A_2711 : memref<1x1x!tpu.dma_semaphore, #tpu.memory_space<semaphore_mem>> -> memref<!tpu.dma_semaphore, #tpu.memory_space<semaphore_mem>>
      %dma_start3A_2713 = arith.constant 0 : i32
      %dma_start3A_2714 = arith.constant 0 : i32
      %dma_start3A_2715 = arith.constant 0 : i32
      %dma_start3A_2716 = tpu.memref_slice %arg11[%rem3A_0, %dma_start3A_2709, %dma_start3A_2713, %dma_start3A_2714, %dma_start3A_2715] : memref<2x64x8x16x128xf32, #tpu.memory_space<vmem>> -> memref<1x1x8x16x128xf32, #tpu.memory_space<vmem>>
      %dma_start3A_2717 = tpu.memref_squeeze %dma_start3A_2716 : memref<1x1x8x16x128xf32, #tpu.memory_space<vmem>> -> memref<8x16x128xf32, #tpu.memory_space<vmem>>
      %dma_start3A_2718 = arith.constant 0 : i32
      %dma_start3A_2719 = arith.constant 0 : i32
      %dma_start3A_2720 = tpu.memref_slice %arg1[%mul3A_2707, %dma_start3A_2708, %dma_start3A_2718, %dma_start3A_2719] : memref<512x64x16x128xf32, #tpu.memory_space<hbm>> -> memref<8x1x16x128xf32, #tpu.memory_space<hbm>>
      %dma_start3A_2721 = tpu.memref_squeeze %dma_start3A_2720 : memref<8x1x16x128xf32, #tpu.memory_space<hbm>> -> memref<8x16x128xf32, #tpu.memory_space<hbm>>
      tpu.enqueue_dma source(%dma_start3A_2721 : memref<8x16x128xf32, #tpu.memory_space<hbm>>) target(%dma_start3A_2717 : memref<8x16x128xf32, #tpu.memory_space<vmem>>) target_semaphore(%dma_start3A_2712 : memref<!tpu.dma_semaphore, #tpu.memory_space<semaphore_mem>>)
      %mul3A_2722 = arith.constant 8 : i32
      %mul3A_2723 = arith.muli %arg0, %mul3A_2722 : i32
      %dma_start3A_2724 = arith.constant 49 : i32
      %dma_start3A_2725 = arith.constant 49 : i32
      %dma_start3A_2726 = arith.constant 49 : i32
      %dma_start3A_2727 = tpu.memref_slice %arg12[%rem3A_0, %dma_start3A_2726] : memref<2x64x!tpu.dma_semaphore, #tpu.memory_space<semaphore_mem>> -> memref<1x1x!tpu.dma_semaphore, #tpu.memory_space<semaphore_mem>>
      %dma_start3A_2728 = tpu.memref_squeeze %dma_start3A_2727 : memref<1x1x!tpu.dma_semaphore, #tpu.memory_space<semaphore_mem>> -> memref<!tpu.dma_semaphore, #tpu.memory_space<semaphore_mem>>
      %dma_start3A_2729 = arith.constant 0 : i32
      %dma_start3A_2730 = arith.constant 0 : i32
      %dma_start3A_2731 = arith.constant 0 : i32
      %dma_start3A_2732 = tpu.memref_slice %arg11[%rem3A_0, %dma_start3A_2725, %dma_start3A_2729, %dma_start3A_2730, %dma_start3A_2731] : memref<2x64x8x16x128xf32, #tpu.memory_space<vmem>> -> memref<1x1x8x16x128xf32, #tpu.memory_space<vmem>>
      %dma_start3A_2733 = tpu.memref_squeeze %dma_start3A_2732 : memref<1x1x8x16x128xf32, #tpu.memory_space<vmem>> -> memref<8x16x128xf32, #tpu.memory_space<vmem>>
      %dma_start3A_2734 = arith.constant 0 : i32
      %dma_start3A_2735 = arith.constant 0 : i32
      %dma_start3A_2736 = tpu.memref_slice %arg1[%mul3A_2723, %dma_start3A_2724, %dma_start3A_2734, %dma_start3A_2735] : memref<512x64x16x128xf32, #tpu.memory_space<hbm>> -> memref<8x1x16x128xf32, #tpu.memory_space<hbm>>
      %dma_start3A_2737 = tpu.memref_squeeze %dma_start3A_2736 : memref<8x1x16x128xf32, #tpu.memory_space<hbm>> -> memref<8x16x128xf32, #tpu.memory_space<hbm>>
      tpu.enqueue_dma source(%dma_start3A_2737 : memref<8x16x128xf32, #tpu.memory_space<hbm>>) target(%dma_start3A_2733 : memref<8x16x128xf32, #tpu.memory_space<vmem>>) target_semaphore(%dma_start3A_2728 : memref<!tpu.dma_semaphore, #tpu.memory_space<semaphore_mem>>)
      %mul3A_2738 = arith.constant 8 : i32
      %mul3A_2739 = arith.muli %arg0, %mul3A_2738 : i32
      %dma_start3A_2740 = arith.constant 50 : i32
      %dma_start3A_2741 = arith.constant 50 : i32
      %dma_start3A_2742 = arith.constant 50 : i32
      %dma_start3A_2743 = tpu.memref_slice %arg12[%rem3A_0, %dma_start3A_2742] : memref<2x64x!tpu.dma_semaphore, #tpu.memory_space<semaphore_mem>> -> memref<1x1x!tpu.dma_semaphore, #tpu.memory_space<semaphore_mem>>
      %dma_start3A_2744 = tpu.memref_squeeze %dma_start3A_2743 : memref<1x1x!tpu.dma_semaphore, #tpu.memory_space<semaphore_mem>> -> memref<!tpu.dma_semaphore, #tpu.memory_space<semaphore_mem>>
      %dma_start3A_2745 = arith.constant 0 : i32
      %dma_start3A_2746 = arith.constant 0 : i32
      %dma_start3A_2747 = arith.constant 0 : i32
      %dma_start3A_2748 = tpu.memref_slice %arg11[%rem3A_0, %dma_start3A_2741, %dma_start3A_2745, %dma_start3A_2746, %dma_start3A_2747] : memref<2x64x8x16x128xf32, #tpu.memory_space<vmem>> -> memref<1x1x8x16x128xf32, #tpu.memory_space<vmem>>
      %dma_start3A_2749 = tpu.memref_squeeze %dma_start3A_2748 : memref<1x1x8x16x128xf32, #tpu.memory_space<vmem>> -> memref<8x16x128xf32, #tpu.memory_space<vmem>>
      %dma_start3A_2750 = arith.constant 0 : i32
      %dma_start3A_2751 = arith.constant 0 : i32
      %dma_start3A_2752 = tpu.memref_slice %arg1[%mul3A_2739, %dma_start3A_2740, %dma_start3A_2750, %dma_start3A_2751] : memref<512x64x16x128xf32, #tpu.memory_space<hbm>> -> memref<8x1x16x128xf32, #tpu.memory_space<hbm>>
      %dma_start3A_2753 = tpu.memref_squeeze %dma_start3A_2752 : memref<8x1x16x128xf32, #tpu.memory_space<hbm>> -> memref<8x16x128xf32, #tpu.memory_space<hbm>>
      tpu.enqueue_dma source(%dma_start3A_2753 : memref<8x16x128xf32, #tpu.memory_space<hbm>>) target(%dma_start3A_2749 : memref<8x16x128xf32, #tpu.memory_space<vmem>>) target_semaphore(%dma_start3A_2744 : memref<!tpu.dma_semaphore, #tpu.memory_space<semaphore_mem>>)
      %mul3A_2754 = arith.constant 8 : i32
      %mul3A_2755 = arith.muli %arg0, %mul3A_2754 : i32
      %dma_start3A_2756 = arith.constant 51 : i32
      %dma_start3A_2757 = arith.constant 51 : i32
      %dma_start3A_2758 = arith.constant 51 : i32
      %dma_start3A_2759 = tpu.memref_slice %arg12[%rem3A_0, %dma_start3A_2758] : memref<2x64x!tpu.dma_semaphore, #tpu.memory_space<semaphore_mem>> -> memref<1x1x!tpu.dma_semaphore, #tpu.memory_space<semaphore_mem>>
      %dma_start3A_2760 = tpu.memref_squeeze %dma_start3A_2759 : memref<1x1x!tpu.dma_semaphore, #tpu.memory_space<semaphore_mem>> -> memref<!tpu.dma_semaphore, #tpu.memory_space<semaphore_mem>>
      %dma_start3A_2761 = arith.constant 0 : i32
      %dma_start3A_2762 = arith.constant 0 : i32
      %dma_start3A_2763 = arith.constant 0 : i32
      %dma_start3A_2764 = tpu.memref_slice %arg11[%rem3A_0, %dma_start3A_2757, %dma_start3A_2761, %dma_start3A_2762, %dma_start3A_2763] : memref<2x64x8x16x128xf32, #tpu.memory_space<vmem>> -> memref<1x1x8x16x128xf32, #tpu.memory_space<vmem>>
      %dma_start3A_2765 = tpu.memref_squeeze %dma_start3A_2764 : memref<1x1x8x16x128xf32, #tpu.memory_space<vmem>> -> memref<8x16x128xf32, #tpu.memory_space<vmem>>
      %dma_start3A_2766 = arith.constant 0 : i32
      %dma_start3A_2767 = arith.constant 0 : i32
      %dma_start3A_2768 = tpu.memref_slice %arg1[%mul3A_2755, %dma_start3A_2756, %dma_start3A_2766, %dma_start3A_2767] : memref<512x64x16x128xf32, #tpu.memory_space<hbm>> -> memref<8x1x16x128xf32, #tpu.memory_space<hbm>>
      %dma_start3A_2769 = tpu.memref_squeeze %dma_start3A_2768 : memref<8x1x16x128xf32, #tpu.memory_space<hbm>> -> memref<8x16x128xf32, #tpu.memory_space<hbm>>
      tpu.enqueue_dma source(%dma_start3A_2769 : memref<8x16x128xf32, #tpu.memory_space<hbm>>) target(%dma_start3A_2765 : memref<8x16x128xf32, #tpu.memory_space<vmem>>) target_semaphore(%dma_start3A_2760 : memref<!tpu.dma_semaphore, #tpu.memory_space<semaphore_mem>>)
      %mul3A_2770 = arith.constant 8 : i32
      %mul3A_2771 = arith.muli %arg0, %mul3A_2770 : i32
      %dma_start3A_2772 = arith.constant 52 : i32
      %dma_start3A_2773 = arith.constant 52 : i32
      %dma_start3A_2774 = arith.constant 52 : i32
      %dma_start3A_2775 = tpu.memref_slice %arg12[%rem3A_0, %dma_start3A_2774] : memref<2x64x!tpu.dma_semaphore, #tpu.memory_space<semaphore_mem>> -> memref<1x1x!tpu.dma_semaphore, #tpu.memory_space<semaphore_mem>>
      %dma_start3A_2776 = tpu.memref_squeeze %dma_start3A_2775 : memref<1x1x!tpu.dma_semaphore, #tpu.memory_space<semaphore_mem>> -> memref<!tpu.dma_semaphore, #tpu.memory_space<semaphore_mem>>
      %dma_start3A_2777 = arith.constant 0 : i32
      %dma_start3A_2778 = arith.constant 0 : i32
      %dma_start3A_2779 = arith.constant 0 : i32
      %dma_start3A_2780 = tpu.memref_slice %arg11[%rem3A_0, %dma_start3A_2773, %dma_start3A_2777, %dma_start3A_2778, %dma_start3A_2779] : memref<2x64x8x16x128xf32, #tpu.memory_space<vmem>> -> memref<1x1x8x16x128xf32, #tpu.memory_space<vmem>>
      %dma_start3A_2781 = tpu.memref_squeeze %dma_start3A_2780 : memref<1x1x8x16x128xf32, #tpu.memory_space<vmem>> -> memref<8x16x128xf32, #tpu.memory_space<vmem>>
      %dma_start3A_2782 = arith.constant 0 : i32
      %dma_start3A_2783 = arith.constant 0 : i32
      %dma_start3A_2784 = tpu.memref_slice %arg1[%mul3A_2771, %dma_start3A_2772, %dma_start3A_2782, %dma_start3A_2783] : memref<512x64x16x128xf32, #tpu.memory_space<hbm>> -> memref<8x1x16x128xf32, #tpu.memory_space<hbm>>
      %dma_start3A_2785 = tpu.memref_squeeze %dma_start3A_2784 : memref<8x1x16x128xf32, #tpu.memory_space<hbm>> -> memref<8x16x128xf32, #tpu.memory_space<hbm>>
      tpu.enqueue_dma source(%dma_start3A_2785 : memref<8x16x128xf32, #tpu.memory_space<hbm>>) target(%dma_start3A_2781 : memref<8x16x128xf32, #tpu.memory_space<vmem>>) target_semaphore(%dma_start3A_2776 : memref<!tpu.dma_semaphore, #tpu.memory_space<semaphore_mem>>)
      %mul3A_2786 = arith.constant 8 : i32
      %mul3A_2787 = arith.muli %arg0, %mul3A_2786 : i32
      %dma_start3A_2788 = arith.constant 53 : i32
      %dma_start3A_2789 = arith.constant 53 : i32
      %dma_start3A_2790 = arith.constant 53 : i32
      %dma_start3A_2791 = tpu.memref_slice %arg12[%rem3A_0, %dma_start3A_2790] : memref<2x64x!tpu.dma_semaphore, #tpu.memory_space<semaphore_mem>> -> memref<1x1x!tpu.dma_semaphore, #tpu.memory_space<semaphore_mem>>
      %dma_start3A_2792 = tpu.memref_squeeze %dma_start3A_2791 : memref<1x1x!tpu.dma_semaphore, #tpu.memory_space<semaphore_mem>> -> memref<!tpu.dma_semaphore, #tpu.memory_space<semaphore_mem>>
      %dma_start3A_2793 = arith.constant 0 : i32
      %dma_start3A_2794 = arith.constant 0 : i32
      %dma_start3A_2795 = arith.constant 0 : i32
      %dma_start3A_2796 = tpu.memref_slice %arg11[%rem3A_0, %dma_start3A_2789, %dma_start3A_2793, %dma_start3A_2794, %dma_start3A_2795] : memref<2x64x8x16x128xf32, #tpu.memory_space<vmem>> -> memref<1x1x8x16x128xf32, #tpu.memory_space<vmem>>
      %dma_start3A_2797 = tpu.memref_squeeze %dma_start3A_2796 : memref<1x1x8x16x128xf32, #tpu.memory_space<vmem>> -> memref<8x16x128xf32, #tpu.memory_space<vmem>>
      %dma_start3A_2798 = arith.constant 0 : i32
      %dma_start3A_2799 = arith.constant 0 : i32
      %dma_start3A_2800 = tpu.memref_slice %arg1[%mul3A_2787, %dma_start3A_2788, %dma_start3A_2798, %dma_start3A_2799] : memref<512x64x16x128xf32, #tpu.memory_space<hbm>> -> memref<8x1x16x128xf32, #tpu.memory_space<hbm>>
      %dma_start3A_2801 = tpu.memref_squeeze %dma_start3A_2800 : memref<8x1x16x128xf32, #tpu.memory_space<hbm>> -> memref<8x16x128xf32, #tpu.memory_space<hbm>>
      tpu.enqueue_dma source(%dma_start3A_2801 : memref<8x16x128xf32, #tpu.memory_space<hbm>>) target(%dma_start3A_2797 : memref<8x16x128xf32, #tpu.memory_space<vmem>>) target_semaphore(%dma_start3A_2792 : memref<!tpu.dma_semaphore, #tpu.memory_space<semaphore_mem>>)
      %mul3A_2802 = arith.constant 8 : i32
      %mul3A_2803 = arith.muli %arg0, %mul3A_2802 : i32
      %dma_start3A_2804 = arith.constant 54 : i32
      %dma_start3A_2805 = arith.constant 54 : i32
      %dma_start3A_2806 = arith.constant 54 : i32
      %dma_start3A_2807 = tpu.memref_slice %arg12[%rem3A_0, %dma_start3A_2806] : memref<2x64x!tpu.dma_semaphore, #tpu.memory_space<semaphore_mem>> -> memref<1x1x!tpu.dma_semaphore, #tpu.memory_space<semaphore_mem>>
      %dma_start3A_2808 = tpu.memref_squeeze %dma_start3A_2807 : memref<1x1x!tpu.dma_semaphore, #tpu.memory_space<semaphore_mem>> -> memref<!tpu.dma_semaphore, #tpu.memory_space<semaphore_mem>>
      %dma_start3A_2809 = arith.constant 0 : i32
      %dma_start3A_2810 = arith.constant 0 : i32
      %dma_start3A_2811 = arith.constant 0 : i32
      %dma_start3A_2812 = tpu.memref_slice %arg11[%rem3A_0, %dma_start3A_2805, %dma_start3A_2809, %dma_start3A_2810, %dma_start3A_2811] : memref<2x64x8x16x128xf32, #tpu.memory_space<vmem>> -> memref<1x1x8x16x128xf32, #tpu.memory_space<vmem>>
      %dma_start3A_2813 = tpu.memref_squeeze %dma_start3A_2812 : memref<1x1x8x16x128xf32, #tpu.memory_space<vmem>> -> memref<8x16x128xf32, #tpu.memory_space<vmem>>
      %dma_start3A_2814 = arith.constant 0 : i32
      %dma_start3A_2815 = arith.constant 0 : i32
      %dma_start3A_2816 = tpu.memref_slice %arg1[%mul3A_2803, %dma_start3A_2804, %dma_start3A_2814, %dma_start3A_2815] : memref<512x64x16x128xf32, #tpu.memory_space<hbm>> -> memref<8x1x16x128xf32, #tpu.memory_space<hbm>>
      %dma_start3A_2817 = tpu.memref_squeeze %dma_start3A_2816 : memref<8x1x16x128xf32, #tpu.memory_space<hbm>> -> memref<8x16x128xf32, #tpu.memory_space<hbm>>
      tpu.enqueue_dma source(%dma_start3A_2817 : memref<8x16x128xf32, #tpu.memory_space<hbm>>) target(%dma_start3A_2813 : memref<8x16x128xf32, #tpu.memory_space<vmem>>) target_semaphore(%dma_start3A_2808 : memref<!tpu.dma_semaphore, #tpu.memory_space<semaphore_mem>>)
      %mul3A_2818 = arith.constant 8 : i32
      %mul3A_2819 = arith.muli %arg0, %mul3A_2818 : i32
      %dma_start3A_2820 = arith.constant 55 : i32
      %dma_start3A_2821 = arith.constant 55 : i32
      %dma_start3A_2822 = arith.constant 55 : i32
      %dma_start3A_2823 = tpu.memref_slice %arg12[%rem3A_0, %dma_start3A_2822] : memref<2x64x!tpu.dma_semaphore, #tpu.memory_space<semaphore_mem>> -> memref<1x1x!tpu.dma_semaphore, #tpu.memory_space<semaphore_mem>>
      %dma_start3A_2824 = tpu.memref_squeeze %dma_start3A_2823 : memref<1x1x!tpu.dma_semaphore, #tpu.memory_space<semaphore_mem>> -> memref<!tpu.dma_semaphore, #tpu.memory_space<semaphore_mem>>
      %dma_start3A_2825 = arith.constant 0 : i32
      %dma_start3A_2826 = arith.constant 0 : i32
      %dma_start3A_2827 = arith.constant 0 : i32
      %dma_start3A_2828 = tpu.memref_slice %arg11[%rem3A_0, %dma_start3A_2821, %dma_start3A_2825, %dma_start3A_2826, %dma_start3A_2827] : memref<2x64x8x16x128xf32, #tpu.memory_space<vmem>> -> memref<1x1x8x16x128xf32, #tpu.memory_space<vmem>>
      %dma_start3A_2829 = tpu.memref_squeeze %dma_start3A_2828 : memref<1x1x8x16x128xf32, #tpu.memory_space<vmem>> -> memref<8x16x128xf32, #tpu.memory_space<vmem>>
      %dma_start3A_2830 = arith.constant 0 : i32
      %dma_start3A_2831 = arith.constant 0 : i32
      %dma_start3A_2832 = tpu.memref_slice %arg1[%mul3A_2819, %dma_start3A_2820, %dma_start3A_2830, %dma_start3A_2831] : memref<512x64x16x128xf32, #tpu.memory_space<hbm>> -> memref<8x1x16x128xf32, #tpu.memory_space<hbm>>
      %dma_start3A_2833 = tpu.memref_squeeze %dma_start3A_2832 : memref<8x1x16x128xf32, #tpu.memory_space<hbm>> -> memref<8x16x128xf32, #tpu.memory_space<hbm>>
      tpu.enqueue_dma source(%dma_start3A_2833 : memref<8x16x128xf32, #tpu.memory_space<hbm>>) target(%dma_start3A_2829 : memref<8x16x128xf32, #tpu.memory_space<vmem>>) target_semaphore(%dma_start3A_2824 : memref<!tpu.dma_semaphore, #tpu.memory_space<semaphore_mem>>)
      %mul3A_2834 = arith.constant 8 : i32
      %mul3A_2835 = arith.muli %arg0, %mul3A_2834 : i32
      %dma_start3A_2836 = arith.constant 56 : i32
      %dma_start3A_2837 = arith.constant 56 : i32
      %dma_start3A_2838 = arith.constant 56 : i32
      %dma_start3A_2839 = tpu.memref_slice %arg12[%rem3A_0, %dma_start3A_2838] : memref<2x64x!tpu.dma_semaphore, #tpu.memory_space<semaphore_mem>> -> memref<1x1x!tpu.dma_semaphore, #tpu.memory_space<semaphore_mem>>
      %dma_start3A_2840 = tpu.memref_squeeze %dma_start3A_2839 : memref<1x1x!tpu.dma_semaphore, #tpu.memory_space<semaphore_mem>> -> memref<!tpu.dma_semaphore, #tpu.memory_space<semaphore_mem>>
      %dma_start3A_2841 = arith.constant 0 : i32
      %dma_start3A_2842 = arith.constant 0 : i32
      %dma_start3A_2843 = arith.constant 0 : i32
      %dma_start3A_2844 = tpu.memref_slice %arg11[%rem3A_0, %dma_start3A_2837, %dma_start3A_2841, %dma_start3A_2842, %dma_start3A_2843] : memref<2x64x8x16x128xf32, #tpu.memory_space<vmem>> -> memref<1x1x8x16x128xf32, #tpu.memory_space<vmem>>
      %dma_start3A_2845 = tpu.memref_squeeze %dma_start3A_2844 : memref<1x1x8x16x128xf32, #tpu.memory_space<vmem>> -> memref<8x16x128xf32, #tpu.memory_space<vmem>>
      %dma_start3A_2846 = arith.constant 0 : i32
      %dma_start3A_2847 = arith.constant 0 : i32
      %dma_start3A_2848 = tpu.memref_slice %arg1[%mul3A_2835, %dma_start3A_2836, %dma_start3A_2846, %dma_start3A_2847] : memref<512x64x16x128xf32, #tpu.memory_space<hbm>> -> memref<8x1x16x128xf32, #tpu.memory_space<hbm>>
      %dma_start3A_2849 = tpu.memref_squeeze %dma_start3A_2848 : memref<8x1x16x128xf32, #tpu.memory_space<hbm>> -> memref<8x16x128xf32, #tpu.memory_space<hbm>>
      tpu.enqueue_dma source(%dma_start3A_2849 : memref<8x16x128xf32, #tpu.memory_space<hbm>>) target(%dma_start3A_2845 : memref<8x16x128xf32, #tpu.memory_space<vmem>>) target_semaphore(%dma_start3A_2840 : memref<!tpu.dma_semaphore, #tpu.memory_space<semaphore_mem>>)
      %mul3A_2850 = arith.constant 8 : i32
      %mul3A_2851 = arith.muli %arg0, %mul3A_2850 : i32
      %dma_start3A_2852 = arith.constant 57 : i32
      %dma_start3A_2853 = arith.constant 57 : i32
      %dma_start3A_2854 = arith.constant 57 : i32
      %dma_start3A_2855 = tpu.memref_slice %arg12[%rem3A_0, %dma_start3A_2854] : memref<2x64x!tpu.dma_semaphore, #tpu.memory_space<semaphore_mem>> -> memref<1x1x!tpu.dma_semaphore, #tpu.memory_space<semaphore_mem>>
      %dma_start3A_2856 = tpu.memref_squeeze %dma_start3A_2855 : memref<1x1x!tpu.dma_semaphore, #tpu.memory_space<semaphore_mem>> -> memref<!tpu.dma_semaphore, #tpu.memory_space<semaphore_mem>>
      %dma_start3A_2857 = arith.constant 0 : i32
      %dma_start3A_2858 = arith.constant 0 : i32
      %dma_start3A_2859 = arith.constant 0 : i32
      %dma_start3A_2860 = tpu.memref_slice %arg11[%rem3A_0, %dma_start3A_2853, %dma_start3A_2857, %dma_start3A_2858, %dma_start3A_2859] : memref<2x64x8x16x128xf32, #tpu.memory_space<vmem>> -> memref<1x1x8x16x128xf32, #tpu.memory_space<vmem>>
      %dma_start3A_2861 = tpu.memref_squeeze %dma_start3A_2860 : memref<1x1x8x16x128xf32, #tpu.memory_space<vmem>> -> memref<8x16x128xf32, #tpu.memory_space<vmem>>
      %dma_start3A_2862 = arith.constant 0 : i32
      %dma_start3A_2863 = arith.constant 0 : i32
      %dma_start3A_2864 = tpu.memref_slice %arg1[%mul3A_2851, %dma_start3A_2852, %dma_start3A_2862, %dma_start3A_2863] : memref<512x64x16x128xf32, #tpu.memory_space<hbm>> -> memref<8x1x16x128xf32, #tpu.memory_space<hbm>>
      %dma_start3A_2865 = tpu.memref_squeeze %dma_start3A_2864 : memref<8x1x16x128xf32, #tpu.memory_space<hbm>> -> memref<8x16x128xf32, #tpu.memory_space<hbm>>
      tpu.enqueue_dma source(%dma_start3A_2865 : memref<8x16x128xf32, #tpu.memory_space<hbm>>) target(%dma_start3A_2861 : memref<8x16x128xf32, #tpu.memory_space<vmem>>) target_semaphore(%dma_start3A_2856 : memref<!tpu.dma_semaphore, #tpu.memory_space<semaphore_mem>>)
      %mul3A_2866 = arith.constant 8 : i32
      %mul3A_2867 = arith.muli %arg0, %mul3A_2866 : i32
      %dma_start3A_2868 = arith.constant 58 : i32
      %dma_start3A_2869 = arith.constant 58 : i32
      %dma_start3A_2870 = arith.constant 58 : i32
      %dma_start3A_2871 = tpu.memref_slice %arg12[%rem3A_0, %dma_start3A_2870] : memref<2x64x!tpu.dma_semaphore, #tpu.memory_space<semaphore_mem>> -> memref<1x1x!tpu.dma_semaphore, #tpu.memory_space<semaphore_mem>>
      %dma_start3A_2872 = tpu.memref_squeeze %dma_start3A_2871 : memref<1x1x!tpu.dma_semaphore, #tpu.memory_space<semaphore_mem>> -> memref<!tpu.dma_semaphore, #tpu.memory_space<semaphore_mem>>
      %dma_start3A_2873 = arith.constant 0 : i32
      %dma_start3A_2874 = arith.constant 0 : i32
      %dma_start3A_2875 = arith.constant 0 : i32
      %dma_start3A_2876 = tpu.memref_slice %arg11[%rem3A_0, %dma_start3A_2869, %dma_start3A_2873, %dma_start3A_2874, %dma_start3A_2875] : memref<2x64x8x16x128xf32, #tpu.memory_space<vmem>> -> memref<1x1x8x16x128xf32, #tpu.memory_space<vmem>>
      %dma_start3A_2877 = tpu.memref_squeeze %dma_start3A_2876 : memref<1x1x8x16x128xf32, #tpu.memory_space<vmem>> -> memref<8x16x128xf32, #tpu.memory_space<vmem>>
      %dma_start3A_2878 = arith.constant 0 : i32
      %dma_start3A_2879 = arith.constant 0 : i32
      %dma_start3A_2880 = tpu.memref_slice %arg1[%mul3A_2867, %dma_start3A_2868, %dma_start3A_2878, %dma_start3A_2879] : memref<512x64x16x128xf32, #tpu.memory_space<hbm>> -> memref<8x1x16x128xf32, #tpu.memory_space<hbm>>
      %dma_start3A_2881 = tpu.memref_squeeze %dma_start3A_2880 : memref<8x1x16x128xf32, #tpu.memory_space<hbm>> -> memref<8x16x128xf32, #tpu.memory_space<hbm>>
      tpu.enqueue_dma source(%dma_start3A_2881 : memref<8x16x128xf32, #tpu.memory_space<hbm>>) target(%dma_start3A_2877 : memref<8x16x128xf32, #tpu.memory_space<vmem>>) target_semaphore(%dma_start3A_2872 : memref<!tpu.dma_semaphore, #tpu.memory_space<semaphore_mem>>)
      %mul3A_2882 = arith.constant 8 : i32
      %mul3A_2883 = arith.muli %arg0, %mul3A_2882 : i32
      %dma_start3A_2884 = arith.constant 59 : i32
      %dma_start3A_2885 = arith.constant 59 : i32
      %dma_start3A_2886 = arith.constant 59 : i32
      %dma_start3A_2887 = tpu.memref_slice %arg12[%rem3A_0, %dma_start3A_2886] : memref<2x64x!tpu.dma_semaphore, #tpu.memory_space<semaphore_mem>> -> memref<1x1x!tpu.dma_semaphore, #tpu.memory_space<semaphore_mem>>
      %dma_start3A_2888 = tpu.memref_squeeze %dma_start3A_2887 : memref<1x1x!tpu.dma_semaphore, #tpu.memory_space<semaphore_mem>> -> memref<!tpu.dma_semaphore, #tpu.memory_space<semaphore_mem>>
      %dma_start3A_2889 = arith.constant 0 : i32
      %dma_start3A_2890 = arith.constant 0 : i32
      %dma_start3A_2891 = arith.constant 0 : i32
      %dma_start3A_2892 = tpu.memref_slice %arg11[%rem3A_0, %dma_start3A_2885, %dma_start3A_2889, %dma_start3A_2890, %dma_start3A_2891] : memref<2x64x8x16x128xf32, #tpu.memory_space<vmem>> -> memref<1x1x8x16x128xf32, #tpu.memory_space<vmem>>
      %dma_start3A_2893 = tpu.memref_squeeze %dma_start3A_2892 : memref<1x1x8x16x128xf32, #tpu.memory_space<vmem>> -> memref<8x16x128xf32, #tpu.memory_space<vmem>>
      %dma_start3A_2894 = arith.constant 0 : i32
      %dma_start3A_2895 = arith.constant 0 : i32
      %dma_start3A_2896 = tpu.memref_slice %arg1[%mul3A_2883, %dma_start3A_2884, %dma_start3A_2894, %dma_start3A_2895] : memref<512x64x16x128xf32, #tpu.memory_space<hbm>> -> memref<8x1x16x128xf32, #tpu.memory_space<hbm>>
      %dma_start3A_2897 = tpu.memref_squeeze %dma_start3A_2896 : memref<8x1x16x128xf32, #tpu.memory_space<hbm>> -> memref<8x16x128xf32, #tpu.memory_space<hbm>>
      tpu.enqueue_dma source(%dma_start3A_2897 : memref<8x16x128xf32, #tpu.memory_space<hbm>>) target(%dma_start3A_2893 : memref<8x16x128xf32, #tpu.memory_space<vmem>>) target_semaphore(%dma_start3A_2888 : memref<!tpu.dma_semaphore, #tpu.memory_space<semaphore_mem>>)
      %mul3A_2898 = arith.constant 8 : i32
      %mul3A_2899 = arith.muli %arg0, %mul3A_2898 : i32
      %dma_start3A_2900 = arith.constant 60 : i32
      %dma_start3A_2901 = arith.constant 60 : i32
      %dma_start3A_2902 = arith.constant 60 : i32
      %dma_start3A_2903 = tpu.memref_slice %arg12[%rem3A_0, %dma_start3A_2902] : memref<2x64x!tpu.dma_semaphore, #tpu.memory_space<semaphore_mem>> -> memref<1x1x!tpu.dma_semaphore, #tpu.memory_space<semaphore_mem>>
      %dma_start3A_2904 = tpu.memref_squeeze %dma_start3A_2903 : memref<1x1x!tpu.dma_semaphore, #tpu.memory_space<semaphore_mem>> -> memref<!tpu.dma_semaphore, #tpu.memory_space<semaphore_mem>>
      %dma_start3A_2905 = arith.constant 0 : i32
      %dma_start3A_2906 = arith.constant 0 : i32
      %dma_start3A_2907 = arith.constant 0 : i32
      %dma_start3A_2908 = tpu.memref_slice %arg11[%rem3A_0, %dma_start3A_2901, %dma_start3A_2905, %dma_start3A_2906, %dma_start3A_2907] : memref<2x64x8x16x128xf32, #tpu.memory_space<vmem>> -> memref<1x1x8x16x128xf32, #tpu.memory_space<vmem>>
      %dma_start3A_2909 = tpu.memref_squeeze %dma_start3A_2908 : memref<1x1x8x16x128xf32, #tpu.memory_space<vmem>> -> memref<8x16x128xf32, #tpu.memory_space<vmem>>
      %dma_start3A_2910 = arith.constant 0 : i32
      %dma_start3A_2911 = arith.constant 0 : i32
      %dma_start3A_2912 = tpu.memref_slice %arg1[%mul3A_2899, %dma_start3A_2900, %dma_start3A_2910, %dma_start3A_2911] : memref<512x64x16x128xf32, #tpu.memory_space<hbm>> -> memref<8x1x16x128xf32, #tpu.memory_space<hbm>>
      %dma_start3A_2913 = tpu.memref_squeeze %dma_start3A_2912 : memref<8x1x16x128xf32, #tpu.memory_space<hbm>> -> memref<8x16x128xf32, #tpu.memory_space<hbm>>
      tpu.enqueue_dma source(%dma_start3A_2913 : memref<8x16x128xf32, #tpu.memory_space<hbm>>) target(%dma_start3A_2909 : memref<8x16x128xf32, #tpu.memory_space<vmem>>) target_semaphore(%dma_start3A_2904 : memref<!tpu.dma_semaphore, #tpu.memory_space<semaphore_mem>>)
      %mul3A_2914 = arith.constant 8 : i32
      %mul3A_2915 = arith.muli %arg0, %mul3A_2914 : i32
      %dma_start3A_2916 = arith.constant 61 : i32
      %dma_start3A_2917 = arith.constant 61 : i32
      %dma_start3A_2918 = arith.constant 61 : i32
      %dma_start3A_2919 = tpu.memref_slice %arg12[%rem3A_0, %dma_start3A_2918] : memref<2x64x!tpu.dma_semaphore, #tpu.memory_space<semaphore_mem>> -> memref<1x1x!tpu.dma_semaphore, #tpu.memory_space<semaphore_mem>>
      %dma_start3A_2920 = tpu.memref_squeeze %dma_start3A_2919 : memref<1x1x!tpu.dma_semaphore, #tpu.memory_space<semaphore_mem>> -> memref<!tpu.dma_semaphore, #tpu.memory_space<semaphore_mem>>
      %dma_start3A_2921 = arith.constant 0 : i32
      %dma_start3A_2922 = arith.constant 0 : i32
      %dma_start3A_2923 = arith.constant 0 : i32
      %dma_start3A_2924 = tpu.memref_slice %arg11[%rem3A_0, %dma_start3A_2917, %dma_start3A_2921, %dma_start3A_2922, %dma_start3A_2923] : memref<2x64x8x16x128xf32, #tpu.memory_space<vmem>> -> memref<1x1x8x16x128xf32, #tpu.memory_space<vmem>>
      %dma_start3A_2925 = tpu.memref_squeeze %dma_start3A_2924 : memref<1x1x8x16x128xf32, #tpu.memory_space<vmem>> -> memref<8x16x128xf32, #tpu.memory_space<vmem>>
      %dma_start3A_2926 = arith.constant 0 : i32
      %dma_start3A_2927 = arith.constant 0 : i32
      %dma_start3A_2928 = tpu.memref_slice %arg1[%mul3A_2915, %dma_start3A_2916, %dma_start3A_2926, %dma_start3A_2927] : memref<512x64x16x128xf32, #tpu.memory_space<hbm>> -> memref<8x1x16x128xf32, #tpu.memory_space<hbm>>
      %dma_start3A_2929 = tpu.memref_squeeze %dma_start3A_2928 : memref<8x1x16x128xf32, #tpu.memory_space<hbm>> -> memref<8x16x128xf32, #tpu.memory_space<hbm>>
      tpu.enqueue_dma source(%dma_start3A_2929 : memref<8x16x128xf32, #tpu.memory_space<hbm>>) target(%dma_start3A_2925 : memref<8x16x128xf32, #tpu.memory_space<vmem>>) target_semaphore(%dma_start3A_2920 : memref<!tpu.dma_semaphore, #tpu.memory_space<semaphore_mem>>)
      %mul3A_2930 = arith.constant 8 : i32
      %mul3A_2931 = arith.muli %arg0, %mul3A_2930 : i32
      %dma_start3A_2932 = arith.constant 62 : i32
      %dma_start3A_2933 = arith.constant 62 : i32
      %dma_start3A_2934 = arith.constant 62 : i32
      %dma_start3A_2935 = tpu.memref_slice %arg12[%rem3A_0, %dma_start3A_2934] : memref<2x64x!tpu.dma_semaphore, #tpu.memory_space<semaphore_mem>> -> memref<1x1x!tpu.dma_semaphore, #tpu.memory_space<semaphore_mem>>
      %dma_start3A_2936 = tpu.memref_squeeze %dma_start3A_2935 : memref<1x1x!tpu.dma_semaphore, #tpu.memory_space<semaphore_mem>> -> memref<!tpu.dma_semaphore, #tpu.memory_space<semaphore_mem>>
      %dma_start3A_2937 = arith.constant 0 : i32
      %dma_start3A_2938 = arith.constant 0 : i32
      %dma_start3A_2939 = arith.constant 0 : i32
      %dma_start3A_2940 = tpu.memref_slice %arg11[%rem3A_0, %dma_start3A_2933, %dma_start3A_2937, %dma_start3A_2938, %dma_start3A_2939] : memref<2x64x8x16x128xf32, #tpu.memory_space<vmem>> -> memref<1x1x8x16x128xf32, #tpu.memory_space<vmem>>
      %dma_start3A_2941 = tpu.memref_squeeze %dma_start3A_2940 : memref<1x1x8x16x128xf32, #tpu.memory_space<vmem>> -> memref<8x16x128xf32, #tpu.memory_space<vmem>>
      %dma_start3A_2942 = arith.constant 0 : i32
      %dma_start3A_2943 = arith.constant 0 : i32
      %dma_start3A_2944 = tpu.memref_slice %arg1[%mul3A_2931, %dma_start3A_2932, %dma_start3A_2942, %dma_start3A_2943] : memref<512x64x16x128xf32, #tpu.memory_space<hbm>> -> memref<8x1x16x128xf32, #tpu.memory_space<hbm>>
      %dma_start3A_2945 = tpu.memref_squeeze %dma_start3A_2944 : memref<8x1x16x128xf32, #tpu.memory_space<hbm>> -> memref<8x16x128xf32, #tpu.memory_space<hbm>>
      tpu.enqueue_dma source(%dma_start3A_2945 : memref<8x16x128xf32, #tpu.memory_space<hbm>>) target(%dma_start3A_2941 : memref<8x16x128xf32, #tpu.memory_space<vmem>>) target_semaphore(%dma_start3A_2936 : memref<!tpu.dma_semaphore, #tpu.memory_space<semaphore_mem>>)
      %mul3A_2946 = arith.constant 8 : i32
      %mul3A_2947 = arith.muli %arg0, %mul3A_2946 : i32
      %dma_start3A_2948 = arith.constant 63 : i32
      %dma_start3A_2949 = arith.constant 63 : i32
      %dma_start3A_2950 = arith.constant 63 : i32
      %dma_start3A_2951 = tpu.memref_slice %arg12[%rem3A_0, %dma_start3A_2950] : memref<2x64x!tpu.dma_semaphore, #tpu.memory_space<semaphore_mem>> -> memref<1x1x!tpu.dma_semaphore, #tpu.memory_space<semaphore_mem>>
      %dma_start3A_2952 = tpu.memref_squeeze %dma_start3A_2951 : memref<1x1x!tpu.dma_semaphore, #tpu.memory_space<semaphore_mem>> -> memref<!tpu.dma_semaphore, #tpu.memory_space<semaphore_mem>>
      %dma_start3A_2953 = arith.constant 0 : i32
      %dma_start3A_2954 = arith.constant 0 : i32
      %dma_start3A_2955 = arith.constant 0 : i32
      %dma_start3A_2956 = tpu.memref_slice %arg11[%rem3A_0, %dma_start3A_2949, %dma_start3A_2953, %dma_start3A_2954, %dma_start3A_2955] : memref<2x64x8x16x128xf32, #tpu.memory_space<vmem>> -> memref<1x1x8x16x128xf32, #tpu.memory_space<vmem>>
      %dma_start3A_2957 = tpu.memref_squeeze %dma_start3A_2956 : memref<1x1x8x16x128xf32, #tpu.memory_space<vmem>> -> memref<8x16x128xf32, #tpu.memory_space<vmem>>
      %dma_start3A_2958 = arith.constant 0 : i32
      %dma_start3A_2959 = arith.constant 0 : i32
      %dma_start3A_2960 = tpu.memref_slice %arg1[%mul3A_2947, %dma_start3A_2948, %dma_start3A_2958, %dma_start3A_2959] : memref<512x64x16x128xf32, #tpu.memory_space<hbm>> -> memref<8x1x16x128xf32, #tpu.memory_space<hbm>>
      %dma_start3A_2961 = tpu.memref_squeeze %dma_start3A_2960 : memref<8x1x16x128xf32, #tpu.memory_space<hbm>> -> memref<8x16x128xf32, #tpu.memory_space<hbm>>
      tpu.enqueue_dma source(%dma_start3A_2961 : memref<8x16x128xf32, #tpu.memory_space<hbm>>) target(%dma_start3A_2957 : memref<8x16x128xf32, #tpu.memory_space<vmem>>) target_semaphore(%dma_start3A_2952 : memref<!tpu.dma_semaphore, #tpu.memory_space<semaphore_mem>>)
    } else {
    }
    %add3A_6 = arith.constant 1 : i32
    %add3A_7 = arith.addi %arg0, %add3A_6 : i32
    %lt3A = arith.constant 64 : i32
    %lt3A_8 = arith.cmpi slt, %add3A_7, %lt3A : i32
    %convert_element_type3A_9 = arith.extui %lt3A_8 : i1 to i32
    %cond3A_10 = arith.constant 0 : i32
    %cond3A_11 = arith.cmpi ne, %convert_element_type3A_9, %cond3A_10 : i32
    scf.if %cond3A_11 {
      %add3A_1939 = arith.constant 1 : i32
      %add3A_1940 = arith.addi %arg0, %add3A_1939 : i32
      %mul3A_1941 = arith.constant 8 : i32
      %mul3A_1942 = arith.muli %add3A_1940, %mul3A_1941 : i32
      %dma_start3A = arith.constant 0 : i32
      %dma_start3A_1943 = arith.constant 0 : i32
      %dma_start3A_1944 = arith.constant 0 : i32
      %dma_start3A_1945 = tpu.memref_slice %arg12[%rem3A_3, %dma_start3A_1944] : memref<2x64x!tpu.dma_semaphore, #tpu.memory_space<semaphore_mem>> -> memref<1x1x!tpu.dma_semaphore, #tpu.memory_space<semaphore_mem>>
      %dma_start3A_1946 = tpu.memref_squeeze %dma_start3A_1945 : memref<1x1x!tpu.dma_semaphore, #tpu.memory_space<semaphore_mem>> -> memref<!tpu.dma_semaphore, #tpu.memory_space<semaphore_mem>>
      %dma_start3A_1947 = arith.constant 0 : i32
      %dma_start3A_1948 = arith.constant 0 : i32
      %dma_start3A_1949 = arith.constant 0 : i32
      %dma_start3A_1950 = tpu.memref_slice %arg11[%rem3A_3, %dma_start3A_1943, %dma_start3A_1947, %dma_start3A_1948, %dma_start3A_1949] : memref<2x64x8x16x128xf32, #tpu.memory_space<vmem>> -> memref<1x1x8x16x128xf32, #tpu.memory_space<vmem>>
      %dma_start3A_1951 = tpu.memref_squeeze %dma_start3A_1950 : memref<1x1x8x16x128xf32, #tpu.memory_space<vmem>> -> memref<8x16x128xf32, #tpu.memory_space<vmem>>
      %dma_start3A_1952 = arith.constant 0 : i32
      %dma_start3A_1953 = arith.constant 0 : i32
      %dma_start3A_1954 = tpu.memref_slice %arg1[%mul3A_1942, %dma_start3A, %dma_start3A_1952, %dma_start3A_1953] : memref<512x64x16x128xf32, #tpu.memory_space<hbm>> -> memref<8x1x16x128xf32, #tpu.memory_space<hbm>>
      %dma_start3A_1955 = tpu.memref_squeeze %dma_start3A_1954 : memref<8x1x16x128xf32, #tpu.memory_space<hbm>> -> memref<8x16x128xf32, #tpu.memory_space<hbm>>
      tpu.enqueue_dma source(%dma_start3A_1955 : memref<8x16x128xf32, #tpu.memory_space<hbm>>) target(%dma_start3A_1951 : memref<8x16x128xf32, #tpu.memory_space<vmem>>) target_semaphore(%dma_start3A_1946 : memref<!tpu.dma_semaphore, #tpu.memory_space<semaphore_mem>>)
      %mul3A_1956 = arith.constant 8 : i32
      %mul3A_1957 = arith.muli %add3A_1940, %mul3A_1956 : i32
      %dma_start3A_1958 = arith.constant 1 : i32
      %dma_start3A_1959 = arith.constant 1 : i32
      %dma_start3A_1960 = arith.constant 1 : i32
      %dma_start3A_1961 = tpu.memref_slice %arg12[%rem3A_3, %dma_start3A_1960] : memref<2x64x!tpu.dma_semaphore, #tpu.memory_space<semaphore_mem>> -> memref<1x1x!tpu.dma_semaphore, #tpu.memory_space<semaphore_mem>>
      %dma_start3A_1962 = tpu.memref_squeeze %dma_start3A_1961 : memref<1x1x!tpu.dma_semaphore, #tpu.memory_space<semaphore_mem>> -> memref<!tpu.dma_semaphore, #tpu.memory_space<semaphore_mem>>
      %dma_start3A_1963 = arith.constant 0 : i32
      %dma_start3A_1964 = arith.constant 0 : i32
      %dma_start3A_1965 = arith.constant 0 : i32
      %dma_start3A_1966 = tpu.memref_slice %arg11[%rem3A_3, %dma_start3A_1959, %dma_start3A_1963, %dma_start3A_1964, %dma_start3A_1965] : memref<2x64x8x16x128xf32, #tpu.memory_space<vmem>> -> memref<1x1x8x16x128xf32, #tpu.memory_space<vmem>>
      %dma_start3A_1967 = tpu.memref_squeeze %dma_start3A_1966 : memref<1x1x8x16x128xf32, #tpu.memory_space<vmem>> -> memref<8x16x128xf32, #tpu.memory_space<vmem>>
      %dma_start3A_1968 = arith.constant 0 : i32
      %dma_start3A_1969 = arith.constant 0 : i32
      %dma_start3A_1970 = tpu.memref_slice %arg1[%mul3A_1957, %dma_start3A_1958, %dma_start3A_1968, %dma_start3A_1969] : memref<512x64x16x128xf32, #tpu.memory_space<hbm>> -> memref<8x1x16x128xf32, #tpu.memory_space<hbm>>
      %dma_start3A_1971 = tpu.memref_squeeze %dma_start3A_1970 : memref<8x1x16x128xf32, #tpu.memory_space<hbm>> -> memref<8x16x128xf32, #tpu.memory_space<hbm>>
      tpu.enqueue_dma source(%dma_start3A_1971 : memref<8x16x128xf32, #tpu.memory_space<hbm>>) target(%dma_start3A_1967 : memref<8x16x128xf32, #tpu.memory_space<vmem>>) target_semaphore(%dma_start3A_1962 : memref<!tpu.dma_semaphore, #tpu.memory_space<semaphore_mem>>)
      %mul3A_1972 = arith.constant 8 : i32
      %mul3A_1973 = arith.muli %add3A_1940, %mul3A_1972 : i32
      %dma_start3A_1974 = arith.constant 2 : i32
      %dma_start3A_1975 = arith.constant 2 : i32
      %dma_start3A_1976 = arith.constant 2 : i32
      %dma_start3A_1977 = tpu.memref_slice %arg12[%rem3A_3, %dma_start3A_1976] : memref<2x64x!tpu.dma_semaphore, #tpu.memory_space<semaphore_mem>> -> memref<1x1x!tpu.dma_semaphore, #tpu.memory_space<semaphore_mem>>
      %dma_start3A_1978 = tpu.memref_squeeze %dma_start3A_1977 : memref<1x1x!tpu.dma_semaphore, #tpu.memory_space<semaphore_mem>> -> memref<!tpu.dma_semaphore, #tpu.memory_space<semaphore_mem>>
      %dma_start3A_1979 = arith.constant 0 : i32
      %dma_start3A_1980 = arith.constant 0 : i32
      %dma_start3A_1981 = arith.constant 0 : i32
      %dma_start3A_1982 = tpu.memref_slice %arg11[%rem3A_3, %dma_start3A_1975, %dma_start3A_1979, %dma_start3A_1980, %dma_start3A_1981] : memref<2x64x8x16x128xf32, #tpu.memory_space<vmem>> -> memref<1x1x8x16x128xf32, #tpu.memory_space<vmem>>
      %dma_start3A_1983 = tpu.memref_squeeze %dma_start3A_1982 : memref<1x1x8x16x128xf32, #tpu.memory_space<vmem>> -> memref<8x16x128xf32, #tpu.memory_space<vmem>>
      %dma_start3A_1984 = arith.constant 0 : i32
      %dma_start3A_1985 = arith.constant 0 : i32
      %dma_start3A_1986 = tpu.memref_slice %arg1[%mul3A_1973, %dma_start3A_1974, %dma_start3A_1984, %dma_start3A_1985] : memref<512x64x16x128xf32, #tpu.memory_space<hbm>> -> memref<8x1x16x128xf32, #tpu.memory_space<hbm>>
      %dma_start3A_1987 = tpu.memref_squeeze %dma_start3A_1986 : memref<8x1x16x128xf32, #tpu.memory_space<hbm>> -> memref<8x16x128xf32, #tpu.memory_space<hbm>>
      tpu.enqueue_dma source(%dma_start3A_1987 : memref<8x16x128xf32, #tpu.memory_space<hbm>>) target(%dma_start3A_1983 : memref<8x16x128xf32, #tpu.memory_space<vmem>>) target_semaphore(%dma_start3A_1978 : memref<!tpu.dma_semaphore, #tpu.memory_space<semaphore_mem>>)
      %mul3A_1988 = arith.constant 8 : i32
      %mul3A_1989 = arith.muli %add3A_1940, %mul3A_1988 : i32
      %dma_start3A_1990 = arith.constant 3 : i32
      %dma_start3A_1991 = arith.constant 3 : i32
      %dma_start3A_1992 = arith.constant 3 : i32
      %dma_start3A_1993 = tpu.memref_slice %arg12[%rem3A_3, %dma_start3A_1992] : memref<2x64x!tpu.dma_semaphore, #tpu.memory_space<semaphore_mem>> -> memref<1x1x!tpu.dma_semaphore, #tpu.memory_space<semaphore_mem>>
      %dma_start3A_1994 = tpu.memref_squeeze %dma_start3A_1993 : memref<1x1x!tpu.dma_semaphore, #tpu.memory_space<semaphore_mem>> -> memref<!tpu.dma_semaphore, #tpu.memory_space<semaphore_mem>>
      %dma_start3A_1995 = arith.constant 0 : i32
      %dma_start3A_1996 = arith.constant 0 : i32
      %dma_start3A_1997 = arith.constant 0 : i32
      %dma_start3A_1998 = tpu.memref_slice %arg11[%rem3A_3, %dma_start3A_1991, %dma_start3A_1995, %dma_start3A_1996, %dma_start3A_1997] : memref<2x64x8x16x128xf32, #tpu.memory_space<vmem>> -> memref<1x1x8x16x128xf32, #tpu.memory_space<vmem>>
      %dma_start3A_1999 = tpu.memref_squeeze %dma_start3A_1998 : memref<1x1x8x16x128xf32, #tpu.memory_space<vmem>> -> memref<8x16x128xf32, #tpu.memory_space<vmem>>
      %dma_start3A_2000 = arith.constant 0 : i32
      %dma_start3A_2001 = arith.constant 0 : i32
      %dma_start3A_2002 = tpu.memref_slice %arg1[%mul3A_1989, %dma_start3A_1990, %dma_start3A_2000, %dma_start3A_2001] : memref<512x64x16x128xf32, #tpu.memory_space<hbm>> -> memref<8x1x16x128xf32, #tpu.memory_space<hbm>>
      %dma_start3A_2003 = tpu.memref_squeeze %dma_start3A_2002 : memref<8x1x16x128xf32, #tpu.memory_space<hbm>> -> memref<8x16x128xf32, #tpu.memory_space<hbm>>
      tpu.enqueue_dma source(%dma_start3A_2003 : memref<8x16x128xf32, #tpu.memory_space<hbm>>) target(%dma_start3A_1999 : memref<8x16x128xf32, #tpu.memory_space<vmem>>) target_semaphore(%dma_start3A_1994 : memref<!tpu.dma_semaphore, #tpu.memory_space<semaphore_mem>>)
      %mul3A_2004 = arith.constant 8 : i32
      %mul3A_2005 = arith.muli %add3A_1940, %mul3A_2004 : i32
      %dma_start3A_2006 = arith.constant 4 : i32
      %dma_start3A_2007 = arith.constant 4 : i32
      %dma_start3A_2008 = arith.constant 4 : i32
      %dma_start3A_2009 = tpu.memref_slice %arg12[%rem3A_3, %dma_start3A_2008] : memref<2x64x!tpu.dma_semaphore, #tpu.memory_space<semaphore_mem>> -> memref<1x1x!tpu.dma_semaphore, #tpu.memory_space<semaphore_mem>>
      %dma_start3A_2010 = tpu.memref_squeeze %dma_start3A_2009 : memref<1x1x!tpu.dma_semaphore, #tpu.memory_space<semaphore_mem>> -> memref<!tpu.dma_semaphore, #tpu.memory_space<semaphore_mem>>
      %dma_start3A_2011 = arith.constant 0 : i32
      %dma_start3A_2012 = arith.constant 0 : i32
      %dma_start3A_2013 = arith.constant 0 : i32
      %dma_start3A_2014 = tpu.memref_slice %arg11[%rem3A_3, %dma_start3A_2007, %dma_start3A_2011, %dma_start3A_2012, %dma_start3A_2013] : memref<2x64x8x16x128xf32, #tpu.memory_space<vmem>> -> memref<1x1x8x16x128xf32, #tpu.memory_space<vmem>>
      %dma_start3A_2015 = tpu.memref_squeeze %dma_start3A_2014 : memref<1x1x8x16x128xf32, #tpu.memory_space<vmem>> -> memref<8x16x128xf32, #tpu.memory_space<vmem>>
      %dma_start3A_2016 = arith.constant 0 : i32
      %dma_start3A_2017 = arith.constant 0 : i32
      %dma_start3A_2018 = tpu.memref_slice %arg1[%mul3A_2005, %dma_start3A_2006, %dma_start3A_2016, %dma_start3A_2017] : memref<512x64x16x128xf32, #tpu.memory_space<hbm>> -> memref<8x1x16x128xf32, #tpu.memory_space<hbm>>
      %dma_start3A_2019 = tpu.memref_squeeze %dma_start3A_2018 : memref<8x1x16x128xf32, #tpu.memory_space<hbm>> -> memref<8x16x128xf32, #tpu.memory_space<hbm>>
      tpu.enqueue_dma source(%dma_start3A_2019 : memref<8x16x128xf32, #tpu.memory_space<hbm>>) target(%dma_start3A_2015 : memref<8x16x128xf32, #tpu.memory_space<vmem>>) target_semaphore(%dma_start3A_2010 : memref<!tpu.dma_semaphore, #tpu.memory_space<semaphore_mem>>)
      %mul3A_2020 = arith.constant 8 : i32
      %mul3A_2021 = arith.muli %add3A_1940, %mul3A_2020 : i32
      %dma_start3A_2022 = arith.constant 5 : i32
      %dma_start3A_2023 = arith.constant 5 : i32
      %dma_start3A_2024 = arith.constant 5 : i32
      %dma_start3A_2025 = tpu.memref_slice %arg12[%rem3A_3, %dma_start3A_2024] : memref<2x64x!tpu.dma_semaphore, #tpu.memory_space<semaphore_mem>> -> memref<1x1x!tpu.dma_semaphore, #tpu.memory_space<semaphore_mem>>
      %dma_start3A_2026 = tpu.memref_squeeze %dma_start3A_2025 : memref<1x1x!tpu.dma_semaphore, #tpu.memory_space<semaphore_mem>> -> memref<!tpu.dma_semaphore, #tpu.memory_space<semaphore_mem>>
      %dma_start3A_2027 = arith.constant 0 : i32
      %dma_start3A_2028 = arith.constant 0 : i32
      %dma_start3A_2029 = arith.constant 0 : i32
      %dma_start3A_2030 = tpu.memref_slice %arg11[%rem3A_3, %dma_start3A_2023, %dma_start3A_2027, %dma_start3A_2028, %dma_start3A_2029] : memref<2x64x8x16x128xf32, #tpu.memory_space<vmem>> -> memref<1x1x8x16x128xf32, #tpu.memory_space<vmem>>
      %dma_start3A_2031 = tpu.memref_squeeze %dma_start3A_2030 : memref<1x1x8x16x128xf32, #tpu.memory_space<vmem>> -> memref<8x16x128xf32, #tpu.memory_space<vmem>>
      %dma_start3A_2032 = arith.constant 0 : i32
      %dma_start3A_2033 = arith.constant 0 : i32
      %dma_start3A_2034 = tpu.memref_slice %arg1[%mul3A_2021, %dma_start3A_2022, %dma_start3A_2032, %dma_start3A_2033] : memref<512x64x16x128xf32, #tpu.memory_space<hbm>> -> memref<8x1x16x128xf32, #tpu.memory_space<hbm>>
      %dma_start3A_2035 = tpu.memref_squeeze %dma_start3A_2034 : memref<8x1x16x128xf32, #tpu.memory_space<hbm>> -> memref<8x16x128xf32, #tpu.memory_space<hbm>>
      tpu.enqueue_dma source(%dma_start3A_2035 : memref<8x16x128xf32, #tpu.memory_space<hbm>>) target(%dma_start3A_2031 : memref<8x16x128xf32, #tpu.memory_space<vmem>>) target_semaphore(%dma_start3A_2026 : memref<!tpu.dma_semaphore, #tpu.memory_space<semaphore_mem>>)
      %mul3A_2036 = arith.constant 8 : i32
      %mul3A_2037 = arith.muli %add3A_1940, %mul3A_2036 : i32
      %dma_start3A_2038 = arith.constant 6 : i32
      %dma_start3A_2039 = arith.constant 6 : i32
      %dma_start3A_2040 = arith.constant 6 : i32
      %dma_start3A_2041 = tpu.memref_slice %arg12[%rem3A_3, %dma_start3A_2040] : memref<2x64x!tpu.dma_semaphore, #tpu.memory_space<semaphore_mem>> -> memref<1x1x!tpu.dma_semaphore, #tpu.memory_space<semaphore_mem>>
      %dma_start3A_2042 = tpu.memref_squeeze %dma_start3A_2041 : memref<1x1x!tpu.dma_semaphore, #tpu.memory_space<semaphore_mem>> -> memref<!tpu.dma_semaphore, #tpu.memory_space<semaphore_mem>>
      %dma_start3A_2043 = arith.constant 0 : i32
      %dma_start3A_2044 = arith.constant 0 : i32
      %dma_start3A_2045 = arith.constant 0 : i32
      %dma_start3A_2046 = tpu.memref_slice %arg11[%rem3A_3, %dma_start3A_2039, %dma_start3A_2043, %dma_start3A_2044, %dma_start3A_2045] : memref<2x64x8x16x128xf32, #tpu.memory_space<vmem>> -> memref<1x1x8x16x128xf32, #tpu.memory_space<vmem>>
      %dma_start3A_2047 = tpu.memref_squeeze %dma_start3A_2046 : memref<1x1x8x16x128xf32, #tpu.memory_space<vmem>> -> memref<8x16x128xf32, #tpu.memory_space<vmem>>
      %dma_start3A_2048 = arith.constant 0 : i32
      %dma_start3A_2049 = arith.constant 0 : i32
      %dma_start3A_2050 = tpu.memref_slice %arg1[%mul3A_2037, %dma_start3A_2038, %dma_start3A_2048, %dma_start3A_2049] : memref<512x64x16x128xf32, #tpu.memory_space<hbm>> -> memref<8x1x16x128xf32, #tpu.memory_space<hbm>>
      %dma_start3A_2051 = tpu.memref_squeeze %dma_start3A_2050 : memref<8x1x16x128xf32, #tpu.memory_space<hbm>> -> memref<8x16x128xf32, #tpu.memory_space<hbm>>
      tpu.enqueue_dma source(%dma_start3A_2051 : memref<8x16x128xf32, #tpu.memory_space<hbm>>) target(%dma_start3A_2047 : memref<8x16x128xf32, #tpu.memory_space<vmem>>) target_semaphore(%dma_start3A_2042 : memref<!tpu.dma_semaphore, #tpu.memory_space<semaphore_mem>>)
      %mul3A_2052 = arith.constant 8 : i32
      %mul3A_2053 = arith.muli %add3A_1940, %mul3A_2052 : i32
      %dma_start3A_2054 = arith.constant 7 : i32
      %dma_start3A_2055 = arith.constant 7 : i32
      %dma_start3A_2056 = arith.constant 7 : i32
      %dma_start3A_2057 = tpu.memref_slice %arg12[%rem3A_3, %dma_start3A_2056] : memref<2x64x!tpu.dma_semaphore, #tpu.memory_space<semaphore_mem>> -> memref<1x1x!tpu.dma_semaphore, #tpu.memory_space<semaphore_mem>>
      %dma_start3A_2058 = tpu.memref_squeeze %dma_start3A_2057 : memref<1x1x!tpu.dma_semaphore, #tpu.memory_space<semaphore_mem>> -> memref<!tpu.dma_semaphore, #tpu.memory_space<semaphore_mem>>
      %dma_start3A_2059 = arith.constant 0 : i32
      %dma_start3A_2060 = arith.constant 0 : i32
      %dma_start3A_2061 = arith.constant 0 : i32
      %dma_start3A_2062 = tpu.memref_slice %arg11[%rem3A_3, %dma_start3A_2055, %dma_start3A_2059, %dma_start3A_2060, %dma_start3A_2061] : memref<2x64x8x16x128xf32, #tpu.memory_space<vmem>> -> memref<1x1x8x16x128xf32, #tpu.memory_space<vmem>>
      %dma_start3A_2063 = tpu.memref_squeeze %dma_start3A_2062 : memref<1x1x8x16x128xf32, #tpu.memory_space<vmem>> -> memref<8x16x128xf32, #tpu.memory_space<vmem>>
      %dma_start3A_2064 = arith.constant 0 : i32
      %dma_start3A_2065 = arith.constant 0 : i32
      %dma_start3A_2066 = tpu.memref_slice %arg1[%mul3A_2053, %dma_start3A_2054, %dma_start3A_2064, %dma_start3A_2065] : memref<512x64x16x128xf32, #tpu.memory_space<hbm>> -> memref<8x1x16x128xf32, #tpu.memory_space<hbm>>
      %dma_start3A_2067 = tpu.memref_squeeze %dma_start3A_2066 : memref<8x1x16x128xf32, #tpu.memory_space<hbm>> -> memref<8x16x128xf32, #tpu.memory_space<hbm>>
      tpu.enqueue_dma source(%dma_start3A_2067 : memref<8x16x128xf32, #tpu.memory_space<hbm>>) target(%dma_start3A_2063 : memref<8x16x128xf32, #tpu.memory_space<vmem>>) target_semaphore(%dma_start3A_2058 : memref<!tpu.dma_semaphore, #tpu.memory_space<semaphore_mem>>)
      %mul3A_2068 = arith.constant 8 : i32
      %mul3A_2069 = arith.muli %add3A_1940, %mul3A_2068 : i32
      %dma_start3A_2070 = arith.constant 8 : i32
      %dma_start3A_2071 = arith.constant 8 : i32
      %dma_start3A_2072 = arith.constant 8 : i32
      %dma_start3A_2073 = tpu.memref_slice %arg12[%rem3A_3, %dma_start3A_2072] : memref<2x64x!tpu.dma_semaphore, #tpu.memory_space<semaphore_mem>> -> memref<1x1x!tpu.dma_semaphore, #tpu.memory_space<semaphore_mem>>
      %dma_start3A_2074 = tpu.memref_squeeze %dma_start3A_2073 : memref<1x1x!tpu.dma_semaphore, #tpu.memory_space<semaphore_mem>> -> memref<!tpu.dma_semaphore, #tpu.memory_space<semaphore_mem>>
      %dma_start3A_2075 = arith.constant 0 : i32
      %dma_start3A_2076 = arith.constant 0 : i32
      %dma_start3A_2077 = arith.constant 0 : i32
      %dma_start3A_2078 = tpu.memref_slice %arg11[%rem3A_3, %dma_start3A_2071, %dma_start3A_2075, %dma_start3A_2076, %dma_start3A_2077] : memref<2x64x8x16x128xf32, #tpu.memory_space<vmem>> -> memref<1x1x8x16x128xf32, #tpu.memory_space<vmem>>
      %dma_start3A_2079 = tpu.memref_squeeze %dma_start3A_2078 : memref<1x1x8x16x128xf32, #tpu.memory_space<vmem>> -> memref<8x16x128xf32, #tpu.memory_space<vmem>>
      %dma_start3A_2080 = arith.constant 0 : i32
      %dma_start3A_2081 = arith.constant 0 : i32
      %dma_start3A_2082 = tpu.memref_slice %arg1[%mul3A_2069, %dma_start3A_2070, %dma_start3A_2080, %dma_start3A_2081] : memref<512x64x16x128xf32, #tpu.memory_space<hbm>> -> memref<8x1x16x128xf32, #tpu.memory_space<hbm>>
      %dma_start3A_2083 = tpu.memref_squeeze %dma_start3A_2082 : memref<8x1x16x128xf32, #tpu.memory_space<hbm>> -> memref<8x16x128xf32, #tpu.memory_space<hbm>>
      tpu.enqueue_dma source(%dma_start3A_2083 : memref<8x16x128xf32, #tpu.memory_space<hbm>>) target(%dma_start3A_2079 : memref<8x16x128xf32, #tpu.memory_space<vmem>>) target_semaphore(%dma_start3A_2074 : memref<!tpu.dma_semaphore, #tpu.memory_space<semaphore_mem>>)
      %mul3A_2084 = arith.constant 8 : i32
      %mul3A_2085 = arith.muli %add3A_1940, %mul3A_2084 : i32
      %dma_start3A_2086 = arith.constant 9 : i32
      %dma_start3A_2087 = arith.constant 9 : i32
      %dma_start3A_2088 = arith.constant 9 : i32
      %dma_start3A_2089 = tpu.memref_slice %arg12[%rem3A_3, %dma_start3A_2088] : memref<2x64x!tpu.dma_semaphore, #tpu.memory_space<semaphore_mem>> -> memref<1x1x!tpu.dma_semaphore, #tpu.memory_space<semaphore_mem>>
      %dma_start3A_2090 = tpu.memref_squeeze %dma_start3A_2089 : memref<1x1x!tpu.dma_semaphore, #tpu.memory_space<semaphore_mem>> -> memref<!tpu.dma_semaphore, #tpu.memory_space<semaphore_mem>>
      %dma_start3A_2091 = arith.constant 0 : i32
      %dma_start3A_2092 = arith.constant 0 : i32
      %dma_start3A_2093 = arith.constant 0 : i32
      %dma_start3A_2094 = tpu.memref_slice %arg11[%rem3A_3, %dma_start3A_2087, %dma_start3A_2091, %dma_start3A_2092, %dma_start3A_2093] : memref<2x64x8x16x128xf32, #tpu.memory_space<vmem>> -> memref<1x1x8x16x128xf32, #tpu.memory_space<vmem>>
      %dma_start3A_2095 = tpu.memref_squeeze %dma_start3A_2094 : memref<1x1x8x16x128xf32, #tpu.memory_space<vmem>> -> memref<8x16x128xf32, #tpu.memory_space<vmem>>
      %dma_start3A_2096 = arith.constant 0 : i32
      %dma_start3A_2097 = arith.constant 0 : i32
      %dma_start3A_2098 = tpu.memref_slice %arg1[%mul3A_2085, %dma_start3A_2086, %dma_start3A_2096, %dma_start3A_2097] : memref<512x64x16x128xf32, #tpu.memory_space<hbm>> -> memref<8x1x16x128xf32, #tpu.memory_space<hbm>>
      %dma_start3A_2099 = tpu.memref_squeeze %dma_start3A_2098 : memref<8x1x16x128xf32, #tpu.memory_space<hbm>> -> memref<8x16x128xf32, #tpu.memory_space<hbm>>
      tpu.enqueue_dma source(%dma_start3A_2099 : memref<8x16x128xf32, #tpu.memory_space<hbm>>) target(%dma_start3A_2095 : memref<8x16x128xf32, #tpu.memory_space<vmem>>) target_semaphore(%dma_start3A_2090 : memref<!tpu.dma_semaphore, #tpu.memory_space<semaphore_mem>>)
      %mul3A_2100 = arith.constant 8 : i32
      %mul3A_2101 = arith.muli %add3A_1940, %mul3A_2100 : i32
      %dma_start3A_2102 = arith.constant 10 : i32
      %dma_start3A_2103 = arith.constant 10 : i32
      %dma_start3A_2104 = arith.constant 10 : i32
      %dma_start3A_2105 = tpu.memref_slice %arg12[%rem3A_3, %dma_start3A_2104] : memref<2x64x!tpu.dma_semaphore, #tpu.memory_space<semaphore_mem>> -> memref<1x1x!tpu.dma_semaphore, #tpu.memory_space<semaphore_mem>>
      %dma_start3A_2106 = tpu.memref_squeeze %dma_start3A_2105 : memref<1x1x!tpu.dma_semaphore, #tpu.memory_space<semaphore_mem>> -> memref<!tpu.dma_semaphore, #tpu.memory_space<semaphore_mem>>
      %dma_start3A_2107 = arith.constant 0 : i32
      %dma_start3A_2108 = arith.constant 0 : i32
      %dma_start3A_2109 = arith.constant 0 : i32
      %dma_start3A_2110 = tpu.memref_slice %arg11[%rem3A_3, %dma_start3A_2103, %dma_start3A_2107, %dma_start3A_2108, %dma_start3A_2109] : memref<2x64x8x16x128xf32, #tpu.memory_space<vmem>> -> memref<1x1x8x16x128xf32, #tpu.memory_space<vmem>>
      %dma_start3A_2111 = tpu.memref_squeeze %dma_start3A_2110 : memref<1x1x8x16x128xf32, #tpu.memory_space<vmem>> -> memref<8x16x128xf32, #tpu.memory_space<vmem>>
      %dma_start3A_2112 = arith.constant 0 : i32
      %dma_start3A_2113 = arith.constant 0 : i32
      %dma_start3A_2114 = tpu.memref_slice %arg1[%mul3A_2101, %dma_start3A_2102, %dma_start3A_2112, %dma_start3A_2113] : memref<512x64x16x128xf32, #tpu.memory_space<hbm>> -> memref<8x1x16x128xf32, #tpu.memory_space<hbm>>
      %dma_start3A_2115 = tpu.memref_squeeze %dma_start3A_2114 : memref<8x1x16x128xf32, #tpu.memory_space<hbm>> -> memref<8x16x128xf32, #tpu.memory_space<hbm>>
      tpu.enqueue_dma source(%dma_start3A_2115 : memref<8x16x128xf32, #tpu.memory_space<hbm>>) target(%dma_start3A_2111 : memref<8x16x128xf32, #tpu.memory_space<vmem>>) target_semaphore(%dma_start3A_2106 : memref<!tpu.dma_semaphore, #tpu.memory_space<semaphore_mem>>)
      %mul3A_2116 = arith.constant 8 : i32
      %mul3A_2117 = arith.muli %add3A_1940, %mul3A_2116 : i32
      %dma_start3A_2118 = arith.constant 11 : i32
      %dma_start3A_2119 = arith.constant 11 : i32
      %dma_start3A_2120 = arith.constant 11 : i32
      %dma_start3A_2121 = tpu.memref_slice %arg12[%rem3A_3, %dma_start3A_2120] : memref<2x64x!tpu.dma_semaphore, #tpu.memory_space<semaphore_mem>> -> memref<1x1x!tpu.dma_semaphore, #tpu.memory_space<semaphore_mem>>
      %dma_start3A_2122 = tpu.memref_squeeze %dma_start3A_2121 : memref<1x1x!tpu.dma_semaphore, #tpu.memory_space<semaphore_mem>> -> memref<!tpu.dma_semaphore, #tpu.memory_space<semaphore_mem>>
      %dma_start3A_2123 = arith.constant 0 : i32
      %dma_start3A_2124 = arith.constant 0 : i32
      %dma_start3A_2125 = arith.constant 0 : i32
      %dma_start3A_2126 = tpu.memref_slice %arg11[%rem3A_3, %dma_start3A_2119, %dma_start3A_2123, %dma_start3A_2124, %dma_start3A_2125] : memref<2x64x8x16x128xf32, #tpu.memory_space<vmem>> -> memref<1x1x8x16x128xf32, #tpu.memory_space<vmem>>
      %dma_start3A_2127 = tpu.memref_squeeze %dma_start3A_2126 : memref<1x1x8x16x128xf32, #tpu.memory_space<vmem>> -> memref<8x16x128xf32, #tpu.memory_space<vmem>>
      %dma_start3A_2128 = arith.constant 0 : i32
      %dma_start3A_2129 = arith.constant 0 : i32
      %dma_start3A_2130 = tpu.memref_slice %arg1[%mul3A_2117, %dma_start3A_2118, %dma_start3A_2128, %dma_start3A_2129] : memref<512x64x16x128xf32, #tpu.memory_space<hbm>> -> memref<8x1x16x128xf32, #tpu.memory_space<hbm>>
      %dma_start3A_2131 = tpu.memref_squeeze %dma_start3A_2130 : memref<8x1x16x128xf32, #tpu.memory_space<hbm>> -> memref<8x16x128xf32, #tpu.memory_space<hbm>>
      tpu.enqueue_dma source(%dma_start3A_2131 : memref<8x16x128xf32, #tpu.memory_space<hbm>>) target(%dma_start3A_2127 : memref<8x16x128xf32, #tpu.memory_space<vmem>>) target_semaphore(%dma_start3A_2122 : memref<!tpu.dma_semaphore, #tpu.memory_space<semaphore_mem>>)
      %mul3A_2132 = arith.constant 8 : i32
      %mul3A_2133 = arith.muli %add3A_1940, %mul3A_2132 : i32
      %dma_start3A_2134 = arith.constant 12 : i32
      %dma_start3A_2135 = arith.constant 12 : i32
      %dma_start3A_2136 = arith.constant 12 : i32
      %dma_start3A_2137 = tpu.memref_slice %arg12[%rem3A_3, %dma_start3A_2136] : memref<2x64x!tpu.dma_semaphore, #tpu.memory_space<semaphore_mem>> -> memref<1x1x!tpu.dma_semaphore, #tpu.memory_space<semaphore_mem>>
      %dma_start3A_2138 = tpu.memref_squeeze %dma_start3A_2137 : memref<1x1x!tpu.dma_semaphore, #tpu.memory_space<semaphore_mem>> -> memref<!tpu.dma_semaphore, #tpu.memory_space<semaphore_mem>>
      %dma_start3A_2139 = arith.constant 0 : i32
      %dma_start3A_2140 = arith.constant 0 : i32
      %dma_start3A_2141 = arith.constant 0 : i32
      %dma_start3A_2142 = tpu.memref_slice %arg11[%rem3A_3, %dma_start3A_2135, %dma_start3A_2139, %dma_start3A_2140, %dma_start3A_2141] : memref<2x64x8x16x128xf32, #tpu.memory_space<vmem>> -> memref<1x1x8x16x128xf32, #tpu.memory_space<vmem>>
      %dma_start3A_2143 = tpu.memref_squeeze %dma_start3A_2142 : memref<1x1x8x16x128xf32, #tpu.memory_space<vmem>> -> memref<8x16x128xf32, #tpu.memory_space<vmem>>
      %dma_start3A_2144 = arith.constant 0 : i32
      %dma_start3A_2145 = arith.constant 0 : i32
      %dma_start3A_2146 = tpu.memref_slice %arg1[%mul3A_2133, %dma_start3A_2134, %dma_start3A_2144, %dma_start3A_2145] : memref<512x64x16x128xf32, #tpu.memory_space<hbm>> -> memref<8x1x16x128xf32, #tpu.memory_space<hbm>>
      %dma_start3A_2147 = tpu.memref_squeeze %dma_start3A_2146 : memref<8x1x16x128xf32, #tpu.memory_space<hbm>> -> memref<8x16x128xf32, #tpu.memory_space<hbm>>
      tpu.enqueue_dma source(%dma_start3A_2147 : memref<8x16x128xf32, #tpu.memory_space<hbm>>) target(%dma_start3A_2143 : memref<8x16x128xf32, #tpu.memory_space<vmem>>) target_semaphore(%dma_start3A_2138 : memref<!tpu.dma_semaphore, #tpu.memory_space<semaphore_mem>>)
      %mul3A_2148 = arith.constant 8 : i32
      %mul3A_2149 = arith.muli %add3A_1940, %mul3A_2148 : i32
      %dma_start3A_2150 = arith.constant 13 : i32
      %dma_start3A_2151 = arith.constant 13 : i32
      %dma_start3A_2152 = arith.constant 13 : i32
      %dma_start3A_2153 = tpu.memref_slice %arg12[%rem3A_3, %dma_start3A_2152] : memref<2x64x!tpu.dma_semaphore, #tpu.memory_space<semaphore_mem>> -> memref<1x1x!tpu.dma_semaphore, #tpu.memory_space<semaphore_mem>>
      %dma_start3A_2154 = tpu.memref_squeeze %dma_start3A_2153 : memref<1x1x!tpu.dma_semaphore, #tpu.memory_space<semaphore_mem>> -> memref<!tpu.dma_semaphore, #tpu.memory_space<semaphore_mem>>
      %dma_start3A_2155 = arith.constant 0 : i32
      %dma_start3A_2156 = arith.constant 0 : i32
      %dma_start3A_2157 = arith.constant 0 : i32
      %dma_start3A_2158 = tpu.memref_slice %arg11[%rem3A_3, %dma_start3A_2151, %dma_start3A_2155, %dma_start3A_2156, %dma_start3A_2157] : memref<2x64x8x16x128xf32, #tpu.memory_space<vmem>> -> memref<1x1x8x16x128xf32, #tpu.memory_space<vmem>>
      %dma_start3A_2159 = tpu.memref_squeeze %dma_start3A_2158 : memref<1x1x8x16x128xf32, #tpu.memory_space<vmem>> -> memref<8x16x128xf32, #tpu.memory_space<vmem>>
      %dma_start3A_2160 = arith.constant 0 : i32
      %dma_start3A_2161 = arith.constant 0 : i32
      %dma_start3A_2162 = tpu.memref_slice %arg1[%mul3A_2149, %dma_start3A_2150, %dma_start3A_2160, %dma_start3A_2161] : memref<512x64x16x128xf32, #tpu.memory_space<hbm>> -> memref<8x1x16x128xf32, #tpu.memory_space<hbm>>
      %dma_start3A_2163 = tpu.memref_squeeze %dma_start3A_2162 : memref<8x1x16x128xf32, #tpu.memory_space<hbm>> -> memref<8x16x128xf32, #tpu.memory_space<hbm>>
      tpu.enqueue_dma source(%dma_start3A_2163 : memref<8x16x128xf32, #tpu.memory_space<hbm>>) target(%dma_start3A_2159 : memref<8x16x128xf32, #tpu.memory_space<vmem>>) target_semaphore(%dma_start3A_2154 : memref<!tpu.dma_semaphore, #tpu.memory_space<semaphore_mem>>)
      %mul3A_2164 = arith.constant 8 : i32
      %mul3A_2165 = arith.muli %add3A_1940, %mul3A_2164 : i32
      %dma_start3A_2166 = arith.constant 14 : i32
      %dma_start3A_2167 = arith.constant 14 : i32
      %dma_start3A_2168 = arith.constant 14 : i32
      %dma_start3A_2169 = tpu.memref_slice %arg12[%rem3A_3, %dma_start3A_2168] : memref<2x64x!tpu.dma_semaphore, #tpu.memory_space<semaphore_mem>> -> memref<1x1x!tpu.dma_semaphore, #tpu.memory_space<semaphore_mem>>
      %dma_start3A_2170 = tpu.memref_squeeze %dma_start3A_2169 : memref<1x1x!tpu.dma_semaphore, #tpu.memory_space<semaphore_mem>> -> memref<!tpu.dma_semaphore, #tpu.memory_space<semaphore_mem>>
      %dma_start3A_2171 = arith.constant 0 : i32
      %dma_start3A_2172 = arith.constant 0 : i32
      %dma_start3A_2173 = arith.constant 0 : i32
      %dma_start3A_2174 = tpu.memref_slice %arg11[%rem3A_3, %dma_start3A_2167, %dma_start3A_2171, %dma_start3A_2172, %dma_start3A_2173] : memref<2x64x8x16x128xf32, #tpu.memory_space<vmem>> -> memref<1x1x8x16x128xf32, #tpu.memory_space<vmem>>
      %dma_start3A_2175 = tpu.memref_squeeze %dma_start3A_2174 : memref<1x1x8x16x128xf32, #tpu.memory_space<vmem>> -> memref<8x16x128xf32, #tpu.memory_space<vmem>>
      %dma_start3A_2176 = arith.constant 0 : i32
      %dma_start3A_2177 = arith.constant 0 : i32
      %dma_start3A_2178 = tpu.memref_slice %arg1[%mul3A_2165, %dma_start3A_2166, %dma_start3A_2176, %dma_start3A_2177] : memref<512x64x16x128xf32, #tpu.memory_space<hbm>> -> memref<8x1x16x128xf32, #tpu.memory_space<hbm>>
      %dma_start3A_2179 = tpu.memref_squeeze %dma_start3A_2178 : memref<8x1x16x128xf32, #tpu.memory_space<hbm>> -> memref<8x16x128xf32, #tpu.memory_space<hbm>>
      tpu.enqueue_dma source(%dma_start3A_2179 : memref<8x16x128xf32, #tpu.memory_space<hbm>>) target(%dma_start3A_2175 : memref<8x16x128xf32, #tpu.memory_space<vmem>>) target_semaphore(%dma_start3A_2170 : memref<!tpu.dma_semaphore, #tpu.memory_space<semaphore_mem>>)
      %mul3A_2180 = arith.constant 8 : i32
      %mul3A_2181 = arith.muli %add3A_1940, %mul3A_2180 : i32
      %dma_start3A_2182 = arith.constant 15 : i32
      %dma_start3A_2183 = arith.constant 15 : i32
      %dma_start3A_2184 = arith.constant 15 : i32
      %dma_start3A_2185 = tpu.memref_slice %arg12[%rem3A_3, %dma_start3A_2184] : memref<2x64x!tpu.dma_semaphore, #tpu.memory_space<semaphore_mem>> -> memref<1x1x!tpu.dma_semaphore, #tpu.memory_space<semaphore_mem>>
      %dma_start3A_2186 = tpu.memref_squeeze %dma_start3A_2185 : memref<1x1x!tpu.dma_semaphore, #tpu.memory_space<semaphore_mem>> -> memref<!tpu.dma_semaphore, #tpu.memory_space<semaphore_mem>>
      %dma_start3A_2187 = arith.constant 0 : i32
      %dma_start3A_2188 = arith.constant 0 : i32
      %dma_start3A_2189 = arith.constant 0 : i32
      %dma_start3A_2190 = tpu.memref_slice %arg11[%rem3A_3, %dma_start3A_2183, %dma_start3A_2187, %dma_start3A_2188, %dma_start3A_2189] : memref<2x64x8x16x128xf32, #tpu.memory_space<vmem>> -> memref<1x1x8x16x128xf32, #tpu.memory_space<vmem>>
      %dma_start3A_2191 = tpu.memref_squeeze %dma_start3A_2190 : memref<1x1x8x16x128xf32, #tpu.memory_space<vmem>> -> memref<8x16x128xf32, #tpu.memory_space<vmem>>
      %dma_start3A_2192 = arith.constant 0 : i32
      %dma_start3A_2193 = arith.constant 0 : i32
      %dma_start3A_2194 = tpu.memref_slice %arg1[%mul3A_2181, %dma_start3A_2182, %dma_start3A_2192, %dma_start3A_2193] : memref<512x64x16x128xf32, #tpu.memory_space<hbm>> -> memref<8x1x16x128xf32, #tpu.memory_space<hbm>>
      %dma_start3A_2195 = tpu.memref_squeeze %dma_start3A_2194 : memref<8x1x16x128xf32, #tpu.memory_space<hbm>> -> memref<8x16x128xf32, #tpu.memory_space<hbm>>
      tpu.enqueue_dma source(%dma_start3A_2195 : memref<8x16x128xf32, #tpu.memory_space<hbm>>) target(%dma_start3A_2191 : memref<8x16x128xf32, #tpu.memory_space<vmem>>) target_semaphore(%dma_start3A_2186 : memref<!tpu.dma_semaphore, #tpu.memory_space<semaphore_mem>>)
      %mul3A_2196 = arith.constant 8 : i32
      %mul3A_2197 = arith.muli %add3A_1940, %mul3A_2196 : i32
      %dma_start3A_2198 = arith.constant 16 : i32
      %dma_start3A_2199 = arith.constant 16 : i32
      %dma_start3A_2200 = arith.constant 16 : i32
      %dma_start3A_2201 = tpu.memref_slice %arg12[%rem3A_3, %dma_start3A_2200] : memref<2x64x!tpu.dma_semaphore, #tpu.memory_space<semaphore_mem>> -> memref<1x1x!tpu.dma_semaphore, #tpu.memory_space<semaphore_mem>>
      %dma_start3A_2202 = tpu.memref_squeeze %dma_start3A_2201 : memref<1x1x!tpu.dma_semaphore, #tpu.memory_space<semaphore_mem>> -> memref<!tpu.dma_semaphore, #tpu.memory_space<semaphore_mem>>
      %dma_start3A_2203 = arith.constant 0 : i32
      %dma_start3A_2204 = arith.constant 0 : i32
      %dma_start3A_2205 = arith.constant 0 : i32
      %dma_start3A_2206 = tpu.memref_slice %arg11[%rem3A_3, %dma_start3A_2199, %dma_start3A_2203, %dma_start3A_2204, %dma_start3A_2205] : memref<2x64x8x16x128xf32, #tpu.memory_space<vmem>> -> memref<1x1x8x16x128xf32, #tpu.memory_space<vmem>>
      %dma_start3A_2207 = tpu.memref_squeeze %dma_start3A_2206 : memref<1x1x8x16x128xf32, #tpu.memory_space<vmem>> -> memref<8x16x128xf32, #tpu.memory_space<vmem>>
      %dma_start3A_2208 = arith.constant 0 : i32
      %dma_start3A_2209 = arith.constant 0 : i32
      %dma_start3A_2210 = tpu.memref_slice %arg1[%mul3A_2197, %dma_start3A_2198, %dma_start3A_2208, %dma_start3A_2209] : memref<512x64x16x128xf32, #tpu.memory_space<hbm>> -> memref<8x1x16x128xf32, #tpu.memory_space<hbm>>
      %dma_start3A_2211 = tpu.memref_squeeze %dma_start3A_2210 : memref<8x1x16x128xf32, #tpu.memory_space<hbm>> -> memref<8x16x128xf32, #tpu.memory_space<hbm>>
      tpu.enqueue_dma source(%dma_start3A_2211 : memref<8x16x128xf32, #tpu.memory_space<hbm>>) target(%dma_start3A_2207 : memref<8x16x128xf32, #tpu.memory_space<vmem>>) target_semaphore(%dma_start3A_2202 : memref<!tpu.dma_semaphore, #tpu.memory_space<semaphore_mem>>)
      %mul3A_2212 = arith.constant 8 : i32
      %mul3A_2213 = arith.muli %add3A_1940, %mul3A_2212 : i32
      %dma_start3A_2214 = arith.constant 17 : i32
      %dma_start3A_2215 = arith.constant 17 : i32
      %dma_start3A_2216 = arith.constant 17 : i32
      %dma_start3A_2217 = tpu.memref_slice %arg12[%rem3A_3, %dma_start3A_2216] : memref<2x64x!tpu.dma_semaphore, #tpu.memory_space<semaphore_mem>> -> memref<1x1x!tpu.dma_semaphore, #tpu.memory_space<semaphore_mem>>
      %dma_start3A_2218 = tpu.memref_squeeze %dma_start3A_2217 : memref<1x1x!tpu.dma_semaphore, #tpu.memory_space<semaphore_mem>> -> memref<!tpu.dma_semaphore, #tpu.memory_space<semaphore_mem>>
      %dma_start3A_2219 = arith.constant 0 : i32
      %dma_start3A_2220 = arith.constant 0 : i32
      %dma_start3A_2221 = arith.constant 0 : i32
      %dma_start3A_2222 = tpu.memref_slice %arg11[%rem3A_3, %dma_start3A_2215, %dma_start3A_2219, %dma_start3A_2220, %dma_start3A_2221] : memref<2x64x8x16x128xf32, #tpu.memory_space<vmem>> -> memref<1x1x8x16x128xf32, #tpu.memory_space<vmem>>
      %dma_start3A_2223 = tpu.memref_squeeze %dma_start3A_2222 : memref<1x1x8x16x128xf32, #tpu.memory_space<vmem>> -> memref<8x16x128xf32, #tpu.memory_space<vmem>>
      %dma_start3A_2224 = arith.constant 0 : i32
      %dma_start3A_2225 = arith.constant 0 : i32
      %dma_start3A_2226 = tpu.memref_slice %arg1[%mul3A_2213, %dma_start3A_2214, %dma_start3A_2224, %dma_start3A_2225] : memref<512x64x16x128xf32, #tpu.memory_space<hbm>> -> memref<8x1x16x128xf32, #tpu.memory_space<hbm>>
      %dma_start3A_2227 = tpu.memref_squeeze %dma_start3A_2226 : memref<8x1x16x128xf32, #tpu.memory_space<hbm>> -> memref<8x16x128xf32, #tpu.memory_space<hbm>>
      tpu.enqueue_dma source(%dma_start3A_2227 : memref<8x16x128xf32, #tpu.memory_space<hbm>>) target(%dma_start3A_2223 : memref<8x16x128xf32, #tpu.memory_space<vmem>>) target_semaphore(%dma_start3A_2218 : memref<!tpu.dma_semaphore, #tpu.memory_space<semaphore_mem>>)
      %mul3A_2228 = arith.constant 8 : i32
      %mul3A_2229 = arith.muli %add3A_1940, %mul3A_2228 : i32
      %dma_start3A_2230 = arith.constant 18 : i32
      %dma_start3A_2231 = arith.constant 18 : i32
      %dma_start3A_2232 = arith.constant 18 : i32
      %dma_start3A_2233 = tpu.memref_slice %arg12[%rem3A_3, %dma_start3A_2232] : memref<2x64x!tpu.dma_semaphore, #tpu.memory_space<semaphore_mem>> -> memref<1x1x!tpu.dma_semaphore, #tpu.memory_space<semaphore_mem>>
      %dma_start3A_2234 = tpu.memref_squeeze %dma_start3A_2233 : memref<1x1x!tpu.dma_semaphore, #tpu.memory_space<semaphore_mem>> -> memref<!tpu.dma_semaphore, #tpu.memory_space<semaphore_mem>>
      %dma_start3A_2235 = arith.constant 0 : i32
      %dma_start3A_2236 = arith.constant 0 : i32
      %dma_start3A_2237 = arith.constant 0 : i32
      %dma_start3A_2238 = tpu.memref_slice %arg11[%rem3A_3, %dma_start3A_2231, %dma_start3A_2235, %dma_start3A_2236, %dma_start3A_2237] : memref<2x64x8x16x128xf32, #tpu.memory_space<vmem>> -> memref<1x1x8x16x128xf32, #tpu.memory_space<vmem>>
      %dma_start3A_2239 = tpu.memref_squeeze %dma_start3A_2238 : memref<1x1x8x16x128xf32, #tpu.memory_space<vmem>> -> memref<8x16x128xf32, #tpu.memory_space<vmem>>
      %dma_start3A_2240 = arith.constant 0 : i32
      %dma_start3A_2241 = arith.constant 0 : i32
      %dma_start3A_2242 = tpu.memref_slice %arg1[%mul3A_2229, %dma_start3A_2230, %dma_start3A_2240, %dma_start3A_2241] : memref<512x64x16x128xf32, #tpu.memory_space<hbm>> -> memref<8x1x16x128xf32, #tpu.memory_space<hbm>>
      %dma_start3A_2243 = tpu.memref_squeeze %dma_start3A_2242 : memref<8x1x16x128xf32, #tpu.memory_space<hbm>> -> memref<8x16x128xf32, #tpu.memory_space<hbm>>
      tpu.enqueue_dma source(%dma_start3A_2243 : memref<8x16x128xf32, #tpu.memory_space<hbm>>) target(%dma_start3A_2239 : memref<8x16x128xf32, #tpu.memory_space<vmem>>) target_semaphore(%dma_start3A_2234 : memref<!tpu.dma_semaphore, #tpu.memory_space<semaphore_mem>>)
      %mul3A_2244 = arith.constant 8 : i32
      %mul3A_2245 = arith.muli %add3A_1940, %mul3A_2244 : i32
      %dma_start3A_2246 = arith.constant 19 : i32
      %dma_start3A_2247 = arith.constant 19 : i32
      %dma_start3A_2248 = arith.constant 19 : i32
      %dma_start3A_2249 = tpu.memref_slice %arg12[%rem3A_3, %dma_start3A_2248] : memref<2x64x!tpu.dma_semaphore, #tpu.memory_space<semaphore_mem>> -> memref<1x1x!tpu.dma_semaphore, #tpu.memory_space<semaphore_mem>>
      %dma_start3A_2250 = tpu.memref_squeeze %dma_start3A_2249 : memref<1x1x!tpu.dma_semaphore, #tpu.memory_space<semaphore_mem>> -> memref<!tpu.dma_semaphore, #tpu.memory_space<semaphore_mem>>
      %dma_start3A_2251 = arith.constant 0 : i32
      %dma_start3A_2252 = arith.constant 0 : i32
      %dma_start3A_2253 = arith.constant 0 : i32
      %dma_start3A_2254 = tpu.memref_slice %arg11[%rem3A_3, %dma_start3A_2247, %dma_start3A_2251, %dma_start3A_2252, %dma_start3A_2253] : memref<2x64x8x16x128xf32, #tpu.memory_space<vmem>> -> memref<1x1x8x16x128xf32, #tpu.memory_space<vmem>>
      %dma_start3A_2255 = tpu.memref_squeeze %dma_start3A_2254 : memref<1x1x8x16x128xf32, #tpu.memory_space<vmem>> -> memref<8x16x128xf32, #tpu.memory_space<vmem>>
      %dma_start3A_2256 = arith.constant 0 : i32
      %dma_start3A_2257 = arith.constant 0 : i32
      %dma_start3A_2258 = tpu.memref_slice %arg1[%mul3A_2245, %dma_start3A_2246, %dma_start3A_2256, %dma_start3A_2257] : memref<512x64x16x128xf32, #tpu.memory_space<hbm>> -> memref<8x1x16x128xf32, #tpu.memory_space<hbm>>
      %dma_start3A_2259 = tpu.memref_squeeze %dma_start3A_2258 : memref<8x1x16x128xf32, #tpu.memory_space<hbm>> -> memref<8x16x128xf32, #tpu.memory_space<hbm>>
      tpu.enqueue_dma source(%dma_start3A_2259 : memref<8x16x128xf32, #tpu.memory_space<hbm>>) target(%dma_start3A_2255 : memref<8x16x128xf32, #tpu.memory_space<vmem>>) target_semaphore(%dma_start3A_2250 : memref<!tpu.dma_semaphore, #tpu.memory_space<semaphore_mem>>)
      %mul3A_2260 = arith.constant 8 : i32
      %mul3A_2261 = arith.muli %add3A_1940, %mul3A_2260 : i32
      %dma_start3A_2262 = arith.constant 20 : i32
      %dma_start3A_2263 = arith.constant 20 : i32
      %dma_start3A_2264 = arith.constant 20 : i32
      %dma_start3A_2265 = tpu.memref_slice %arg12[%rem3A_3, %dma_start3A_2264] : memref<2x64x!tpu.dma_semaphore, #tpu.memory_space<semaphore_mem>> -> memref<1x1x!tpu.dma_semaphore, #tpu.memory_space<semaphore_mem>>
      %dma_start3A_2266 = tpu.memref_squeeze %dma_start3A_2265 : memref<1x1x!tpu.dma_semaphore, #tpu.memory_space<semaphore_mem>> -> memref<!tpu.dma_semaphore, #tpu.memory_space<semaphore_mem>>
      %dma_start3A_2267 = arith.constant 0 : i32
      %dma_start3A_2268 = arith.constant 0 : i32
      %dma_start3A_2269 = arith.constant 0 : i32
      %dma_start3A_2270 = tpu.memref_slice %arg11[%rem3A_3, %dma_start3A_2263, %dma_start3A_2267, %dma_start3A_2268, %dma_start3A_2269] : memref<2x64x8x16x128xf32, #tpu.memory_space<vmem>> -> memref<1x1x8x16x128xf32, #tpu.memory_space<vmem>>
      %dma_start3A_2271 = tpu.memref_squeeze %dma_start3A_2270 : memref<1x1x8x16x128xf32, #tpu.memory_space<vmem>> -> memref<8x16x128xf32, #tpu.memory_space<vmem>>
      %dma_start3A_2272 = arith.constant 0 : i32
      %dma_start3A_2273 = arith.constant 0 : i32
      %dma_start3A_2274 = tpu.memref_slice %arg1[%mul3A_2261, %dma_start3A_2262, %dma_start3A_2272, %dma_start3A_2273] : memref<512x64x16x128xf32, #tpu.memory_space<hbm>> -> memref<8x1x16x128xf32, #tpu.memory_space<hbm>>
      %dma_start3A_2275 = tpu.memref_squeeze %dma_start3A_2274 : memref<8x1x16x128xf32, #tpu.memory_space<hbm>> -> memref<8x16x128xf32, #tpu.memory_space<hbm>>
      tpu.enqueue_dma source(%dma_start3A_2275 : memref<8x16x128xf32, #tpu.memory_space<hbm>>) target(%dma_start3A_2271 : memref<8x16x128xf32, #tpu.memory_space<vmem>>) target_semaphore(%dma_start3A_2266 : memref<!tpu.dma_semaphore, #tpu.memory_space<semaphore_mem>>)
      %mul3A_2276 = arith.constant 8 : i32
      %mul3A_2277 = arith.muli %add3A_1940, %mul3A_2276 : i32
      %dma_start3A_2278 = arith.constant 21 : i32
      %dma_start3A_2279 = arith.constant 21 : i32
      %dma_start3A_2280 = arith.constant 21 : i32
      %dma_start3A_2281 = tpu.memref_slice %arg12[%rem3A_3, %dma_start3A_2280] : memref<2x64x!tpu.dma_semaphore, #tpu.memory_space<semaphore_mem>> -> memref<1x1x!tpu.dma_semaphore, #tpu.memory_space<semaphore_mem>>
      %dma_start3A_2282 = tpu.memref_squeeze %dma_start3A_2281 : memref<1x1x!tpu.dma_semaphore, #tpu.memory_space<semaphore_mem>> -> memref<!tpu.dma_semaphore, #tpu.memory_space<semaphore_mem>>
      %dma_start3A_2283 = arith.constant 0 : i32
      %dma_start3A_2284 = arith.constant 0 : i32
      %dma_start3A_2285 = arith.constant 0 : i32
      %dma_start3A_2286 = tpu.memref_slice %arg11[%rem3A_3, %dma_start3A_2279, %dma_start3A_2283, %dma_start3A_2284, %dma_start3A_2285] : memref<2x64x8x16x128xf32, #tpu.memory_space<vmem>> -> memref<1x1x8x16x128xf32, #tpu.memory_space<vmem>>
      %dma_start3A_2287 = tpu.memref_squeeze %dma_start3A_2286 : memref<1x1x8x16x128xf32, #tpu.memory_space<vmem>> -> memref<8x16x128xf32, #tpu.memory_space<vmem>>
      %dma_start3A_2288 = arith.constant 0 : i32
      %dma_start3A_2289 = arith.constant 0 : i32
      %dma_start3A_2290 = tpu.memref_slice %arg1[%mul3A_2277, %dma_start3A_2278, %dma_start3A_2288, %dma_start3A_2289] : memref<512x64x16x128xf32, #tpu.memory_space<hbm>> -> memref<8x1x16x128xf32, #tpu.memory_space<hbm>>
      %dma_start3A_2291 = tpu.memref_squeeze %dma_start3A_2290 : memref<8x1x16x128xf32, #tpu.memory_space<hbm>> -> memref<8x16x128xf32, #tpu.memory_space<hbm>>
      tpu.enqueue_dma source(%dma_start3A_2291 : memref<8x16x128xf32, #tpu.memory_space<hbm>>) target(%dma_start3A_2287 : memref<8x16x128xf32, #tpu.memory_space<vmem>>) target_semaphore(%dma_start3A_2282 : memref<!tpu.dma_semaphore, #tpu.memory_space<semaphore_mem>>)
      %mul3A_2292 = arith.constant 8 : i32
      %mul3A_2293 = arith.muli %add3A_1940, %mul3A_2292 : i32
      %dma_start3A_2294 = arith.constant 22 : i32
      %dma_start3A_2295 = arith.constant 22 : i32
      %dma_start3A_2296 = arith.constant 22 : i32
      %dma_start3A_2297 = tpu.memref_slice %arg12[%rem3A_3, %dma_start3A_2296] : memref<2x64x!tpu.dma_semaphore, #tpu.memory_space<semaphore_mem>> -> memref<1x1x!tpu.dma_semaphore, #tpu.memory_space<semaphore_mem>>
      %dma_start3A_2298 = tpu.memref_squeeze %dma_start3A_2297 : memref<1x1x!tpu.dma_semaphore, #tpu.memory_space<semaphore_mem>> -> memref<!tpu.dma_semaphore, #tpu.memory_space<semaphore_mem>>
      %dma_start3A_2299 = arith.constant 0 : i32
      %dma_start3A_2300 = arith.constant 0 : i32
      %dma_start3A_2301 = arith.constant 0 : i32
      %dma_start3A_2302 = tpu.memref_slice %arg11[%rem3A_3, %dma_start3A_2295, %dma_start3A_2299, %dma_start3A_2300, %dma_start3A_2301] : memref<2x64x8x16x128xf32, #tpu.memory_space<vmem>> -> memref<1x1x8x16x128xf32, #tpu.memory_space<vmem>>
      %dma_start3A_2303 = tpu.memref_squeeze %dma_start3A_2302 : memref<1x1x8x16x128xf32, #tpu.memory_space<vmem>> -> memref<8x16x128xf32, #tpu.memory_space<vmem>>
      %dma_start3A_2304 = arith.constant 0 : i32
      %dma_start3A_2305 = arith.constant 0 : i32
      %dma_start3A_2306 = tpu.memref_slice %arg1[%mul3A_2293, %dma_start3A_2294, %dma_start3A_2304, %dma_start3A_2305] : memref<512x64x16x128xf32, #tpu.memory_space<hbm>> -> memref<8x1x16x128xf32, #tpu.memory_space<hbm>>
      %dma_start3A_2307 = tpu.memref_squeeze %dma_start3A_2306 : memref<8x1x16x128xf32, #tpu.memory_space<hbm>> -> memref<8x16x128xf32, #tpu.memory_space<hbm>>
      tpu.enqueue_dma source(%dma_start3A_2307 : memref<8x16x128xf32, #tpu.memory_space<hbm>>) target(%dma_start3A_2303 : memref<8x16x128xf32, #tpu.memory_space<vmem>>) target_semaphore(%dma_start3A_2298 : memref<!tpu.dma_semaphore, #tpu.memory_space<semaphore_mem>>)
      %mul3A_2308 = arith.constant 8 : i32
      %mul3A_2309 = arith.muli %add3A_1940, %mul3A_2308 : i32
      %dma_start3A_2310 = arith.constant 23 : i32
      %dma_start3A_2311 = arith.constant 23 : i32
      %dma_start3A_2312 = arith.constant 23 : i32
      %dma_start3A_2313 = tpu.memref_slice %arg12[%rem3A_3, %dma_start3A_2312] : memref<2x64x!tpu.dma_semaphore, #tpu.memory_space<semaphore_mem>> -> memref<1x1x!tpu.dma_semaphore, #tpu.memory_space<semaphore_mem>>
      %dma_start3A_2314 = tpu.memref_squeeze %dma_start3A_2313 : memref<1x1x!tpu.dma_semaphore, #tpu.memory_space<semaphore_mem>> -> memref<!tpu.dma_semaphore, #tpu.memory_space<semaphore_mem>>
      %dma_start3A_2315 = arith.constant 0 : i32
      %dma_start3A_2316 = arith.constant 0 : i32
      %dma_start3A_2317 = arith.constant 0 : i32
      %dma_start3A_2318 = tpu.memref_slice %arg11[%rem3A_3, %dma_start3A_2311, %dma_start3A_2315, %dma_start3A_2316, %dma_start3A_2317] : memref<2x64x8x16x128xf32, #tpu.memory_space<vmem>> -> memref<1x1x8x16x128xf32, #tpu.memory_space<vmem>>
      %dma_start3A_2319 = tpu.memref_squeeze %dma_start3A_2318 : memref<1x1x8x16x128xf32, #tpu.memory_space<vmem>> -> memref<8x16x128xf32, #tpu.memory_space<vmem>>
      %dma_start3A_2320 = arith.constant 0 : i32
      %dma_start3A_2321 = arith.constant 0 : i32
      %dma_start3A_2322 = tpu.memref_slice %arg1[%mul3A_2309, %dma_start3A_2310, %dma_start3A_2320, %dma_start3A_2321] : memref<512x64x16x128xf32, #tpu.memory_space<hbm>> -> memref<8x1x16x128xf32, #tpu.memory_space<hbm>>
      %dma_start3A_2323 = tpu.memref_squeeze %dma_start3A_2322 : memref<8x1x16x128xf32, #tpu.memory_space<hbm>> -> memref<8x16x128xf32, #tpu.memory_space<hbm>>
      tpu.enqueue_dma source(%dma_start3A_2323 : memref<8x16x128xf32, #tpu.memory_space<hbm>>) target(%dma_start3A_2319 : memref<8x16x128xf32, #tpu.memory_space<vmem>>) target_semaphore(%dma_start3A_2314 : memref<!tpu.dma_semaphore, #tpu.memory_space<semaphore_mem>>)
      %mul3A_2324 = arith.constant 8 : i32
      %mul3A_2325 = arith.muli %add3A_1940, %mul3A_2324 : i32
      %dma_start3A_2326 = arith.constant 24 : i32
      %dma_start3A_2327 = arith.constant 24 : i32
      %dma_start3A_2328 = arith.constant 24 : i32
      %dma_start3A_2329 = tpu.memref_slice %arg12[%rem3A_3, %dma_start3A_2328] : memref<2x64x!tpu.dma_semaphore, #tpu.memory_space<semaphore_mem>> -> memref<1x1x!tpu.dma_semaphore, #tpu.memory_space<semaphore_mem>>
      %dma_start3A_2330 = tpu.memref_squeeze %dma_start3A_2329 : memref<1x1x!tpu.dma_semaphore, #tpu.memory_space<semaphore_mem>> -> memref<!tpu.dma_semaphore, #tpu.memory_space<semaphore_mem>>
      %dma_start3A_2331 = arith.constant 0 : i32
      %dma_start3A_2332 = arith.constant 0 : i32
      %dma_start3A_2333 = arith.constant 0 : i32
      %dma_start3A_2334 = tpu.memref_slice %arg11[%rem3A_3, %dma_start3A_2327, %dma_start3A_2331, %dma_start3A_2332, %dma_start3A_2333] : memref<2x64x8x16x128xf32, #tpu.memory_space<vmem>> -> memref<1x1x8x16x128xf32, #tpu.memory_space<vmem>>
      %dma_start3A_2335 = tpu.memref_squeeze %dma_start3A_2334 : memref<1x1x8x16x128xf32, #tpu.memory_space<vmem>> -> memref<8x16x128xf32, #tpu.memory_space<vmem>>
      %dma_start3A_2336 = arith.constant 0 : i32
      %dma_start3A_2337 = arith.constant 0 : i32
      %dma_start3A_2338 = tpu.memref_slice %arg1[%mul3A_2325, %dma_start3A_2326, %dma_start3A_2336, %dma_start3A_2337] : memref<512x64x16x128xf32, #tpu.memory_space<hbm>> -> memref<8x1x16x128xf32, #tpu.memory_space<hbm>>
      %dma_start3A_2339 = tpu.memref_squeeze %dma_start3A_2338 : memref<8x1x16x128xf32, #tpu.memory_space<hbm>> -> memref<8x16x128xf32, #tpu.memory_space<hbm>>
      tpu.enqueue_dma source(%dma_start3A_2339 : memref<8x16x128xf32, #tpu.memory_space<hbm>>) target(%dma_start3A_2335 : memref<8x16x128xf32, #tpu.memory_space<vmem>>) target_semaphore(%dma_start3A_2330 : memref<!tpu.dma_semaphore, #tpu.memory_space<semaphore_mem>>)
      %mul3A_2340 = arith.constant 8 : i32
      %mul3A_2341 = arith.muli %add3A_1940, %mul3A_2340 : i32
      %dma_start3A_2342 = arith.constant 25 : i32
      %dma_start3A_2343 = arith.constant 25 : i32
      %dma_start3A_2344 = arith.constant 25 : i32
      %dma_start3A_2345 = tpu.memref_slice %arg12[%rem3A_3, %dma_start3A_2344] : memref<2x64x!tpu.dma_semaphore, #tpu.memory_space<semaphore_mem>> -> memref<1x1x!tpu.dma_semaphore, #tpu.memory_space<semaphore_mem>>
      %dma_start3A_2346 = tpu.memref_squeeze %dma_start3A_2345 : memref<1x1x!tpu.dma_semaphore, #tpu.memory_space<semaphore_mem>> -> memref<!tpu.dma_semaphore, #tpu.memory_space<semaphore_mem>>
      %dma_start3A_2347 = arith.constant 0 : i32
      %dma_start3A_2348 = arith.constant 0 : i32
      %dma_start3A_2349 = arith.constant 0 : i32
      %dma_start3A_2350 = tpu.memref_slice %arg11[%rem3A_3, %dma_start3A_2343, %dma_start3A_2347, %dma_start3A_2348, %dma_start3A_2349] : memref<2x64x8x16x128xf32, #tpu.memory_space<vmem>> -> memref<1x1x8x16x128xf32, #tpu.memory_space<vmem>>
      %dma_start3A_2351 = tpu.memref_squeeze %dma_start3A_2350 : memref<1x1x8x16x128xf32, #tpu.memory_space<vmem>> -> memref<8x16x128xf32, #tpu.memory_space<vmem>>
      %dma_start3A_2352 = arith.constant 0 : i32
      %dma_start3A_2353 = arith.constant 0 : i32
      %dma_start3A_2354 = tpu.memref_slice %arg1[%mul3A_2341, %dma_start3A_2342, %dma_start3A_2352, %dma_start3A_2353] : memref<512x64x16x128xf32, #tpu.memory_space<hbm>> -> memref<8x1x16x128xf32, #tpu.memory_space<hbm>>
      %dma_start3A_2355 = tpu.memref_squeeze %dma_start3A_2354 : memref<8x1x16x128xf32, #tpu.memory_space<hbm>> -> memref<8x16x128xf32, #tpu.memory_space<hbm>>
      tpu.enqueue_dma source(%dma_start3A_2355 : memref<8x16x128xf32, #tpu.memory_space<hbm>>) target(%dma_start3A_2351 : memref<8x16x128xf32, #tpu.memory_space<vmem>>) target_semaphore(%dma_start3A_2346 : memref<!tpu.dma_semaphore, #tpu.memory_space<semaphore_mem>>)
      %mul3A_2356 = arith.constant 8 : i32
      %mul3A_2357 = arith.muli %add3A_1940, %mul3A_2356 : i32
      %dma_start3A_2358 = arith.constant 26 : i32
      %dma_start3A_2359 = arith.constant 26 : i32
      %dma_start3A_2360 = arith.constant 26 : i32
      %dma_start3A_2361 = tpu.memref_slice %arg12[%rem3A_3, %dma_start3A_2360] : memref<2x64x!tpu.dma_semaphore, #tpu.memory_space<semaphore_mem>> -> memref<1x1x!tpu.dma_semaphore, #tpu.memory_space<semaphore_mem>>
      %dma_start3A_2362 = tpu.memref_squeeze %dma_start3A_2361 : memref<1x1x!tpu.dma_semaphore, #tpu.memory_space<semaphore_mem>> -> memref<!tpu.dma_semaphore, #tpu.memory_space<semaphore_mem>>
      %dma_start3A_2363 = arith.constant 0 : i32
      %dma_start3A_2364 = arith.constant 0 : i32
      %dma_start3A_2365 = arith.constant 0 : i32
      %dma_start3A_2366 = tpu.memref_slice %arg11[%rem3A_3, %dma_start3A_2359, %dma_start3A_2363, %dma_start3A_2364, %dma_start3A_2365] : memref<2x64x8x16x128xf32, #tpu.memory_space<vmem>> -> memref<1x1x8x16x128xf32, #tpu.memory_space<vmem>>
      %dma_start3A_2367 = tpu.memref_squeeze %dma_start3A_2366 : memref<1x1x8x16x128xf32, #tpu.memory_space<vmem>> -> memref<8x16x128xf32, #tpu.memory_space<vmem>>
      %dma_start3A_2368 = arith.constant 0 : i32
      %dma_start3A_2369 = arith.constant 0 : i32
      %dma_start3A_2370 = tpu.memref_slice %arg1[%mul3A_2357, %dma_start3A_2358, %dma_start3A_2368, %dma_start3A_2369] : memref<512x64x16x128xf32, #tpu.memory_space<hbm>> -> memref<8x1x16x128xf32, #tpu.memory_space<hbm>>
      %dma_start3A_2371 = tpu.memref_squeeze %dma_start3A_2370 : memref<8x1x16x128xf32, #tpu.memory_space<hbm>> -> memref<8x16x128xf32, #tpu.memory_space<hbm>>
      tpu.enqueue_dma source(%dma_start3A_2371 : memref<8x16x128xf32, #tpu.memory_space<hbm>>) target(%dma_start3A_2367 : memref<8x16x128xf32, #tpu.memory_space<vmem>>) target_semaphore(%dma_start3A_2362 : memref<!tpu.dma_semaphore, #tpu.memory_space<semaphore_mem>>)
      %mul3A_2372 = arith.constant 8 : i32
      %mul3A_2373 = arith.muli %add3A_1940, %mul3A_2372 : i32
      %dma_start3A_2374 = arith.constant 27 : i32
      %dma_start3A_2375 = arith.constant 27 : i32
      %dma_start3A_2376 = arith.constant 27 : i32
      %dma_start3A_2377 = tpu.memref_slice %arg12[%rem3A_3, %dma_start3A_2376] : memref<2x64x!tpu.dma_semaphore, #tpu.memory_space<semaphore_mem>> -> memref<1x1x!tpu.dma_semaphore, #tpu.memory_space<semaphore_mem>>
      %dma_start3A_2378 = tpu.memref_squeeze %dma_start3A_2377 : memref<1x1x!tpu.dma_semaphore, #tpu.memory_space<semaphore_mem>> -> memref<!tpu.dma_semaphore, #tpu.memory_space<semaphore_mem>>
      %dma_start3A_2379 = arith.constant 0 : i32
      %dma_start3A_2380 = arith.constant 0 : i32
      %dma_start3A_2381 = arith.constant 0 : i32
      %dma_start3A_2382 = tpu.memref_slice %arg11[%rem3A_3, %dma_start3A_2375, %dma_start3A_2379, %dma_start3A_2380, %dma_start3A_2381] : memref<2x64x8x16x128xf32, #tpu.memory_space<vmem>> -> memref<1x1x8x16x128xf32, #tpu.memory_space<vmem>>
      %dma_start3A_2383 = tpu.memref_squeeze %dma_start3A_2382 : memref<1x1x8x16x128xf32, #tpu.memory_space<vmem>> -> memref<8x16x128xf32, #tpu.memory_space<vmem>>
      %dma_start3A_2384 = arith.constant 0 : i32
      %dma_start3A_2385 = arith.constant 0 : i32
      %dma_start3A_2386 = tpu.memref_slice %arg1[%mul3A_2373, %dma_start3A_2374, %dma_start3A_2384, %dma_start3A_2385] : memref<512x64x16x128xf32, #tpu.memory_space<hbm>> -> memref<8x1x16x128xf32, #tpu.memory_space<hbm>>
      %dma_start3A_2387 = tpu.memref_squeeze %dma_start3A_2386 : memref<8x1x16x128xf32, #tpu.memory_space<hbm>> -> memref<8x16x128xf32, #tpu.memory_space<hbm>>
      tpu.enqueue_dma source(%dma_start3A_2387 : memref<8x16x128xf32, #tpu.memory_space<hbm>>) target(%dma_start3A_2383 : memref<8x16x128xf32, #tpu.memory_space<vmem>>) target_semaphore(%dma_start3A_2378 : memref<!tpu.dma_semaphore, #tpu.memory_space<semaphore_mem>>)
      %mul3A_2388 = arith.constant 8 : i32
      %mul3A_2389 = arith.muli %add3A_1940, %mul3A_2388 : i32
      %dma_start3A_2390 = arith.constant 28 : i32
      %dma_start3A_2391 = arith.constant 28 : i32
      %dma_start3A_2392 = arith.constant 28 : i32
      %dma_start3A_2393 = tpu.memref_slice %arg12[%rem3A_3, %dma_start3A_2392] : memref<2x64x!tpu.dma_semaphore, #tpu.memory_space<semaphore_mem>> -> memref<1x1x!tpu.dma_semaphore, #tpu.memory_space<semaphore_mem>>
      %dma_start3A_2394 = tpu.memref_squeeze %dma_start3A_2393 : memref<1x1x!tpu.dma_semaphore, #tpu.memory_space<semaphore_mem>> -> memref<!tpu.dma_semaphore, #tpu.memory_space<semaphore_mem>>
      %dma_start3A_2395 = arith.constant 0 : i32
      %dma_start3A_2396 = arith.constant 0 : i32
      %dma_start3A_2397 = arith.constant 0 : i32
      %dma_start3A_2398 = tpu.memref_slice %arg11[%rem3A_3, %dma_start3A_2391, %dma_start3A_2395, %dma_start3A_2396, %dma_start3A_2397] : memref<2x64x8x16x128xf32, #tpu.memory_space<vmem>> -> memref<1x1x8x16x128xf32, #tpu.memory_space<vmem>>
      %dma_start3A_2399 = tpu.memref_squeeze %dma_start3A_2398 : memref<1x1x8x16x128xf32, #tpu.memory_space<vmem>> -> memref<8x16x128xf32, #tpu.memory_space<vmem>>
      %dma_start3A_2400 = arith.constant 0 : i32
      %dma_start3A_2401 = arith.constant 0 : i32
      %dma_start3A_2402 = tpu.memref_slice %arg1[%mul3A_2389, %dma_start3A_2390, %dma_start3A_2400, %dma_start3A_2401] : memref<512x64x16x128xf32, #tpu.memory_space<hbm>> -> memref<8x1x16x128xf32, #tpu.memory_space<hbm>>
      %dma_start3A_2403 = tpu.memref_squeeze %dma_start3A_2402 : memref<8x1x16x128xf32, #tpu.memory_space<hbm>> -> memref<8x16x128xf32, #tpu.memory_space<hbm>>
      tpu.enqueue_dma source(%dma_start3A_2403 : memref<8x16x128xf32, #tpu.memory_space<hbm>>) target(%dma_start3A_2399 : memref<8x16x128xf32, #tpu.memory_space<vmem>>) target_semaphore(%dma_start3A_2394 : memref<!tpu.dma_semaphore, #tpu.memory_space<semaphore_mem>>)
      %mul3A_2404 = arith.constant 8 : i32
      %mul3A_2405 = arith.muli %add3A_1940, %mul3A_2404 : i32
      %dma_start3A_2406 = arith.constant 29 : i32
      %dma_start3A_2407 = arith.constant 29 : i32
      %dma_start3A_2408 = arith.constant 29 : i32
      %dma_start3A_2409 = tpu.memref_slice %arg12[%rem3A_3, %dma_start3A_2408] : memref<2x64x!tpu.dma_semaphore, #tpu.memory_space<semaphore_mem>> -> memref<1x1x!tpu.dma_semaphore, #tpu.memory_space<semaphore_mem>>
      %dma_start3A_2410 = tpu.memref_squeeze %dma_start3A_2409 : memref<1x1x!tpu.dma_semaphore, #tpu.memory_space<semaphore_mem>> -> memref<!tpu.dma_semaphore, #tpu.memory_space<semaphore_mem>>
      %dma_start3A_2411 = arith.constant 0 : i32
      %dma_start3A_2412 = arith.constant 0 : i32
      %dma_start3A_2413 = arith.constant 0 : i32
      %dma_start3A_2414 = tpu.memref_slice %arg11[%rem3A_3, %dma_start3A_2407, %dma_start3A_2411, %dma_start3A_2412, %dma_start3A_2413] : memref<2x64x8x16x128xf32, #tpu.memory_space<vmem>> -> memref<1x1x8x16x128xf32, #tpu.memory_space<vmem>>
      %dma_start3A_2415 = tpu.memref_squeeze %dma_start3A_2414 : memref<1x1x8x16x128xf32, #tpu.memory_space<vmem>> -> memref<8x16x128xf32, #tpu.memory_space<vmem>>
      %dma_start3A_2416 = arith.constant 0 : i32
      %dma_start3A_2417 = arith.constant 0 : i32
      %dma_start3A_2418 = tpu.memref_slice %arg1[%mul3A_2405, %dma_start3A_2406, %dma_start3A_2416, %dma_start3A_2417] : memref<512x64x16x128xf32, #tpu.memory_space<hbm>> -> memref<8x1x16x128xf32, #tpu.memory_space<hbm>>
      %dma_start3A_2419 = tpu.memref_squeeze %dma_start3A_2418 : memref<8x1x16x128xf32, #tpu.memory_space<hbm>> -> memref<8x16x128xf32, #tpu.memory_space<hbm>>
      tpu.enqueue_dma source(%dma_start3A_2419 : memref<8x16x128xf32, #tpu.memory_space<hbm>>) target(%dma_start3A_2415 : memref<8x16x128xf32, #tpu.memory_space<vmem>>) target_semaphore(%dma_start3A_2410 : memref<!tpu.dma_semaphore, #tpu.memory_space<semaphore_mem>>)
      %mul3A_2420 = arith.constant 8 : i32
      %mul3A_2421 = arith.muli %add3A_1940, %mul3A_2420 : i32
      %dma_start3A_2422 = arith.constant 30 : i32
      %dma_start3A_2423 = arith.constant 30 : i32
      %dma_start3A_2424 = arith.constant 30 : i32
      %dma_start3A_2425 = tpu.memref_slice %arg12[%rem3A_3, %dma_start3A_2424] : memref<2x64x!tpu.dma_semaphore, #tpu.memory_space<semaphore_mem>> -> memref<1x1x!tpu.dma_semaphore, #tpu.memory_space<semaphore_mem>>
      %dma_start3A_2426 = tpu.memref_squeeze %dma_start3A_2425 : memref<1x1x!tpu.dma_semaphore, #tpu.memory_space<semaphore_mem>> -> memref<!tpu.dma_semaphore, #tpu.memory_space<semaphore_mem>>
      %dma_start3A_2427 = arith.constant 0 : i32
      %dma_start3A_2428 = arith.constant 0 : i32
      %dma_start3A_2429 = arith.constant 0 : i32
      %dma_start3A_2430 = tpu.memref_slice %arg11[%rem3A_3, %dma_start3A_2423, %dma_start3A_2427, %dma_start3A_2428, %dma_start3A_2429] : memref<2x64x8x16x128xf32, #tpu.memory_space<vmem>> -> memref<1x1x8x16x128xf32, #tpu.memory_space<vmem>>
      %dma_start3A_2431 = tpu.memref_squeeze %dma_start3A_2430 : memref<1x1x8x16x128xf32, #tpu.memory_space<vmem>> -> memref<8x16x128xf32, #tpu.memory_space<vmem>>
      %dma_start3A_2432 = arith.constant 0 : i32
      %dma_start3A_2433 = arith.constant 0 : i32
      %dma_start3A_2434 = tpu.memref_slice %arg1[%mul3A_2421, %dma_start3A_2422, %dma_start3A_2432, %dma_start3A_2433] : memref<512x64x16x128xf32, #tpu.memory_space<hbm>> -> memref<8x1x16x128xf32, #tpu.memory_space<hbm>>
      %dma_start3A_2435 = tpu.memref_squeeze %dma_start3A_2434 : memref<8x1x16x128xf32, #tpu.memory_space<hbm>> -> memref<8x16x128xf32, #tpu.memory_space<hbm>>
      tpu.enqueue_dma source(%dma_start3A_2435 : memref<8x16x128xf32, #tpu.memory_space<hbm>>) target(%dma_start3A_2431 : memref<8x16x128xf32, #tpu.memory_space<vmem>>) target_semaphore(%dma_start3A_2426 : memref<!tpu.dma_semaphore, #tpu.memory_space<semaphore_mem>>)
      %mul3A_2436 = arith.constant 8 : i32
      %mul3A_2437 = arith.muli %add3A_1940, %mul3A_2436 : i32
      %dma_start3A_2438 = arith.constant 31 : i32
      %dma_start3A_2439 = arith.constant 31 : i32
      %dma_start3A_2440 = arith.constant 31 : i32
      %dma_start3A_2441 = tpu.memref_slice %arg12[%rem3A_3, %dma_start3A_2440] : memref<2x64x!tpu.dma_semaphore, #tpu.memory_space<semaphore_mem>> -> memref<1x1x!tpu.dma_semaphore, #tpu.memory_space<semaphore_mem>>
      %dma_start3A_2442 = tpu.memref_squeeze %dma_start3A_2441 : memref<1x1x!tpu.dma_semaphore, #tpu.memory_space<semaphore_mem>> -> memref<!tpu.dma_semaphore, #tpu.memory_space<semaphore_mem>>
      %dma_start3A_2443 = arith.constant 0 : i32
      %dma_start3A_2444 = arith.constant 0 : i32
      %dma_start3A_2445 = arith.constant 0 : i32
      %dma_start3A_2446 = tpu.memref_slice %arg11[%rem3A_3, %dma_start3A_2439, %dma_start3A_2443, %dma_start3A_2444, %dma_start3A_2445] : memref<2x64x8x16x128xf32, #tpu.memory_space<vmem>> -> memref<1x1x8x16x128xf32, #tpu.memory_space<vmem>>
      %dma_start3A_2447 = tpu.memref_squeeze %dma_start3A_2446 : memref<1x1x8x16x128xf32, #tpu.memory_space<vmem>> -> memref<8x16x128xf32, #tpu.memory_space<vmem>>
      %dma_start3A_2448 = arith.constant 0 : i32
      %dma_start3A_2449 = arith.constant 0 : i32
      %dma_start3A_2450 = tpu.memref_slice %arg1[%mul3A_2437, %dma_start3A_2438, %dma_start3A_2448, %dma_start3A_2449] : memref<512x64x16x128xf32, #tpu.memory_space<hbm>> -> memref<8x1x16x128xf32, #tpu.memory_space<hbm>>
      %dma_start3A_2451 = tpu.memref_squeeze %dma_start3A_2450 : memref<8x1x16x128xf32, #tpu.memory_space<hbm>> -> memref<8x16x128xf32, #tpu.memory_space<hbm>>
      tpu.enqueue_dma source(%dma_start3A_2451 : memref<8x16x128xf32, #tpu.memory_space<hbm>>) target(%dma_start3A_2447 : memref<8x16x128xf32, #tpu.memory_space<vmem>>) target_semaphore(%dma_start3A_2442 : memref<!tpu.dma_semaphore, #tpu.memory_space<semaphore_mem>>)
      %mul3A_2452 = arith.constant 8 : i32
      %mul3A_2453 = arith.muli %add3A_1940, %mul3A_2452 : i32
      %dma_start3A_2454 = arith.constant 32 : i32
      %dma_start3A_2455 = arith.constant 32 : i32
      %dma_start3A_2456 = arith.constant 32 : i32
      %dma_start3A_2457 = tpu.memref_slice %arg12[%rem3A_3, %dma_start3A_2456] : memref<2x64x!tpu.dma_semaphore, #tpu.memory_space<semaphore_mem>> -> memref<1x1x!tpu.dma_semaphore, #tpu.memory_space<semaphore_mem>>
      %dma_start3A_2458 = tpu.memref_squeeze %dma_start3A_2457 : memref<1x1x!tpu.dma_semaphore, #tpu.memory_space<semaphore_mem>> -> memref<!tpu.dma_semaphore, #tpu.memory_space<semaphore_mem>>
      %dma_start3A_2459 = arith.constant 0 : i32
      %dma_start3A_2460 = arith.constant 0 : i32
      %dma_start3A_2461 = arith.constant 0 : i32
      %dma_start3A_2462 = tpu.memref_slice %arg11[%rem3A_3, %dma_start3A_2455, %dma_start3A_2459, %dma_start3A_2460, %dma_start3A_2461] : memref<2x64x8x16x128xf32, #tpu.memory_space<vmem>> -> memref<1x1x8x16x128xf32, #tpu.memory_space<vmem>>
      %dma_start3A_2463 = tpu.memref_squeeze %dma_start3A_2462 : memref<1x1x8x16x128xf32, #tpu.memory_space<vmem>> -> memref<8x16x128xf32, #tpu.memory_space<vmem>>
      %dma_start3A_2464 = arith.constant 0 : i32
      %dma_start3A_2465 = arith.constant 0 : i32
      %dma_start3A_2466 = tpu.memref_slice %arg1[%mul3A_2453, %dma_start3A_2454, %dma_start3A_2464, %dma_start3A_2465] : memref<512x64x16x128xf32, #tpu.memory_space<hbm>> -> memref<8x1x16x128xf32, #tpu.memory_space<hbm>>
      %dma_start3A_2467 = tpu.memref_squeeze %dma_start3A_2466 : memref<8x1x16x128xf32, #tpu.memory_space<hbm>> -> memref<8x16x128xf32, #tpu.memory_space<hbm>>
      tpu.enqueue_dma source(%dma_start3A_2467 : memref<8x16x128xf32, #tpu.memory_space<hbm>>) target(%dma_start3A_2463 : memref<8x16x128xf32, #tpu.memory_space<vmem>>) target_semaphore(%dma_start3A_2458 : memref<!tpu.dma_semaphore, #tpu.memory_space<semaphore_mem>>)
      %mul3A_2468 = arith.constant 8 : i32
      %mul3A_2469 = arith.muli %add3A_1940, %mul3A_2468 : i32
      %dma_start3A_2470 = arith.constant 33 : i32
      %dma_start3A_2471 = arith.constant 33 : i32
      %dma_start3A_2472 = arith.constant 33 : i32
      %dma_start3A_2473 = tpu.memref_slice %arg12[%rem3A_3, %dma_start3A_2472] : memref<2x64x!tpu.dma_semaphore, #tpu.memory_space<semaphore_mem>> -> memref<1x1x!tpu.dma_semaphore, #tpu.memory_space<semaphore_mem>>
      %dma_start3A_2474 = tpu.memref_squeeze %dma_start3A_2473 : memref<1x1x!tpu.dma_semaphore, #tpu.memory_space<semaphore_mem>> -> memref<!tpu.dma_semaphore, #tpu.memory_space<semaphore_mem>>
      %dma_start3A_2475 = arith.constant 0 : i32
      %dma_start3A_2476 = arith.constant 0 : i32
      %dma_start3A_2477 = arith.constant 0 : i32
      %dma_start3A_2478 = tpu.memref_slice %arg11[%rem3A_3, %dma_start3A_2471, %dma_start3A_2475, %dma_start3A_2476, %dma_start3A_2477] : memref<2x64x8x16x128xf32, #tpu.memory_space<vmem>> -> memref<1x1x8x16x128xf32, #tpu.memory_space<vmem>>
      %dma_start3A_2479 = tpu.memref_squeeze %dma_start3A_2478 : memref<1x1x8x16x128xf32, #tpu.memory_space<vmem>> -> memref<8x16x128xf32, #tpu.memory_space<vmem>>
      %dma_start3A_2480 = arith.constant 0 : i32
      %dma_start3A_2481 = arith.constant 0 : i32
      %dma_start3A_2482 = tpu.memref_slice %arg1[%mul3A_2469, %dma_start3A_2470, %dma_start3A_2480, %dma_start3A_2481] : memref<512x64x16x128xf32, #tpu.memory_space<hbm>> -> memref<8x1x16x128xf32, #tpu.memory_space<hbm>>
      %dma_start3A_2483 = tpu.memref_squeeze %dma_start3A_2482 : memref<8x1x16x128xf32, #tpu.memory_space<hbm>> -> memref<8x16x128xf32, #tpu.memory_space<hbm>>
      tpu.enqueue_dma source(%dma_start3A_2483 : memref<8x16x128xf32, #tpu.memory_space<hbm>>) target(%dma_start3A_2479 : memref<8x16x128xf32, #tpu.memory_space<vmem>>) target_semaphore(%dma_start3A_2474 : memref<!tpu.dma_semaphore, #tpu.memory_space<semaphore_mem>>)
      %mul3A_2484 = arith.constant 8 : i32
      %mul3A_2485 = arith.muli %add3A_1940, %mul3A_2484 : i32
      %dma_start3A_2486 = arith.constant 34 : i32
      %dma_start3A_2487 = arith.constant 34 : i32
      %dma_start3A_2488 = arith.constant 34 : i32
      %dma_start3A_2489 = tpu.memref_slice %arg12[%rem3A_3, %dma_start3A_2488] : memref<2x64x!tpu.dma_semaphore, #tpu.memory_space<semaphore_mem>> -> memref<1x1x!tpu.dma_semaphore, #tpu.memory_space<semaphore_mem>>
      %dma_start3A_2490 = tpu.memref_squeeze %dma_start3A_2489 : memref<1x1x!tpu.dma_semaphore, #tpu.memory_space<semaphore_mem>> -> memref<!tpu.dma_semaphore, #tpu.memory_space<semaphore_mem>>
      %dma_start3A_2491 = arith.constant 0 : i32
      %dma_start3A_2492 = arith.constant 0 : i32
      %dma_start3A_2493 = arith.constant 0 : i32
      %dma_start3A_2494 = tpu.memref_slice %arg11[%rem3A_3, %dma_start3A_2487, %dma_start3A_2491, %dma_start3A_2492, %dma_start3A_2493] : memref<2x64x8x16x128xf32, #tpu.memory_space<vmem>> -> memref<1x1x8x16x128xf32, #tpu.memory_space<vmem>>
      %dma_start3A_2495 = tpu.memref_squeeze %dma_start3A_2494 : memref<1x1x8x16x128xf32, #tpu.memory_space<vmem>> -> memref<8x16x128xf32, #tpu.memory_space<vmem>>
      %dma_start3A_2496 = arith.constant 0 : i32
      %dma_start3A_2497 = arith.constant 0 : i32
      %dma_start3A_2498 = tpu.memref_slice %arg1[%mul3A_2485, %dma_start3A_2486, %dma_start3A_2496, %dma_start3A_2497] : memref<512x64x16x128xf32, #tpu.memory_space<hbm>> -> memref<8x1x16x128xf32, #tpu.memory_space<hbm>>
      %dma_start3A_2499 = tpu.memref_squeeze %dma_start3A_2498 : memref<8x1x16x128xf32, #tpu.memory_space<hbm>> -> memref<8x16x128xf32, #tpu.memory_space<hbm>>
      tpu.enqueue_dma source(%dma_start3A_2499 : memref<8x16x128xf32, #tpu.memory_space<hbm>>) target(%dma_start3A_2495 : memref<8x16x128xf32, #tpu.memory_space<vmem>>) target_semaphore(%dma_start3A_2490 : memref<!tpu.dma_semaphore, #tpu.memory_space<semaphore_mem>>)
      %mul3A_2500 = arith.constant 8 : i32
      %mul3A_2501 = arith.muli %add3A_1940, %mul3A_2500 : i32
      %dma_start3A_2502 = arith.constant 35 : i32
      %dma_start3A_2503 = arith.constant 35 : i32
      %dma_start3A_2504 = arith.constant 35 : i32
      %dma_start3A_2505 = tpu.memref_slice %arg12[%rem3A_3, %dma_start3A_2504] : memref<2x64x!tpu.dma_semaphore, #tpu.memory_space<semaphore_mem>> -> memref<1x1x!tpu.dma_semaphore, #tpu.memory_space<semaphore_mem>>
      %dma_start3A_2506 = tpu.memref_squeeze %dma_start3A_2505 : memref<1x1x!tpu.dma_semaphore, #tpu.memory_space<semaphore_mem>> -> memref<!tpu.dma_semaphore, #tpu.memory_space<semaphore_mem>>
      %dma_start3A_2507 = arith.constant 0 : i32
      %dma_start3A_2508 = arith.constant 0 : i32
      %dma_start3A_2509 = arith.constant 0 : i32
      %dma_start3A_2510 = tpu.memref_slice %arg11[%rem3A_3, %dma_start3A_2503, %dma_start3A_2507, %dma_start3A_2508, %dma_start3A_2509] : memref<2x64x8x16x128xf32, #tpu.memory_space<vmem>> -> memref<1x1x8x16x128xf32, #tpu.memory_space<vmem>>
      %dma_start3A_2511 = tpu.memref_squeeze %dma_start3A_2510 : memref<1x1x8x16x128xf32, #tpu.memory_space<vmem>> -> memref<8x16x128xf32, #tpu.memory_space<vmem>>
      %dma_start3A_2512 = arith.constant 0 : i32
      %dma_start3A_2513 = arith.constant 0 : i32
      %dma_start3A_2514 = tpu.memref_slice %arg1[%mul3A_2501, %dma_start3A_2502, %dma_start3A_2512, %dma_start3A_2513] : memref<512x64x16x128xf32, #tpu.memory_space<hbm>> -> memref<8x1x16x128xf32, #tpu.memory_space<hbm>>
      %dma_start3A_2515 = tpu.memref_squeeze %dma_start3A_2514 : memref<8x1x16x128xf32, #tpu.memory_space<hbm>> -> memref<8x16x128xf32, #tpu.memory_space<hbm>>
      tpu.enqueue_dma source(%dma_start3A_2515 : memref<8x16x128xf32, #tpu.memory_space<hbm>>) target(%dma_start3A_2511 : memref<8x16x128xf32, #tpu.memory_space<vmem>>) target_semaphore(%dma_start3A_2506 : memref<!tpu.dma_semaphore, #tpu.memory_space<semaphore_mem>>)
      %mul3A_2516 = arith.constant 8 : i32
      %mul3A_2517 = arith.muli %add3A_1940, %mul3A_2516 : i32
      %dma_start3A_2518 = arith.constant 36 : i32
      %dma_start3A_2519 = arith.constant 36 : i32
      %dma_start3A_2520 = arith.constant 36 : i32
      %dma_start3A_2521 = tpu.memref_slice %arg12[%rem3A_3, %dma_start3A_2520] : memref<2x64x!tpu.dma_semaphore, #tpu.memory_space<semaphore_mem>> -> memref<1x1x!tpu.dma_semaphore, #tpu.memory_space<semaphore_mem>>
      %dma_start3A_2522 = tpu.memref_squeeze %dma_start3A_2521 : memref<1x1x!tpu.dma_semaphore, #tpu.memory_space<semaphore_mem>> -> memref<!tpu.dma_semaphore, #tpu.memory_space<semaphore_mem>>
      %dma_start3A_2523 = arith.constant 0 : i32
      %dma_start3A_2524 = arith.constant 0 : i32
      %dma_start3A_2525 = arith.constant 0 : i32
      %dma_start3A_2526 = tpu.memref_slice %arg11[%rem3A_3, %dma_start3A_2519, %dma_start3A_2523, %dma_start3A_2524, %dma_start3A_2525] : memref<2x64x8x16x128xf32, #tpu.memory_space<vmem>> -> memref<1x1x8x16x128xf32, #tpu.memory_space<vmem>>
      %dma_start3A_2527 = tpu.memref_squeeze %dma_start3A_2526 : memref<1x1x8x16x128xf32, #tpu.memory_space<vmem>> -> memref<8x16x128xf32, #tpu.memory_space<vmem>>
      %dma_start3A_2528 = arith.constant 0 : i32
      %dma_start3A_2529 = arith.constant 0 : i32
      %dma_start3A_2530 = tpu.memref_slice %arg1[%mul3A_2517, %dma_start3A_2518, %dma_start3A_2528, %dma_start3A_2529] : memref<512x64x16x128xf32, #tpu.memory_space<hbm>> -> memref<8x1x16x128xf32, #tpu.memory_space<hbm>>
      %dma_start3A_2531 = tpu.memref_squeeze %dma_start3A_2530 : memref<8x1x16x128xf32, #tpu.memory_space<hbm>> -> memref<8x16x128xf32, #tpu.memory_space<hbm>>
      tpu.enqueue_dma source(%dma_start3A_2531 : memref<8x16x128xf32, #tpu.memory_space<hbm>>) target(%dma_start3A_2527 : memref<8x16x128xf32, #tpu.memory_space<vmem>>) target_semaphore(%dma_start3A_2522 : memref<!tpu.dma_semaphore, #tpu.memory_space<semaphore_mem>>)
      %mul3A_2532 = arith.constant 8 : i32
      %mul3A_2533 = arith.muli %add3A_1940, %mul3A_2532 : i32
      %dma_start3A_2534 = arith.constant 37 : i32
      %dma_start3A_2535 = arith.constant 37 : i32
      %dma_start3A_2536 = arith.constant 37 : i32
      %dma_start3A_2537 = tpu.memref_slice %arg12[%rem3A_3, %dma_start3A_2536] : memref<2x64x!tpu.dma_semaphore, #tpu.memory_space<semaphore_mem>> -> memref<1x1x!tpu.dma_semaphore, #tpu.memory_space<semaphore_mem>>
      %dma_start3A_2538 = tpu.memref_squeeze %dma_start3A_2537 : memref<1x1x!tpu.dma_semaphore, #tpu.memory_space<semaphore_mem>> -> memref<!tpu.dma_semaphore, #tpu.memory_space<semaphore_mem>>
      %dma_start3A_2539 = arith.constant 0 : i32
      %dma_start3A_2540 = arith.constant 0 : i32
      %dma_start3A_2541 = arith.constant 0 : i32
      %dma_start3A_2542 = tpu.memref_slice %arg11[%rem3A_3, %dma_start3A_2535, %dma_start3A_2539, %dma_start3A_2540, %dma_start3A_2541] : memref<2x64x8x16x128xf32, #tpu.memory_space<vmem>> -> memref<1x1x8x16x128xf32, #tpu.memory_space<vmem>>
      %dma_start3A_2543 = tpu.memref_squeeze %dma_start3A_2542 : memref<1x1x8x16x128xf32, #tpu.memory_space<vmem>> -> memref<8x16x128xf32, #tpu.memory_space<vmem>>
      %dma_start3A_2544 = arith.constant 0 : i32
      %dma_start3A_2545 = arith.constant 0 : i32
      %dma_start3A_2546 = tpu.memref_slice %arg1[%mul3A_2533, %dma_start3A_2534, %dma_start3A_2544, %dma_start3A_2545] : memref<512x64x16x128xf32, #tpu.memory_space<hbm>> -> memref<8x1x16x128xf32, #tpu.memory_space<hbm>>
      %dma_start3A_2547 = tpu.memref_squeeze %dma_start3A_2546 : memref<8x1x16x128xf32, #tpu.memory_space<hbm>> -> memref<8x16x128xf32, #tpu.memory_space<hbm>>
      tpu.enqueue_dma source(%dma_start3A_2547 : memref<8x16x128xf32, #tpu.memory_space<hbm>>) target(%dma_start3A_2543 : memref<8x16x128xf32, #tpu.memory_space<vmem>>) target_semaphore(%dma_start3A_2538 : memref<!tpu.dma_semaphore, #tpu.memory_space<semaphore_mem>>)
      %mul3A_2548 = arith.constant 8 : i32
      %mul3A_2549 = arith.muli %add3A_1940, %mul3A_2548 : i32
      %dma_start3A_2550 = arith.constant 38 : i32
      %dma_start3A_2551 = arith.constant 38 : i32
      %dma_start3A_2552 = arith.constant 38 : i32
      %dma_start3A_2553 = tpu.memref_slice %arg12[%rem3A_3, %dma_start3A_2552] : memref<2x64x!tpu.dma_semaphore, #tpu.memory_space<semaphore_mem>> -> memref<1x1x!tpu.dma_semaphore, #tpu.memory_space<semaphore_mem>>
      %dma_start3A_2554 = tpu.memref_squeeze %dma_start3A_2553 : memref<1x1x!tpu.dma_semaphore, #tpu.memory_space<semaphore_mem>> -> memref<!tpu.dma_semaphore, #tpu.memory_space<semaphore_mem>>
      %dma_start3A_2555 = arith.constant 0 : i32
      %dma_start3A_2556 = arith.constant 0 : i32
      %dma_start3A_2557 = arith.constant 0 : i32
      %dma_start3A_2558 = tpu.memref_slice %arg11[%rem3A_3, %dma_start3A_2551, %dma_start3A_2555, %dma_start3A_2556, %dma_start3A_2557] : memref<2x64x8x16x128xf32, #tpu.memory_space<vmem>> -> memref<1x1x8x16x128xf32, #tpu.memory_space<vmem>>
      %dma_start3A_2559 = tpu.memref_squeeze %dma_start3A_2558 : memref<1x1x8x16x128xf32, #tpu.memory_space<vmem>> -> memref<8x16x128xf32, #tpu.memory_space<vmem>>
      %dma_start3A_2560 = arith.constant 0 : i32
      %dma_start3A_2561 = arith.constant 0 : i32
      %dma_start3A_2562 = tpu.memref_slice %arg1[%mul3A_2549, %dma_start3A_2550, %dma_start3A_2560, %dma_start3A_2561] : memref<512x64x16x128xf32, #tpu.memory_space<hbm>> -> memref<8x1x16x128xf32, #tpu.memory_space<hbm>>
      %dma_start3A_2563 = tpu.memref_squeeze %dma_start3A_2562 : memref<8x1x16x128xf32, #tpu.memory_space<hbm>> -> memref<8x16x128xf32, #tpu.memory_space<hbm>>
      tpu.enqueue_dma source(%dma_start3A_2563 : memref<8x16x128xf32, #tpu.memory_space<hbm>>) target(%dma_start3A_2559 : memref<8x16x128xf32, #tpu.memory_space<vmem>>) target_semaphore(%dma_start3A_2554 : memref<!tpu.dma_semaphore, #tpu.memory_space<semaphore_mem>>)
      %mul3A_2564 = arith.constant 8 : i32
      %mul3A_2565 = arith.muli %add3A_1940, %mul3A_2564 : i32
      %dma_start3A_2566 = arith.constant 39 : i32
      %dma_start3A_2567 = arith.constant 39 : i32
      %dma_start3A_2568 = arith.constant 39 : i32
      %dma_start3A_2569 = tpu.memref_slice %arg12[%rem3A_3, %dma_start3A_2568] : memref<2x64x!tpu.dma_semaphore, #tpu.memory_space<semaphore_mem>> -> memref<1x1x!tpu.dma_semaphore, #tpu.memory_space<semaphore_mem>>
      %dma_start3A_2570 = tpu.memref_squeeze %dma_start3A_2569 : memref<1x1x!tpu.dma_semaphore, #tpu.memory_space<semaphore_mem>> -> memref<!tpu.dma_semaphore, #tpu.memory_space<semaphore_mem>>
      %dma_start3A_2571 = arith.constant 0 : i32
      %dma_start3A_2572 = arith.constant 0 : i32
      %dma_start3A_2573 = arith.constant 0 : i32
      %dma_start3A_2574 = tpu.memref_slice %arg11[%rem3A_3, %dma_start3A_2567, %dma_start3A_2571, %dma_start3A_2572, %dma_start3A_2573] : memref<2x64x8x16x128xf32, #tpu.memory_space<vmem>> -> memref<1x1x8x16x128xf32, #tpu.memory_space<vmem>>
      %dma_start3A_2575 = tpu.memref_squeeze %dma_start3A_2574 : memref<1x1x8x16x128xf32, #tpu.memory_space<vmem>> -> memref<8x16x128xf32, #tpu.memory_space<vmem>>
      %dma_start3A_2576 = arith.constant 0 : i32
      %dma_start3A_2577 = arith.constant 0 : i32
      %dma_start3A_2578 = tpu.memref_slice %arg1[%mul3A_2565, %dma_start3A_2566, %dma_start3A_2576, %dma_start3A_2577] : memref<512x64x16x128xf32, #tpu.memory_space<hbm>> -> memref<8x1x16x128xf32, #tpu.memory_space<hbm>>
      %dma_start3A_2579 = tpu.memref_squeeze %dma_start3A_2578 : memref<8x1x16x128xf32, #tpu.memory_space<hbm>> -> memref<8x16x128xf32, #tpu.memory_space<hbm>>
      tpu.enqueue_dma source(%dma_start3A_2579 : memref<8x16x128xf32, #tpu.memory_space<hbm>>) target(%dma_start3A_2575 : memref<8x16x128xf32, #tpu.memory_space<vmem>>) target_semaphore(%dma_start3A_2570 : memref<!tpu.dma_semaphore, #tpu.memory_space<semaphore_mem>>)
      %mul3A_2580 = arith.constant 8 : i32
      %mul3A_2581 = arith.muli %add3A_1940, %mul3A_2580 : i32
      %dma_start3A_2582 = arith.constant 40 : i32
      %dma_start3A_2583 = arith.constant 40 : i32
      %dma_start3A_2584 = arith.constant 40 : i32
      %dma_start3A_2585 = tpu.memref_slice %arg12[%rem3A_3, %dma_start3A_2584] : memref<2x64x!tpu.dma_semaphore, #tpu.memory_space<semaphore_mem>> -> memref<1x1x!tpu.dma_semaphore, #tpu.memory_space<semaphore_mem>>
      %dma_start3A_2586 = tpu.memref_squeeze %dma_start3A_2585 : memref<1x1x!tpu.dma_semaphore, #tpu.memory_space<semaphore_mem>> -> memref<!tpu.dma_semaphore, #tpu.memory_space<semaphore_mem>>
      %dma_start3A_2587 = arith.constant 0 : i32
      %dma_start3A_2588 = arith.constant 0 : i32
      %dma_start3A_2589 = arith.constant 0 : i32
      %dma_start3A_2590 = tpu.memref_slice %arg11[%rem3A_3, %dma_start3A_2583, %dma_start3A_2587, %dma_start3A_2588, %dma_start3A_2589] : memref<2x64x8x16x128xf32, #tpu.memory_space<vmem>> -> memref<1x1x8x16x128xf32, #tpu.memory_space<vmem>>
      %dma_start3A_2591 = tpu.memref_squeeze %dma_start3A_2590 : memref<1x1x8x16x128xf32, #tpu.memory_space<vmem>> -> memref<8x16x128xf32, #tpu.memory_space<vmem>>
      %dma_start3A_2592 = arith.constant 0 : i32
      %dma_start3A_2593 = arith.constant 0 : i32
      %dma_start3A_2594 = tpu.memref_slice %arg1[%mul3A_2581, %dma_start3A_2582, %dma_start3A_2592, %dma_start3A_2593] : memref<512x64x16x128xf32, #tpu.memory_space<hbm>> -> memref<8x1x16x128xf32, #tpu.memory_space<hbm>>
      %dma_start3A_2595 = tpu.memref_squeeze %dma_start3A_2594 : memref<8x1x16x128xf32, #tpu.memory_space<hbm>> -> memref<8x16x128xf32, #tpu.memory_space<hbm>>
      tpu.enqueue_dma source(%dma_start3A_2595 : memref<8x16x128xf32, #tpu.memory_space<hbm>>) target(%dma_start3A_2591 : memref<8x16x128xf32, #tpu.memory_space<vmem>>) target_semaphore(%dma_start3A_2586 : memref<!tpu.dma_semaphore, #tpu.memory_space<semaphore_mem>>)
      %mul3A_2596 = arith.constant 8 : i32
      %mul3A_2597 = arith.muli %add3A_1940, %mul3A_2596 : i32
      %dma_start3A_2598 = arith.constant 41 : i32
      %dma_start3A_2599 = arith.constant 41 : i32
      %dma_start3A_2600 = arith.constant 41 : i32
      %dma_start3A_2601 = tpu.memref_slice %arg12[%rem3A_3, %dma_start3A_2600] : memref<2x64x!tpu.dma_semaphore, #tpu.memory_space<semaphore_mem>> -> memref<1x1x!tpu.dma_semaphore, #tpu.memory_space<semaphore_mem>>
      %dma_start3A_2602 = tpu.memref_squeeze %dma_start3A_2601 : memref<1x1x!tpu.dma_semaphore, #tpu.memory_space<semaphore_mem>> -> memref<!tpu.dma_semaphore, #tpu.memory_space<semaphore_mem>>
      %dma_start3A_2603 = arith.constant 0 : i32
      %dma_start3A_2604 = arith.constant 0 : i32
      %dma_start3A_2605 = arith.constant 0 : i32
      %dma_start3A_2606 = tpu.memref_slice %arg11[%rem3A_3, %dma_start3A_2599, %dma_start3A_2603, %dma_start3A_2604, %dma_start3A_2605] : memref<2x64x8x16x128xf32, #tpu.memory_space<vmem>> -> memref<1x1x8x16x128xf32, #tpu.memory_space<vmem>>
      %dma_start3A_2607 = tpu.memref_squeeze %dma_start3A_2606 : memref<1x1x8x16x128xf32, #tpu.memory_space<vmem>> -> memref<8x16x128xf32, #tpu.memory_space<vmem>>
      %dma_start3A_2608 = arith.constant 0 : i32
      %dma_start3A_2609 = arith.constant 0 : i32
      %dma_start3A_2610 = tpu.memref_slice %arg1[%mul3A_2597, %dma_start3A_2598, %dma_start3A_2608, %dma_start3A_2609] : memref<512x64x16x128xf32, #tpu.memory_space<hbm>> -> memref<8x1x16x128xf32, #tpu.memory_space<hbm>>
      %dma_start3A_2611 = tpu.memref_squeeze %dma_start3A_2610 : memref<8x1x16x128xf32, #tpu.memory_space<hbm>> -> memref<8x16x128xf32, #tpu.memory_space<hbm>>
      tpu.enqueue_dma source(%dma_start3A_2611 : memref<8x16x128xf32, #tpu.memory_space<hbm>>) target(%dma_start3A_2607 : memref<8x16x128xf32, #tpu.memory_space<vmem>>) target_semaphore(%dma_start3A_2602 : memref<!tpu.dma_semaphore, #tpu.memory_space<semaphore_mem>>)
      %mul3A_2612 = arith.constant 8 : i32
      %mul3A_2613 = arith.muli %add3A_1940, %mul3A_2612 : i32
      %dma_start3A_2614 = arith.constant 42 : i32
      %dma_start3A_2615 = arith.constant 42 : i32
      %dma_start3A_2616 = arith.constant 42 : i32
      %dma_start3A_2617 = tpu.memref_slice %arg12[%rem3A_3, %dma_start3A_2616] : memref<2x64x!tpu.dma_semaphore, #tpu.memory_space<semaphore_mem>> -> memref<1x1x!tpu.dma_semaphore, #tpu.memory_space<semaphore_mem>>
      %dma_start3A_2618 = tpu.memref_squeeze %dma_start3A_2617 : memref<1x1x!tpu.dma_semaphore, #tpu.memory_space<semaphore_mem>> -> memref<!tpu.dma_semaphore, #tpu.memory_space<semaphore_mem>>
      %dma_start3A_2619 = arith.constant 0 : i32
      %dma_start3A_2620 = arith.constant 0 : i32
      %dma_start3A_2621 = arith.constant 0 : i32
      %dma_start3A_2622 = tpu.memref_slice %arg11[%rem3A_3, %dma_start3A_2615, %dma_start3A_2619, %dma_start3A_2620, %dma_start3A_2621] : memref<2x64x8x16x128xf32, #tpu.memory_space<vmem>> -> memref<1x1x8x16x128xf32, #tpu.memory_space<vmem>>
      %dma_start3A_2623 = tpu.memref_squeeze %dma_start3A_2622 : memref<1x1x8x16x128xf32, #tpu.memory_space<vmem>> -> memref<8x16x128xf32, #tpu.memory_space<vmem>>
      %dma_start3A_2624 = arith.constant 0 : i32
      %dma_start3A_2625 = arith.constant 0 : i32
      %dma_start3A_2626 = tpu.memref_slice %arg1[%mul3A_2613, %dma_start3A_2614, %dma_start3A_2624, %dma_start3A_2625] : memref<512x64x16x128xf32, #tpu.memory_space<hbm>> -> memref<8x1x16x128xf32, #tpu.memory_space<hbm>>
      %dma_start3A_2627 = tpu.memref_squeeze %dma_start3A_2626 : memref<8x1x16x128xf32, #tpu.memory_space<hbm>> -> memref<8x16x128xf32, #tpu.memory_space<hbm>>
      tpu.enqueue_dma source(%dma_start3A_2627 : memref<8x16x128xf32, #tpu.memory_space<hbm>>) target(%dma_start3A_2623 : memref<8x16x128xf32, #tpu.memory_space<vmem>>) target_semaphore(%dma_start3A_2618 : memref<!tpu.dma_semaphore, #tpu.memory_space<semaphore_mem>>)
      %mul3A_2628 = arith.constant 8 : i32
      %mul3A_2629 = arith.muli %add3A_1940, %mul3A_2628 : i32
      %dma_start3A_2630 = arith.constant 43 : i32
      %dma_start3A_2631 = arith.constant 43 : i32
      %dma_start3A_2632 = arith.constant 43 : i32
      %dma_start3A_2633 = tpu.memref_slice %arg12[%rem3A_3, %dma_start3A_2632] : memref<2x64x!tpu.dma_semaphore, #tpu.memory_space<semaphore_mem>> -> memref<1x1x!tpu.dma_semaphore, #tpu.memory_space<semaphore_mem>>
      %dma_start3A_2634 = tpu.memref_squeeze %dma_start3A_2633 : memref<1x1x!tpu.dma_semaphore, #tpu.memory_space<semaphore_mem>> -> memref<!tpu.dma_semaphore, #tpu.memory_space<semaphore_mem>>
      %dma_start3A_2635 = arith.constant 0 : i32
      %dma_start3A_2636 = arith.constant 0 : i32
      %dma_start3A_2637 = arith.constant 0 : i32
      %dma_start3A_2638 = tpu.memref_slice %arg11[%rem3A_3, %dma_start3A_2631, %dma_start3A_2635, %dma_start3A_2636, %dma_start3A_2637] : memref<2x64x8x16x128xf32, #tpu.memory_space<vmem>> -> memref<1x1x8x16x128xf32, #tpu.memory_space<vmem>>
      %dma_start3A_2639 = tpu.memref_squeeze %dma_start3A_2638 : memref<1x1x8x16x128xf32, #tpu.memory_space<vmem>> -> memref<8x16x128xf32, #tpu.memory_space<vmem>>
      %dma_start3A_2640 = arith.constant 0 : i32
      %dma_start3A_2641 = arith.constant 0 : i32
      %dma_start3A_2642 = tpu.memref_slice %arg1[%mul3A_2629, %dma_start3A_2630, %dma_start3A_2640, %dma_start3A_2641] : memref<512x64x16x128xf32, #tpu.memory_space<hbm>> -> memref<8x1x16x128xf32, #tpu.memory_space<hbm>>
      %dma_start3A_2643 = tpu.memref_squeeze %dma_start3A_2642 : memref<8x1x16x128xf32, #tpu.memory_space<hbm>> -> memref<8x16x128xf32, #tpu.memory_space<hbm>>
      tpu.enqueue_dma source(%dma_start3A_2643 : memref<8x16x128xf32, #tpu.memory_space<hbm>>) target(%dma_start3A_2639 : memref<8x16x128xf32, #tpu.memory_space<vmem>>) target_semaphore(%dma_start3A_2634 : memref<!tpu.dma_semaphore, #tpu.memory_space<semaphore_mem>>)
      %mul3A_2644 = arith.constant 8 : i32
      %mul3A_2645 = arith.muli %add3A_1940, %mul3A_2644 : i32
      %dma_start3A_2646 = arith.constant 44 : i32
      %dma_start3A_2647 = arith.constant 44 : i32
      %dma_start3A_2648 = arith.constant 44 : i32
      %dma_start3A_2649 = tpu.memref_slice %arg12[%rem3A_3, %dma_start3A_2648] : memref<2x64x!tpu.dma_semaphore, #tpu.memory_space<semaphore_mem>> -> memref<1x1x!tpu.dma_semaphore, #tpu.memory_space<semaphore_mem>>
      %dma_start3A_2650 = tpu.memref_squeeze %dma_start3A_2649 : memref<1x1x!tpu.dma_semaphore, #tpu.memory_space<semaphore_mem>> -> memref<!tpu.dma_semaphore, #tpu.memory_space<semaphore_mem>>
      %dma_start3A_2651 = arith.constant 0 : i32
      %dma_start3A_2652 = arith.constant 0 : i32
      %dma_start3A_2653 = arith.constant 0 : i32
      %dma_start3A_2654 = tpu.memref_slice %arg11[%rem3A_3, %dma_start3A_2647, %dma_start3A_2651, %dma_start3A_2652, %dma_start3A_2653] : memref<2x64x8x16x128xf32, #tpu.memory_space<vmem>> -> memref<1x1x8x16x128xf32, #tpu.memory_space<vmem>>
      %dma_start3A_2655 = tpu.memref_squeeze %dma_start3A_2654 : memref<1x1x8x16x128xf32, #tpu.memory_space<vmem>> -> memref<8x16x128xf32, #tpu.memory_space<vmem>>
      %dma_start3A_2656 = arith.constant 0 : i32
      %dma_start3A_2657 = arith.constant 0 : i32
      %dma_start3A_2658 = tpu.memref_slice %arg1[%mul3A_2645, %dma_start3A_2646, %dma_start3A_2656, %dma_start3A_2657] : memref<512x64x16x128xf32, #tpu.memory_space<hbm>> -> memref<8x1x16x128xf32, #tpu.memory_space<hbm>>
      %dma_start3A_2659 = tpu.memref_squeeze %dma_start3A_2658 : memref<8x1x16x128xf32, #tpu.memory_space<hbm>> -> memref<8x16x128xf32, #tpu.memory_space<hbm>>
      tpu.enqueue_dma source(%dma_start3A_2659 : memref<8x16x128xf32, #tpu.memory_space<hbm>>) target(%dma_start3A_2655 : memref<8x16x128xf32, #tpu.memory_space<vmem>>) target_semaphore(%dma_start3A_2650 : memref<!tpu.dma_semaphore, #tpu.memory_space<semaphore_mem>>)
      %mul3A_2660 = arith.constant 8 : i32
      %mul3A_2661 = arith.muli %add3A_1940, %mul3A_2660 : i32
      %dma_start3A_2662 = arith.constant 45 : i32
      %dma_start3A_2663 = arith.constant 45 : i32
      %dma_start3A_2664 = arith.constant 45 : i32
      %dma_start3A_2665 = tpu.memref_slice %arg12[%rem3A_3, %dma_start3A_2664] : memref<2x64x!tpu.dma_semaphore, #tpu.memory_space<semaphore_mem>> -> memref<1x1x!tpu.dma_semaphore, #tpu.memory_space<semaphore_mem>>
      %dma_start3A_2666 = tpu.memref_squeeze %dma_start3A_2665 : memref<1x1x!tpu.dma_semaphore, #tpu.memory_space<semaphore_mem>> -> memref<!tpu.dma_semaphore, #tpu.memory_space<semaphore_mem>>
      %dma_start3A_2667 = arith.constant 0 : i32
      %dma_start3A_2668 = arith.constant 0 : i32
      %dma_start3A_2669 = arith.constant 0 : i32
      %dma_start3A_2670 = tpu.memref_slice %arg11[%rem3A_3, %dma_start3A_2663, %dma_start3A_2667, %dma_start3A_2668, %dma_start3A_2669] : memref<2x64x8x16x128xf32, #tpu.memory_space<vmem>> -> memref<1x1x8x16x128xf32, #tpu.memory_space<vmem>>
      %dma_start3A_2671 = tpu.memref_squeeze %dma_start3A_2670 : memref<1x1x8x16x128xf32, #tpu.memory_space<vmem>> -> memref<8x16x128xf32, #tpu.memory_space<vmem>>
      %dma_start3A_2672 = arith.constant 0 : i32
      %dma_start3A_2673 = arith.constant 0 : i32
      %dma_start3A_2674 = tpu.memref_slice %arg1[%mul3A_2661, %dma_start3A_2662, %dma_start3A_2672, %dma_start3A_2673] : memref<512x64x16x128xf32, #tpu.memory_space<hbm>> -> memref<8x1x16x128xf32, #tpu.memory_space<hbm>>
      %dma_start3A_2675 = tpu.memref_squeeze %dma_start3A_2674 : memref<8x1x16x128xf32, #tpu.memory_space<hbm>> -> memref<8x16x128xf32, #tpu.memory_space<hbm>>
      tpu.enqueue_dma source(%dma_start3A_2675 : memref<8x16x128xf32, #tpu.memory_space<hbm>>) target(%dma_start3A_2671 : memref<8x16x128xf32, #tpu.memory_space<vmem>>) target_semaphore(%dma_start3A_2666 : memref<!tpu.dma_semaphore, #tpu.memory_space<semaphore_mem>>)
      %mul3A_2676 = arith.constant 8 : i32
      %mul3A_2677 = arith.muli %add3A_1940, %mul3A_2676 : i32
      %dma_start3A_2678 = arith.constant 46 : i32
      %dma_start3A_2679 = arith.constant 46 : i32
      %dma_start3A_2680 = arith.constant 46 : i32
      %dma_start3A_2681 = tpu.memref_slice %arg12[%rem3A_3, %dma_start3A_2680] : memref<2x64x!tpu.dma_semaphore, #tpu.memory_space<semaphore_mem>> -> memref<1x1x!tpu.dma_semaphore, #tpu.memory_space<semaphore_mem>>
      %dma_start3A_2682 = tpu.memref_squeeze %dma_start3A_2681 : memref<1x1x!tpu.dma_semaphore, #tpu.memory_space<semaphore_mem>> -> memref<!tpu.dma_semaphore, #tpu.memory_space<semaphore_mem>>
      %dma_start3A_2683 = arith.constant 0 : i32
      %dma_start3A_2684 = arith.constant 0 : i32
      %dma_start3A_2685 = arith.constant 0 : i32
      %dma_start3A_2686 = tpu.memref_slice %arg11[%rem3A_3, %dma_start3A_2679, %dma_start3A_2683, %dma_start3A_2684, %dma_start3A_2685] : memref<2x64x8x16x128xf32, #tpu.memory_space<vmem>> -> memref<1x1x8x16x128xf32, #tpu.memory_space<vmem>>
      %dma_start3A_2687 = tpu.memref_squeeze %dma_start3A_2686 : memref<1x1x8x16x128xf32, #tpu.memory_space<vmem>> -> memref<8x16x128xf32, #tpu.memory_space<vmem>>
      %dma_start3A_2688 = arith.constant 0 : i32
      %dma_start3A_2689 = arith.constant 0 : i32
      %dma_start3A_2690 = tpu.memref_slice %arg1[%mul3A_2677, %dma_start3A_2678, %dma_start3A_2688, %dma_start3A_2689] : memref<512x64x16x128xf32, #tpu.memory_space<hbm>> -> memref<8x1x16x128xf32, #tpu.memory_space<hbm>>
      %dma_start3A_2691 = tpu.memref_squeeze %dma_start3A_2690 : memref<8x1x16x128xf32, #tpu.memory_space<hbm>> -> memref<8x16x128xf32, #tpu.memory_space<hbm>>
      tpu.enqueue_dma source(%dma_start3A_2691 : memref<8x16x128xf32, #tpu.memory_space<hbm>>) target(%dma_start3A_2687 : memref<8x16x128xf32, #tpu.memory_space<vmem>>) target_semaphore(%dma_start3A_2682 : memref<!tpu.dma_semaphore, #tpu.memory_space<semaphore_mem>>)
      %mul3A_2692 = arith.constant 8 : i32
      %mul3A_2693 = arith.muli %add3A_1940, %mul3A_2692 : i32
      %dma_start3A_2694 = arith.constant 47 : i32
      %dma_start3A_2695 = arith.constant 47 : i32
      %dma_start3A_2696 = arith.constant 47 : i32
      %dma_start3A_2697 = tpu.memref_slice %arg12[%rem3A_3, %dma_start3A_2696] : memref<2x64x!tpu.dma_semaphore, #tpu.memory_space<semaphore_mem>> -> memref<1x1x!tpu.dma_semaphore, #tpu.memory_space<semaphore_mem>>
      %dma_start3A_2698 = tpu.memref_squeeze %dma_start3A_2697 : memref<1x1x!tpu.dma_semaphore, #tpu.memory_space<semaphore_mem>> -> memref<!tpu.dma_semaphore, #tpu.memory_space<semaphore_mem>>
      %dma_start3A_2699 = arith.constant 0 : i32
      %dma_start3A_2700 = arith.constant 0 : i32
      %dma_start3A_2701 = arith.constant 0 : i32
      %dma_start3A_2702 = tpu.memref_slice %arg11[%rem3A_3, %dma_start3A_2695, %dma_start3A_2699, %dma_start3A_2700, %dma_start3A_2701] : memref<2x64x8x16x128xf32, #tpu.memory_space<vmem>> -> memref<1x1x8x16x128xf32, #tpu.memory_space<vmem>>
      %dma_start3A_2703 = tpu.memref_squeeze %dma_start3A_2702 : memref<1x1x8x16x128xf32, #tpu.memory_space<vmem>> -> memref<8x16x128xf32, #tpu.memory_space<vmem>>
      %dma_start3A_2704 = arith.constant 0 : i32
      %dma_start3A_2705 = arith.constant 0 : i32
      %dma_start3A_2706 = tpu.memref_slice %arg1[%mul3A_2693, %dma_start3A_2694, %dma_start3A_2704, %dma_start3A_2705] : memref<512x64x16x128xf32, #tpu.memory_space<hbm>> -> memref<8x1x16x128xf32, #tpu.memory_space<hbm>>
      %dma_start3A_2707 = tpu.memref_squeeze %dma_start3A_2706 : memref<8x1x16x128xf32, #tpu.memory_space<hbm>> -> memref<8x16x128xf32, #tpu.memory_space<hbm>>
      tpu.enqueue_dma source(%dma_start3A_2707 : memref<8x16x128xf32, #tpu.memory_space<hbm>>) target(%dma_start3A_2703 : memref<8x16x128xf32, #tpu.memory_space<vmem>>) target_semaphore(%dma_start3A_2698 : memref<!tpu.dma_semaphore, #tpu.memory_space<semaphore_mem>>)
      %mul3A_2708 = arith.constant 8 : i32
      %mul3A_2709 = arith.muli %add3A_1940, %mul3A_2708 : i32
      %dma_start3A_2710 = arith.constant 48 : i32
      %dma_start3A_2711 = arith.constant 48 : i32
      %dma_start3A_2712 = arith.constant 48 : i32
      %dma_start3A_2713 = tpu.memref_slice %arg12[%rem3A_3, %dma_start3A_2712] : memref<2x64x!tpu.dma_semaphore, #tpu.memory_space<semaphore_mem>> -> memref<1x1x!tpu.dma_semaphore, #tpu.memory_space<semaphore_mem>>
      %dma_start3A_2714 = tpu.memref_squeeze %dma_start3A_2713 : memref<1x1x!tpu.dma_semaphore, #tpu.memory_space<semaphore_mem>> -> memref<!tpu.dma_semaphore, #tpu.memory_space<semaphore_mem>>
      %dma_start3A_2715 = arith.constant 0 : i32
      %dma_start3A_2716 = arith.constant 0 : i32
      %dma_start3A_2717 = arith.constant 0 : i32
      %dma_start3A_2718 = tpu.memref_slice %arg11[%rem3A_3, %dma_start3A_2711, %dma_start3A_2715, %dma_start3A_2716, %dma_start3A_2717] : memref<2x64x8x16x128xf32, #tpu.memory_space<vmem>> -> memref<1x1x8x16x128xf32, #tpu.memory_space<vmem>>
      %dma_start3A_2719 = tpu.memref_squeeze %dma_start3A_2718 : memref<1x1x8x16x128xf32, #tpu.memory_space<vmem>> -> memref<8x16x128xf32, #tpu.memory_space<vmem>>
      %dma_start3A_2720 = arith.constant 0 : i32
      %dma_start3A_2721 = arith.constant 0 : i32
      %dma_start3A_2722 = tpu.memref_slice %arg1[%mul3A_2709, %dma_start3A_2710, %dma_start3A_2720, %dma_start3A_2721] : memref<512x64x16x128xf32, #tpu.memory_space<hbm>> -> memref<8x1x16x128xf32, #tpu.memory_space<hbm>>
      %dma_start3A_2723 = tpu.memref_squeeze %dma_start3A_2722 : memref<8x1x16x128xf32, #tpu.memory_space<hbm>> -> memref<8x16x128xf32, #tpu.memory_space<hbm>>
      tpu.enqueue_dma source(%dma_start3A_2723 : memref<8x16x128xf32, #tpu.memory_space<hbm>>) target(%dma_start3A_2719 : memref<8x16x128xf32, #tpu.memory_space<vmem>>) target_semaphore(%dma_start3A_2714 : memref<!tpu.dma_semaphore, #tpu.memory_space<semaphore_mem>>)
      %mul3A_2724 = arith.constant 8 : i32
      %mul3A_2725 = arith.muli %add3A_1940, %mul3A_2724 : i32
      %dma_start3A_2726 = arith.constant 49 : i32
      %dma_start3A_2727 = arith.constant 49 : i32
      %dma_start3A_2728 = arith.constant 49 : i32
      %dma_start3A_2729 = tpu.memref_slice %arg12[%rem3A_3, %dma_start3A_2728] : memref<2x64x!tpu.dma_semaphore, #tpu.memory_space<semaphore_mem>> -> memref<1x1x!tpu.dma_semaphore, #tpu.memory_space<semaphore_mem>>
      %dma_start3A_2730 = tpu.memref_squeeze %dma_start3A_2729 : memref<1x1x!tpu.dma_semaphore, #tpu.memory_space<semaphore_mem>> -> memref<!tpu.dma_semaphore, #tpu.memory_space<semaphore_mem>>
      %dma_start3A_2731 = arith.constant 0 : i32
      %dma_start3A_2732 = arith.constant 0 : i32
      %dma_start3A_2733 = arith.constant 0 : i32
      %dma_start3A_2734 = tpu.memref_slice %arg11[%rem3A_3, %dma_start3A_2727, %dma_start3A_2731, %dma_start3A_2732, %dma_start3A_2733] : memref<2x64x8x16x128xf32, #tpu.memory_space<vmem>> -> memref<1x1x8x16x128xf32, #tpu.memory_space<vmem>>
      %dma_start3A_2735 = tpu.memref_squeeze %dma_start3A_2734 : memref<1x1x8x16x128xf32, #tpu.memory_space<vmem>> -> memref<8x16x128xf32, #tpu.memory_space<vmem>>
      %dma_start3A_2736 = arith.constant 0 : i32
      %dma_start3A_2737 = arith.constant 0 : i32
      %dma_start3A_2738 = tpu.memref_slice %arg1[%mul3A_2725, %dma_start3A_2726, %dma_start3A_2736, %dma_start3A_2737] : memref<512x64x16x128xf32, #tpu.memory_space<hbm>> -> memref<8x1x16x128xf32, #tpu.memory_space<hbm>>
      %dma_start3A_2739 = tpu.memref_squeeze %dma_start3A_2738 : memref<8x1x16x128xf32, #tpu.memory_space<hbm>> -> memref<8x16x128xf32, #tpu.memory_space<hbm>>
      tpu.enqueue_dma source(%dma_start3A_2739 : memref<8x16x128xf32, #tpu.memory_space<hbm>>) target(%dma_start3A_2735 : memref<8x16x128xf32, #tpu.memory_space<vmem>>) target_semaphore(%dma_start3A_2730 : memref<!tpu.dma_semaphore, #tpu.memory_space<semaphore_mem>>)
      %mul3A_2740 = arith.constant 8 : i32
      %mul3A_2741 = arith.muli %add3A_1940, %mul3A_2740 : i32
      %dma_start3A_2742 = arith.constant 50 : i32
      %dma_start3A_2743 = arith.constant 50 : i32
      %dma_start3A_2744 = arith.constant 50 : i32
      %dma_start3A_2745 = tpu.memref_slice %arg12[%rem3A_3, %dma_start3A_2744] : memref<2x64x!tpu.dma_semaphore, #tpu.memory_space<semaphore_mem>> -> memref<1x1x!tpu.dma_semaphore, #tpu.memory_space<semaphore_mem>>
      %dma_start3A_2746 = tpu.memref_squeeze %dma_start3A_2745 : memref<1x1x!tpu.dma_semaphore, #tpu.memory_space<semaphore_mem>> -> memref<!tpu.dma_semaphore, #tpu.memory_space<semaphore_mem>>
      %dma_start3A_2747 = arith.constant 0 : i32
      %dma_start3A_2748 = arith.constant 0 : i32
      %dma_start3A_2749 = arith.constant 0 : i32
      %dma_start3A_2750 = tpu.memref_slice %arg11[%rem3A_3, %dma_start3A_2743, %dma_start3A_2747, %dma_start3A_2748, %dma_start3A_2749] : memref<2x64x8x16x128xf32, #tpu.memory_space<vmem>> -> memref<1x1x8x16x128xf32, #tpu.memory_space<vmem>>
      %dma_start3A_2751 = tpu.memref_squeeze %dma_start3A_2750 : memref<1x1x8x16x128xf32, #tpu.memory_space<vmem>> -> memref<8x16x128xf32, #tpu.memory_space<vmem>>
      %dma_start3A_2752 = arith.constant 0 : i32
      %dma_start3A_2753 = arith.constant 0 : i32
      %dma_start3A_2754 = tpu.memref_slice %arg1[%mul3A_2741, %dma_start3A_2742, %dma_start3A_2752, %dma_start3A_2753] : memref<512x64x16x128xf32, #tpu.memory_space<hbm>> -> memref<8x1x16x128xf32, #tpu.memory_space<hbm>>
      %dma_start3A_2755 = tpu.memref_squeeze %dma_start3A_2754 : memref<8x1x16x128xf32, #tpu.memory_space<hbm>> -> memref<8x16x128xf32, #tpu.memory_space<hbm>>
      tpu.enqueue_dma source(%dma_start3A_2755 : memref<8x16x128xf32, #tpu.memory_space<hbm>>) target(%dma_start3A_2751 : memref<8x16x128xf32, #tpu.memory_space<vmem>>) target_semaphore(%dma_start3A_2746 : memref<!tpu.dma_semaphore, #tpu.memory_space<semaphore_mem>>)
      %mul3A_2756 = arith.constant 8 : i32
      %mul3A_2757 = arith.muli %add3A_1940, %mul3A_2756 : i32
      %dma_start3A_2758 = arith.constant 51 : i32
      %dma_start3A_2759 = arith.constant 51 : i32
      %dma_start3A_2760 = arith.constant 51 : i32
      %dma_start3A_2761 = tpu.memref_slice %arg12[%rem3A_3, %dma_start3A_2760] : memref<2x64x!tpu.dma_semaphore, #tpu.memory_space<semaphore_mem>> -> memref<1x1x!tpu.dma_semaphore, #tpu.memory_space<semaphore_mem>>
      %dma_start3A_2762 = tpu.memref_squeeze %dma_start3A_2761 : memref<1x1x!tpu.dma_semaphore, #tpu.memory_space<semaphore_mem>> -> memref<!tpu.dma_semaphore, #tpu.memory_space<semaphore_mem>>
      %dma_start3A_2763 = arith.constant 0 : i32
      %dma_start3A_2764 = arith.constant 0 : i32
      %dma_start3A_2765 = arith.constant 0 : i32
      %dma_start3A_2766 = tpu.memref_slice %arg11[%rem3A_3, %dma_start3A_2759, %dma_start3A_2763, %dma_start3A_2764, %dma_start3A_2765] : memref<2x64x8x16x128xf32, #tpu.memory_space<vmem>> -> memref<1x1x8x16x128xf32, #tpu.memory_space<vmem>>
      %dma_start3A_2767 = tpu.memref_squeeze %dma_start3A_2766 : memref<1x1x8x16x128xf32, #tpu.memory_space<vmem>> -> memref<8x16x128xf32, #tpu.memory_space<vmem>>
      %dma_start3A_2768 = arith.constant 0 : i32
      %dma_start3A_2769 = arith.constant 0 : i32
      %dma_start3A_2770 = tpu.memref_slice %arg1[%mul3A_2757, %dma_start3A_2758, %dma_start3A_2768, %dma_start3A_2769] : memref<512x64x16x128xf32, #tpu.memory_space<hbm>> -> memref<8x1x16x128xf32, #tpu.memory_space<hbm>>
      %dma_start3A_2771 = tpu.memref_squeeze %dma_start3A_2770 : memref<8x1x16x128xf32, #tpu.memory_space<hbm>> -> memref<8x16x128xf32, #tpu.memory_space<hbm>>
      tpu.enqueue_dma source(%dma_start3A_2771 : memref<8x16x128xf32, #tpu.memory_space<hbm>>) target(%dma_start3A_2767 : memref<8x16x128xf32, #tpu.memory_space<vmem>>) target_semaphore(%dma_start3A_2762 : memref<!tpu.dma_semaphore, #tpu.memory_space<semaphore_mem>>)
      %mul3A_2772 = arith.constant 8 : i32
      %mul3A_2773 = arith.muli %add3A_1940, %mul3A_2772 : i32
      %dma_start3A_2774 = arith.constant 52 : i32
      %dma_start3A_2775 = arith.constant 52 : i32
      %dma_start3A_2776 = arith.constant 52 : i32
      %dma_start3A_2777 = tpu.memref_slice %arg12[%rem3A_3, %dma_start3A_2776] : memref<2x64x!tpu.dma_semaphore, #tpu.memory_space<semaphore_mem>> -> memref<1x1x!tpu.dma_semaphore, #tpu.memory_space<semaphore_mem>>
      %dma_start3A_2778 = tpu.memref_squeeze %dma_start3A_2777 : memref<1x1x!tpu.dma_semaphore, #tpu.memory_space<semaphore_mem>> -> memref<!tpu.dma_semaphore, #tpu.memory_space<semaphore_mem>>
      %dma_start3A_2779 = arith.constant 0 : i32
      %dma_start3A_2780 = arith.constant 0 : i32
      %dma_start3A_2781 = arith.constant 0 : i32
      %dma_start3A_2782 = tpu.memref_slice %arg11[%rem3A_3, %dma_start3A_2775, %dma_start3A_2779, %dma_start3A_2780, %dma_start3A_2781] : memref<2x64x8x16x128xf32, #tpu.memory_space<vmem>> -> memref<1x1x8x16x128xf32, #tpu.memory_space<vmem>>
      %dma_start3A_2783 = tpu.memref_squeeze %dma_start3A_2782 : memref<1x1x8x16x128xf32, #tpu.memory_space<vmem>> -> memref<8x16x128xf32, #tpu.memory_space<vmem>>
      %dma_start3A_2784 = arith.constant 0 : i32
      %dma_start3A_2785 = arith.constant 0 : i32
      %dma_start3A_2786 = tpu.memref_slice %arg1[%mul3A_2773, %dma_start3A_2774, %dma_start3A_2784, %dma_start3A_2785] : memref<512x64x16x128xf32, #tpu.memory_space<hbm>> -> memref<8x1x16x128xf32, #tpu.memory_space<hbm>>
      %dma_start3A_2787 = tpu.memref_squeeze %dma_start3A_2786 : memref<8x1x16x128xf32, #tpu.memory_space<hbm>> -> memref<8x16x128xf32, #tpu.memory_space<hbm>>
      tpu.enqueue_dma source(%dma_start3A_2787 : memref<8x16x128xf32, #tpu.memory_space<hbm>>) target(%dma_start3A_2783 : memref<8x16x128xf32, #tpu.memory_space<vmem>>) target_semaphore(%dma_start3A_2778 : memref<!tpu.dma_semaphore, #tpu.memory_space<semaphore_mem>>)
      %mul3A_2788 = arith.constant 8 : i32
      %mul3A_2789 = arith.muli %add3A_1940, %mul3A_2788 : i32
      %dma_start3A_2790 = arith.constant 53 : i32
      %dma_start3A_2791 = arith.constant 53 : i32
      %dma_start3A_2792 = arith.constant 53 : i32
      %dma_start3A_2793 = tpu.memref_slice %arg12[%rem3A_3, %dma_start3A_2792] : memref<2x64x!tpu.dma_semaphore, #tpu.memory_space<semaphore_mem>> -> memref<1x1x!tpu.dma_semaphore, #tpu.memory_space<semaphore_mem>>
      %dma_start3A_2794 = tpu.memref_squeeze %dma_start3A_2793 : memref<1x1x!tpu.dma_semaphore, #tpu.memory_space<semaphore_mem>> -> memref<!tpu.dma_semaphore, #tpu.memory_space<semaphore_mem>>
      %dma_start3A_2795 = arith.constant 0 : i32
      %dma_start3A_2796 = arith.constant 0 : i32
      %dma_start3A_2797 = arith.constant 0 : i32
      %dma_start3A_2798 = tpu.memref_slice %arg11[%rem3A_3, %dma_start3A_2791, %dma_start3A_2795, %dma_start3A_2796, %dma_start3A_2797] : memref<2x64x8x16x128xf32, #tpu.memory_space<vmem>> -> memref<1x1x8x16x128xf32, #tpu.memory_space<vmem>>
      %dma_start3A_2799 = tpu.memref_squeeze %dma_start3A_2798 : memref<1x1x8x16x128xf32, #tpu.memory_space<vmem>> -> memref<8x16x128xf32, #tpu.memory_space<vmem>>
      %dma_start3A_2800 = arith.constant 0 : i32
      %dma_start3A_2801 = arith.constant 0 : i32
      %dma_start3A_2802 = tpu.memref_slice %arg1[%mul3A_2789, %dma_start3A_2790, %dma_start3A_2800, %dma_start3A_2801] : memref<512x64x16x128xf32, #tpu.memory_space<hbm>> -> memref<8x1x16x128xf32, #tpu.memory_space<hbm>>
      %dma_start3A_2803 = tpu.memref_squeeze %dma_start3A_2802 : memref<8x1x16x128xf32, #tpu.memory_space<hbm>> -> memref<8x16x128xf32, #tpu.memory_space<hbm>>
      tpu.enqueue_dma source(%dma_start3A_2803 : memref<8x16x128xf32, #tpu.memory_space<hbm>>) target(%dma_start3A_2799 : memref<8x16x128xf32, #tpu.memory_space<vmem>>) target_semaphore(%dma_start3A_2794 : memref<!tpu.dma_semaphore, #tpu.memory_space<semaphore_mem>>)
      %mul3A_2804 = arith.constant 8 : i32
      %mul3A_2805 = arith.muli %add3A_1940, %mul3A_2804 : i32
      %dma_start3A_2806 = arith.constant 54 : i32
      %dma_start3A_2807 = arith.constant 54 : i32
      %dma_start3A_2808 = arith.constant 54 : i32
      %dma_start3A_2809 = tpu.memref_slice %arg12[%rem3A_3, %dma_start3A_2808] : memref<2x64x!tpu.dma_semaphore, #tpu.memory_space<semaphore_mem>> -> memref<1x1x!tpu.dma_semaphore, #tpu.memory_space<semaphore_mem>>
      %dma_start3A_2810 = tpu.memref_squeeze %dma_start3A_2809 : memref<1x1x!tpu.dma_semaphore, #tpu.memory_space<semaphore_mem>> -> memref<!tpu.dma_semaphore, #tpu.memory_space<semaphore_mem>>
      %dma_start3A_2811 = arith.constant 0 : i32
      %dma_start3A_2812 = arith.constant 0 : i32
      %dma_start3A_2813 = arith.constant 0 : i32
      %dma_start3A_2814 = tpu.memref_slice %arg11[%rem3A_3, %dma_start3A_2807, %dma_start3A_2811, %dma_start3A_2812, %dma_start3A_2813] : memref<2x64x8x16x128xf32, #tpu.memory_space<vmem>> -> memref<1x1x8x16x128xf32, #tpu.memory_space<vmem>>
      %dma_start3A_2815 = tpu.memref_squeeze %dma_start3A_2814 : memref<1x1x8x16x128xf32, #tpu.memory_space<vmem>> -> memref<8x16x128xf32, #tpu.memory_space<vmem>>
      %dma_start3A_2816 = arith.constant 0 : i32
      %dma_start3A_2817 = arith.constant 0 : i32
      %dma_start3A_2818 = tpu.memref_slice %arg1[%mul3A_2805, %dma_start3A_2806, %dma_start3A_2816, %dma_start3A_2817] : memref<512x64x16x128xf32, #tpu.memory_space<hbm>> -> memref<8x1x16x128xf32, #tpu.memory_space<hbm>>
      %dma_start3A_2819 = tpu.memref_squeeze %dma_start3A_2818 : memref<8x1x16x128xf32, #tpu.memory_space<hbm>> -> memref<8x16x128xf32, #tpu.memory_space<hbm>>
      tpu.enqueue_dma source(%dma_start3A_2819 : memref<8x16x128xf32, #tpu.memory_space<hbm>>) target(%dma_start3A_2815 : memref<8x16x128xf32, #tpu.memory_space<vmem>>) target_semaphore(%dma_start3A_2810 : memref<!tpu.dma_semaphore, #tpu.memory_space<semaphore_mem>>)
      %mul3A_2820 = arith.constant 8 : i32
      %mul3A_2821 = arith.muli %add3A_1940, %mul3A_2820 : i32
      %dma_start3A_2822 = arith.constant 55 : i32
      %dma_start3A_2823 = arith.constant 55 : i32
      %dma_start3A_2824 = arith.constant 55 : i32
      %dma_start3A_2825 = tpu.memref_slice %arg12[%rem3A_3, %dma_start3A_2824] : memref<2x64x!tpu.dma_semaphore, #tpu.memory_space<semaphore_mem>> -> memref<1x1x!tpu.dma_semaphore, #tpu.memory_space<semaphore_mem>>
      %dma_start3A_2826 = tpu.memref_squeeze %dma_start3A_2825 : memref<1x1x!tpu.dma_semaphore, #tpu.memory_space<semaphore_mem>> -> memref<!tpu.dma_semaphore, #tpu.memory_space<semaphore_mem>>
      %dma_start3A_2827 = arith.constant 0 : i32
      %dma_start3A_2828 = arith.constant 0 : i32
      %dma_start3A_2829 = arith.constant 0 : i32
      %dma_start3A_2830 = tpu.memref_slice %arg11[%rem3A_3, %dma_start3A_2823, %dma_start3A_2827, %dma_start3A_2828, %dma_start3A_2829] : memref<2x64x8x16x128xf32, #tpu.memory_space<vmem>> -> memref<1x1x8x16x128xf32, #tpu.memory_space<vmem>>
      %dma_start3A_2831 = tpu.memref_squeeze %dma_start3A_2830 : memref<1x1x8x16x128xf32, #tpu.memory_space<vmem>> -> memref<8x16x128xf32, #tpu.memory_space<vmem>>
      %dma_start3A_2832 = arith.constant 0 : i32
      %dma_start3A_2833 = arith.constant 0 : i32
      %dma_start3A_2834 = tpu.memref_slice %arg1[%mul3A_2821, %dma_start3A_2822, %dma_start3A_2832, %dma_start3A_2833] : memref<512x64x16x128xf32, #tpu.memory_space<hbm>> -> memref<8x1x16x128xf32, #tpu.memory_space<hbm>>
      %dma_start3A_2835 = tpu.memref_squeeze %dma_start3A_2834 : memref<8x1x16x128xf32, #tpu.memory_space<hbm>> -> memref<8x16x128xf32, #tpu.memory_space<hbm>>
      tpu.enqueue_dma source(%dma_start3A_2835 : memref<8x16x128xf32, #tpu.memory_space<hbm>>) target(%dma_start3A_2831 : memref<8x16x128xf32, #tpu.memory_space<vmem>>) target_semaphore(%dma_start3A_2826 : memref<!tpu.dma_semaphore, #tpu.memory_space<semaphore_mem>>)
      %mul3A_2836 = arith.constant 8 : i32
      %mul3A_2837 = arith.muli %add3A_1940, %mul3A_2836 : i32
      %dma_start3A_2838 = arith.constant 56 : i32
      %dma_start3A_2839 = arith.constant 56 : i32
      %dma_start3A_2840 = arith.constant 56 : i32
      %dma_start3A_2841 = tpu.memref_slice %arg12[%rem3A_3, %dma_start3A_2840] : memref<2x64x!tpu.dma_semaphore, #tpu.memory_space<semaphore_mem>> -> memref<1x1x!tpu.dma_semaphore, #tpu.memory_space<semaphore_mem>>
      %dma_start3A_2842 = tpu.memref_squeeze %dma_start3A_2841 : memref<1x1x!tpu.dma_semaphore, #tpu.memory_space<semaphore_mem>> -> memref<!tpu.dma_semaphore, #tpu.memory_space<semaphore_mem>>
      %dma_start3A_2843 = arith.constant 0 : i32
      %dma_start3A_2844 = arith.constant 0 : i32
      %dma_start3A_2845 = arith.constant 0 : i32
      %dma_start3A_2846 = tpu.memref_slice %arg11[%rem3A_3, %dma_start3A_2839, %dma_start3A_2843, %dma_start3A_2844, %dma_start3A_2845] : memref<2x64x8x16x128xf32, #tpu.memory_space<vmem>> -> memref<1x1x8x16x128xf32, #tpu.memory_space<vmem>>
      %dma_start3A_2847 = tpu.memref_squeeze %dma_start3A_2846 : memref<1x1x8x16x128xf32, #tpu.memory_space<vmem>> -> memref<8x16x128xf32, #tpu.memory_space<vmem>>
      %dma_start3A_2848 = arith.constant 0 : i32
      %dma_start3A_2849 = arith.constant 0 : i32
      %dma_start3A_2850 = tpu.memref_slice %arg1[%mul3A_2837, %dma_start3A_2838, %dma_start3A_2848, %dma_start3A_2849] : memref<512x64x16x128xf32, #tpu.memory_space<hbm>> -> memref<8x1x16x128xf32, #tpu.memory_space<hbm>>
      %dma_start3A_2851 = tpu.memref_squeeze %dma_start3A_2850 : memref<8x1x16x128xf32, #tpu.memory_space<hbm>> -> memref<8x16x128xf32, #tpu.memory_space<hbm>>
      tpu.enqueue_dma source(%dma_start3A_2851 : memref<8x16x128xf32, #tpu.memory_space<hbm>>) target(%dma_start3A_2847 : memref<8x16x128xf32, #tpu.memory_space<vmem>>) target_semaphore(%dma_start3A_2842 : memref<!tpu.dma_semaphore, #tpu.memory_space<semaphore_mem>>)
      %mul3A_2852 = arith.constant 8 : i32
      %mul3A_2853 = arith.muli %add3A_1940, %mul3A_2852 : i32
      %dma_start3A_2854 = arith.constant 57 : i32
      %dma_start3A_2855 = arith.constant 57 : i32
      %dma_start3A_2856 = arith.constant 57 : i32
      %dma_start3A_2857 = tpu.memref_slice %arg12[%rem3A_3, %dma_start3A_2856] : memref<2x64x!tpu.dma_semaphore, #tpu.memory_space<semaphore_mem>> -> memref<1x1x!tpu.dma_semaphore, #tpu.memory_space<semaphore_mem>>
      %dma_start3A_2858 = tpu.memref_squeeze %dma_start3A_2857 : memref<1x1x!tpu.dma_semaphore, #tpu.memory_space<semaphore_mem>> -> memref<!tpu.dma_semaphore, #tpu.memory_space<semaphore_mem>>
      %dma_start3A_2859 = arith.constant 0 : i32
      %dma_start3A_2860 = arith.constant 0 : i32
      %dma_start3A_2861 = arith.constant 0 : i32
      %dma_start3A_2862 = tpu.memref_slice %arg11[%rem3A_3, %dma_start3A_2855, %dma_start3A_2859, %dma_start3A_2860, %dma_start3A_2861] : memref<2x64x8x16x128xf32, #tpu.memory_space<vmem>> -> memref<1x1x8x16x128xf32, #tpu.memory_space<vmem>>
      %dma_start3A_2863 = tpu.memref_squeeze %dma_start3A_2862 : memref<1x1x8x16x128xf32, #tpu.memory_space<vmem>> -> memref<8x16x128xf32, #tpu.memory_space<vmem>>
      %dma_start3A_2864 = arith.constant 0 : i32
      %dma_start3A_2865 = arith.constant 0 : i32
      %dma_start3A_2866 = tpu.memref_slice %arg1[%mul3A_2853, %dma_start3A_2854, %dma_start3A_2864, %dma_start3A_2865] : memref<512x64x16x128xf32, #tpu.memory_space<hbm>> -> memref<8x1x16x128xf32, #tpu.memory_space<hbm>>
      %dma_start3A_2867 = tpu.memref_squeeze %dma_start3A_2866 : memref<8x1x16x128xf32, #tpu.memory_space<hbm>> -> memref<8x16x128xf32, #tpu.memory_space<hbm>>
      tpu.enqueue_dma source(%dma_start3A_2867 : memref<8x16x128xf32, #tpu.memory_space<hbm>>) target(%dma_start3A_2863 : memref<8x16x128xf32, #tpu.memory_space<vmem>>) target_semaphore(%dma_start3A_2858 : memref<!tpu.dma_semaphore, #tpu.memory_space<semaphore_mem>>)
      %mul3A_2868 = arith.constant 8 : i32
      %mul3A_2869 = arith.muli %add3A_1940, %mul3A_2868 : i32
      %dma_start3A_2870 = arith.constant 58 : i32
      %dma_start3A_2871 = arith.constant 58 : i32
      %dma_start3A_2872 = arith.constant 58 : i32
      %dma_start3A_2873 = tpu.memref_slice %arg12[%rem3A_3, %dma_start3A_2872] : memref<2x64x!tpu.dma_semaphore, #tpu.memory_space<semaphore_mem>> -> memref<1x1x!tpu.dma_semaphore, #tpu.memory_space<semaphore_mem>>
      %dma_start3A_2874 = tpu.memref_squeeze %dma_start3A_2873 : memref<1x1x!tpu.dma_semaphore, #tpu.memory_space<semaphore_mem>> -> memref<!tpu.dma_semaphore, #tpu.memory_space<semaphore_mem>>
      %dma_start3A_2875 = arith.constant 0 : i32
      %dma_start3A_2876 = arith.constant 0 : i32
      %dma_start3A_2877 = arith.constant 0 : i32
      %dma_start3A_2878 = tpu.memref_slice %arg11[%rem3A_3, %dma_start3A_2871, %dma_start3A_2875, %dma_start3A_2876, %dma_start3A_2877] : memref<2x64x8x16x128xf32, #tpu.memory_space<vmem>> -> memref<1x1x8x16x128xf32, #tpu.memory_space<vmem>>
      %dma_start3A_2879 = tpu.memref_squeeze %dma_start3A_2878 : memref<1x1x8x16x128xf32, #tpu.memory_space<vmem>> -> memref<8x16x128xf32, #tpu.memory_space<vmem>>
      %dma_start3A_2880 = arith.constant 0 : i32
      %dma_start3A_2881 = arith.constant 0 : i32
      %dma_start3A_2882 = tpu.memref_slice %arg1[%mul3A_2869, %dma_start3A_2870, %dma_start3A_2880, %dma_start3A_2881] : memref<512x64x16x128xf32, #tpu.memory_space<hbm>> -> memref<8x1x16x128xf32, #tpu.memory_space<hbm>>
      %dma_start3A_2883 = tpu.memref_squeeze %dma_start3A_2882 : memref<8x1x16x128xf32, #tpu.memory_space<hbm>> -> memref<8x16x128xf32, #tpu.memory_space<hbm>>
      tpu.enqueue_dma source(%dma_start3A_2883 : memref<8x16x128xf32, #tpu.memory_space<hbm>>) target(%dma_start3A_2879 : memref<8x16x128xf32, #tpu.memory_space<vmem>>) target_semaphore(%dma_start3A_2874 : memref<!tpu.dma_semaphore, #tpu.memory_space<semaphore_mem>>)
      %mul3A_2884 = arith.constant 8 : i32
      %mul3A_2885 = arith.muli %add3A_1940, %mul3A_2884 : i32
      %dma_start3A_2886 = arith.constant 59 : i32
      %dma_start3A_2887 = arith.constant 59 : i32
      %dma_start3A_2888 = arith.constant 59 : i32
      %dma_start3A_2889 = tpu.memref_slice %arg12[%rem3A_3, %dma_start3A_2888] : memref<2x64x!tpu.dma_semaphore, #tpu.memory_space<semaphore_mem>> -> memref<1x1x!tpu.dma_semaphore, #tpu.memory_space<semaphore_mem>>
      %dma_start3A_2890 = tpu.memref_squeeze %dma_start3A_2889 : memref<1x1x!tpu.dma_semaphore, #tpu.memory_space<semaphore_mem>> -> memref<!tpu.dma_semaphore, #tpu.memory_space<semaphore_mem>>
      %dma_start3A_2891 = arith.constant 0 : i32
      %dma_start3A_2892 = arith.constant 0 : i32
      %dma_start3A_2893 = arith.constant 0 : i32
      %dma_start3A_2894 = tpu.memref_slice %arg11[%rem3A_3, %dma_start3A_2887, %dma_start3A_2891, %dma_start3A_2892, %dma_start3A_2893] : memref<2x64x8x16x128xf32, #tpu.memory_space<vmem>> -> memref<1x1x8x16x128xf32, #tpu.memory_space<vmem>>
      %dma_start3A_2895 = tpu.memref_squeeze %dma_start3A_2894 : memref<1x1x8x16x128xf32, #tpu.memory_space<vmem>> -> memref<8x16x128xf32, #tpu.memory_space<vmem>>
      %dma_start3A_2896 = arith.constant 0 : i32
      %dma_start3A_2897 = arith.constant 0 : i32
      %dma_start3A_2898 = tpu.memref_slice %arg1[%mul3A_2885, %dma_start3A_2886, %dma_start3A_2896, %dma_start3A_2897] : memref<512x64x16x128xf32, #tpu.memory_space<hbm>> -> memref<8x1x16x128xf32, #tpu.memory_space<hbm>>
      %dma_start3A_2899 = tpu.memref_squeeze %dma_start3A_2898 : memref<8x1x16x128xf32, #tpu.memory_space<hbm>> -> memref<8x16x128xf32, #tpu.memory_space<hbm>>
      tpu.enqueue_dma source(%dma_start3A_2899 : memref<8x16x128xf32, #tpu.memory_space<hbm>>) target(%dma_start3A_2895 : memref<8x16x128xf32, #tpu.memory_space<vmem>>) target_semaphore(%dma_start3A_2890 : memref<!tpu.dma_semaphore, #tpu.memory_space<semaphore_mem>>)
      %mul3A_2900 = arith.constant 8 : i32
      %mul3A_2901 = arith.muli %add3A_1940, %mul3A_2900 : i32
      %dma_start3A_2902 = arith.constant 60 : i32
      %dma_start3A_2903 = arith.constant 60 : i32
      %dma_start3A_2904 = arith.constant 60 : i32
      %dma_start3A_2905 = tpu.memref_slice %arg12[%rem3A_3, %dma_start3A_2904] : memref<2x64x!tpu.dma_semaphore, #tpu.memory_space<semaphore_mem>> -> memref<1x1x!tpu.dma_semaphore, #tpu.memory_space<semaphore_mem>>
      %dma_start3A_2906 = tpu.memref_squeeze %dma_start3A_2905 : memref<1x1x!tpu.dma_semaphore, #tpu.memory_space<semaphore_mem>> -> memref<!tpu.dma_semaphore, #tpu.memory_space<semaphore_mem>>
      %dma_start3A_2907 = arith.constant 0 : i32
      %dma_start3A_2908 = arith.constant 0 : i32
      %dma_start3A_2909 = arith.constant 0 : i32
      %dma_start3A_2910 = tpu.memref_slice %arg11[%rem3A_3, %dma_start3A_2903, %dma_start3A_2907, %dma_start3A_2908, %dma_start3A_2909] : memref<2x64x8x16x128xf32, #tpu.memory_space<vmem>> -> memref<1x1x8x16x128xf32, #tpu.memory_space<vmem>>
      %dma_start3A_2911 = tpu.memref_squeeze %dma_start3A_2910 : memref<1x1x8x16x128xf32, #tpu.memory_space<vmem>> -> memref<8x16x128xf32, #tpu.memory_space<vmem>>
      %dma_start3A_2912 = arith.constant 0 : i32
      %dma_start3A_2913 = arith.constant 0 : i32
      %dma_start3A_2914 = tpu.memref_slice %arg1[%mul3A_2901, %dma_start3A_2902, %dma_start3A_2912, %dma_start3A_2913] : memref<512x64x16x128xf32, #tpu.memory_space<hbm>> -> memref<8x1x16x128xf32, #tpu.memory_space<hbm>>
      %dma_start3A_2915 = tpu.memref_squeeze %dma_start3A_2914 : memref<8x1x16x128xf32, #tpu.memory_space<hbm>> -> memref<8x16x128xf32, #tpu.memory_space<hbm>>
      tpu.enqueue_dma source(%dma_start3A_2915 : memref<8x16x128xf32, #tpu.memory_space<hbm>>) target(%dma_start3A_2911 : memref<8x16x128xf32, #tpu.memory_space<vmem>>) target_semaphore(%dma_start3A_2906 : memref<!tpu.dma_semaphore, #tpu.memory_space<semaphore_mem>>)
      %mul3A_2916 = arith.constant 8 : i32
      %mul3A_2917 = arith.muli %add3A_1940, %mul3A_2916 : i32
      %dma_start3A_2918 = arith.constant 61 : i32
      %dma_start3A_2919 = arith.constant 61 : i32
      %dma_start3A_2920 = arith.constant 61 : i32
      %dma_start3A_2921 = tpu.memref_slice %arg12[%rem3A_3, %dma_start3A_2920] : memref<2x64x!tpu.dma_semaphore, #tpu.memory_space<semaphore_mem>> -> memref<1x1x!tpu.dma_semaphore, #tpu.memory_space<semaphore_mem>>
      %dma_start3A_2922 = tpu.memref_squeeze %dma_start3A_2921 : memref<1x1x!tpu.dma_semaphore, #tpu.memory_space<semaphore_mem>> -> memref<!tpu.dma_semaphore, #tpu.memory_space<semaphore_mem>>
      %dma_start3A_2923 = arith.constant 0 : i32
      %dma_start3A_2924 = arith.constant 0 : i32
      %dma_start3A_2925 = arith.constant 0 : i32
      %dma_start3A_2926 = tpu.memref_slice %arg11[%rem3A_3, %dma_start3A_2919, %dma_start3A_2923, %dma_start3A_2924, %dma_start3A_2925] : memref<2x64x8x16x128xf32, #tpu.memory_space<vmem>> -> memref<1x1x8x16x128xf32, #tpu.memory_space<vmem>>
      %dma_start3A_2927 = tpu.memref_squeeze %dma_start3A_2926 : memref<1x1x8x16x128xf32, #tpu.memory_space<vmem>> -> memref<8x16x128xf32, #tpu.memory_space<vmem>>
      %dma_start3A_2928 = arith.constant 0 : i32
      %dma_start3A_2929 = arith.constant 0 : i32
      %dma_start3A_2930 = tpu.memref_slice %arg1[%mul3A_2917, %dma_start3A_2918, %dma_start3A_2928, %dma_start3A_2929] : memref<512x64x16x128xf32, #tpu.memory_space<hbm>> -> memref<8x1x16x128xf32, #tpu.memory_space<hbm>>
      %dma_start3A_2931 = tpu.memref_squeeze %dma_start3A_2930 : memref<8x1x16x128xf32, #tpu.memory_space<hbm>> -> memref<8x16x128xf32, #tpu.memory_space<hbm>>
      tpu.enqueue_dma source(%dma_start3A_2931 : memref<8x16x128xf32, #tpu.memory_space<hbm>>) target(%dma_start3A_2927 : memref<8x16x128xf32, #tpu.memory_space<vmem>>) target_semaphore(%dma_start3A_2922 : memref<!tpu.dma_semaphore, #tpu.memory_space<semaphore_mem>>)
      %mul3A_2932 = arith.constant 8 : i32
      %mul3A_2933 = arith.muli %add3A_1940, %mul3A_2932 : i32
      %dma_start3A_2934 = arith.constant 62 : i32
      %dma_start3A_2935 = arith.constant 62 : i32
      %dma_start3A_2936 = arith.constant 62 : i32
      %dma_start3A_2937 = tpu.memref_slice %arg12[%rem3A_3, %dma_start3A_2936] : memref<2x64x!tpu.dma_semaphore, #tpu.memory_space<semaphore_mem>> -> memref<1x1x!tpu.dma_semaphore, #tpu.memory_space<semaphore_mem>>
      %dma_start3A_2938 = tpu.memref_squeeze %dma_start3A_2937 : memref<1x1x!tpu.dma_semaphore, #tpu.memory_space<semaphore_mem>> -> memref<!tpu.dma_semaphore, #tpu.memory_space<semaphore_mem>>
      %dma_start3A_2939 = arith.constant 0 : i32
      %dma_start3A_2940 = arith.constant 0 : i32
      %dma_start3A_2941 = arith.constant 0 : i32
      %dma_start3A_2942 = tpu.memref_slice %arg11[%rem3A_3, %dma_start3A_2935, %dma_start3A_2939, %dma_start3A_2940, %dma_start3A_2941] : memref<2x64x8x16x128xf32, #tpu.memory_space<vmem>> -> memref<1x1x8x16x128xf32, #tpu.memory_space<vmem>>
      %dma_start3A_2943 = tpu.memref_squeeze %dma_start3A_2942 : memref<1x1x8x16x128xf32, #tpu.memory_space<vmem>> -> memref<8x16x128xf32, #tpu.memory_space<vmem>>
      %dma_start3A_2944 = arith.constant 0 : i32
      %dma_start3A_2945 = arith.constant 0 : i32
      %dma_start3A_2946 = tpu.memref_slice %arg1[%mul3A_2933, %dma_start3A_2934, %dma_start3A_2944, %dma_start3A_2945] : memref<512x64x16x128xf32, #tpu.memory_space<hbm>> -> memref<8x1x16x128xf32, #tpu.memory_space<hbm>>
      %dma_start3A_2947 = tpu.memref_squeeze %dma_start3A_2946 : memref<8x1x16x128xf32, #tpu.memory_space<hbm>> -> memref<8x16x128xf32, #tpu.memory_space<hbm>>
      tpu.enqueue_dma source(%dma_start3A_2947 : memref<8x16x128xf32, #tpu.memory_space<hbm>>) target(%dma_start3A_2943 : memref<8x16x128xf32, #tpu.memory_space<vmem>>) target_semaphore(%dma_start3A_2938 : memref<!tpu.dma_semaphore, #tpu.memory_space<semaphore_mem>>)
      %mul3A_2948 = arith.constant 8 : i32
      %mul3A_2949 = arith.muli %add3A_1940, %mul3A_2948 : i32
      %dma_start3A_2950 = arith.constant 63 : i32
      %dma_start3A_2951 = arith.constant 63 : i32
      %dma_start3A_2952 = arith.constant 63 : i32
      %dma_start3A_2953 = tpu.memref_slice %arg12[%rem3A_3, %dma_start3A_2952] : memref<2x64x!tpu.dma_semaphore, #tpu.memory_space<semaphore_mem>> -> memref<1x1x!tpu.dma_semaphore, #tpu.memory_space<semaphore_mem>>
      %dma_start3A_2954 = tpu.memref_squeeze %dma_start3A_2953 : memref<1x1x!tpu.dma_semaphore, #tpu.memory_space<semaphore_mem>> -> memref<!tpu.dma_semaphore, #tpu.memory_space<semaphore_mem>>
      %dma_start3A_2955 = arith.constant 0 : i32
      %dma_start3A_2956 = arith.constant 0 : i32
      %dma_start3A_2957 = arith.constant 0 : i32
      %dma_start3A_2958 = tpu.memref_slice %arg11[%rem3A_3, %dma_start3A_2951, %dma_start3A_2955, %dma_start3A_2956, %dma_start3A_2957] : memref<2x64x8x16x128xf32, #tpu.memory_space<vmem>> -> memref<1x1x8x16x128xf32, #tpu.memory_space<vmem>>
      %dma_start3A_2959 = tpu.memref_squeeze %dma_start3A_2958 : memref<1x1x8x16x128xf32, #tpu.memory_space<vmem>> -> memref<8x16x128xf32, #tpu.memory_space<vmem>>
      %dma_start3A_2960 = arith.constant 0 : i32
      %dma_start3A_2961 = arith.constant 0 : i32
      %dma_start3A_2962 = tpu.memref_slice %arg1[%mul3A_2949, %dma_start3A_2950, %dma_start3A_2960, %dma_start3A_2961] : memref<512x64x16x128xf32, #tpu.memory_space<hbm>> -> memref<8x1x16x128xf32, #tpu.memory_space<hbm>>
      %dma_start3A_2963 = tpu.memref_squeeze %dma_start3A_2962 : memref<8x1x16x128xf32, #tpu.memory_space<hbm>> -> memref<8x16x128xf32, #tpu.memory_space<hbm>>
      tpu.enqueue_dma source(%dma_start3A_2963 : memref<8x16x128xf32, #tpu.memory_space<hbm>>) target(%dma_start3A_2959 : memref<8x16x128xf32, #tpu.memory_space<vmem>>) target_semaphore(%dma_start3A_2954 : memref<!tpu.dma_semaphore, #tpu.memory_space<semaphore_mem>>)
    } else {
    }
    %mul3A = arith.constant 8 : i32
    %mul3A_12 = arith.muli %arg0, %mul3A : i32
    %dma_wait3A = arith.constant 0 : i32
    %dma_wait3A_13 = arith.constant 0 : i32
    %dma_wait3A_14 = arith.constant 0 : i32
    %dma_wait3A_15 = tpu.memref_slice %arg12[%rem3A_0, %dma_wait3A_14] : memref<2x64x!tpu.dma_semaphore, #tpu.memory_space<semaphore_mem>> -> memref<1x1x!tpu.dma_semaphore, #tpu.memory_space<semaphore_mem>>
    %dma_wait3A_16 = tpu.memref_squeeze %dma_wait3A_15 : memref<1x1x!tpu.dma_semaphore, #tpu.memory_space<semaphore_mem>> -> memref<!tpu.dma_semaphore, #tpu.memory_space<semaphore_mem>>
    %dma_wait3A_17 = arith.constant 0 : i32
    %dma_wait3A_18 = arith.constant 0 : i32
    %dma_wait3A_19 = arith.constant 0 : i32
    %dma_wait3A_20 = tpu.memref_slice %arg11[%rem3A_0, %dma_wait3A_13, %dma_wait3A_17, %dma_wait3A_18, %dma_wait3A_19] : memref<2x64x8x16x128xf32, #tpu.memory_space<vmem>> -> memref<1x1x8x16x128xf32, #tpu.memory_space<vmem>>
    %dma_wait3A_21 = tpu.memref_squeeze %dma_wait3A_20 : memref<1x1x8x16x128xf32, #tpu.memory_space<vmem>> -> memref<8x16x128xf32, #tpu.memory_space<vmem>>
    %dma_wait3A_22 = arith.constant 0 : i32
    %dma_wait3A_23 = arith.constant 0 : i32
    %dma_wait3A_24 = tpu.memref_slice %arg1[%mul3A_12, %dma_wait3A, %dma_wait3A_22, %dma_wait3A_23] : memref<512x64x16x128xf32, #tpu.memory_space<hbm>> -> memref<8x1x16x128xf32, #tpu.memory_space<hbm>>
    %dma_wait3A_25 = tpu.memref_squeeze %dma_wait3A_24 : memref<8x1x16x128xf32, #tpu.memory_space<hbm>> -> memref<8x16x128xf32, #tpu.memory_space<hbm>>
    tpu.wait_dma2 semaphore(%dma_wait3A_16 : memref<!tpu.dma_semaphore, #tpu.memory_space<semaphore_mem>>) src(%dma_wait3A_25 : memref<8x16x128xf32, #tpu.memory_space<hbm>>) dst(%dma_wait3A_21 : memref<8x16x128xf32, #tpu.memory_space<vmem>>)
    %mul3A_26 = arith.constant 8 : i32
    %mul3A_27 = arith.muli %arg0, %mul3A_26 : i32
    %dma_wait3A_28 = arith.constant 1 : i32
    %dma_wait3A_29 = arith.constant 1 : i32
    %dma_wait3A_30 = arith.constant 1 : i32
    %dma_wait3A_31 = tpu.memref_slice %arg12[%rem3A_0, %dma_wait3A_30] : memref<2x64x!tpu.dma_semaphore, #tpu.memory_space<semaphore_mem>> -> memref<1x1x!tpu.dma_semaphore, #tpu.memory_space<semaphore_mem>>
    %dma_wait3A_32 = tpu.memref_squeeze %dma_wait3A_31 : memref<1x1x!tpu.dma_semaphore, #tpu.memory_space<semaphore_mem>> -> memref<!tpu.dma_semaphore, #tpu.memory_space<semaphore_mem>>
    %dma_wait3A_33 = arith.constant 0 : i32
    %dma_wait3A_34 = arith.constant 0 : i32
    %dma_wait3A_35 = arith.constant 0 : i32
    %dma_wait3A_36 = tpu.memref_slice %arg11[%rem3A_0, %dma_wait3A_29, %dma_wait3A_33, %dma_wait3A_34, %dma_wait3A_35] : memref<2x64x8x16x128xf32, #tpu.memory_space<vmem>> -> memref<1x1x8x16x128xf32, #tpu.memory_space<vmem>>
    %dma_wait3A_37 = tpu.memref_squeeze %dma_wait3A_36 : memref<1x1x8x16x128xf32, #tpu.memory_space<vmem>> -> memref<8x16x128xf32, #tpu.memory_space<vmem>>
    %dma_wait3A_38 = arith.constant 0 : i32
    %dma_wait3A_39 = arith.constant 0 : i32
    %dma_wait3A_40 = tpu.memref_slice %arg1[%mul3A_27, %dma_wait3A_28, %dma_wait3A_38, %dma_wait3A_39] : memref<512x64x16x128xf32, #tpu.memory_space<hbm>> -> memref<8x1x16x128xf32, #tpu.memory_space<hbm>>
    %dma_wait3A_41 = tpu.memref_squeeze %dma_wait3A_40 : memref<8x1x16x128xf32, #tpu.memory_space<hbm>> -> memref<8x16x128xf32, #tpu.memory_space<hbm>>
    tpu.wait_dma2 semaphore(%dma_wait3A_32 : memref<!tpu.dma_semaphore, #tpu.memory_space<semaphore_mem>>) src(%dma_wait3A_41 : memref<8x16x128xf32, #tpu.memory_space<hbm>>) dst(%dma_wait3A_37 : memref<8x16x128xf32, #tpu.memory_space<vmem>>)
    %mul3A_42 = arith.constant 8 : i32
    %mul3A_43 = arith.muli %arg0, %mul3A_42 : i32
    %dma_wait3A_44 = arith.constant 2 : i32
    %dma_wait3A_45 = arith.constant 2 : i32
    %dma_wait3A_46 = arith.constant 2 : i32
    %dma_wait3A_47 = tpu.memref_slice %arg12[%rem3A_0, %dma_wait3A_46] : memref<2x64x!tpu.dma_semaphore, #tpu.memory_space<semaphore_mem>> -> memref<1x1x!tpu.dma_semaphore, #tpu.memory_space<semaphore_mem>>
    %dma_wait3A_48 = tpu.memref_squeeze %dma_wait3A_47 : memref<1x1x!tpu.dma_semaphore, #tpu.memory_space<semaphore_mem>> -> memref<!tpu.dma_semaphore, #tpu.memory_space<semaphore_mem>>
    %dma_wait3A_49 = arith.constant 0 : i32
    %dma_wait3A_50 = arith.constant 0 : i32
    %dma_wait3A_51 = arith.constant 0 : i32
    %dma_wait3A_52 = tpu.memref_slice %arg11[%rem3A_0, %dma_wait3A_45, %dma_wait3A_49, %dma_wait3A_50, %dma_wait3A_51] : memref<2x64x8x16x128xf32, #tpu.memory_space<vmem>> -> memref<1x1x8x16x128xf32, #tpu.memory_space<vmem>>
    %dma_wait3A_53 = tpu.memref_squeeze %dma_wait3A_52 : memref<1x1x8x16x128xf32, #tpu.memory_space<vmem>> -> memref<8x16x128xf32, #tpu.memory_space<vmem>>
    %dma_wait3A_54 = arith.constant 0 : i32
    %dma_wait3A_55 = arith.constant 0 : i32
    %dma_wait3A_56 = tpu.memref_slice %arg1[%mul3A_43, %dma_wait3A_44, %dma_wait3A_54, %dma_wait3A_55] : memref<512x64x16x128xf32, #tpu.memory_space<hbm>> -> memref<8x1x16x128xf32, #tpu.memory_space<hbm>>
    %dma_wait3A_57 = tpu.memref_squeeze %dma_wait3A_56 : memref<8x1x16x128xf32, #tpu.memory_space<hbm>> -> memref<8x16x128xf32, #tpu.memory_space<hbm>>
    tpu.wait_dma2 semaphore(%dma_wait3A_48 : memref<!tpu.dma_semaphore, #tpu.memory_space<semaphore_mem>>) src(%dma_wait3A_57 : memref<8x16x128xf32, #tpu.memory_space<hbm>>) dst(%dma_wait3A_53 : memref<8x16x128xf32, #tpu.memory_space<vmem>>)
    %mul3A_58 = arith.constant 8 : i32
    %mul3A_59 = arith.muli %arg0, %mul3A_58 : i32
    %dma_wait3A_60 = arith.constant 3 : i32
    %dma_wait3A_61 = arith.constant 3 : i32
    %dma_wait3A_62 = arith.constant 3 : i32
    %dma_wait3A_63 = tpu.memref_slice %arg12[%rem3A_0, %dma_wait3A_62] : memref<2x64x!tpu.dma_semaphore, #tpu.memory_space<semaphore_mem>> -> memref<1x1x!tpu.dma_semaphore, #tpu.memory_space<semaphore_mem>>
    %dma_wait3A_64 = tpu.memref_squeeze %dma_wait3A_63 : memref<1x1x!tpu.dma_semaphore, #tpu.memory_space<semaphore_mem>> -> memref<!tpu.dma_semaphore, #tpu.memory_space<semaphore_mem>>
    %dma_wait3A_65 = arith.constant 0 : i32
    %dma_wait3A_66 = arith.constant 0 : i32
    %dma_wait3A_67 = arith.constant 0 : i32
    %dma_wait3A_68 = tpu.memref_slice %arg11[%rem3A_0, %dma_wait3A_61, %dma_wait3A_65, %dma_wait3A_66, %dma_wait3A_67] : memref<2x64x8x16x128xf32, #tpu.memory_space<vmem>> -> memref<1x1x8x16x128xf32, #tpu.memory_space<vmem>>
    %dma_wait3A_69 = tpu.memref_squeeze %dma_wait3A_68 : memref<1x1x8x16x128xf32, #tpu.memory_space<vmem>> -> memref<8x16x128xf32, #tpu.memory_space<vmem>>
    %dma_wait3A_70 = arith.constant 0 : i32
    %dma_wait3A_71 = arith.constant 0 : i32
    %dma_wait3A_72 = tpu.memref_slice %arg1[%mul3A_59, %dma_wait3A_60, %dma_wait3A_70, %dma_wait3A_71] : memref<512x64x16x128xf32, #tpu.memory_space<hbm>> -> memref<8x1x16x128xf32, #tpu.memory_space<hbm>>
    %dma_wait3A_73 = tpu.memref_squeeze %dma_wait3A_72 : memref<8x1x16x128xf32, #tpu.memory_space<hbm>> -> memref<8x16x128xf32, #tpu.memory_space<hbm>>
    tpu.wait_dma2 semaphore(%dma_wait3A_64 : memref<!tpu.dma_semaphore, #tpu.memory_space<semaphore_mem>>) src(%dma_wait3A_73 : memref<8x16x128xf32, #tpu.memory_space<hbm>>) dst(%dma_wait3A_69 : memref<8x16x128xf32, #tpu.memory_space<vmem>>)
    %mul3A_74 = arith.constant 8 : i32
    %mul3A_75 = arith.muli %arg0, %mul3A_74 : i32
    %dma_wait3A_76 = arith.constant 4 : i32
    %dma_wait3A_77 = arith.constant 4 : i32
    %dma_wait3A_78 = arith.constant 4 : i32
    %dma_wait3A_79 = tpu.memref_slice %arg12[%rem3A_0, %dma_wait3A_78] : memref<2x64x!tpu.dma_semaphore, #tpu.memory_space<semaphore_mem>> -> memref<1x1x!tpu.dma_semaphore, #tpu.memory_space<semaphore_mem>>
    %dma_wait3A_80 = tpu.memref_squeeze %dma_wait3A_79 : memref<1x1x!tpu.dma_semaphore, #tpu.memory_space<semaphore_mem>> -> memref<!tpu.dma_semaphore, #tpu.memory_space<semaphore_mem>>
    %dma_wait3A_81 = arith.constant 0 : i32
    %dma_wait3A_82 = arith.constant 0 : i32
    %dma_wait3A_83 = arith.constant 0 : i32
    %dma_wait3A_84 = tpu.memref_slice %arg11[%rem3A_0, %dma_wait3A_77, %dma_wait3A_81, %dma_wait3A_82, %dma_wait3A_83] : memref<2x64x8x16x128xf32, #tpu.memory_space<vmem>> -> memref<1x1x8x16x128xf32, #tpu.memory_space<vmem>>
    %dma_wait3A_85 = tpu.memref_squeeze %dma_wait3A_84 : memref<1x1x8x16x128xf32, #tpu.memory_space<vmem>> -> memref<8x16x128xf32, #tpu.memory_space<vmem>>
    %dma_wait3A_86 = arith.constant 0 : i32
    %dma_wait3A_87 = arith.constant 0 : i32
    %dma_wait3A_88 = tpu.memref_slice %arg1[%mul3A_75, %dma_wait3A_76, %dma_wait3A_86, %dma_wait3A_87] : memref<512x64x16x128xf32, #tpu.memory_space<hbm>> -> memref<8x1x16x128xf32, #tpu.memory_space<hbm>>
    %dma_wait3A_89 = tpu.memref_squeeze %dma_wait3A_88 : memref<8x1x16x128xf32, #tpu.memory_space<hbm>> -> memref<8x16x128xf32, #tpu.memory_space<hbm>>
    tpu.wait_dma2 semaphore(%dma_wait3A_80 : memref<!tpu.dma_semaphore, #tpu.memory_space<semaphore_mem>>) src(%dma_wait3A_89 : memref<8x16x128xf32, #tpu.memory_space<hbm>>) dst(%dma_wait3A_85 : memref<8x16x128xf32, #tpu.memory_space<vmem>>)
    %mul3A_90 = arith.constant 8 : i32
    %mul3A_91 = arith.muli %arg0, %mul3A_90 : i32
    %dma_wait3A_92 = arith.constant 5 : i32
    %dma_wait3A_93 = arith.constant 5 : i32
    %dma_wait3A_94 = arith.constant 5 : i32
    %dma_wait3A_95 = tpu.memref_slice %arg12[%rem3A_0, %dma_wait3A_94] : memref<2x64x!tpu.dma_semaphore, #tpu.memory_space<semaphore_mem>> -> memref<1x1x!tpu.dma_semaphore, #tpu.memory_space<semaphore_mem>>
    %dma_wait3A_96 = tpu.memref_squeeze %dma_wait3A_95 : memref<1x1x!tpu.dma_semaphore, #tpu.memory_space<semaphore_mem>> -> memref<!tpu.dma_semaphore, #tpu.memory_space<semaphore_mem>>
    %dma_wait3A_97 = arith.constant 0 : i32
    %dma_wait3A_98 = arith.constant 0 : i32
    %dma_wait3A_99 = arith.constant 0 : i32
    %dma_wait3A_100 = tpu.memref_slice %arg11[%rem3A_0, %dma_wait3A_93, %dma_wait3A_97, %dma_wait3A_98, %dma_wait3A_99] : memref<2x64x8x16x128xf32, #tpu.memory_space<vmem>> -> memref<1x1x8x16x128xf32, #tpu.memory_space<vmem>>
    %dma_wait3A_101 = tpu.memref_squeeze %dma_wait3A_100 : memref<1x1x8x16x128xf32, #tpu.memory_space<vmem>> -> memref<8x16x128xf32, #tpu.memory_space<vmem>>
    %dma_wait3A_102 = arith.constant 0 : i32
    %dma_wait3A_103 = arith.constant 0 : i32
    %dma_wait3A_104 = tpu.memref_slice %arg1[%mul3A_91, %dma_wait3A_92, %dma_wait3A_102, %dma_wait3A_103] : memref<512x64x16x128xf32, #tpu.memory_space<hbm>> -> memref<8x1x16x128xf32, #tpu.memory_space<hbm>>
    %dma_wait3A_105 = tpu.memref_squeeze %dma_wait3A_104 : memref<8x1x16x128xf32, #tpu.memory_space<hbm>> -> memref<8x16x128xf32, #tpu.memory_space<hbm>>
    tpu.wait_dma2 semaphore(%dma_wait3A_96 : memref<!tpu.dma_semaphore, #tpu.memory_space<semaphore_mem>>) src(%dma_wait3A_105 : memref<8x16x128xf32, #tpu.memory_space<hbm>>) dst(%dma_wait3A_101 : memref<8x16x128xf32, #tpu.memory_space<vmem>>)
    %mul3A_106 = arith.constant 8 : i32
    %mul3A_107 = arith.muli %arg0, %mul3A_106 : i32
    %dma_wait3A_108 = arith.constant 6 : i32
    %dma_wait3A_109 = arith.constant 6 : i32
    %dma_wait3A_110 = arith.constant 6 : i32
    %dma_wait3A_111 = tpu.memref_slice %arg12[%rem3A_0, %dma_wait3A_110] : memref<2x64x!tpu.dma_semaphore, #tpu.memory_space<semaphore_mem>> -> memref<1x1x!tpu.dma_semaphore, #tpu.memory_space<semaphore_mem>>
    %dma_wait3A_112 = tpu.memref_squeeze %dma_wait3A_111 : memref<1x1x!tpu.dma_semaphore, #tpu.memory_space<semaphore_mem>> -> memref<!tpu.dma_semaphore, #tpu.memory_space<semaphore_mem>>
    %dma_wait3A_113 = arith.constant 0 : i32
    %dma_wait3A_114 = arith.constant 0 : i32
    %dma_wait3A_115 = arith.constant 0 : i32
    %dma_wait3A_116 = tpu.memref_slice %arg11[%rem3A_0, %dma_wait3A_109, %dma_wait3A_113, %dma_wait3A_114, %dma_wait3A_115] : memref<2x64x8x16x128xf32, #tpu.memory_space<vmem>> -> memref<1x1x8x16x128xf32, #tpu.memory_space<vmem>>
    %dma_wait3A_117 = tpu.memref_squeeze %dma_wait3A_116 : memref<1x1x8x16x128xf32, #tpu.memory_space<vmem>> -> memref<8x16x128xf32, #tpu.memory_space<vmem>>
    %dma_wait3A_118 = arith.constant 0 : i32
    %dma_wait3A_119 = arith.constant 0 : i32
    %dma_wait3A_120 = tpu.memref_slice %arg1[%mul3A_107, %dma_wait3A_108, %dma_wait3A_118, %dma_wait3A_119] : memref<512x64x16x128xf32, #tpu.memory_space<hbm>> -> memref<8x1x16x128xf32, #tpu.memory_space<hbm>>
    %dma_wait3A_121 = tpu.memref_squeeze %dma_wait3A_120 : memref<8x1x16x128xf32, #tpu.memory_space<hbm>> -> memref<8x16x128xf32, #tpu.memory_space<hbm>>
    tpu.wait_dma2 semaphore(%dma_wait3A_112 : memref<!tpu.dma_semaphore, #tpu.memory_space<semaphore_mem>>) src(%dma_wait3A_121 : memref<8x16x128xf32, #tpu.memory_space<hbm>>) dst(%dma_wait3A_117 : memref<8x16x128xf32, #tpu.memory_space<vmem>>)
    %mul3A_122 = arith.constant 8 : i32
    %mul3A_123 = arith.muli %arg0, %mul3A_122 : i32
    %dma_wait3A_124 = arith.constant 7 : i32
    %dma_wait3A_125 = arith.constant 7 : i32
    %dma_wait3A_126 = arith.constant 7 : i32
    %dma_wait3A_127 = tpu.memref_slice %arg12[%rem3A_0, %dma_wait3A_126] : memref<2x64x!tpu.dma_semaphore, #tpu.memory_space<semaphore_mem>> -> memref<1x1x!tpu.dma_semaphore, #tpu.memory_space<semaphore_mem>>
    %dma_wait3A_128 = tpu.memref_squeeze %dma_wait3A_127 : memref<1x1x!tpu.dma_semaphore, #tpu.memory_space<semaphore_mem>> -> memref<!tpu.dma_semaphore, #tpu.memory_space<semaphore_mem>>
    %dma_wait3A_129 = arith.constant 0 : i32
    %dma_wait3A_130 = arith.constant 0 : i32
    %dma_wait3A_131 = arith.constant 0 : i32
    %dma_wait3A_132 = tpu.memref_slice %arg11[%rem3A_0, %dma_wait3A_125, %dma_wait3A_129, %dma_wait3A_130, %dma_wait3A_131] : memref<2x64x8x16x128xf32, #tpu.memory_space<vmem>> -> memref<1x1x8x16x128xf32, #tpu.memory_space<vmem>>
    %dma_wait3A_133 = tpu.memref_squeeze %dma_wait3A_132 : memref<1x1x8x16x128xf32, #tpu.memory_space<vmem>> -> memref<8x16x128xf32, #tpu.memory_space<vmem>>
    %dma_wait3A_134 = arith.constant 0 : i32
    %dma_wait3A_135 = arith.constant 0 : i32
    %dma_wait3A_136 = tpu.memref_slice %arg1[%mul3A_123, %dma_wait3A_124, %dma_wait3A_134, %dma_wait3A_135] : memref<512x64x16x128xf32, #tpu.memory_space<hbm>> -> memref<8x1x16x128xf32, #tpu.memory_space<hbm>>
    %dma_wait3A_137 = tpu.memref_squeeze %dma_wait3A_136 : memref<8x1x16x128xf32, #tpu.memory_space<hbm>> -> memref<8x16x128xf32, #tpu.memory_space<hbm>>
    tpu.wait_dma2 semaphore(%dma_wait3A_128 : memref<!tpu.dma_semaphore, #tpu.memory_space<semaphore_mem>>) src(%dma_wait3A_137 : memref<8x16x128xf32, #tpu.memory_space<hbm>>) dst(%dma_wait3A_133 : memref<8x16x128xf32, #tpu.memory_space<vmem>>)
    %mul3A_138 = arith.constant 8 : i32
    %mul3A_139 = arith.muli %arg0, %mul3A_138 : i32
    %dma_wait3A_140 = arith.constant 8 : i32
    %dma_wait3A_141 = arith.constant 8 : i32
    %dma_wait3A_142 = arith.constant 8 : i32
    %dma_wait3A_143 = tpu.memref_slice %arg12[%rem3A_0, %dma_wait3A_142] : memref<2x64x!tpu.dma_semaphore, #tpu.memory_space<semaphore_mem>> -> memref<1x1x!tpu.dma_semaphore, #tpu.memory_space<semaphore_mem>>
    %dma_wait3A_144 = tpu.memref_squeeze %dma_wait3A_143 : memref<1x1x!tpu.dma_semaphore, #tpu.memory_space<semaphore_mem>> -> memref<!tpu.dma_semaphore, #tpu.memory_space<semaphore_mem>>
    %dma_wait3A_145 = arith.constant 0 : i32
    %dma_wait3A_146 = arith.constant 0 : i32
    %dma_wait3A_147 = arith.constant 0 : i32
    %dma_wait3A_148 = tpu.memref_slice %arg11[%rem3A_0, %dma_wait3A_141, %dma_wait3A_145, %dma_wait3A_146, %dma_wait3A_147] : memref<2x64x8x16x128xf32, #tpu.memory_space<vmem>> -> memref<1x1x8x16x128xf32, #tpu.memory_space<vmem>>
    %dma_wait3A_149 = tpu.memref_squeeze %dma_wait3A_148 : memref<1x1x8x16x128xf32, #tpu.memory_space<vmem>> -> memref<8x16x128xf32, #tpu.memory_space<vmem>>
    %dma_wait3A_150 = arith.constant 0 : i32
    %dma_wait3A_151 = arith.constant 0 : i32
    %dma_wait3A_152 = tpu.memref_slice %arg1[%mul3A_139, %dma_wait3A_140, %dma_wait3A_150, %dma_wait3A_151] : memref<512x64x16x128xf32, #tpu.memory_space<hbm>> -> memref<8x1x16x128xf32, #tpu.memory_space<hbm>>
    %dma_wait3A_153 = tpu.memref_squeeze %dma_wait3A_152 : memref<8x1x16x128xf32, #tpu.memory_space<hbm>> -> memref<8x16x128xf32, #tpu.memory_space<hbm>>
    tpu.wait_dma2 semaphore(%dma_wait3A_144 : memref<!tpu.dma_semaphore, #tpu.memory_space<semaphore_mem>>) src(%dma_wait3A_153 : memref<8x16x128xf32, #tpu.memory_space<hbm>>) dst(%dma_wait3A_149 : memref<8x16x128xf32, #tpu.memory_space<vmem>>)
    %mul3A_154 = arith.constant 8 : i32
    %mul3A_155 = arith.muli %arg0, %mul3A_154 : i32
    %dma_wait3A_156 = arith.constant 9 : i32
    %dma_wait3A_157 = arith.constant 9 : i32
    %dma_wait3A_158 = arith.constant 9 : i32
    %dma_wait3A_159 = tpu.memref_slice %arg12[%rem3A_0, %dma_wait3A_158] : memref<2x64x!tpu.dma_semaphore, #tpu.memory_space<semaphore_mem>> -> memref<1x1x!tpu.dma_semaphore, #tpu.memory_space<semaphore_mem>>
    %dma_wait3A_160 = tpu.memref_squeeze %dma_wait3A_159 : memref<1x1x!tpu.dma_semaphore, #tpu.memory_space<semaphore_mem>> -> memref<!tpu.dma_semaphore, #tpu.memory_space<semaphore_mem>>
    %dma_wait3A_161 = arith.constant 0 : i32
    %dma_wait3A_162 = arith.constant 0 : i32
    %dma_wait3A_163 = arith.constant 0 : i32
    %dma_wait3A_164 = tpu.memref_slice %arg11[%rem3A_0, %dma_wait3A_157, %dma_wait3A_161, %dma_wait3A_162, %dma_wait3A_163] : memref<2x64x8x16x128xf32, #tpu.memory_space<vmem>> -> memref<1x1x8x16x128xf32, #tpu.memory_space<vmem>>
    %dma_wait3A_165 = tpu.memref_squeeze %dma_wait3A_164 : memref<1x1x8x16x128xf32, #tpu.memory_space<vmem>> -> memref<8x16x128xf32, #tpu.memory_space<vmem>>
    %dma_wait3A_166 = arith.constant 0 : i32
    %dma_wait3A_167 = arith.constant 0 : i32
    %dma_wait3A_168 = tpu.memref_slice %arg1[%mul3A_155, %dma_wait3A_156, %dma_wait3A_166, %dma_wait3A_167] : memref<512x64x16x128xf32, #tpu.memory_space<hbm>> -> memref<8x1x16x128xf32, #tpu.memory_space<hbm>>
    %dma_wait3A_169 = tpu.memref_squeeze %dma_wait3A_168 : memref<8x1x16x128xf32, #tpu.memory_space<hbm>> -> memref<8x16x128xf32, #tpu.memory_space<hbm>>
    tpu.wait_dma2 semaphore(%dma_wait3A_160 : memref<!tpu.dma_semaphore, #tpu.memory_space<semaphore_mem>>) src(%dma_wait3A_169 : memref<8x16x128xf32, #tpu.memory_space<hbm>>) dst(%dma_wait3A_165 : memref<8x16x128xf32, #tpu.memory_space<vmem>>)
    %mul3A_170 = arith.constant 8 : i32
    %mul3A_171 = arith.muli %arg0, %mul3A_170 : i32
    %dma_wait3A_172 = arith.constant 10 : i32
    %dma_wait3A_173 = arith.constant 10 : i32
    %dma_wait3A_174 = arith.constant 10 : i32
    %dma_wait3A_175 = tpu.memref_slice %arg12[%rem3A_0, %dma_wait3A_174] : memref<2x64x!tpu.dma_semaphore, #tpu.memory_space<semaphore_mem>> -> memref<1x1x!tpu.dma_semaphore, #tpu.memory_space<semaphore_mem>>
    %dma_wait3A_176 = tpu.memref_squeeze %dma_wait3A_175 : memref<1x1x!tpu.dma_semaphore, #tpu.memory_space<semaphore_mem>> -> memref<!tpu.dma_semaphore, #tpu.memory_space<semaphore_mem>>
    %dma_wait3A_177 = arith.constant 0 : i32
    %dma_wait3A_178 = arith.constant 0 : i32
    %dma_wait3A_179 = arith.constant 0 : i32
    %dma_wait3A_180 = tpu.memref_slice %arg11[%rem3A_0, %dma_wait3A_173, %dma_wait3A_177, %dma_wait3A_178, %dma_wait3A_179] : memref<2x64x8x16x128xf32, #tpu.memory_space<vmem>> -> memref<1x1x8x16x128xf32, #tpu.memory_space<vmem>>
    %dma_wait3A_181 = tpu.memref_squeeze %dma_wait3A_180 : memref<1x1x8x16x128xf32, #tpu.memory_space<vmem>> -> memref<8x16x128xf32, #tpu.memory_space<vmem>>
    %dma_wait3A_182 = arith.constant 0 : i32
    %dma_wait3A_183 = arith.constant 0 : i32
    %dma_wait3A_184 = tpu.memref_slice %arg1[%mul3A_171, %dma_wait3A_172, %dma_wait3A_182, %dma_wait3A_183] : memref<512x64x16x128xf32, #tpu.memory_space<hbm>> -> memref<8x1x16x128xf32, #tpu.memory_space<hbm>>
    %dma_wait3A_185 = tpu.memref_squeeze %dma_wait3A_184 : memref<8x1x16x128xf32, #tpu.memory_space<hbm>> -> memref<8x16x128xf32, #tpu.memory_space<hbm>>
    tpu.wait_dma2 semaphore(%dma_wait3A_176 : memref<!tpu.dma_semaphore, #tpu.memory_space<semaphore_mem>>) src(%dma_wait3A_185 : memref<8x16x128xf32, #tpu.memory_space<hbm>>) dst(%dma_wait3A_181 : memref<8x16x128xf32, #tpu.memory_space<vmem>>)
    %mul3A_186 = arith.constant 8 : i32
    %mul3A_187 = arith.muli %arg0, %mul3A_186 : i32
    %dma_wait3A_188 = arith.constant 11 : i32
    %dma_wait3A_189 = arith.constant 11 : i32
    %dma_wait3A_190 = arith.constant 11 : i32
    %dma_wait3A_191 = tpu.memref_slice %arg12[%rem3A_0, %dma_wait3A_190] : memref<2x64x!tpu.dma_semaphore, #tpu.memory_space<semaphore_mem>> -> memref<1x1x!tpu.dma_semaphore, #tpu.memory_space<semaphore_mem>>
    %dma_wait3A_192 = tpu.memref_squeeze %dma_wait3A_191 : memref<1x1x!tpu.dma_semaphore, #tpu.memory_space<semaphore_mem>> -> memref<!tpu.dma_semaphore, #tpu.memory_space<semaphore_mem>>
    %dma_wait3A_193 = arith.constant 0 : i32
    %dma_wait3A_194 = arith.constant 0 : i32
    %dma_wait3A_195 = arith.constant 0 : i32
    %dma_wait3A_196 = tpu.memref_slice %arg11[%rem3A_0, %dma_wait3A_189, %dma_wait3A_193, %dma_wait3A_194, %dma_wait3A_195] : memref<2x64x8x16x128xf32, #tpu.memory_space<vmem>> -> memref<1x1x8x16x128xf32, #tpu.memory_space<vmem>>
    %dma_wait3A_197 = tpu.memref_squeeze %dma_wait3A_196 : memref<1x1x8x16x128xf32, #tpu.memory_space<vmem>> -> memref<8x16x128xf32, #tpu.memory_space<vmem>>
    %dma_wait3A_198 = arith.constant 0 : i32
    %dma_wait3A_199 = arith.constant 0 : i32
    %dma_wait3A_200 = tpu.memref_slice %arg1[%mul3A_187, %dma_wait3A_188, %dma_wait3A_198, %dma_wait3A_199] : memref<512x64x16x128xf32, #tpu.memory_space<hbm>> -> memref<8x1x16x128xf32, #tpu.memory_space<hbm>>
    %dma_wait3A_201 = tpu.memref_squeeze %dma_wait3A_200 : memref<8x1x16x128xf32, #tpu.memory_space<hbm>> -> memref<8x16x128xf32, #tpu.memory_space<hbm>>
    tpu.wait_dma2 semaphore(%dma_wait3A_192 : memref<!tpu.dma_semaphore, #tpu.memory_space<semaphore_mem>>) src(%dma_wait3A_201 : memref<8x16x128xf32, #tpu.memory_space<hbm>>) dst(%dma_wait3A_197 : memref<8x16x128xf32, #tpu.memory_space<vmem>>)
    %mul3A_202 = arith.constant 8 : i32
    %mul3A_203 = arith.muli %arg0, %mul3A_202 : i32
    %dma_wait3A_204 = arith.constant 12 : i32
    %dma_wait3A_205 = arith.constant 12 : i32
    %dma_wait3A_206 = arith.constant 12 : i32
    %dma_wait3A_207 = tpu.memref_slice %arg12[%rem3A_0, %dma_wait3A_206] : memref<2x64x!tpu.dma_semaphore, #tpu.memory_space<semaphore_mem>> -> memref<1x1x!tpu.dma_semaphore, #tpu.memory_space<semaphore_mem>>
    %dma_wait3A_208 = tpu.memref_squeeze %dma_wait3A_207 : memref<1x1x!tpu.dma_semaphore, #tpu.memory_space<semaphore_mem>> -> memref<!tpu.dma_semaphore, #tpu.memory_space<semaphore_mem>>
    %dma_wait3A_209 = arith.constant 0 : i32
    %dma_wait3A_210 = arith.constant 0 : i32
    %dma_wait3A_211 = arith.constant 0 : i32
    %dma_wait3A_212 = tpu.memref_slice %arg11[%rem3A_0, %dma_wait3A_205, %dma_wait3A_209, %dma_wait3A_210, %dma_wait3A_211] : memref<2x64x8x16x128xf32, #tpu.memory_space<vmem>> -> memref<1x1x8x16x128xf32, #tpu.memory_space<vmem>>
    %dma_wait3A_213 = tpu.memref_squeeze %dma_wait3A_212 : memref<1x1x8x16x128xf32, #tpu.memory_space<vmem>> -> memref<8x16x128xf32, #tpu.memory_space<vmem>>
    %dma_wait3A_214 = arith.constant 0 : i32
    %dma_wait3A_215 = arith.constant 0 : i32
    %dma_wait3A_216 = tpu.memref_slice %arg1[%mul3A_203, %dma_wait3A_204, %dma_wait3A_214, %dma_wait3A_215] : memref<512x64x16x128xf32, #tpu.memory_space<hbm>> -> memref<8x1x16x128xf32, #tpu.memory_space<hbm>>
    %dma_wait3A_217 = tpu.memref_squeeze %dma_wait3A_216 : memref<8x1x16x128xf32, #tpu.memory_space<hbm>> -> memref<8x16x128xf32, #tpu.memory_space<hbm>>
    tpu.wait_dma2 semaphore(%dma_wait3A_208 : memref<!tpu.dma_semaphore, #tpu.memory_space<semaphore_mem>>) src(%dma_wait3A_217 : memref<8x16x128xf32, #tpu.memory_space<hbm>>) dst(%dma_wait3A_213 : memref<8x16x128xf32, #tpu.memory_space<vmem>>)
    %mul3A_218 = arith.constant 8 : i32
    %mul3A_219 = arith.muli %arg0, %mul3A_218 : i32
    %dma_wait3A_220 = arith.constant 13 : i32
    %dma_wait3A_221 = arith.constant 13 : i32
    %dma_wait3A_222 = arith.constant 13 : i32
    %dma_wait3A_223 = tpu.memref_slice %arg12[%rem3A_0, %dma_wait3A_222] : memref<2x64x!tpu.dma_semaphore, #tpu.memory_space<semaphore_mem>> -> memref<1x1x!tpu.dma_semaphore, #tpu.memory_space<semaphore_mem>>
    %dma_wait3A_224 = tpu.memref_squeeze %dma_wait3A_223 : memref<1x1x!tpu.dma_semaphore, #tpu.memory_space<semaphore_mem>> -> memref<!tpu.dma_semaphore, #tpu.memory_space<semaphore_mem>>
    %dma_wait3A_225 = arith.constant 0 : i32
    %dma_wait3A_226 = arith.constant 0 : i32
    %dma_wait3A_227 = arith.constant 0 : i32
    %dma_wait3A_228 = tpu.memref_slice %arg11[%rem3A_0, %dma_wait3A_221, %dma_wait3A_225, %dma_wait3A_226, %dma_wait3A_227] : memref<2x64x8x16x128xf32, #tpu.memory_space<vmem>> -> memref<1x1x8x16x128xf32, #tpu.memory_space<vmem>>
    %dma_wait3A_229 = tpu.memref_squeeze %dma_wait3A_228 : memref<1x1x8x16x128xf32, #tpu.memory_space<vmem>> -> memref<8x16x128xf32, #tpu.memory_space<vmem>>
    %dma_wait3A_230 = arith.constant 0 : i32
    %dma_wait3A_231 = arith.constant 0 : i32
    %dma_wait3A_232 = tpu.memref_slice %arg1[%mul3A_219, %dma_wait3A_220, %dma_wait3A_230, %dma_wait3A_231] : memref<512x64x16x128xf32, #tpu.memory_space<hbm>> -> memref<8x1x16x128xf32, #tpu.memory_space<hbm>>
    %dma_wait3A_233 = tpu.memref_squeeze %dma_wait3A_232 : memref<8x1x16x128xf32, #tpu.memory_space<hbm>> -> memref<8x16x128xf32, #tpu.memory_space<hbm>>
    tpu.wait_dma2 semaphore(%dma_wait3A_224 : memref<!tpu.dma_semaphore, #tpu.memory_space<semaphore_mem>>) src(%dma_wait3A_233 : memref<8x16x128xf32, #tpu.memory_space<hbm>>) dst(%dma_wait3A_229 : memref<8x16x128xf32, #tpu.memory_space<vmem>>)
    %mul3A_234 = arith.constant 8 : i32
    %mul3A_235 = arith.muli %arg0, %mul3A_234 : i32
    %dma_wait3A_236 = arith.constant 14 : i32
    %dma_wait3A_237 = arith.constant 14 : i32
    %dma_wait3A_238 = arith.constant 14 : i32
    %dma_wait3A_239 = tpu.memref_slice %arg12[%rem3A_0, %dma_wait3A_238] : memref<2x64x!tpu.dma_semaphore, #tpu.memory_space<semaphore_mem>> -> memref<1x1x!tpu.dma_semaphore, #tpu.memory_space<semaphore_mem>>
    %dma_wait3A_240 = tpu.memref_squeeze %dma_wait3A_239 : memref<1x1x!tpu.dma_semaphore, #tpu.memory_space<semaphore_mem>> -> memref<!tpu.dma_semaphore, #tpu.memory_space<semaphore_mem>>
    %dma_wait3A_241 = arith.constant 0 : i32
    %dma_wait3A_242 = arith.constant 0 : i32
    %dma_wait3A_243 = arith.constant 0 : i32
    %dma_wait3A_244 = tpu.memref_slice %arg11[%rem3A_0, %dma_wait3A_237, %dma_wait3A_241, %dma_wait3A_242, %dma_wait3A_243] : memref<2x64x8x16x128xf32, #tpu.memory_space<vmem>> -> memref<1x1x8x16x128xf32, #tpu.memory_space<vmem>>
    %dma_wait3A_245 = tpu.memref_squeeze %dma_wait3A_244 : memref<1x1x8x16x128xf32, #tpu.memory_space<vmem>> -> memref<8x16x128xf32, #tpu.memory_space<vmem>>
    %dma_wait3A_246 = arith.constant 0 : i32
    %dma_wait3A_247 = arith.constant 0 : i32
    %dma_wait3A_248 = tpu.memref_slice %arg1[%mul3A_235, %dma_wait3A_236, %dma_wait3A_246, %dma_wait3A_247] : memref<512x64x16x128xf32, #tpu.memory_space<hbm>> -> memref<8x1x16x128xf32, #tpu.memory_space<hbm>>
    %dma_wait3A_249 = tpu.memref_squeeze %dma_wait3A_248 : memref<8x1x16x128xf32, #tpu.memory_space<hbm>> -> memref<8x16x128xf32, #tpu.memory_space<hbm>>
    tpu.wait_dma2 semaphore(%dma_wait3A_240 : memref<!tpu.dma_semaphore, #tpu.memory_space<semaphore_mem>>) src(%dma_wait3A_249 : memref<8x16x128xf32, #tpu.memory_space<hbm>>) dst(%dma_wait3A_245 : memref<8x16x128xf32, #tpu.memory_space<vmem>>)
    %mul3A_250 = arith.constant 8 : i32
    %mul3A_251 = arith.muli %arg0, %mul3A_250 : i32
    %dma_wait3A_252 = arith.constant 15 : i32
    %dma_wait3A_253 = arith.constant 15 : i32
    %dma_wait3A_254 = arith.constant 15 : i32
    %dma_wait3A_255 = tpu.memref_slice %arg12[%rem3A_0, %dma_wait3A_254] : memref<2x64x!tpu.dma_semaphore, #tpu.memory_space<semaphore_mem>> -> memref<1x1x!tpu.dma_semaphore, #tpu.memory_space<semaphore_mem>>
    %dma_wait3A_256 = tpu.memref_squeeze %dma_wait3A_255 : memref<1x1x!tpu.dma_semaphore, #tpu.memory_space<semaphore_mem>> -> memref<!tpu.dma_semaphore, #tpu.memory_space<semaphore_mem>>
    %dma_wait3A_257 = arith.constant 0 : i32
    %dma_wait3A_258 = arith.constant 0 : i32
    %dma_wait3A_259 = arith.constant 0 : i32
    %dma_wait3A_260 = tpu.memref_slice %arg11[%rem3A_0, %dma_wait3A_253, %dma_wait3A_257, %dma_wait3A_258, %dma_wait3A_259] : memref<2x64x8x16x128xf32, #tpu.memory_space<vmem>> -> memref<1x1x8x16x128xf32, #tpu.memory_space<vmem>>
    %dma_wait3A_261 = tpu.memref_squeeze %dma_wait3A_260 : memref<1x1x8x16x128xf32, #tpu.memory_space<vmem>> -> memref<8x16x128xf32, #tpu.memory_space<vmem>>
    %dma_wait3A_262 = arith.constant 0 : i32
    %dma_wait3A_263 = arith.constant 0 : i32
    %dma_wait3A_264 = tpu.memref_slice %arg1[%mul3A_251, %dma_wait3A_252, %dma_wait3A_262, %dma_wait3A_263] : memref<512x64x16x128xf32, #tpu.memory_space<hbm>> -> memref<8x1x16x128xf32, #tpu.memory_space<hbm>>
    %dma_wait3A_265 = tpu.memref_squeeze %dma_wait3A_264 : memref<8x1x16x128xf32, #tpu.memory_space<hbm>> -> memref<8x16x128xf32, #tpu.memory_space<hbm>>
    tpu.wait_dma2 semaphore(%dma_wait3A_256 : memref<!tpu.dma_semaphore, #tpu.memory_space<semaphore_mem>>) src(%dma_wait3A_265 : memref<8x16x128xf32, #tpu.memory_space<hbm>>) dst(%dma_wait3A_261 : memref<8x16x128xf32, #tpu.memory_space<vmem>>)
    %mul3A_266 = arith.constant 8 : i32
    %mul3A_267 = arith.muli %arg0, %mul3A_266 : i32
    %dma_wait3A_268 = arith.constant 16 : i32
    %dma_wait3A_269 = arith.constant 16 : i32
    %dma_wait3A_270 = arith.constant 16 : i32
    %dma_wait3A_271 = tpu.memref_slice %arg12[%rem3A_0, %dma_wait3A_270] : memref<2x64x!tpu.dma_semaphore, #tpu.memory_space<semaphore_mem>> -> memref<1x1x!tpu.dma_semaphore, #tpu.memory_space<semaphore_mem>>
    %dma_wait3A_272 = tpu.memref_squeeze %dma_wait3A_271 : memref<1x1x!tpu.dma_semaphore, #tpu.memory_space<semaphore_mem>> -> memref<!tpu.dma_semaphore, #tpu.memory_space<semaphore_mem>>
    %dma_wait3A_273 = arith.constant 0 : i32
    %dma_wait3A_274 = arith.constant 0 : i32
    %dma_wait3A_275 = arith.constant 0 : i32
    %dma_wait3A_276 = tpu.memref_slice %arg11[%rem3A_0, %dma_wait3A_269, %dma_wait3A_273, %dma_wait3A_274, %dma_wait3A_275] : memref<2x64x8x16x128xf32, #tpu.memory_space<vmem>> -> memref<1x1x8x16x128xf32, #tpu.memory_space<vmem>>
    %dma_wait3A_277 = tpu.memref_squeeze %dma_wait3A_276 : memref<1x1x8x16x128xf32, #tpu.memory_space<vmem>> -> memref<8x16x128xf32, #tpu.memory_space<vmem>>
    %dma_wait3A_278 = arith.constant 0 : i32
    %dma_wait3A_279 = arith.constant 0 : i32
    %dma_wait3A_280 = tpu.memref_slice %arg1[%mul3A_267, %dma_wait3A_268, %dma_wait3A_278, %dma_wait3A_279] : memref<512x64x16x128xf32, #tpu.memory_space<hbm>> -> memref<8x1x16x128xf32, #tpu.memory_space<hbm>>
    %dma_wait3A_281 = tpu.memref_squeeze %dma_wait3A_280 : memref<8x1x16x128xf32, #tpu.memory_space<hbm>> -> memref<8x16x128xf32, #tpu.memory_space<hbm>>
    tpu.wait_dma2 semaphore(%dma_wait3A_272 : memref<!tpu.dma_semaphore, #tpu.memory_space<semaphore_mem>>) src(%dma_wait3A_281 : memref<8x16x128xf32, #tpu.memory_space<hbm>>) dst(%dma_wait3A_277 : memref<8x16x128xf32, #tpu.memory_space<vmem>>)
    %mul3A_282 = arith.constant 8 : i32
    %mul3A_283 = arith.muli %arg0, %mul3A_282 : i32
    %dma_wait3A_284 = arith.constant 17 : i32
    %dma_wait3A_285 = arith.constant 17 : i32
    %dma_wait3A_286 = arith.constant 17 : i32
    %dma_wait3A_287 = tpu.memref_slice %arg12[%rem3A_0, %dma_wait3A_286] : memref<2x64x!tpu.dma_semaphore, #tpu.memory_space<semaphore_mem>> -> memref<1x1x!tpu.dma_semaphore, #tpu.memory_space<semaphore_mem>>
    %dma_wait3A_288 = tpu.memref_squeeze %dma_wait3A_287 : memref<1x1x!tpu.dma_semaphore, #tpu.memory_space<semaphore_mem>> -> memref<!tpu.dma_semaphore, #tpu.memory_space<semaphore_mem>>
    %dma_wait3A_289 = arith.constant 0 : i32
    %dma_wait3A_290 = arith.constant 0 : i32
    %dma_wait3A_291 = arith.constant 0 : i32
    %dma_wait3A_292 = tpu.memref_slice %arg11[%rem3A_0, %dma_wait3A_285, %dma_wait3A_289, %dma_wait3A_290, %dma_wait3A_291] : memref<2x64x8x16x128xf32, #tpu.memory_space<vmem>> -> memref<1x1x8x16x128xf32, #tpu.memory_space<vmem>>
    %dma_wait3A_293 = tpu.memref_squeeze %dma_wait3A_292 : memref<1x1x8x16x128xf32, #tpu.memory_space<vmem>> -> memref<8x16x128xf32, #tpu.memory_space<vmem>>
    %dma_wait3A_294 = arith.constant 0 : i32
    %dma_wait3A_295 = arith.constant 0 : i32
    %dma_wait3A_296 = tpu.memref_slice %arg1[%mul3A_283, %dma_wait3A_284, %dma_wait3A_294, %dma_wait3A_295] : memref<512x64x16x128xf32, #tpu.memory_space<hbm>> -> memref<8x1x16x128xf32, #tpu.memory_space<hbm>>
    %dma_wait3A_297 = tpu.memref_squeeze %dma_wait3A_296 : memref<8x1x16x128xf32, #tpu.memory_space<hbm>> -> memref<8x16x128xf32, #tpu.memory_space<hbm>>
    tpu.wait_dma2 semaphore(%dma_wait3A_288 : memref<!tpu.dma_semaphore, #tpu.memory_space<semaphore_mem>>) src(%dma_wait3A_297 : memref<8x16x128xf32, #tpu.memory_space<hbm>>) dst(%dma_wait3A_293 : memref<8x16x128xf32, #tpu.memory_space<vmem>>)
    %mul3A_298 = arith.constant 8 : i32
    %mul3A_299 = arith.muli %arg0, %mul3A_298 : i32
    %dma_wait3A_300 = arith.constant 18 : i32
    %dma_wait3A_301 = arith.constant 18 : i32
    %dma_wait3A_302 = arith.constant 18 : i32
    %dma_wait3A_303 = tpu.memref_slice %arg12[%rem3A_0, %dma_wait3A_302] : memref<2x64x!tpu.dma_semaphore, #tpu.memory_space<semaphore_mem>> -> memref<1x1x!tpu.dma_semaphore, #tpu.memory_space<semaphore_mem>>
    %dma_wait3A_304 = tpu.memref_squeeze %dma_wait3A_303 : memref<1x1x!tpu.dma_semaphore, #tpu.memory_space<semaphore_mem>> -> memref<!tpu.dma_semaphore, #tpu.memory_space<semaphore_mem>>
    %dma_wait3A_305 = arith.constant 0 : i32
    %dma_wait3A_306 = arith.constant 0 : i32
    %dma_wait3A_307 = arith.constant 0 : i32
    %dma_wait3A_308 = tpu.memref_slice %arg11[%rem3A_0, %dma_wait3A_301, %dma_wait3A_305, %dma_wait3A_306, %dma_wait3A_307] : memref<2x64x8x16x128xf32, #tpu.memory_space<vmem>> -> memref<1x1x8x16x128xf32, #tpu.memory_space<vmem>>
    %dma_wait3A_309 = tpu.memref_squeeze %dma_wait3A_308 : memref<1x1x8x16x128xf32, #tpu.memory_space<vmem>> -> memref<8x16x128xf32, #tpu.memory_space<vmem>>
    %dma_wait3A_310 = arith.constant 0 : i32
    %dma_wait3A_311 = arith.constant 0 : i32
    %dma_wait3A_312 = tpu.memref_slice %arg1[%mul3A_299, %dma_wait3A_300, %dma_wait3A_310, %dma_wait3A_311] : memref<512x64x16x128xf32, #tpu.memory_space<hbm>> -> memref<8x1x16x128xf32, #tpu.memory_space<hbm>>
    %dma_wait3A_313 = tpu.memref_squeeze %dma_wait3A_312 : memref<8x1x16x128xf32, #tpu.memory_space<hbm>> -> memref<8x16x128xf32, #tpu.memory_space<hbm>>
    tpu.wait_dma2 semaphore(%dma_wait3A_304 : memref<!tpu.dma_semaphore, #tpu.memory_space<semaphore_mem>>) src(%dma_wait3A_313 : memref<8x16x128xf32, #tpu.memory_space<hbm>>) dst(%dma_wait3A_309 : memref<8x16x128xf32, #tpu.memory_space<vmem>>)
    %mul3A_314 = arith.constant 8 : i32
    %mul3A_315 = arith.muli %arg0, %mul3A_314 : i32
    %dma_wait3A_316 = arith.constant 19 : i32
    %dma_wait3A_317 = arith.constant 19 : i32
    %dma_wait3A_318 = arith.constant 19 : i32
    %dma_wait3A_319 = tpu.memref_slice %arg12[%rem3A_0, %dma_wait3A_318] : memref<2x64x!tpu.dma_semaphore, #tpu.memory_space<semaphore_mem>> -> memref<1x1x!tpu.dma_semaphore, #tpu.memory_space<semaphore_mem>>
    %dma_wait3A_320 = tpu.memref_squeeze %dma_wait3A_319 : memref<1x1x!tpu.dma_semaphore, #tpu.memory_space<semaphore_mem>> -> memref<!tpu.dma_semaphore, #tpu.memory_space<semaphore_mem>>
    %dma_wait3A_321 = arith.constant 0 : i32
    %dma_wait3A_322 = arith.constant 0 : i32
    %dma_wait3A_323 = arith.constant 0 : i32
    %dma_wait3A_324 = tpu.memref_slice %arg11[%rem3A_0, %dma_wait3A_317, %dma_wait3A_321, %dma_wait3A_322, %dma_wait3A_323] : memref<2x64x8x16x128xf32, #tpu.memory_space<vmem>> -> memref<1x1x8x16x128xf32, #tpu.memory_space<vmem>>
    %dma_wait3A_325 = tpu.memref_squeeze %dma_wait3A_324 : memref<1x1x8x16x128xf32, #tpu.memory_space<vmem>> -> memref<8x16x128xf32, #tpu.memory_space<vmem>>
    %dma_wait3A_326 = arith.constant 0 : i32
    %dma_wait3A_327 = arith.constant 0 : i32
    %dma_wait3A_328 = tpu.memref_slice %arg1[%mul3A_315, %dma_wait3A_316, %dma_wait3A_326, %dma_wait3A_327] : memref<512x64x16x128xf32, #tpu.memory_space<hbm>> -> memref<8x1x16x128xf32, #tpu.memory_space<hbm>>
    %dma_wait3A_329 = tpu.memref_squeeze %dma_wait3A_328 : memref<8x1x16x128xf32, #tpu.memory_space<hbm>> -> memref<8x16x128xf32, #tpu.memory_space<hbm>>
    tpu.wait_dma2 semaphore(%dma_wait3A_320 : memref<!tpu.dma_semaphore, #tpu.memory_space<semaphore_mem>>) src(%dma_wait3A_329 : memref<8x16x128xf32, #tpu.memory_space<hbm>>) dst(%dma_wait3A_325 : memref<8x16x128xf32, #tpu.memory_space<vmem>>)
    %mul3A_330 = arith.constant 8 : i32
    %mul3A_331 = arith.muli %arg0, %mul3A_330 : i32
    %dma_wait3A_332 = arith.constant 20 : i32
    %dma_wait3A_333 = arith.constant 20 : i32
    %dma_wait3A_334 = arith.constant 20 : i32
    %dma_wait3A_335 = tpu.memref_slice %arg12[%rem3A_0, %dma_wait3A_334] : memref<2x64x!tpu.dma_semaphore, #tpu.memory_space<semaphore_mem>> -> memref<1x1x!tpu.dma_semaphore, #tpu.memory_space<semaphore_mem>>
    %dma_wait3A_336 = tpu.memref_squeeze %dma_wait3A_335 : memref<1x1x!tpu.dma_semaphore, #tpu.memory_space<semaphore_mem>> -> memref<!tpu.dma_semaphore, #tpu.memory_space<semaphore_mem>>
    %dma_wait3A_337 = arith.constant 0 : i32
    %dma_wait3A_338 = arith.constant 0 : i32
    %dma_wait3A_339 = arith.constant 0 : i32
    %dma_wait3A_340 = tpu.memref_slice %arg11[%rem3A_0, %dma_wait3A_333, %dma_wait3A_337, %dma_wait3A_338, %dma_wait3A_339] : memref<2x64x8x16x128xf32, #tpu.memory_space<vmem>> -> memref<1x1x8x16x128xf32, #tpu.memory_space<vmem>>
    %dma_wait3A_341 = tpu.memref_squeeze %dma_wait3A_340 : memref<1x1x8x16x128xf32, #tpu.memory_space<vmem>> -> memref<8x16x128xf32, #tpu.memory_space<vmem>>
    %dma_wait3A_342 = arith.constant 0 : i32
    %dma_wait3A_343 = arith.constant 0 : i32
    %dma_wait3A_344 = tpu.memref_slice %arg1[%mul3A_331, %dma_wait3A_332, %dma_wait3A_342, %dma_wait3A_343] : memref<512x64x16x128xf32, #tpu.memory_space<hbm>> -> memref<8x1x16x128xf32, #tpu.memory_space<hbm>>
    %dma_wait3A_345 = tpu.memref_squeeze %dma_wait3A_344 : memref<8x1x16x128xf32, #tpu.memory_space<hbm>> -> memref<8x16x128xf32, #tpu.memory_space<hbm>>
    tpu.wait_dma2 semaphore(%dma_wait3A_336 : memref<!tpu.dma_semaphore, #tpu.memory_space<semaphore_mem>>) src(%dma_wait3A_345 : memref<8x16x128xf32, #tpu.memory_space<hbm>>) dst(%dma_wait3A_341 : memref<8x16x128xf32, #tpu.memory_space<vmem>>)
    %mul3A_346 = arith.constant 8 : i32
    %mul3A_347 = arith.muli %arg0, %mul3A_346 : i32
    %dma_wait3A_348 = arith.constant 21 : i32
    %dma_wait3A_349 = arith.constant 21 : i32
    %dma_wait3A_350 = arith.constant 21 : i32
    %dma_wait3A_351 = tpu.memref_slice %arg12[%rem3A_0, %dma_wait3A_350] : memref<2x64x!tpu.dma_semaphore, #tpu.memory_space<semaphore_mem>> -> memref<1x1x!tpu.dma_semaphore, #tpu.memory_space<semaphore_mem>>
    %dma_wait3A_352 = tpu.memref_squeeze %dma_wait3A_351 : memref<1x1x!tpu.dma_semaphore, #tpu.memory_space<semaphore_mem>> -> memref<!tpu.dma_semaphore, #tpu.memory_space<semaphore_mem>>
    %dma_wait3A_353 = arith.constant 0 : i32
    %dma_wait3A_354 = arith.constant 0 : i32
    %dma_wait3A_355 = arith.constant 0 : i32
    %dma_wait3A_356 = tpu.memref_slice %arg11[%rem3A_0, %dma_wait3A_349, %dma_wait3A_353, %dma_wait3A_354, %dma_wait3A_355] : memref<2x64x8x16x128xf32, #tpu.memory_space<vmem>> -> memref<1x1x8x16x128xf32, #tpu.memory_space<vmem>>
    %dma_wait3A_357 = tpu.memref_squeeze %dma_wait3A_356 : memref<1x1x8x16x128xf32, #tpu.memory_space<vmem>> -> memref<8x16x128xf32, #tpu.memory_space<vmem>>
    %dma_wait3A_358 = arith.constant 0 : i32
    %dma_wait3A_359 = arith.constant 0 : i32
    %dma_wait3A_360 = tpu.memref_slice %arg1[%mul3A_347, %dma_wait3A_348, %dma_wait3A_358, %dma_wait3A_359] : memref<512x64x16x128xf32, #tpu.memory_space<hbm>> -> memref<8x1x16x128xf32, #tpu.memory_space<hbm>>
    %dma_wait3A_361 = tpu.memref_squeeze %dma_wait3A_360 : memref<8x1x16x128xf32, #tpu.memory_space<hbm>> -> memref<8x16x128xf32, #tpu.memory_space<hbm>>
    tpu.wait_dma2 semaphore(%dma_wait3A_352 : memref<!tpu.dma_semaphore, #tpu.memory_space<semaphore_mem>>) src(%dma_wait3A_361 : memref<8x16x128xf32, #tpu.memory_space<hbm>>) dst(%dma_wait3A_357 : memref<8x16x128xf32, #tpu.memory_space<vmem>>)
    %mul3A_362 = arith.constant 8 : i32
    %mul3A_363 = arith.muli %arg0, %mul3A_362 : i32
    %dma_wait3A_364 = arith.constant 22 : i32
    %dma_wait3A_365 = arith.constant 22 : i32
    %dma_wait3A_366 = arith.constant 22 : i32
    %dma_wait3A_367 = tpu.memref_slice %arg12[%rem3A_0, %dma_wait3A_366] : memref<2x64x!tpu.dma_semaphore, #tpu.memory_space<semaphore_mem>> -> memref<1x1x!tpu.dma_semaphore, #tpu.memory_space<semaphore_mem>>
    %dma_wait3A_368 = tpu.memref_squeeze %dma_wait3A_367 : memref<1x1x!tpu.dma_semaphore, #tpu.memory_space<semaphore_mem>> -> memref<!tpu.dma_semaphore, #tpu.memory_space<semaphore_mem>>
    %dma_wait3A_369 = arith.constant 0 : i32
    %dma_wait3A_370 = arith.constant 0 : i32
    %dma_wait3A_371 = arith.constant 0 : i32
    %dma_wait3A_372 = tpu.memref_slice %arg11[%rem3A_0, %dma_wait3A_365, %dma_wait3A_369, %dma_wait3A_370, %dma_wait3A_371] : memref<2x64x8x16x128xf32, #tpu.memory_space<vmem>> -> memref<1x1x8x16x128xf32, #tpu.memory_space<vmem>>
    %dma_wait3A_373 = tpu.memref_squeeze %dma_wait3A_372 : memref<1x1x8x16x128xf32, #tpu.memory_space<vmem>> -> memref<8x16x128xf32, #tpu.memory_space<vmem>>
    %dma_wait3A_374 = arith.constant 0 : i32
    %dma_wait3A_375 = arith.constant 0 : i32
    %dma_wait3A_376 = tpu.memref_slice %arg1[%mul3A_363, %dma_wait3A_364, %dma_wait3A_374, %dma_wait3A_375] : memref<512x64x16x128xf32, #tpu.memory_space<hbm>> -> memref<8x1x16x128xf32, #tpu.memory_space<hbm>>
    %dma_wait3A_377 = tpu.memref_squeeze %dma_wait3A_376 : memref<8x1x16x128xf32, #tpu.memory_space<hbm>> -> memref<8x16x128xf32, #tpu.memory_space<hbm>>
    tpu.wait_dma2 semaphore(%dma_wait3A_368 : memref<!tpu.dma_semaphore, #tpu.memory_space<semaphore_mem>>) src(%dma_wait3A_377 : memref<8x16x128xf32, #tpu.memory_space<hbm>>) dst(%dma_wait3A_373 : memref<8x16x128xf32, #tpu.memory_space<vmem>>)
    %mul3A_378 = arith.constant 8 : i32
    %mul3A_379 = arith.muli %arg0, %mul3A_378 : i32
    %dma_wait3A_380 = arith.constant 23 : i32
    %dma_wait3A_381 = arith.constant 23 : i32
    %dma_wait3A_382 = arith.constant 23 : i32
    %dma_wait3A_383 = tpu.memref_slice %arg12[%rem3A_0, %dma_wait3A_382] : memref<2x64x!tpu.dma_semaphore, #tpu.memory_space<semaphore_mem>> -> memref<1x1x!tpu.dma_semaphore, #tpu.memory_space<semaphore_mem>>
    %dma_wait3A_384 = tpu.memref_squeeze %dma_wait3A_383 : memref<1x1x!tpu.dma_semaphore, #tpu.memory_space<semaphore_mem>> -> memref<!tpu.dma_semaphore, #tpu.memory_space<semaphore_mem>>
    %dma_wait3A_385 = arith.constant 0 : i32
    %dma_wait3A_386 = arith.constant 0 : i32
    %dma_wait3A_387 = arith.constant 0 : i32
    %dma_wait3A_388 = tpu.memref_slice %arg11[%rem3A_0, %dma_wait3A_381, %dma_wait3A_385, %dma_wait3A_386, %dma_wait3A_387] : memref<2x64x8x16x128xf32, #tpu.memory_space<vmem>> -> memref<1x1x8x16x128xf32, #tpu.memory_space<vmem>>
    %dma_wait3A_389 = tpu.memref_squeeze %dma_wait3A_388 : memref<1x1x8x16x128xf32, #tpu.memory_space<vmem>> -> memref<8x16x128xf32, #tpu.memory_space<vmem>>
    %dma_wait3A_390 = arith.constant 0 : i32
    %dma_wait3A_391 = arith.constant 0 : i32
    %dma_wait3A_392 = tpu.memref_slice %arg1[%mul3A_379, %dma_wait3A_380, %dma_wait3A_390, %dma_wait3A_391] : memref<512x64x16x128xf32, #tpu.memory_space<hbm>> -> memref<8x1x16x128xf32, #tpu.memory_space<hbm>>
    %dma_wait3A_393 = tpu.memref_squeeze %dma_wait3A_392 : memref<8x1x16x128xf32, #tpu.memory_space<hbm>> -> memref<8x16x128xf32, #tpu.memory_space<hbm>>
    tpu.wait_dma2 semaphore(%dma_wait3A_384 : memref<!tpu.dma_semaphore, #tpu.memory_space<semaphore_mem>>) src(%dma_wait3A_393 : memref<8x16x128xf32, #tpu.memory_space<hbm>>) dst(%dma_wait3A_389 : memref<8x16x128xf32, #tpu.memory_space<vmem>>)
    %mul3A_394 = arith.constant 8 : i32
    %mul3A_395 = arith.muli %arg0, %mul3A_394 : i32
    %dma_wait3A_396 = arith.constant 24 : i32
    %dma_wait3A_397 = arith.constant 24 : i32
    %dma_wait3A_398 = arith.constant 24 : i32
    %dma_wait3A_399 = tpu.memref_slice %arg12[%rem3A_0, %dma_wait3A_398] : memref<2x64x!tpu.dma_semaphore, #tpu.memory_space<semaphore_mem>> -> memref<1x1x!tpu.dma_semaphore, #tpu.memory_space<semaphore_mem>>
    %dma_wait3A_400 = tpu.memref_squeeze %dma_wait3A_399 : memref<1x1x!tpu.dma_semaphore, #tpu.memory_space<semaphore_mem>> -> memref<!tpu.dma_semaphore, #tpu.memory_space<semaphore_mem>>
    %dma_wait3A_401 = arith.constant 0 : i32
    %dma_wait3A_402 = arith.constant 0 : i32
    %dma_wait3A_403 = arith.constant 0 : i32
    %dma_wait3A_404 = tpu.memref_slice %arg11[%rem3A_0, %dma_wait3A_397, %dma_wait3A_401, %dma_wait3A_402, %dma_wait3A_403] : memref<2x64x8x16x128xf32, #tpu.memory_space<vmem>> -> memref<1x1x8x16x128xf32, #tpu.memory_space<vmem>>
    %dma_wait3A_405 = tpu.memref_squeeze %dma_wait3A_404 : memref<1x1x8x16x128xf32, #tpu.memory_space<vmem>> -> memref<8x16x128xf32, #tpu.memory_space<vmem>>
    %dma_wait3A_406 = arith.constant 0 : i32
    %dma_wait3A_407 = arith.constant 0 : i32
    %dma_wait3A_408 = tpu.memref_slice %arg1[%mul3A_395, %dma_wait3A_396, %dma_wait3A_406, %dma_wait3A_407] : memref<512x64x16x128xf32, #tpu.memory_space<hbm>> -> memref<8x1x16x128xf32, #tpu.memory_space<hbm>>
    %dma_wait3A_409 = tpu.memref_squeeze %dma_wait3A_408 : memref<8x1x16x128xf32, #tpu.memory_space<hbm>> -> memref<8x16x128xf32, #tpu.memory_space<hbm>>
    tpu.wait_dma2 semaphore(%dma_wait3A_400 : memref<!tpu.dma_semaphore, #tpu.memory_space<semaphore_mem>>) src(%dma_wait3A_409 : memref<8x16x128xf32, #tpu.memory_space<hbm>>) dst(%dma_wait3A_405 : memref<8x16x128xf32, #tpu.memory_space<vmem>>)
    %mul3A_410 = arith.constant 8 : i32
    %mul3A_411 = arith.muli %arg0, %mul3A_410 : i32
    %dma_wait3A_412 = arith.constant 25 : i32
    %dma_wait3A_413 = arith.constant 25 : i32
    %dma_wait3A_414 = arith.constant 25 : i32
    %dma_wait3A_415 = tpu.memref_slice %arg12[%rem3A_0, %dma_wait3A_414] : memref<2x64x!tpu.dma_semaphore, #tpu.memory_space<semaphore_mem>> -> memref<1x1x!tpu.dma_semaphore, #tpu.memory_space<semaphore_mem>>
    %dma_wait3A_416 = tpu.memref_squeeze %dma_wait3A_415 : memref<1x1x!tpu.dma_semaphore, #tpu.memory_space<semaphore_mem>> -> memref<!tpu.dma_semaphore, #tpu.memory_space<semaphore_mem>>
    %dma_wait3A_417 = arith.constant 0 : i32
    %dma_wait3A_418 = arith.constant 0 : i32
    %dma_wait3A_419 = arith.constant 0 : i32
    %dma_wait3A_420 = tpu.memref_slice %arg11[%rem3A_0, %dma_wait3A_413, %dma_wait3A_417, %dma_wait3A_418, %dma_wait3A_419] : memref<2x64x8x16x128xf32, #tpu.memory_space<vmem>> -> memref<1x1x8x16x128xf32, #tpu.memory_space<vmem>>
    %dma_wait3A_421 = tpu.memref_squeeze %dma_wait3A_420 : memref<1x1x8x16x128xf32, #tpu.memory_space<vmem>> -> memref<8x16x128xf32, #tpu.memory_space<vmem>>
    %dma_wait3A_422 = arith.constant 0 : i32
    %dma_wait3A_423 = arith.constant 0 : i32
    %dma_wait3A_424 = tpu.memref_slice %arg1[%mul3A_411, %dma_wait3A_412, %dma_wait3A_422, %dma_wait3A_423] : memref<512x64x16x128xf32, #tpu.memory_space<hbm>> -> memref<8x1x16x128xf32, #tpu.memory_space<hbm>>
    %dma_wait3A_425 = tpu.memref_squeeze %dma_wait3A_424 : memref<8x1x16x128xf32, #tpu.memory_space<hbm>> -> memref<8x16x128xf32, #tpu.memory_space<hbm>>
    tpu.wait_dma2 semaphore(%dma_wait3A_416 : memref<!tpu.dma_semaphore, #tpu.memory_space<semaphore_mem>>) src(%dma_wait3A_425 : memref<8x16x128xf32, #tpu.memory_space<hbm>>) dst(%dma_wait3A_421 : memref<8x16x128xf32, #tpu.memory_space<vmem>>)
    %mul3A_426 = arith.constant 8 : i32
    %mul3A_427 = arith.muli %arg0, %mul3A_426 : i32
    %dma_wait3A_428 = arith.constant 26 : i32
    %dma_wait3A_429 = arith.constant 26 : i32
    %dma_wait3A_430 = arith.constant 26 : i32
    %dma_wait3A_431 = tpu.memref_slice %arg12[%rem3A_0, %dma_wait3A_430] : memref<2x64x!tpu.dma_semaphore, #tpu.memory_space<semaphore_mem>> -> memref<1x1x!tpu.dma_semaphore, #tpu.memory_space<semaphore_mem>>
    %dma_wait3A_432 = tpu.memref_squeeze %dma_wait3A_431 : memref<1x1x!tpu.dma_semaphore, #tpu.memory_space<semaphore_mem>> -> memref<!tpu.dma_semaphore, #tpu.memory_space<semaphore_mem>>
    %dma_wait3A_433 = arith.constant 0 : i32
    %dma_wait3A_434 = arith.constant 0 : i32
    %dma_wait3A_435 = arith.constant 0 : i32
    %dma_wait3A_436 = tpu.memref_slice %arg11[%rem3A_0, %dma_wait3A_429, %dma_wait3A_433, %dma_wait3A_434, %dma_wait3A_435] : memref<2x64x8x16x128xf32, #tpu.memory_space<vmem>> -> memref<1x1x8x16x128xf32, #tpu.memory_space<vmem>>
    %dma_wait3A_437 = tpu.memref_squeeze %dma_wait3A_436 : memref<1x1x8x16x128xf32, #tpu.memory_space<vmem>> -> memref<8x16x128xf32, #tpu.memory_space<vmem>>
    %dma_wait3A_438 = arith.constant 0 : i32
    %dma_wait3A_439 = arith.constant 0 : i32
    %dma_wait3A_440 = tpu.memref_slice %arg1[%mul3A_427, %dma_wait3A_428, %dma_wait3A_438, %dma_wait3A_439] : memref<512x64x16x128xf32, #tpu.memory_space<hbm>> -> memref<8x1x16x128xf32, #tpu.memory_space<hbm>>
    %dma_wait3A_441 = tpu.memref_squeeze %dma_wait3A_440 : memref<8x1x16x128xf32, #tpu.memory_space<hbm>> -> memref<8x16x128xf32, #tpu.memory_space<hbm>>
    tpu.wait_dma2 semaphore(%dma_wait3A_432 : memref<!tpu.dma_semaphore, #tpu.memory_space<semaphore_mem>>) src(%dma_wait3A_441 : memref<8x16x128xf32, #tpu.memory_space<hbm>>) dst(%dma_wait3A_437 : memref<8x16x128xf32, #tpu.memory_space<vmem>>)
    %mul3A_442 = arith.constant 8 : i32
    %mul3A_443 = arith.muli %arg0, %mul3A_442 : i32
    %dma_wait3A_444 = arith.constant 27 : i32
    %dma_wait3A_445 = arith.constant 27 : i32
    %dma_wait3A_446 = arith.constant 27 : i32
    %dma_wait3A_447 = tpu.memref_slice %arg12[%rem3A_0, %dma_wait3A_446] : memref<2x64x!tpu.dma_semaphore, #tpu.memory_space<semaphore_mem>> -> memref<1x1x!tpu.dma_semaphore, #tpu.memory_space<semaphore_mem>>
    %dma_wait3A_448 = tpu.memref_squeeze %dma_wait3A_447 : memref<1x1x!tpu.dma_semaphore, #tpu.memory_space<semaphore_mem>> -> memref<!tpu.dma_semaphore, #tpu.memory_space<semaphore_mem>>
    %dma_wait3A_449 = arith.constant 0 : i32
    %dma_wait3A_450 = arith.constant 0 : i32
    %dma_wait3A_451 = arith.constant 0 : i32
    %dma_wait3A_452 = tpu.memref_slice %arg11[%rem3A_0, %dma_wait3A_445, %dma_wait3A_449, %dma_wait3A_450, %dma_wait3A_451] : memref<2x64x8x16x128xf32, #tpu.memory_space<vmem>> -> memref<1x1x8x16x128xf32, #tpu.memory_space<vmem>>
    %dma_wait3A_453 = tpu.memref_squeeze %dma_wait3A_452 : memref<1x1x8x16x128xf32, #tpu.memory_space<vmem>> -> memref<8x16x128xf32, #tpu.memory_space<vmem>>
    %dma_wait3A_454 = arith.constant 0 : i32
    %dma_wait3A_455 = arith.constant 0 : i32
    %dma_wait3A_456 = tpu.memref_slice %arg1[%mul3A_443, %dma_wait3A_444, %dma_wait3A_454, %dma_wait3A_455] : memref<512x64x16x128xf32, #tpu.memory_space<hbm>> -> memref<8x1x16x128xf32, #tpu.memory_space<hbm>>
    %dma_wait3A_457 = tpu.memref_squeeze %dma_wait3A_456 : memref<8x1x16x128xf32, #tpu.memory_space<hbm>> -> memref<8x16x128xf32, #tpu.memory_space<hbm>>
    tpu.wait_dma2 semaphore(%dma_wait3A_448 : memref<!tpu.dma_semaphore, #tpu.memory_space<semaphore_mem>>) src(%dma_wait3A_457 : memref<8x16x128xf32, #tpu.memory_space<hbm>>) dst(%dma_wait3A_453 : memref<8x16x128xf32, #tpu.memory_space<vmem>>)
    %mul3A_458 = arith.constant 8 : i32
    %mul3A_459 = arith.muli %arg0, %mul3A_458 : i32
    %dma_wait3A_460 = arith.constant 28 : i32
    %dma_wait3A_461 = arith.constant 28 : i32
    %dma_wait3A_462 = arith.constant 28 : i32
    %dma_wait3A_463 = tpu.memref_slice %arg12[%rem3A_0, %dma_wait3A_462] : memref<2x64x!tpu.dma_semaphore, #tpu.memory_space<semaphore_mem>> -> memref<1x1x!tpu.dma_semaphore, #tpu.memory_space<semaphore_mem>>
    %dma_wait3A_464 = tpu.memref_squeeze %dma_wait3A_463 : memref<1x1x!tpu.dma_semaphore, #tpu.memory_space<semaphore_mem>> -> memref<!tpu.dma_semaphore, #tpu.memory_space<semaphore_mem>>
    %dma_wait3A_465 = arith.constant 0 : i32
    %dma_wait3A_466 = arith.constant 0 : i32
    %dma_wait3A_467 = arith.constant 0 : i32
    %dma_wait3A_468 = tpu.memref_slice %arg11[%rem3A_0, %dma_wait3A_461, %dma_wait3A_465, %dma_wait3A_466, %dma_wait3A_467] : memref<2x64x8x16x128xf32, #tpu.memory_space<vmem>> -> memref<1x1x8x16x128xf32, #tpu.memory_space<vmem>>
    %dma_wait3A_469 = tpu.memref_squeeze %dma_wait3A_468 : memref<1x1x8x16x128xf32, #tpu.memory_space<vmem>> -> memref<8x16x128xf32, #tpu.memory_space<vmem>>
    %dma_wait3A_470 = arith.constant 0 : i32
    %dma_wait3A_471 = arith.constant 0 : i32
    %dma_wait3A_472 = tpu.memref_slice %arg1[%mul3A_459, %dma_wait3A_460, %dma_wait3A_470, %dma_wait3A_471] : memref<512x64x16x128xf32, #tpu.memory_space<hbm>> -> memref<8x1x16x128xf32, #tpu.memory_space<hbm>>
    %dma_wait3A_473 = tpu.memref_squeeze %dma_wait3A_472 : memref<8x1x16x128xf32, #tpu.memory_space<hbm>> -> memref<8x16x128xf32, #tpu.memory_space<hbm>>
    tpu.wait_dma2 semaphore(%dma_wait3A_464 : memref<!tpu.dma_semaphore, #tpu.memory_space<semaphore_mem>>) src(%dma_wait3A_473 : memref<8x16x128xf32, #tpu.memory_space<hbm>>) dst(%dma_wait3A_469 : memref<8x16x128xf32, #tpu.memory_space<vmem>>)
    %mul3A_474 = arith.constant 8 : i32
    %mul3A_475 = arith.muli %arg0, %mul3A_474 : i32
    %dma_wait3A_476 = arith.constant 29 : i32
    %dma_wait3A_477 = arith.constant 29 : i32
    %dma_wait3A_478 = arith.constant 29 : i32
    %dma_wait3A_479 = tpu.memref_slice %arg12[%rem3A_0, %dma_wait3A_478] : memref<2x64x!tpu.dma_semaphore, #tpu.memory_space<semaphore_mem>> -> memref<1x1x!tpu.dma_semaphore, #tpu.memory_space<semaphore_mem>>
    %dma_wait3A_480 = tpu.memref_squeeze %dma_wait3A_479 : memref<1x1x!tpu.dma_semaphore, #tpu.memory_space<semaphore_mem>> -> memref<!tpu.dma_semaphore, #tpu.memory_space<semaphore_mem>>
    %dma_wait3A_481 = arith.constant 0 : i32
    %dma_wait3A_482 = arith.constant 0 : i32
    %dma_wait3A_483 = arith.constant 0 : i32
    %dma_wait3A_484 = tpu.memref_slice %arg11[%rem3A_0, %dma_wait3A_477, %dma_wait3A_481, %dma_wait3A_482, %dma_wait3A_483] : memref<2x64x8x16x128xf32, #tpu.memory_space<vmem>> -> memref<1x1x8x16x128xf32, #tpu.memory_space<vmem>>
    %dma_wait3A_485 = tpu.memref_squeeze %dma_wait3A_484 : memref<1x1x8x16x128xf32, #tpu.memory_space<vmem>> -> memref<8x16x128xf32, #tpu.memory_space<vmem>>
    %dma_wait3A_486 = arith.constant 0 : i32
    %dma_wait3A_487 = arith.constant 0 : i32
    %dma_wait3A_488 = tpu.memref_slice %arg1[%mul3A_475, %dma_wait3A_476, %dma_wait3A_486, %dma_wait3A_487] : memref<512x64x16x128xf32, #tpu.memory_space<hbm>> -> memref<8x1x16x128xf32, #tpu.memory_space<hbm>>
    %dma_wait3A_489 = tpu.memref_squeeze %dma_wait3A_488 : memref<8x1x16x128xf32, #tpu.memory_space<hbm>> -> memref<8x16x128xf32, #tpu.memory_space<hbm>>
    tpu.wait_dma2 semaphore(%dma_wait3A_480 : memref<!tpu.dma_semaphore, #tpu.memory_space<semaphore_mem>>) src(%dma_wait3A_489 : memref<8x16x128xf32, #tpu.memory_space<hbm>>) dst(%dma_wait3A_485 : memref<8x16x128xf32, #tpu.memory_space<vmem>>)
    %mul3A_490 = arith.constant 8 : i32
    %mul3A_491 = arith.muli %arg0, %mul3A_490 : i32
    %dma_wait3A_492 = arith.constant 30 : i32
    %dma_wait3A_493 = arith.constant 30 : i32
    %dma_wait3A_494 = arith.constant 30 : i32
    %dma_wait3A_495 = tpu.memref_slice %arg12[%rem3A_0, %dma_wait3A_494] : memref<2x64x!tpu.dma_semaphore, #tpu.memory_space<semaphore_mem>> -> memref<1x1x!tpu.dma_semaphore, #tpu.memory_space<semaphore_mem>>
    %dma_wait3A_496 = tpu.memref_squeeze %dma_wait3A_495 : memref<1x1x!tpu.dma_semaphore, #tpu.memory_space<semaphore_mem>> -> memref<!tpu.dma_semaphore, #tpu.memory_space<semaphore_mem>>
    %dma_wait3A_497 = arith.constant 0 : i32
    %dma_wait3A_498 = arith.constant 0 : i32
    %dma_wait3A_499 = arith.constant 0 : i32
    %dma_wait3A_500 = tpu.memref_slice %arg11[%rem3A_0, %dma_wait3A_493, %dma_wait3A_497, %dma_wait3A_498, %dma_wait3A_499] : memref<2x64x8x16x128xf32, #tpu.memory_space<vmem>> -> memref<1x1x8x16x128xf32, #tpu.memory_space<vmem>>
    %dma_wait3A_501 = tpu.memref_squeeze %dma_wait3A_500 : memref<1x1x8x16x128xf32, #tpu.memory_space<vmem>> -> memref<8x16x128xf32, #tpu.memory_space<vmem>>
    %dma_wait3A_502 = arith.constant 0 : i32
    %dma_wait3A_503 = arith.constant 0 : i32
    %dma_wait3A_504 = tpu.memref_slice %arg1[%mul3A_491, %dma_wait3A_492, %dma_wait3A_502, %dma_wait3A_503] : memref<512x64x16x128xf32, #tpu.memory_space<hbm>> -> memref<8x1x16x128xf32, #tpu.memory_space<hbm>>
    %dma_wait3A_505 = tpu.memref_squeeze %dma_wait3A_504 : memref<8x1x16x128xf32, #tpu.memory_space<hbm>> -> memref<8x16x128xf32, #tpu.memory_space<hbm>>
    tpu.wait_dma2 semaphore(%dma_wait3A_496 : memref<!tpu.dma_semaphore, #tpu.memory_space<semaphore_mem>>) src(%dma_wait3A_505 : memref<8x16x128xf32, #tpu.memory_space<hbm>>) dst(%dma_wait3A_501 : memref<8x16x128xf32, #tpu.memory_space<vmem>>)
    %mul3A_506 = arith.constant 8 : i32
    %mul3A_507 = arith.muli %arg0, %mul3A_506 : i32
    %dma_wait3A_508 = arith.constant 31 : i32
    %dma_wait3A_509 = arith.constant 31 : i32
    %dma_wait3A_510 = arith.constant 31 : i32
    %dma_wait3A_511 = tpu.memref_slice %arg12[%rem3A_0, %dma_wait3A_510] : memref<2x64x!tpu.dma_semaphore, #tpu.memory_space<semaphore_mem>> -> memref<1x1x!tpu.dma_semaphore, #tpu.memory_space<semaphore_mem>>
    %dma_wait3A_512 = tpu.memref_squeeze %dma_wait3A_511 : memref<1x1x!tpu.dma_semaphore, #tpu.memory_space<semaphore_mem>> -> memref<!tpu.dma_semaphore, #tpu.memory_space<semaphore_mem>>
    %dma_wait3A_513 = arith.constant 0 : i32
    %dma_wait3A_514 = arith.constant 0 : i32
    %dma_wait3A_515 = arith.constant 0 : i32
    %dma_wait3A_516 = tpu.memref_slice %arg11[%rem3A_0, %dma_wait3A_509, %dma_wait3A_513, %dma_wait3A_514, %dma_wait3A_515] : memref<2x64x8x16x128xf32, #tpu.memory_space<vmem>> -> memref<1x1x8x16x128xf32, #tpu.memory_space<vmem>>
    %dma_wait3A_517 = tpu.memref_squeeze %dma_wait3A_516 : memref<1x1x8x16x128xf32, #tpu.memory_space<vmem>> -> memref<8x16x128xf32, #tpu.memory_space<vmem>>
    %dma_wait3A_518 = arith.constant 0 : i32
    %dma_wait3A_519 = arith.constant 0 : i32
    %dma_wait3A_520 = tpu.memref_slice %arg1[%mul3A_507, %dma_wait3A_508, %dma_wait3A_518, %dma_wait3A_519] : memref<512x64x16x128xf32, #tpu.memory_space<hbm>> -> memref<8x1x16x128xf32, #tpu.memory_space<hbm>>
    %dma_wait3A_521 = tpu.memref_squeeze %dma_wait3A_520 : memref<8x1x16x128xf32, #tpu.memory_space<hbm>> -> memref<8x16x128xf32, #tpu.memory_space<hbm>>
    tpu.wait_dma2 semaphore(%dma_wait3A_512 : memref<!tpu.dma_semaphore, #tpu.memory_space<semaphore_mem>>) src(%dma_wait3A_521 : memref<8x16x128xf32, #tpu.memory_space<hbm>>) dst(%dma_wait3A_517 : memref<8x16x128xf32, #tpu.memory_space<vmem>>)
    %mul3A_522 = arith.constant 8 : i32
    %mul3A_523 = arith.muli %arg0, %mul3A_522 : i32
    %dma_wait3A_524 = arith.constant 32 : i32
    %dma_wait3A_525 = arith.constant 32 : i32
    %dma_wait3A_526 = arith.constant 32 : i32
    %dma_wait3A_527 = tpu.memref_slice %arg12[%rem3A_0, %dma_wait3A_526] : memref<2x64x!tpu.dma_semaphore, #tpu.memory_space<semaphore_mem>> -> memref<1x1x!tpu.dma_semaphore, #tpu.memory_space<semaphore_mem>>
    %dma_wait3A_528 = tpu.memref_squeeze %dma_wait3A_527 : memref<1x1x!tpu.dma_semaphore, #tpu.memory_space<semaphore_mem>> -> memref<!tpu.dma_semaphore, #tpu.memory_space<semaphore_mem>>
    %dma_wait3A_529 = arith.constant 0 : i32
    %dma_wait3A_530 = arith.constant 0 : i32
    %dma_wait3A_531 = arith.constant 0 : i32
    %dma_wait3A_532 = tpu.memref_slice %arg11[%rem3A_0, %dma_wait3A_525, %dma_wait3A_529, %dma_wait3A_530, %dma_wait3A_531] : memref<2x64x8x16x128xf32, #tpu.memory_space<vmem>> -> memref<1x1x8x16x128xf32, #tpu.memory_space<vmem>>
    %dma_wait3A_533 = tpu.memref_squeeze %dma_wait3A_532 : memref<1x1x8x16x128xf32, #tpu.memory_space<vmem>> -> memref<8x16x128xf32, #tpu.memory_space<vmem>>
    %dma_wait3A_534 = arith.constant 0 : i32
    %dma_wait3A_535 = arith.constant 0 : i32
    %dma_wait3A_536 = tpu.memref_slice %arg1[%mul3A_523, %dma_wait3A_524, %dma_wait3A_534, %dma_wait3A_535] : memref<512x64x16x128xf32, #tpu.memory_space<hbm>> -> memref<8x1x16x128xf32, #tpu.memory_space<hbm>>
    %dma_wait3A_537 = tpu.memref_squeeze %dma_wait3A_536 : memref<8x1x16x128xf32, #tpu.memory_space<hbm>> -> memref<8x16x128xf32, #tpu.memory_space<hbm>>
    tpu.wait_dma2 semaphore(%dma_wait3A_528 : memref<!tpu.dma_semaphore, #tpu.memory_space<semaphore_mem>>) src(%dma_wait3A_537 : memref<8x16x128xf32, #tpu.memory_space<hbm>>) dst(%dma_wait3A_533 : memref<8x16x128xf32, #tpu.memory_space<vmem>>)
    %mul3A_538 = arith.constant 8 : i32
    %mul3A_539 = arith.muli %arg0, %mul3A_538 : i32
    %dma_wait3A_540 = arith.constant 33 : i32
    %dma_wait3A_541 = arith.constant 33 : i32
    %dma_wait3A_542 = arith.constant 33 : i32
    %dma_wait3A_543 = tpu.memref_slice %arg12[%rem3A_0, %dma_wait3A_542] : memref<2x64x!tpu.dma_semaphore, #tpu.memory_space<semaphore_mem>> -> memref<1x1x!tpu.dma_semaphore, #tpu.memory_space<semaphore_mem>>
    %dma_wait3A_544 = tpu.memref_squeeze %dma_wait3A_543 : memref<1x1x!tpu.dma_semaphore, #tpu.memory_space<semaphore_mem>> -> memref<!tpu.dma_semaphore, #tpu.memory_space<semaphore_mem>>
    %dma_wait3A_545 = arith.constant 0 : i32
    %dma_wait3A_546 = arith.constant 0 : i32
    %dma_wait3A_547 = arith.constant 0 : i32
    %dma_wait3A_548 = tpu.memref_slice %arg11[%rem3A_0, %dma_wait3A_541, %dma_wait3A_545, %dma_wait3A_546, %dma_wait3A_547] : memref<2x64x8x16x128xf32, #tpu.memory_space<vmem>> -> memref<1x1x8x16x128xf32, #tpu.memory_space<vmem>>
    %dma_wait3A_549 = tpu.memref_squeeze %dma_wait3A_548 : memref<1x1x8x16x128xf32, #tpu.memory_space<vmem>> -> memref<8x16x128xf32, #tpu.memory_space<vmem>>
    %dma_wait3A_550 = arith.constant 0 : i32
    %dma_wait3A_551 = arith.constant 0 : i32
    %dma_wait3A_552 = tpu.memref_slice %arg1[%mul3A_539, %dma_wait3A_540, %dma_wait3A_550, %dma_wait3A_551] : memref<512x64x16x128xf32, #tpu.memory_space<hbm>> -> memref<8x1x16x128xf32, #tpu.memory_space<hbm>>
    %dma_wait3A_553 = tpu.memref_squeeze %dma_wait3A_552 : memref<8x1x16x128xf32, #tpu.memory_space<hbm>> -> memref<8x16x128xf32, #tpu.memory_space<hbm>>
    tpu.wait_dma2 semaphore(%dma_wait3A_544 : memref<!tpu.dma_semaphore, #tpu.memory_space<semaphore_mem>>) src(%dma_wait3A_553 : memref<8x16x128xf32, #tpu.memory_space<hbm>>) dst(%dma_wait3A_549 : memref<8x16x128xf32, #tpu.memory_space<vmem>>)
    %mul3A_554 = arith.constant 8 : i32
    %mul3A_555 = arith.muli %arg0, %mul3A_554 : i32
    %dma_wait3A_556 = arith.constant 34 : i32
    %dma_wait3A_557 = arith.constant 34 : i32
    %dma_wait3A_558 = arith.constant 34 : i32
    %dma_wait3A_559 = tpu.memref_slice %arg12[%rem3A_0, %dma_wait3A_558] : memref<2x64x!tpu.dma_semaphore, #tpu.memory_space<semaphore_mem>> -> memref<1x1x!tpu.dma_semaphore, #tpu.memory_space<semaphore_mem>>
    %dma_wait3A_560 = tpu.memref_squeeze %dma_wait3A_559 : memref<1x1x!tpu.dma_semaphore, #tpu.memory_space<semaphore_mem>> -> memref<!tpu.dma_semaphore, #tpu.memory_space<semaphore_mem>>
    %dma_wait3A_561 = arith.constant 0 : i32
    %dma_wait3A_562 = arith.constant 0 : i32
    %dma_wait3A_563 = arith.constant 0 : i32
    %dma_wait3A_564 = tpu.memref_slice %arg11[%rem3A_0, %dma_wait3A_557, %dma_wait3A_561, %dma_wait3A_562, %dma_wait3A_563] : memref<2x64x8x16x128xf32, #tpu.memory_space<vmem>> -> memref<1x1x8x16x128xf32, #tpu.memory_space<vmem>>
    %dma_wait3A_565 = tpu.memref_squeeze %dma_wait3A_564 : memref<1x1x8x16x128xf32, #tpu.memory_space<vmem>> -> memref<8x16x128xf32, #tpu.memory_space<vmem>>
    %dma_wait3A_566 = arith.constant 0 : i32
    %dma_wait3A_567 = arith.constant 0 : i32
    %dma_wait3A_568 = tpu.memref_slice %arg1[%mul3A_555, %dma_wait3A_556, %dma_wait3A_566, %dma_wait3A_567] : memref<512x64x16x128xf32, #tpu.memory_space<hbm>> -> memref<8x1x16x128xf32, #tpu.memory_space<hbm>>
    %dma_wait3A_569 = tpu.memref_squeeze %dma_wait3A_568 : memref<8x1x16x128xf32, #tpu.memory_space<hbm>> -> memref<8x16x128xf32, #tpu.memory_space<hbm>>
    tpu.wait_dma2 semaphore(%dma_wait3A_560 : memref<!tpu.dma_semaphore, #tpu.memory_space<semaphore_mem>>) src(%dma_wait3A_569 : memref<8x16x128xf32, #tpu.memory_space<hbm>>) dst(%dma_wait3A_565 : memref<8x16x128xf32, #tpu.memory_space<vmem>>)
    %mul3A_570 = arith.constant 8 : i32
    %mul3A_571 = arith.muli %arg0, %mul3A_570 : i32
    %dma_wait3A_572 = arith.constant 35 : i32
    %dma_wait3A_573 = arith.constant 35 : i32
    %dma_wait3A_574 = arith.constant 35 : i32
    %dma_wait3A_575 = tpu.memref_slice %arg12[%rem3A_0, %dma_wait3A_574] : memref<2x64x!tpu.dma_semaphore, #tpu.memory_space<semaphore_mem>> -> memref<1x1x!tpu.dma_semaphore, #tpu.memory_space<semaphore_mem>>
    %dma_wait3A_576 = tpu.memref_squeeze %dma_wait3A_575 : memref<1x1x!tpu.dma_semaphore, #tpu.memory_space<semaphore_mem>> -> memref<!tpu.dma_semaphore, #tpu.memory_space<semaphore_mem>>
    %dma_wait3A_577 = arith.constant 0 : i32
    %dma_wait3A_578 = arith.constant 0 : i32
    %dma_wait3A_579 = arith.constant 0 : i32
    %dma_wait3A_580 = tpu.memref_slice %arg11[%rem3A_0, %dma_wait3A_573, %dma_wait3A_577, %dma_wait3A_578, %dma_wait3A_579] : memref<2x64x8x16x128xf32, #tpu.memory_space<vmem>> -> memref<1x1x8x16x128xf32, #tpu.memory_space<vmem>>
    %dma_wait3A_581 = tpu.memref_squeeze %dma_wait3A_580 : memref<1x1x8x16x128xf32, #tpu.memory_space<vmem>> -> memref<8x16x128xf32, #tpu.memory_space<vmem>>
    %dma_wait3A_582 = arith.constant 0 : i32
    %dma_wait3A_583 = arith.constant 0 : i32
    %dma_wait3A_584 = tpu.memref_slice %arg1[%mul3A_571, %dma_wait3A_572, %dma_wait3A_582, %dma_wait3A_583] : memref<512x64x16x128xf32, #tpu.memory_space<hbm>> -> memref<8x1x16x128xf32, #tpu.memory_space<hbm>>
    %dma_wait3A_585 = tpu.memref_squeeze %dma_wait3A_584 : memref<8x1x16x128xf32, #tpu.memory_space<hbm>> -> memref<8x16x128xf32, #tpu.memory_space<hbm>>
    tpu.wait_dma2 semaphore(%dma_wait3A_576 : memref<!tpu.dma_semaphore, #tpu.memory_space<semaphore_mem>>) src(%dma_wait3A_585 : memref<8x16x128xf32, #tpu.memory_space<hbm>>) dst(%dma_wait3A_581 : memref<8x16x128xf32, #tpu.memory_space<vmem>>)
    %mul3A_586 = arith.constant 8 : i32
    %mul3A_587 = arith.muli %arg0, %mul3A_586 : i32
    %dma_wait3A_588 = arith.constant 36 : i32
    %dma_wait3A_589 = arith.constant 36 : i32
    %dma_wait3A_590 = arith.constant 36 : i32
    %dma_wait3A_591 = tpu.memref_slice %arg12[%rem3A_0, %dma_wait3A_590] : memref<2x64x!tpu.dma_semaphore, #tpu.memory_space<semaphore_mem>> -> memref<1x1x!tpu.dma_semaphore, #tpu.memory_space<semaphore_mem>>
    %dma_wait3A_592 = tpu.memref_squeeze %dma_wait3A_591 : memref<1x1x!tpu.dma_semaphore, #tpu.memory_space<semaphore_mem>> -> memref<!tpu.dma_semaphore, #tpu.memory_space<semaphore_mem>>
    %dma_wait3A_593 = arith.constant 0 : i32
    %dma_wait3A_594 = arith.constant 0 : i32
    %dma_wait3A_595 = arith.constant 0 : i32
    %dma_wait3A_596 = tpu.memref_slice %arg11[%rem3A_0, %dma_wait3A_589, %dma_wait3A_593, %dma_wait3A_594, %dma_wait3A_595] : memref<2x64x8x16x128xf32, #tpu.memory_space<vmem>> -> memref<1x1x8x16x128xf32, #tpu.memory_space<vmem>>
    %dma_wait3A_597 = tpu.memref_squeeze %dma_wait3A_596 : memref<1x1x8x16x128xf32, #tpu.memory_space<vmem>> -> memref<8x16x128xf32, #tpu.memory_space<vmem>>
    %dma_wait3A_598 = arith.constant 0 : i32
    %dma_wait3A_599 = arith.constant 0 : i32
    %dma_wait3A_600 = tpu.memref_slice %arg1[%mul3A_587, %dma_wait3A_588, %dma_wait3A_598, %dma_wait3A_599] : memref<512x64x16x128xf32, #tpu.memory_space<hbm>> -> memref<8x1x16x128xf32, #tpu.memory_space<hbm>>
    %dma_wait3A_601 = tpu.memref_squeeze %dma_wait3A_600 : memref<8x1x16x128xf32, #tpu.memory_space<hbm>> -> memref<8x16x128xf32, #tpu.memory_space<hbm>>
    tpu.wait_dma2 semaphore(%dma_wait3A_592 : memref<!tpu.dma_semaphore, #tpu.memory_space<semaphore_mem>>) src(%dma_wait3A_601 : memref<8x16x128xf32, #tpu.memory_space<hbm>>) dst(%dma_wait3A_597 : memref<8x16x128xf32, #tpu.memory_space<vmem>>)
    %mul3A_602 = arith.constant 8 : i32
    %mul3A_603 = arith.muli %arg0, %mul3A_602 : i32
    %dma_wait3A_604 = arith.constant 37 : i32
    %dma_wait3A_605 = arith.constant 37 : i32
    %dma_wait3A_606 = arith.constant 37 : i32
    %dma_wait3A_607 = tpu.memref_slice %arg12[%rem3A_0, %dma_wait3A_606] : memref<2x64x!tpu.dma_semaphore, #tpu.memory_space<semaphore_mem>> -> memref<1x1x!tpu.dma_semaphore, #tpu.memory_space<semaphore_mem>>
    %dma_wait3A_608 = tpu.memref_squeeze %dma_wait3A_607 : memref<1x1x!tpu.dma_semaphore, #tpu.memory_space<semaphore_mem>> -> memref<!tpu.dma_semaphore, #tpu.memory_space<semaphore_mem>>
    %dma_wait3A_609 = arith.constant 0 : i32
    %dma_wait3A_610 = arith.constant 0 : i32
    %dma_wait3A_611 = arith.constant 0 : i32
    %dma_wait3A_612 = tpu.memref_slice %arg11[%rem3A_0, %dma_wait3A_605, %dma_wait3A_609, %dma_wait3A_610, %dma_wait3A_611] : memref<2x64x8x16x128xf32, #tpu.memory_space<vmem>> -> memref<1x1x8x16x128xf32, #tpu.memory_space<vmem>>
    %dma_wait3A_613 = tpu.memref_squeeze %dma_wait3A_612 : memref<1x1x8x16x128xf32, #tpu.memory_space<vmem>> -> memref<8x16x128xf32, #tpu.memory_space<vmem>>
    %dma_wait3A_614 = arith.constant 0 : i32
    %dma_wait3A_615 = arith.constant 0 : i32
    %dma_wait3A_616 = tpu.memref_slice %arg1[%mul3A_603, %dma_wait3A_604, %dma_wait3A_614, %dma_wait3A_615] : memref<512x64x16x128xf32, #tpu.memory_space<hbm>> -> memref<8x1x16x128xf32, #tpu.memory_space<hbm>>
    %dma_wait3A_617 = tpu.memref_squeeze %dma_wait3A_616 : memref<8x1x16x128xf32, #tpu.memory_space<hbm>> -> memref<8x16x128xf32, #tpu.memory_space<hbm>>
    tpu.wait_dma2 semaphore(%dma_wait3A_608 : memref<!tpu.dma_semaphore, #tpu.memory_space<semaphore_mem>>) src(%dma_wait3A_617 : memref<8x16x128xf32, #tpu.memory_space<hbm>>) dst(%dma_wait3A_613 : memref<8x16x128xf32, #tpu.memory_space<vmem>>)
    %mul3A_618 = arith.constant 8 : i32
    %mul3A_619 = arith.muli %arg0, %mul3A_618 : i32
    %dma_wait3A_620 = arith.constant 38 : i32
    %dma_wait3A_621 = arith.constant 38 : i32
    %dma_wait3A_622 = arith.constant 38 : i32
    %dma_wait3A_623 = tpu.memref_slice %arg12[%rem3A_0, %dma_wait3A_622] : memref<2x64x!tpu.dma_semaphore, #tpu.memory_space<semaphore_mem>> -> memref<1x1x!tpu.dma_semaphore, #tpu.memory_space<semaphore_mem>>
    %dma_wait3A_624 = tpu.memref_squeeze %dma_wait3A_623 : memref<1x1x!tpu.dma_semaphore, #tpu.memory_space<semaphore_mem>> -> memref<!tpu.dma_semaphore, #tpu.memory_space<semaphore_mem>>
    %dma_wait3A_625 = arith.constant 0 : i32
    %dma_wait3A_626 = arith.constant 0 : i32
    %dma_wait3A_627 = arith.constant 0 : i32
    %dma_wait3A_628 = tpu.memref_slice %arg11[%rem3A_0, %dma_wait3A_621, %dma_wait3A_625, %dma_wait3A_626, %dma_wait3A_627] : memref<2x64x8x16x128xf32, #tpu.memory_space<vmem>> -> memref<1x1x8x16x128xf32, #tpu.memory_space<vmem>>
    %dma_wait3A_629 = tpu.memref_squeeze %dma_wait3A_628 : memref<1x1x8x16x128xf32, #tpu.memory_space<vmem>> -> memref<8x16x128xf32, #tpu.memory_space<vmem>>
    %dma_wait3A_630 = arith.constant 0 : i32
    %dma_wait3A_631 = arith.constant 0 : i32
    %dma_wait3A_632 = tpu.memref_slice %arg1[%mul3A_619, %dma_wait3A_620, %dma_wait3A_630, %dma_wait3A_631] : memref<512x64x16x128xf32, #tpu.memory_space<hbm>> -> memref<8x1x16x128xf32, #tpu.memory_space<hbm>>
    %dma_wait3A_633 = tpu.memref_squeeze %dma_wait3A_632 : memref<8x1x16x128xf32, #tpu.memory_space<hbm>> -> memref<8x16x128xf32, #tpu.memory_space<hbm>>
    tpu.wait_dma2 semaphore(%dma_wait3A_624 : memref<!tpu.dma_semaphore, #tpu.memory_space<semaphore_mem>>) src(%dma_wait3A_633 : memref<8x16x128xf32, #tpu.memory_space<hbm>>) dst(%dma_wait3A_629 : memref<8x16x128xf32, #tpu.memory_space<vmem>>)
    %mul3A_634 = arith.constant 8 : i32
    %mul3A_635 = arith.muli %arg0, %mul3A_634 : i32
    %dma_wait3A_636 = arith.constant 39 : i32
    %dma_wait3A_637 = arith.constant 39 : i32
    %dma_wait3A_638 = arith.constant 39 : i32
    %dma_wait3A_639 = tpu.memref_slice %arg12[%rem3A_0, %dma_wait3A_638] : memref<2x64x!tpu.dma_semaphore, #tpu.memory_space<semaphore_mem>> -> memref<1x1x!tpu.dma_semaphore, #tpu.memory_space<semaphore_mem>>
    %dma_wait3A_640 = tpu.memref_squeeze %dma_wait3A_639 : memref<1x1x!tpu.dma_semaphore, #tpu.memory_space<semaphore_mem>> -> memref<!tpu.dma_semaphore, #tpu.memory_space<semaphore_mem>>
    %dma_wait3A_641 = arith.constant 0 : i32
    %dma_wait3A_642 = arith.constant 0 : i32
    %dma_wait3A_643 = arith.constant 0 : i32
    %dma_wait3A_644 = tpu.memref_slice %arg11[%rem3A_0, %dma_wait3A_637, %dma_wait3A_641, %dma_wait3A_642, %dma_wait3A_643] : memref<2x64x8x16x128xf32, #tpu.memory_space<vmem>> -> memref<1x1x8x16x128xf32, #tpu.memory_space<vmem>>
    %dma_wait3A_645 = tpu.memref_squeeze %dma_wait3A_644 : memref<1x1x8x16x128xf32, #tpu.memory_space<vmem>> -> memref<8x16x128xf32, #tpu.memory_space<vmem>>
    %dma_wait3A_646 = arith.constant 0 : i32
    %dma_wait3A_647 = arith.constant 0 : i32
    %dma_wait3A_648 = tpu.memref_slice %arg1[%mul3A_635, %dma_wait3A_636, %dma_wait3A_646, %dma_wait3A_647] : memref<512x64x16x128xf32, #tpu.memory_space<hbm>> -> memref<8x1x16x128xf32, #tpu.memory_space<hbm>>
    %dma_wait3A_649 = tpu.memref_squeeze %dma_wait3A_648 : memref<8x1x16x128xf32, #tpu.memory_space<hbm>> -> memref<8x16x128xf32, #tpu.memory_space<hbm>>
    tpu.wait_dma2 semaphore(%dma_wait3A_640 : memref<!tpu.dma_semaphore, #tpu.memory_space<semaphore_mem>>) src(%dma_wait3A_649 : memref<8x16x128xf32, #tpu.memory_space<hbm>>) dst(%dma_wait3A_645 : memref<8x16x128xf32, #tpu.memory_space<vmem>>)
    %mul3A_650 = arith.constant 8 : i32
    %mul3A_651 = arith.muli %arg0, %mul3A_650 : i32
    %dma_wait3A_652 = arith.constant 40 : i32
    %dma_wait3A_653 = arith.constant 40 : i32
    %dma_wait3A_654 = arith.constant 40 : i32
    %dma_wait3A_655 = tpu.memref_slice %arg12[%rem3A_0, %dma_wait3A_654] : memref<2x64x!tpu.dma_semaphore, #tpu.memory_space<semaphore_mem>> -> memref<1x1x!tpu.dma_semaphore, #tpu.memory_space<semaphore_mem>>
    %dma_wait3A_656 = tpu.memref_squeeze %dma_wait3A_655 : memref<1x1x!tpu.dma_semaphore, #tpu.memory_space<semaphore_mem>> -> memref<!tpu.dma_semaphore, #tpu.memory_space<semaphore_mem>>
    %dma_wait3A_657 = arith.constant 0 : i32
    %dma_wait3A_658 = arith.constant 0 : i32
    %dma_wait3A_659 = arith.constant 0 : i32
    %dma_wait3A_660 = tpu.memref_slice %arg11[%rem3A_0, %dma_wait3A_653, %dma_wait3A_657, %dma_wait3A_658, %dma_wait3A_659] : memref<2x64x8x16x128xf32, #tpu.memory_space<vmem>> -> memref<1x1x8x16x128xf32, #tpu.memory_space<vmem>>
    %dma_wait3A_661 = tpu.memref_squeeze %dma_wait3A_660 : memref<1x1x8x16x128xf32, #tpu.memory_space<vmem>> -> memref<8x16x128xf32, #tpu.memory_space<vmem>>
    %dma_wait3A_662 = arith.constant 0 : i32
    %dma_wait3A_663 = arith.constant 0 : i32
    %dma_wait3A_664 = tpu.memref_slice %arg1[%mul3A_651, %dma_wait3A_652, %dma_wait3A_662, %dma_wait3A_663] : memref<512x64x16x128xf32, #tpu.memory_space<hbm>> -> memref<8x1x16x128xf32, #tpu.memory_space<hbm>>
    %dma_wait3A_665 = tpu.memref_squeeze %dma_wait3A_664 : memref<8x1x16x128xf32, #tpu.memory_space<hbm>> -> memref<8x16x128xf32, #tpu.memory_space<hbm>>
    tpu.wait_dma2 semaphore(%dma_wait3A_656 : memref<!tpu.dma_semaphore, #tpu.memory_space<semaphore_mem>>) src(%dma_wait3A_665 : memref<8x16x128xf32, #tpu.memory_space<hbm>>) dst(%dma_wait3A_661 : memref<8x16x128xf32, #tpu.memory_space<vmem>>)
    %mul3A_666 = arith.constant 8 : i32
    %mul3A_667 = arith.muli %arg0, %mul3A_666 : i32
    %dma_wait3A_668 = arith.constant 41 : i32
    %dma_wait3A_669 = arith.constant 41 : i32
    %dma_wait3A_670 = arith.constant 41 : i32
    %dma_wait3A_671 = tpu.memref_slice %arg12[%rem3A_0, %dma_wait3A_670] : memref<2x64x!tpu.dma_semaphore, #tpu.memory_space<semaphore_mem>> -> memref<1x1x!tpu.dma_semaphore, #tpu.memory_space<semaphore_mem>>
    %dma_wait3A_672 = tpu.memref_squeeze %dma_wait3A_671 : memref<1x1x!tpu.dma_semaphore, #tpu.memory_space<semaphore_mem>> -> memref<!tpu.dma_semaphore, #tpu.memory_space<semaphore_mem>>
    %dma_wait3A_673 = arith.constant 0 : i32
    %dma_wait3A_674 = arith.constant 0 : i32
    %dma_wait3A_675 = arith.constant 0 : i32
    %dma_wait3A_676 = tpu.memref_slice %arg11[%rem3A_0, %dma_wait3A_669, %dma_wait3A_673, %dma_wait3A_674, %dma_wait3A_675] : memref<2x64x8x16x128xf32, #tpu.memory_space<vmem>> -> memref<1x1x8x16x128xf32, #tpu.memory_space<vmem>>
    %dma_wait3A_677 = tpu.memref_squeeze %dma_wait3A_676 : memref<1x1x8x16x128xf32, #tpu.memory_space<vmem>> -> memref<8x16x128xf32, #tpu.memory_space<vmem>>
    %dma_wait3A_678 = arith.constant 0 : i32
    %dma_wait3A_679 = arith.constant 0 : i32
    %dma_wait3A_680 = tpu.memref_slice %arg1[%mul3A_667, %dma_wait3A_668, %dma_wait3A_678, %dma_wait3A_679] : memref<512x64x16x128xf32, #tpu.memory_space<hbm>> -> memref<8x1x16x128xf32, #tpu.memory_space<hbm>>
    %dma_wait3A_681 = tpu.memref_squeeze %dma_wait3A_680 : memref<8x1x16x128xf32, #tpu.memory_space<hbm>> -> memref<8x16x128xf32, #tpu.memory_space<hbm>>
    tpu.wait_dma2 semaphore(%dma_wait3A_672 : memref<!tpu.dma_semaphore, #tpu.memory_space<semaphore_mem>>) src(%dma_wait3A_681 : memref<8x16x128xf32, #tpu.memory_space<hbm>>) dst(%dma_wait3A_677 : memref<8x16x128xf32, #tpu.memory_space<vmem>>)
    %mul3A_682 = arith.constant 8 : i32
    %mul3A_683 = arith.muli %arg0, %mul3A_682 : i32
    %dma_wait3A_684 = arith.constant 42 : i32
    %dma_wait3A_685 = arith.constant 42 : i32
    %dma_wait3A_686 = arith.constant 42 : i32
    %dma_wait3A_687 = tpu.memref_slice %arg12[%rem3A_0, %dma_wait3A_686] : memref<2x64x!tpu.dma_semaphore, #tpu.memory_space<semaphore_mem>> -> memref<1x1x!tpu.dma_semaphore, #tpu.memory_space<semaphore_mem>>
    %dma_wait3A_688 = tpu.memref_squeeze %dma_wait3A_687 : memref<1x1x!tpu.dma_semaphore, #tpu.memory_space<semaphore_mem>> -> memref<!tpu.dma_semaphore, #tpu.memory_space<semaphore_mem>>
    %dma_wait3A_689 = arith.constant 0 : i32
    %dma_wait3A_690 = arith.constant 0 : i32
    %dma_wait3A_691 = arith.constant 0 : i32
    %dma_wait3A_692 = tpu.memref_slice %arg11[%rem3A_0, %dma_wait3A_685, %dma_wait3A_689, %dma_wait3A_690, %dma_wait3A_691] : memref<2x64x8x16x128xf32, #tpu.memory_space<vmem>> -> memref<1x1x8x16x128xf32, #tpu.memory_space<vmem>>
    %dma_wait3A_693 = tpu.memref_squeeze %dma_wait3A_692 : memref<1x1x8x16x128xf32, #tpu.memory_space<vmem>> -> memref<8x16x128xf32, #tpu.memory_space<vmem>>
    %dma_wait3A_694 = arith.constant 0 : i32
    %dma_wait3A_695 = arith.constant 0 : i32
    %dma_wait3A_696 = tpu.memref_slice %arg1[%mul3A_683, %dma_wait3A_684, %dma_wait3A_694, %dma_wait3A_695] : memref<512x64x16x128xf32, #tpu.memory_space<hbm>> -> memref<8x1x16x128xf32, #tpu.memory_space<hbm>>
    %dma_wait3A_697 = tpu.memref_squeeze %dma_wait3A_696 : memref<8x1x16x128xf32, #tpu.memory_space<hbm>> -> memref<8x16x128xf32, #tpu.memory_space<hbm>>
    tpu.wait_dma2 semaphore(%dma_wait3A_688 : memref<!tpu.dma_semaphore, #tpu.memory_space<semaphore_mem>>) src(%dma_wait3A_697 : memref<8x16x128xf32, #tpu.memory_space<hbm>>) dst(%dma_wait3A_693 : memref<8x16x128xf32, #tpu.memory_space<vmem>>)
    %mul3A_698 = arith.constant 8 : i32
    %mul3A_699 = arith.muli %arg0, %mul3A_698 : i32
    %dma_wait3A_700 = arith.constant 43 : i32
    %dma_wait3A_701 = arith.constant 43 : i32
    %dma_wait3A_702 = arith.constant 43 : i32
    %dma_wait3A_703 = tpu.memref_slice %arg12[%rem3A_0, %dma_wait3A_702] : memref<2x64x!tpu.dma_semaphore, #tpu.memory_space<semaphore_mem>> -> memref<1x1x!tpu.dma_semaphore, #tpu.memory_space<semaphore_mem>>
    %dma_wait3A_704 = tpu.memref_squeeze %dma_wait3A_703 : memref<1x1x!tpu.dma_semaphore, #tpu.memory_space<semaphore_mem>> -> memref<!tpu.dma_semaphore, #tpu.memory_space<semaphore_mem>>
    %dma_wait3A_705 = arith.constant 0 : i32
    %dma_wait3A_706 = arith.constant 0 : i32
    %dma_wait3A_707 = arith.constant 0 : i32
    %dma_wait3A_708 = tpu.memref_slice %arg11[%rem3A_0, %dma_wait3A_701, %dma_wait3A_705, %dma_wait3A_706, %dma_wait3A_707] : memref<2x64x8x16x128xf32, #tpu.memory_space<vmem>> -> memref<1x1x8x16x128xf32, #tpu.memory_space<vmem>>
    %dma_wait3A_709 = tpu.memref_squeeze %dma_wait3A_708 : memref<1x1x8x16x128xf32, #tpu.memory_space<vmem>> -> memref<8x16x128xf32, #tpu.memory_space<vmem>>
    %dma_wait3A_710 = arith.constant 0 : i32
    %dma_wait3A_711 = arith.constant 0 : i32
    %dma_wait3A_712 = tpu.memref_slice %arg1[%mul3A_699, %dma_wait3A_700, %dma_wait3A_710, %dma_wait3A_711] : memref<512x64x16x128xf32, #tpu.memory_space<hbm>> -> memref<8x1x16x128xf32, #tpu.memory_space<hbm>>
    %dma_wait3A_713 = tpu.memref_squeeze %dma_wait3A_712 : memref<8x1x16x128xf32, #tpu.memory_space<hbm>> -> memref<8x16x128xf32, #tpu.memory_space<hbm>>
    tpu.wait_dma2 semaphore(%dma_wait3A_704 : memref<!tpu.dma_semaphore, #tpu.memory_space<semaphore_mem>>) src(%dma_wait3A_713 : memref<8x16x128xf32, #tpu.memory_space<hbm>>) dst(%dma_wait3A_709 : memref<8x16x128xf32, #tpu.memory_space<vmem>>)
    %mul3A_714 = arith.constant 8 : i32
    %mul3A_715 = arith.muli %arg0, %mul3A_714 : i32
    %dma_wait3A_716 = arith.constant 44 : i32
    %dma_wait3A_717 = arith.constant 44 : i32
    %dma_wait3A_718 = arith.constant 44 : i32
    %dma_wait3A_719 = tpu.memref_slice %arg12[%rem3A_0, %dma_wait3A_718] : memref<2x64x!tpu.dma_semaphore, #tpu.memory_space<semaphore_mem>> -> memref<1x1x!tpu.dma_semaphore, #tpu.memory_space<semaphore_mem>>
    %dma_wait3A_720 = tpu.memref_squeeze %dma_wait3A_719 : memref<1x1x!tpu.dma_semaphore, #tpu.memory_space<semaphore_mem>> -> memref<!tpu.dma_semaphore, #tpu.memory_space<semaphore_mem>>
    %dma_wait3A_721 = arith.constant 0 : i32
    %dma_wait3A_722 = arith.constant 0 : i32
    %dma_wait3A_723 = arith.constant 0 : i32
    %dma_wait3A_724 = tpu.memref_slice %arg11[%rem3A_0, %dma_wait3A_717, %dma_wait3A_721, %dma_wait3A_722, %dma_wait3A_723] : memref<2x64x8x16x128xf32, #tpu.memory_space<vmem>> -> memref<1x1x8x16x128xf32, #tpu.memory_space<vmem>>
    %dma_wait3A_725 = tpu.memref_squeeze %dma_wait3A_724 : memref<1x1x8x16x128xf32, #tpu.memory_space<vmem>> -> memref<8x16x128xf32, #tpu.memory_space<vmem>>
    %dma_wait3A_726 = arith.constant 0 : i32
    %dma_wait3A_727 = arith.constant 0 : i32
    %dma_wait3A_728 = tpu.memref_slice %arg1[%mul3A_715, %dma_wait3A_716, %dma_wait3A_726, %dma_wait3A_727] : memref<512x64x16x128xf32, #tpu.memory_space<hbm>> -> memref<8x1x16x128xf32, #tpu.memory_space<hbm>>
    %dma_wait3A_729 = tpu.memref_squeeze %dma_wait3A_728 : memref<8x1x16x128xf32, #tpu.memory_space<hbm>> -> memref<8x16x128xf32, #tpu.memory_space<hbm>>
    tpu.wait_dma2 semaphore(%dma_wait3A_720 : memref<!tpu.dma_semaphore, #tpu.memory_space<semaphore_mem>>) src(%dma_wait3A_729 : memref<8x16x128xf32, #tpu.memory_space<hbm>>) dst(%dma_wait3A_725 : memref<8x16x128xf32, #tpu.memory_space<vmem>>)
    %mul3A_730 = arith.constant 8 : i32
    %mul3A_731 = arith.muli %arg0, %mul3A_730 : i32
    %dma_wait3A_732 = arith.constant 45 : i32
    %dma_wait3A_733 = arith.constant 45 : i32
    %dma_wait3A_734 = arith.constant 45 : i32
    %dma_wait3A_735 = tpu.memref_slice %arg12[%rem3A_0, %dma_wait3A_734] : memref<2x64x!tpu.dma_semaphore, #tpu.memory_space<semaphore_mem>> -> memref<1x1x!tpu.dma_semaphore, #tpu.memory_space<semaphore_mem>>
    %dma_wait3A_736 = tpu.memref_squeeze %dma_wait3A_735 : memref<1x1x!tpu.dma_semaphore, #tpu.memory_space<semaphore_mem>> -> memref<!tpu.dma_semaphore, #tpu.memory_space<semaphore_mem>>
    %dma_wait3A_737 = arith.constant 0 : i32
    %dma_wait3A_738 = arith.constant 0 : i32
    %dma_wait3A_739 = arith.constant 0 : i32
    %dma_wait3A_740 = tpu.memref_slice %arg11[%rem3A_0, %dma_wait3A_733, %dma_wait3A_737, %dma_wait3A_738, %dma_wait3A_739] : memref<2x64x8x16x128xf32, #tpu.memory_space<vmem>> -> memref<1x1x8x16x128xf32, #tpu.memory_space<vmem>>
    %dma_wait3A_741 = tpu.memref_squeeze %dma_wait3A_740 : memref<1x1x8x16x128xf32, #tpu.memory_space<vmem>> -> memref<8x16x128xf32, #tpu.memory_space<vmem>>
    %dma_wait3A_742 = arith.constant 0 : i32
    %dma_wait3A_743 = arith.constant 0 : i32
    %dma_wait3A_744 = tpu.memref_slice %arg1[%mul3A_731, %dma_wait3A_732, %dma_wait3A_742, %dma_wait3A_743] : memref<512x64x16x128xf32, #tpu.memory_space<hbm>> -> memref<8x1x16x128xf32, #tpu.memory_space<hbm>>
    %dma_wait3A_745 = tpu.memref_squeeze %dma_wait3A_744 : memref<8x1x16x128xf32, #tpu.memory_space<hbm>> -> memref<8x16x128xf32, #tpu.memory_space<hbm>>
    tpu.wait_dma2 semaphore(%dma_wait3A_736 : memref<!tpu.dma_semaphore, #tpu.memory_space<semaphore_mem>>) src(%dma_wait3A_745 : memref<8x16x128xf32, #tpu.memory_space<hbm>>) dst(%dma_wait3A_741 : memref<8x16x128xf32, #tpu.memory_space<vmem>>)
    %mul3A_746 = arith.constant 8 : i32
    %mul3A_747 = arith.muli %arg0, %mul3A_746 : i32
    %dma_wait3A_748 = arith.constant 46 : i32
    %dma_wait3A_749 = arith.constant 46 : i32
    %dma_wait3A_750 = arith.constant 46 : i32
    %dma_wait3A_751 = tpu.memref_slice %arg12[%rem3A_0, %dma_wait3A_750] : memref<2x64x!tpu.dma_semaphore, #tpu.memory_space<semaphore_mem>> -> memref<1x1x!tpu.dma_semaphore, #tpu.memory_space<semaphore_mem>>
    %dma_wait3A_752 = tpu.memref_squeeze %dma_wait3A_751 : memref<1x1x!tpu.dma_semaphore, #tpu.memory_space<semaphore_mem>> -> memref<!tpu.dma_semaphore, #tpu.memory_space<semaphore_mem>>
    %dma_wait3A_753 = arith.constant 0 : i32
    %dma_wait3A_754 = arith.constant 0 : i32
    %dma_wait3A_755 = arith.constant 0 : i32
    %dma_wait3A_756 = tpu.memref_slice %arg11[%rem3A_0, %dma_wait3A_749, %dma_wait3A_753, %dma_wait3A_754, %dma_wait3A_755] : memref<2x64x8x16x128xf32, #tpu.memory_space<vmem>> -> memref<1x1x8x16x128xf32, #tpu.memory_space<vmem>>
    %dma_wait3A_757 = tpu.memref_squeeze %dma_wait3A_756 : memref<1x1x8x16x128xf32, #tpu.memory_space<vmem>> -> memref<8x16x128xf32, #tpu.memory_space<vmem>>
    %dma_wait3A_758 = arith.constant 0 : i32
    %dma_wait3A_759 = arith.constant 0 : i32
    %dma_wait3A_760 = tpu.memref_slice %arg1[%mul3A_747, %dma_wait3A_748, %dma_wait3A_758, %dma_wait3A_759] : memref<512x64x16x128xf32, #tpu.memory_space<hbm>> -> memref<8x1x16x128xf32, #tpu.memory_space<hbm>>
    %dma_wait3A_761 = tpu.memref_squeeze %dma_wait3A_760 : memref<8x1x16x128xf32, #tpu.memory_space<hbm>> -> memref<8x16x128xf32, #tpu.memory_space<hbm>>
    tpu.wait_dma2 semaphore(%dma_wait3A_752 : memref<!tpu.dma_semaphore, #tpu.memory_space<semaphore_mem>>) src(%dma_wait3A_761 : memref<8x16x128xf32, #tpu.memory_space<hbm>>) dst(%dma_wait3A_757 : memref<8x16x128xf32, #tpu.memory_space<vmem>>)
    %mul3A_762 = arith.constant 8 : i32
    %mul3A_763 = arith.muli %arg0, %mul3A_762 : i32
    %dma_wait3A_764 = arith.constant 47 : i32
    %dma_wait3A_765 = arith.constant 47 : i32
    %dma_wait3A_766 = arith.constant 47 : i32
    %dma_wait3A_767 = tpu.memref_slice %arg12[%rem3A_0, %dma_wait3A_766] : memref<2x64x!tpu.dma_semaphore, #tpu.memory_space<semaphore_mem>> -> memref<1x1x!tpu.dma_semaphore, #tpu.memory_space<semaphore_mem>>
    %dma_wait3A_768 = tpu.memref_squeeze %dma_wait3A_767 : memref<1x1x!tpu.dma_semaphore, #tpu.memory_space<semaphore_mem>> -> memref<!tpu.dma_semaphore, #tpu.memory_space<semaphore_mem>>
    %dma_wait3A_769 = arith.constant 0 : i32
    %dma_wait3A_770 = arith.constant 0 : i32
    %dma_wait3A_771 = arith.constant 0 : i32
    %dma_wait3A_772 = tpu.memref_slice %arg11[%rem3A_0, %dma_wait3A_765, %dma_wait3A_769, %dma_wait3A_770, %dma_wait3A_771] : memref<2x64x8x16x128xf32, #tpu.memory_space<vmem>> -> memref<1x1x8x16x128xf32, #tpu.memory_space<vmem>>
    %dma_wait3A_773 = tpu.memref_squeeze %dma_wait3A_772 : memref<1x1x8x16x128xf32, #tpu.memory_space<vmem>> -> memref<8x16x128xf32, #tpu.memory_space<vmem>>
    %dma_wait3A_774 = arith.constant 0 : i32
    %dma_wait3A_775 = arith.constant 0 : i32
    %dma_wait3A_776 = tpu.memref_slice %arg1[%mul3A_763, %dma_wait3A_764, %dma_wait3A_774, %dma_wait3A_775] : memref<512x64x16x128xf32, #tpu.memory_space<hbm>> -> memref<8x1x16x128xf32, #tpu.memory_space<hbm>>
    %dma_wait3A_777 = tpu.memref_squeeze %dma_wait3A_776 : memref<8x1x16x128xf32, #tpu.memory_space<hbm>> -> memref<8x16x128xf32, #tpu.memory_space<hbm>>
    tpu.wait_dma2 semaphore(%dma_wait3A_768 : memref<!tpu.dma_semaphore, #tpu.memory_space<semaphore_mem>>) src(%dma_wait3A_777 : memref<8x16x128xf32, #tpu.memory_space<hbm>>) dst(%dma_wait3A_773 : memref<8x16x128xf32, #tpu.memory_space<vmem>>)
    %mul3A_778 = arith.constant 8 : i32
    %mul3A_779 = arith.muli %arg0, %mul3A_778 : i32
    %dma_wait3A_780 = arith.constant 48 : i32
    %dma_wait3A_781 = arith.constant 48 : i32
    %dma_wait3A_782 = arith.constant 48 : i32
    %dma_wait3A_783 = tpu.memref_slice %arg12[%rem3A_0, %dma_wait3A_782] : memref<2x64x!tpu.dma_semaphore, #tpu.memory_space<semaphore_mem>> -> memref<1x1x!tpu.dma_semaphore, #tpu.memory_space<semaphore_mem>>
    %dma_wait3A_784 = tpu.memref_squeeze %dma_wait3A_783 : memref<1x1x!tpu.dma_semaphore, #tpu.memory_space<semaphore_mem>> -> memref<!tpu.dma_semaphore, #tpu.memory_space<semaphore_mem>>
    %dma_wait3A_785 = arith.constant 0 : i32
    %dma_wait3A_786 = arith.constant 0 : i32
    %dma_wait3A_787 = arith.constant 0 : i32
    %dma_wait3A_788 = tpu.memref_slice %arg11[%rem3A_0, %dma_wait3A_781, %dma_wait3A_785, %dma_wait3A_786, %dma_wait3A_787] : memref<2x64x8x16x128xf32, #tpu.memory_space<vmem>> -> memref<1x1x8x16x128xf32, #tpu.memory_space<vmem>>
    %dma_wait3A_789 = tpu.memref_squeeze %dma_wait3A_788 : memref<1x1x8x16x128xf32, #tpu.memory_space<vmem>> -> memref<8x16x128xf32, #tpu.memory_space<vmem>>
    %dma_wait3A_790 = arith.constant 0 : i32
    %dma_wait3A_791 = arith.constant 0 : i32
    %dma_wait3A_792 = tpu.memref_slice %arg1[%mul3A_779, %dma_wait3A_780, %dma_wait3A_790, %dma_wait3A_791] : memref<512x64x16x128xf32, #tpu.memory_space<hbm>> -> memref<8x1x16x128xf32, #tpu.memory_space<hbm>>
    %dma_wait3A_793 = tpu.memref_squeeze %dma_wait3A_792 : memref<8x1x16x128xf32, #tpu.memory_space<hbm>> -> memref<8x16x128xf32, #tpu.memory_space<hbm>>
    tpu.wait_dma2 semaphore(%dma_wait3A_784 : memref<!tpu.dma_semaphore, #tpu.memory_space<semaphore_mem>>) src(%dma_wait3A_793 : memref<8x16x128xf32, #tpu.memory_space<hbm>>) dst(%dma_wait3A_789 : memref<8x16x128xf32, #tpu.memory_space<vmem>>)
    %mul3A_794 = arith.constant 8 : i32
    %mul3A_795 = arith.muli %arg0, %mul3A_794 : i32
    %dma_wait3A_796 = arith.constant 49 : i32
    %dma_wait3A_797 = arith.constant 49 : i32
    %dma_wait3A_798 = arith.constant 49 : i32
    %dma_wait3A_799 = tpu.memref_slice %arg12[%rem3A_0, %dma_wait3A_798] : memref<2x64x!tpu.dma_semaphore, #tpu.memory_space<semaphore_mem>> -> memref<1x1x!tpu.dma_semaphore, #tpu.memory_space<semaphore_mem>>
    %dma_wait3A_800 = tpu.memref_squeeze %dma_wait3A_799 : memref<1x1x!tpu.dma_semaphore, #tpu.memory_space<semaphore_mem>> -> memref<!tpu.dma_semaphore, #tpu.memory_space<semaphore_mem>>
    %dma_wait3A_801 = arith.constant 0 : i32
    %dma_wait3A_802 = arith.constant 0 : i32
    %dma_wait3A_803 = arith.constant 0 : i32
    %dma_wait3A_804 = tpu.memref_slice %arg11[%rem3A_0, %dma_wait3A_797, %dma_wait3A_801, %dma_wait3A_802, %dma_wait3A_803] : memref<2x64x8x16x128xf32, #tpu.memory_space<vmem>> -> memref<1x1x8x16x128xf32, #tpu.memory_space<vmem>>
    %dma_wait3A_805 = tpu.memref_squeeze %dma_wait3A_804 : memref<1x1x8x16x128xf32, #tpu.memory_space<vmem>> -> memref<8x16x128xf32, #tpu.memory_space<vmem>>
    %dma_wait3A_806 = arith.constant 0 : i32
    %dma_wait3A_807 = arith.constant 0 : i32
    %dma_wait3A_808 = tpu.memref_slice %arg1[%mul3A_795, %dma_wait3A_796, %dma_wait3A_806, %dma_wait3A_807] : memref<512x64x16x128xf32, #tpu.memory_space<hbm>> -> memref<8x1x16x128xf32, #tpu.memory_space<hbm>>
    %dma_wait3A_809 = tpu.memref_squeeze %dma_wait3A_808 : memref<8x1x16x128xf32, #tpu.memory_space<hbm>> -> memref<8x16x128xf32, #tpu.memory_space<hbm>>
    tpu.wait_dma2 semaphore(%dma_wait3A_800 : memref<!tpu.dma_semaphore, #tpu.memory_space<semaphore_mem>>) src(%dma_wait3A_809 : memref<8x16x128xf32, #tpu.memory_space<hbm>>) dst(%dma_wait3A_805 : memref<8x16x128xf32, #tpu.memory_space<vmem>>)
    %mul3A_810 = arith.constant 8 : i32
    %mul3A_811 = arith.muli %arg0, %mul3A_810 : i32
    %dma_wait3A_812 = arith.constant 50 : i32
    %dma_wait3A_813 = arith.constant 50 : i32
    %dma_wait3A_814 = arith.constant 50 : i32
    %dma_wait3A_815 = tpu.memref_slice %arg12[%rem3A_0, %dma_wait3A_814] : memref<2x64x!tpu.dma_semaphore, #tpu.memory_space<semaphore_mem>> -> memref<1x1x!tpu.dma_semaphore, #tpu.memory_space<semaphore_mem>>
    %dma_wait3A_816 = tpu.memref_squeeze %dma_wait3A_815 : memref<1x1x!tpu.dma_semaphore, #tpu.memory_space<semaphore_mem>> -> memref<!tpu.dma_semaphore, #tpu.memory_space<semaphore_mem>>
    %dma_wait3A_817 = arith.constant 0 : i32
    %dma_wait3A_818 = arith.constant 0 : i32
    %dma_wait3A_819 = arith.constant 0 : i32
    %dma_wait3A_820 = tpu.memref_slice %arg11[%rem3A_0, %dma_wait3A_813, %dma_wait3A_817, %dma_wait3A_818, %dma_wait3A_819] : memref<2x64x8x16x128xf32, #tpu.memory_space<vmem>> -> memref<1x1x8x16x128xf32, #tpu.memory_space<vmem>>
    %dma_wait3A_821 = tpu.memref_squeeze %dma_wait3A_820 : memref<1x1x8x16x128xf32, #tpu.memory_space<vmem>> -> memref<8x16x128xf32, #tpu.memory_space<vmem>>
    %dma_wait3A_822 = arith.constant 0 : i32
    %dma_wait3A_823 = arith.constant 0 : i32
    %dma_wait3A_824 = tpu.memref_slice %arg1[%mul3A_811, %dma_wait3A_812, %dma_wait3A_822, %dma_wait3A_823] : memref<512x64x16x128xf32, #tpu.memory_space<hbm>> -> memref<8x1x16x128xf32, #tpu.memory_space<hbm>>
    %dma_wait3A_825 = tpu.memref_squeeze %dma_wait3A_824 : memref<8x1x16x128xf32, #tpu.memory_space<hbm>> -> memref<8x16x128xf32, #tpu.memory_space<hbm>>
    tpu.wait_dma2 semaphore(%dma_wait3A_816 : memref<!tpu.dma_semaphore, #tpu.memory_space<semaphore_mem>>) src(%dma_wait3A_825 : memref<8x16x128xf32, #tpu.memory_space<hbm>>) dst(%dma_wait3A_821 : memref<8x16x128xf32, #tpu.memory_space<vmem>>)
    %mul3A_826 = arith.constant 8 : i32
    %mul3A_827 = arith.muli %arg0, %mul3A_826 : i32
    %dma_wait3A_828 = arith.constant 51 : i32
    %dma_wait3A_829 = arith.constant 51 : i32
    %dma_wait3A_830 = arith.constant 51 : i32
    %dma_wait3A_831 = tpu.memref_slice %arg12[%rem3A_0, %dma_wait3A_830] : memref<2x64x!tpu.dma_semaphore, #tpu.memory_space<semaphore_mem>> -> memref<1x1x!tpu.dma_semaphore, #tpu.memory_space<semaphore_mem>>
    %dma_wait3A_832 = tpu.memref_squeeze %dma_wait3A_831 : memref<1x1x!tpu.dma_semaphore, #tpu.memory_space<semaphore_mem>> -> memref<!tpu.dma_semaphore, #tpu.memory_space<semaphore_mem>>
    %dma_wait3A_833 = arith.constant 0 : i32
    %dma_wait3A_834 = arith.constant 0 : i32
    %dma_wait3A_835 = arith.constant 0 : i32
    %dma_wait3A_836 = tpu.memref_slice %arg11[%rem3A_0, %dma_wait3A_829, %dma_wait3A_833, %dma_wait3A_834, %dma_wait3A_835] : memref<2x64x8x16x128xf32, #tpu.memory_space<vmem>> -> memref<1x1x8x16x128xf32, #tpu.memory_space<vmem>>
    %dma_wait3A_837 = tpu.memref_squeeze %dma_wait3A_836 : memref<1x1x8x16x128xf32, #tpu.memory_space<vmem>> -> memref<8x16x128xf32, #tpu.memory_space<vmem>>
    %dma_wait3A_838 = arith.constant 0 : i32
    %dma_wait3A_839 = arith.constant 0 : i32
    %dma_wait3A_840 = tpu.memref_slice %arg1[%mul3A_827, %dma_wait3A_828, %dma_wait3A_838, %dma_wait3A_839] : memref<512x64x16x128xf32, #tpu.memory_space<hbm>> -> memref<8x1x16x128xf32, #tpu.memory_space<hbm>>
    %dma_wait3A_841 = tpu.memref_squeeze %dma_wait3A_840 : memref<8x1x16x128xf32, #tpu.memory_space<hbm>> -> memref<8x16x128xf32, #tpu.memory_space<hbm>>
    tpu.wait_dma2 semaphore(%dma_wait3A_832 : memref<!tpu.dma_semaphore, #tpu.memory_space<semaphore_mem>>) src(%dma_wait3A_841 : memref<8x16x128xf32, #tpu.memory_space<hbm>>) dst(%dma_wait3A_837 : memref<8x16x128xf32, #tpu.memory_space<vmem>>)
    %mul3A_842 = arith.constant 8 : i32
    %mul3A_843 = arith.muli %arg0, %mul3A_842 : i32
    %dma_wait3A_844 = arith.constant 52 : i32
    %dma_wait3A_845 = arith.constant 52 : i32
    %dma_wait3A_846 = arith.constant 52 : i32
    %dma_wait3A_847 = tpu.memref_slice %arg12[%rem3A_0, %dma_wait3A_846] : memref<2x64x!tpu.dma_semaphore, #tpu.memory_space<semaphore_mem>> -> memref<1x1x!tpu.dma_semaphore, #tpu.memory_space<semaphore_mem>>
    %dma_wait3A_848 = tpu.memref_squeeze %dma_wait3A_847 : memref<1x1x!tpu.dma_semaphore, #tpu.memory_space<semaphore_mem>> -> memref<!tpu.dma_semaphore, #tpu.memory_space<semaphore_mem>>
    %dma_wait3A_849 = arith.constant 0 : i32
    %dma_wait3A_850 = arith.constant 0 : i32
    %dma_wait3A_851 = arith.constant 0 : i32
    %dma_wait3A_852 = tpu.memref_slice %arg11[%rem3A_0, %dma_wait3A_845, %dma_wait3A_849, %dma_wait3A_850, %dma_wait3A_851] : memref<2x64x8x16x128xf32, #tpu.memory_space<vmem>> -> memref<1x1x8x16x128xf32, #tpu.memory_space<vmem>>
    %dma_wait3A_853 = tpu.memref_squeeze %dma_wait3A_852 : memref<1x1x8x16x128xf32, #tpu.memory_space<vmem>> -> memref<8x16x128xf32, #tpu.memory_space<vmem>>
    %dma_wait3A_854 = arith.constant 0 : i32
    %dma_wait3A_855 = arith.constant 0 : i32
    %dma_wait3A_856 = tpu.memref_slice %arg1[%mul3A_843, %dma_wait3A_844, %dma_wait3A_854, %dma_wait3A_855] : memref<512x64x16x128xf32, #tpu.memory_space<hbm>> -> memref<8x1x16x128xf32, #tpu.memory_space<hbm>>
    %dma_wait3A_857 = tpu.memref_squeeze %dma_wait3A_856 : memref<8x1x16x128xf32, #tpu.memory_space<hbm>> -> memref<8x16x128xf32, #tpu.memory_space<hbm>>
    tpu.wait_dma2 semaphore(%dma_wait3A_848 : memref<!tpu.dma_semaphore, #tpu.memory_space<semaphore_mem>>) src(%dma_wait3A_857 : memref<8x16x128xf32, #tpu.memory_space<hbm>>) dst(%dma_wait3A_853 : memref<8x16x128xf32, #tpu.memory_space<vmem>>)
    %mul3A_858 = arith.constant 8 : i32
    %mul3A_859 = arith.muli %arg0, %mul3A_858 : i32
    %dma_wait3A_860 = arith.constant 53 : i32
    %dma_wait3A_861 = arith.constant 53 : i32
    %dma_wait3A_862 = arith.constant 53 : i32
    %dma_wait3A_863 = tpu.memref_slice %arg12[%rem3A_0, %dma_wait3A_862] : memref<2x64x!tpu.dma_semaphore, #tpu.memory_space<semaphore_mem>> -> memref<1x1x!tpu.dma_semaphore, #tpu.memory_space<semaphore_mem>>
    %dma_wait3A_864 = tpu.memref_squeeze %dma_wait3A_863 : memref<1x1x!tpu.dma_semaphore, #tpu.memory_space<semaphore_mem>> -> memref<!tpu.dma_semaphore, #tpu.memory_space<semaphore_mem>>
    %dma_wait3A_865 = arith.constant 0 : i32
    %dma_wait3A_866 = arith.constant 0 : i32
    %dma_wait3A_867 = arith.constant 0 : i32
    %dma_wait3A_868 = tpu.memref_slice %arg11[%rem3A_0, %dma_wait3A_861, %dma_wait3A_865, %dma_wait3A_866, %dma_wait3A_867] : memref<2x64x8x16x128xf32, #tpu.memory_space<vmem>> -> memref<1x1x8x16x128xf32, #tpu.memory_space<vmem>>
    %dma_wait3A_869 = tpu.memref_squeeze %dma_wait3A_868 : memref<1x1x8x16x128xf32, #tpu.memory_space<vmem>> -> memref<8x16x128xf32, #tpu.memory_space<vmem>>
    %dma_wait3A_870 = arith.constant 0 : i32
    %dma_wait3A_871 = arith.constant 0 : i32
    %dma_wait3A_872 = tpu.memref_slice %arg1[%mul3A_859, %dma_wait3A_860, %dma_wait3A_870, %dma_wait3A_871] : memref<512x64x16x128xf32, #tpu.memory_space<hbm>> -> memref<8x1x16x128xf32, #tpu.memory_space<hbm>>
    %dma_wait3A_873 = tpu.memref_squeeze %dma_wait3A_872 : memref<8x1x16x128xf32, #tpu.memory_space<hbm>> -> memref<8x16x128xf32, #tpu.memory_space<hbm>>
    tpu.wait_dma2 semaphore(%dma_wait3A_864 : memref<!tpu.dma_semaphore, #tpu.memory_space<semaphore_mem>>) src(%dma_wait3A_873 : memref<8x16x128xf32, #tpu.memory_space<hbm>>) dst(%dma_wait3A_869 : memref<8x16x128xf32, #tpu.memory_space<vmem>>)
    %mul3A_874 = arith.constant 8 : i32
    %mul3A_875 = arith.muli %arg0, %mul3A_874 : i32
    %dma_wait3A_876 = arith.constant 54 : i32
    %dma_wait3A_877 = arith.constant 54 : i32
    %dma_wait3A_878 = arith.constant 54 : i32
    %dma_wait3A_879 = tpu.memref_slice %arg12[%rem3A_0, %dma_wait3A_878] : memref<2x64x!tpu.dma_semaphore, #tpu.memory_space<semaphore_mem>> -> memref<1x1x!tpu.dma_semaphore, #tpu.memory_space<semaphore_mem>>
    %dma_wait3A_880 = tpu.memref_squeeze %dma_wait3A_879 : memref<1x1x!tpu.dma_semaphore, #tpu.memory_space<semaphore_mem>> -> memref<!tpu.dma_semaphore, #tpu.memory_space<semaphore_mem>>
    %dma_wait3A_881 = arith.constant 0 : i32
    %dma_wait3A_882 = arith.constant 0 : i32
    %dma_wait3A_883 = arith.constant 0 : i32
    %dma_wait3A_884 = tpu.memref_slice %arg11[%rem3A_0, %dma_wait3A_877, %dma_wait3A_881, %dma_wait3A_882, %dma_wait3A_883] : memref<2x64x8x16x128xf32, #tpu.memory_space<vmem>> -> memref<1x1x8x16x128xf32, #tpu.memory_space<vmem>>
    %dma_wait3A_885 = tpu.memref_squeeze %dma_wait3A_884 : memref<1x1x8x16x128xf32, #tpu.memory_space<vmem>> -> memref<8x16x128xf32, #tpu.memory_space<vmem>>
    %dma_wait3A_886 = arith.constant 0 : i32
    %dma_wait3A_887 = arith.constant 0 : i32
    %dma_wait3A_888 = tpu.memref_slice %arg1[%mul3A_875, %dma_wait3A_876, %dma_wait3A_886, %dma_wait3A_887] : memref<512x64x16x128xf32, #tpu.memory_space<hbm>> -> memref<8x1x16x128xf32, #tpu.memory_space<hbm>>
    %dma_wait3A_889 = tpu.memref_squeeze %dma_wait3A_888 : memref<8x1x16x128xf32, #tpu.memory_space<hbm>> -> memref<8x16x128xf32, #tpu.memory_space<hbm>>
    tpu.wait_dma2 semaphore(%dma_wait3A_880 : memref<!tpu.dma_semaphore, #tpu.memory_space<semaphore_mem>>) src(%dma_wait3A_889 : memref<8x16x128xf32, #tpu.memory_space<hbm>>) dst(%dma_wait3A_885 : memref<8x16x128xf32, #tpu.memory_space<vmem>>)
    %mul3A_890 = arith.constant 8 : i32
    %mul3A_891 = arith.muli %arg0, %mul3A_890 : i32
    %dma_wait3A_892 = arith.constant 55 : i32
    %dma_wait3A_893 = arith.constant 55 : i32
    %dma_wait3A_894 = arith.constant 55 : i32
    %dma_wait3A_895 = tpu.memref_slice %arg12[%rem3A_0, %dma_wait3A_894] : memref<2x64x!tpu.dma_semaphore, #tpu.memory_space<semaphore_mem>> -> memref<1x1x!tpu.dma_semaphore, #tpu.memory_space<semaphore_mem>>
    %dma_wait3A_896 = tpu.memref_squeeze %dma_wait3A_895 : memref<1x1x!tpu.dma_semaphore, #tpu.memory_space<semaphore_mem>> -> memref<!tpu.dma_semaphore, #tpu.memory_space<semaphore_mem>>
    %dma_wait3A_897 = arith.constant 0 : i32
    %dma_wait3A_898 = arith.constant 0 : i32
    %dma_wait3A_899 = arith.constant 0 : i32
    %dma_wait3A_900 = tpu.memref_slice %arg11[%rem3A_0, %dma_wait3A_893, %dma_wait3A_897, %dma_wait3A_898, %dma_wait3A_899] : memref<2x64x8x16x128xf32, #tpu.memory_space<vmem>> -> memref<1x1x8x16x128xf32, #tpu.memory_space<vmem>>
    %dma_wait3A_901 = tpu.memref_squeeze %dma_wait3A_900 : memref<1x1x8x16x128xf32, #tpu.memory_space<vmem>> -> memref<8x16x128xf32, #tpu.memory_space<vmem>>
    %dma_wait3A_902 = arith.constant 0 : i32
    %dma_wait3A_903 = arith.constant 0 : i32
    %dma_wait3A_904 = tpu.memref_slice %arg1[%mul3A_891, %dma_wait3A_892, %dma_wait3A_902, %dma_wait3A_903] : memref<512x64x16x128xf32, #tpu.memory_space<hbm>> -> memref<8x1x16x128xf32, #tpu.memory_space<hbm>>
    %dma_wait3A_905 = tpu.memref_squeeze %dma_wait3A_904 : memref<8x1x16x128xf32, #tpu.memory_space<hbm>> -> memref<8x16x128xf32, #tpu.memory_space<hbm>>
    tpu.wait_dma2 semaphore(%dma_wait3A_896 : memref<!tpu.dma_semaphore, #tpu.memory_space<semaphore_mem>>) src(%dma_wait3A_905 : memref<8x16x128xf32, #tpu.memory_space<hbm>>) dst(%dma_wait3A_901 : memref<8x16x128xf32, #tpu.memory_space<vmem>>)
    %mul3A_906 = arith.constant 8 : i32
    %mul3A_907 = arith.muli %arg0, %mul3A_906 : i32
    %dma_wait3A_908 = arith.constant 56 : i32
    %dma_wait3A_909 = arith.constant 56 : i32
    %dma_wait3A_910 = arith.constant 56 : i32
    %dma_wait3A_911 = tpu.memref_slice %arg12[%rem3A_0, %dma_wait3A_910] : memref<2x64x!tpu.dma_semaphore, #tpu.memory_space<semaphore_mem>> -> memref<1x1x!tpu.dma_semaphore, #tpu.memory_space<semaphore_mem>>
    %dma_wait3A_912 = tpu.memref_squeeze %dma_wait3A_911 : memref<1x1x!tpu.dma_semaphore, #tpu.memory_space<semaphore_mem>> -> memref<!tpu.dma_semaphore, #tpu.memory_space<semaphore_mem>>
    %dma_wait3A_913 = arith.constant 0 : i32
    %dma_wait3A_914 = arith.constant 0 : i32
    %dma_wait3A_915 = arith.constant 0 : i32
    %dma_wait3A_916 = tpu.memref_slice %arg11[%rem3A_0, %dma_wait3A_909, %dma_wait3A_913, %dma_wait3A_914, %dma_wait3A_915] : memref<2x64x8x16x128xf32, #tpu.memory_space<vmem>> -> memref<1x1x8x16x128xf32, #tpu.memory_space<vmem>>
    %dma_wait3A_917 = tpu.memref_squeeze %dma_wait3A_916 : memref<1x1x8x16x128xf32, #tpu.memory_space<vmem>> -> memref<8x16x128xf32, #tpu.memory_space<vmem>>
    %dma_wait3A_918 = arith.constant 0 : i32
    %dma_wait3A_919 = arith.constant 0 : i32
    %dma_wait3A_920 = tpu.memref_slice %arg1[%mul3A_907, %dma_wait3A_908, %dma_wait3A_918, %dma_wait3A_919] : memref<512x64x16x128xf32, #tpu.memory_space<hbm>> -> memref<8x1x16x128xf32, #tpu.memory_space<hbm>>
    %dma_wait3A_921 = tpu.memref_squeeze %dma_wait3A_920 : memref<8x1x16x128xf32, #tpu.memory_space<hbm>> -> memref<8x16x128xf32, #tpu.memory_space<hbm>>
    tpu.wait_dma2 semaphore(%dma_wait3A_912 : memref<!tpu.dma_semaphore, #tpu.memory_space<semaphore_mem>>) src(%dma_wait3A_921 : memref<8x16x128xf32, #tpu.memory_space<hbm>>) dst(%dma_wait3A_917 : memref<8x16x128xf32, #tpu.memory_space<vmem>>)
    %mul3A_922 = arith.constant 8 : i32
    %mul3A_923 = arith.muli %arg0, %mul3A_922 : i32
    %dma_wait3A_924 = arith.constant 57 : i32
    %dma_wait3A_925 = arith.constant 57 : i32
    %dma_wait3A_926 = arith.constant 57 : i32
    %dma_wait3A_927 = tpu.memref_slice %arg12[%rem3A_0, %dma_wait3A_926] : memref<2x64x!tpu.dma_semaphore, #tpu.memory_space<semaphore_mem>> -> memref<1x1x!tpu.dma_semaphore, #tpu.memory_space<semaphore_mem>>
    %dma_wait3A_928 = tpu.memref_squeeze %dma_wait3A_927 : memref<1x1x!tpu.dma_semaphore, #tpu.memory_space<semaphore_mem>> -> memref<!tpu.dma_semaphore, #tpu.memory_space<semaphore_mem>>
    %dma_wait3A_929 = arith.constant 0 : i32
    %dma_wait3A_930 = arith.constant 0 : i32
    %dma_wait3A_931 = arith.constant 0 : i32
    %dma_wait3A_932 = tpu.memref_slice %arg11[%rem3A_0, %dma_wait3A_925, %dma_wait3A_929, %dma_wait3A_930, %dma_wait3A_931] : memref<2x64x8x16x128xf32, #tpu.memory_space<vmem>> -> memref<1x1x8x16x128xf32, #tpu.memory_space<vmem>>
    %dma_wait3A_933 = tpu.memref_squeeze %dma_wait3A_932 : memref<1x1x8x16x128xf32, #tpu.memory_space<vmem>> -> memref<8x16x128xf32, #tpu.memory_space<vmem>>
    %dma_wait3A_934 = arith.constant 0 : i32
    %dma_wait3A_935 = arith.constant 0 : i32
    %dma_wait3A_936 = tpu.memref_slice %arg1[%mul3A_923, %dma_wait3A_924, %dma_wait3A_934, %dma_wait3A_935] : memref<512x64x16x128xf32, #tpu.memory_space<hbm>> -> memref<8x1x16x128xf32, #tpu.memory_space<hbm>>
    %dma_wait3A_937 = tpu.memref_squeeze %dma_wait3A_936 : memref<8x1x16x128xf32, #tpu.memory_space<hbm>> -> memref<8x16x128xf32, #tpu.memory_space<hbm>>
    tpu.wait_dma2 semaphore(%dma_wait3A_928 : memref<!tpu.dma_semaphore, #tpu.memory_space<semaphore_mem>>) src(%dma_wait3A_937 : memref<8x16x128xf32, #tpu.memory_space<hbm>>) dst(%dma_wait3A_933 : memref<8x16x128xf32, #tpu.memory_space<vmem>>)
    %mul3A_938 = arith.constant 8 : i32
    %mul3A_939 = arith.muli %arg0, %mul3A_938 : i32
    %dma_wait3A_940 = arith.constant 58 : i32
    %dma_wait3A_941 = arith.constant 58 : i32
    %dma_wait3A_942 = arith.constant 58 : i32
    %dma_wait3A_943 = tpu.memref_slice %arg12[%rem3A_0, %dma_wait3A_942] : memref<2x64x!tpu.dma_semaphore, #tpu.memory_space<semaphore_mem>> -> memref<1x1x!tpu.dma_semaphore, #tpu.memory_space<semaphore_mem>>
    %dma_wait3A_944 = tpu.memref_squeeze %dma_wait3A_943 : memref<1x1x!tpu.dma_semaphore, #tpu.memory_space<semaphore_mem>> -> memref<!tpu.dma_semaphore, #tpu.memory_space<semaphore_mem>>
    %dma_wait3A_945 = arith.constant 0 : i32
    %dma_wait3A_946 = arith.constant 0 : i32
    %dma_wait3A_947 = arith.constant 0 : i32
    %dma_wait3A_948 = tpu.memref_slice %arg11[%rem3A_0, %dma_wait3A_941, %dma_wait3A_945, %dma_wait3A_946, %dma_wait3A_947] : memref<2x64x8x16x128xf32, #tpu.memory_space<vmem>> -> memref<1x1x8x16x128xf32, #tpu.memory_space<vmem>>
    %dma_wait3A_949 = tpu.memref_squeeze %dma_wait3A_948 : memref<1x1x8x16x128xf32, #tpu.memory_space<vmem>> -> memref<8x16x128xf32, #tpu.memory_space<vmem>>
    %dma_wait3A_950 = arith.constant 0 : i32
    %dma_wait3A_951 = arith.constant 0 : i32
    %dma_wait3A_952 = tpu.memref_slice %arg1[%mul3A_939, %dma_wait3A_940, %dma_wait3A_950, %dma_wait3A_951] : memref<512x64x16x128xf32, #tpu.memory_space<hbm>> -> memref<8x1x16x128xf32, #tpu.memory_space<hbm>>
    %dma_wait3A_953 = tpu.memref_squeeze %dma_wait3A_952 : memref<8x1x16x128xf32, #tpu.memory_space<hbm>> -> memref<8x16x128xf32, #tpu.memory_space<hbm>>
    tpu.wait_dma2 semaphore(%dma_wait3A_944 : memref<!tpu.dma_semaphore, #tpu.memory_space<semaphore_mem>>) src(%dma_wait3A_953 : memref<8x16x128xf32, #tpu.memory_space<hbm>>) dst(%dma_wait3A_949 : memref<8x16x128xf32, #tpu.memory_space<vmem>>)
    %mul3A_954 = arith.constant 8 : i32
    %mul3A_955 = arith.muli %arg0, %mul3A_954 : i32
    %dma_wait3A_956 = arith.constant 59 : i32
    %dma_wait3A_957 = arith.constant 59 : i32
    %dma_wait3A_958 = arith.constant 59 : i32
    %dma_wait3A_959 = tpu.memref_slice %arg12[%rem3A_0, %dma_wait3A_958] : memref<2x64x!tpu.dma_semaphore, #tpu.memory_space<semaphore_mem>> -> memref<1x1x!tpu.dma_semaphore, #tpu.memory_space<semaphore_mem>>
    %dma_wait3A_960 = tpu.memref_squeeze %dma_wait3A_959 : memref<1x1x!tpu.dma_semaphore, #tpu.memory_space<semaphore_mem>> -> memref<!tpu.dma_semaphore, #tpu.memory_space<semaphore_mem>>
    %dma_wait3A_961 = arith.constant 0 : i32
    %dma_wait3A_962 = arith.constant 0 : i32
    %dma_wait3A_963 = arith.constant 0 : i32
    %dma_wait3A_964 = tpu.memref_slice %arg11[%rem3A_0, %dma_wait3A_957, %dma_wait3A_961, %dma_wait3A_962, %dma_wait3A_963] : memref<2x64x8x16x128xf32, #tpu.memory_space<vmem>> -> memref<1x1x8x16x128xf32, #tpu.memory_space<vmem>>
    %dma_wait3A_965 = tpu.memref_squeeze %dma_wait3A_964 : memref<1x1x8x16x128xf32, #tpu.memory_space<vmem>> -> memref<8x16x128xf32, #tpu.memory_space<vmem>>
    %dma_wait3A_966 = arith.constant 0 : i32
    %dma_wait3A_967 = arith.constant 0 : i32
    %dma_wait3A_968 = tpu.memref_slice %arg1[%mul3A_955, %dma_wait3A_956, %dma_wait3A_966, %dma_wait3A_967] : memref<512x64x16x128xf32, #tpu.memory_space<hbm>> -> memref<8x1x16x128xf32, #tpu.memory_space<hbm>>
    %dma_wait3A_969 = tpu.memref_squeeze %dma_wait3A_968 : memref<8x1x16x128xf32, #tpu.memory_space<hbm>> -> memref<8x16x128xf32, #tpu.memory_space<hbm>>
    tpu.wait_dma2 semaphore(%dma_wait3A_960 : memref<!tpu.dma_semaphore, #tpu.memory_space<semaphore_mem>>) src(%dma_wait3A_969 : memref<8x16x128xf32, #tpu.memory_space<hbm>>) dst(%dma_wait3A_965 : memref<8x16x128xf32, #tpu.memory_space<vmem>>)
    %mul3A_970 = arith.constant 8 : i32
    %mul3A_971 = arith.muli %arg0, %mul3A_970 : i32
    %dma_wait3A_972 = arith.constant 60 : i32
    %dma_wait3A_973 = arith.constant 60 : i32
    %dma_wait3A_974 = arith.constant 60 : i32
    %dma_wait3A_975 = tpu.memref_slice %arg12[%rem3A_0, %dma_wait3A_974] : memref<2x64x!tpu.dma_semaphore, #tpu.memory_space<semaphore_mem>> -> memref<1x1x!tpu.dma_semaphore, #tpu.memory_space<semaphore_mem>>
    %dma_wait3A_976 = tpu.memref_squeeze %dma_wait3A_975 : memref<1x1x!tpu.dma_semaphore, #tpu.memory_space<semaphore_mem>> -> memref<!tpu.dma_semaphore, #tpu.memory_space<semaphore_mem>>
    %dma_wait3A_977 = arith.constant 0 : i32
    %dma_wait3A_978 = arith.constant 0 : i32
    %dma_wait3A_979 = arith.constant 0 : i32
    %dma_wait3A_980 = tpu.memref_slice %arg11[%rem3A_0, %dma_wait3A_973, %dma_wait3A_977, %dma_wait3A_978, %dma_wait3A_979] : memref<2x64x8x16x128xf32, #tpu.memory_space<vmem>> -> memref<1x1x8x16x128xf32, #tpu.memory_space<vmem>>
    %dma_wait3A_981 = tpu.memref_squeeze %dma_wait3A_980 : memref<1x1x8x16x128xf32, #tpu.memory_space<vmem>> -> memref<8x16x128xf32, #tpu.memory_space<vmem>>
    %dma_wait3A_982 = arith.constant 0 : i32
    %dma_wait3A_983 = arith.constant 0 : i32
    %dma_wait3A_984 = tpu.memref_slice %arg1[%mul3A_971, %dma_wait3A_972, %dma_wait3A_982, %dma_wait3A_983] : memref<512x64x16x128xf32, #tpu.memory_space<hbm>> -> memref<8x1x16x128xf32, #tpu.memory_space<hbm>>
    %dma_wait3A_985 = tpu.memref_squeeze %dma_wait3A_984 : memref<8x1x16x128xf32, #tpu.memory_space<hbm>> -> memref<8x16x128xf32, #tpu.memory_space<hbm>>
    tpu.wait_dma2 semaphore(%dma_wait3A_976 : memref<!tpu.dma_semaphore, #tpu.memory_space<semaphore_mem>>) src(%dma_wait3A_985 : memref<8x16x128xf32, #tpu.memory_space<hbm>>) dst(%dma_wait3A_981 : memref<8x16x128xf32, #tpu.memory_space<vmem>>)
    %mul3A_986 = arith.constant 8 : i32
    %mul3A_987 = arith.muli %arg0, %mul3A_986 : i32
    %dma_wait3A_988 = arith.constant 61 : i32
    %dma_wait3A_989 = arith.constant 61 : i32
    %dma_wait3A_990 = arith.constant 61 : i32
    %dma_wait3A_991 = tpu.memref_slice %arg12[%rem3A_0, %dma_wait3A_990] : memref<2x64x!tpu.dma_semaphore, #tpu.memory_space<semaphore_mem>> -> memref<1x1x!tpu.dma_semaphore, #tpu.memory_space<semaphore_mem>>
    %dma_wait3A_992 = tpu.memref_squeeze %dma_wait3A_991 : memref<1x1x!tpu.dma_semaphore, #tpu.memory_space<semaphore_mem>> -> memref<!tpu.dma_semaphore, #tpu.memory_space<semaphore_mem>>
    %dma_wait3A_993 = arith.constant 0 : i32
    %dma_wait3A_994 = arith.constant 0 : i32
    %dma_wait3A_995 = arith.constant 0 : i32
    %dma_wait3A_996 = tpu.memref_slice %arg11[%rem3A_0, %dma_wait3A_989, %dma_wait3A_993, %dma_wait3A_994, %dma_wait3A_995] : memref<2x64x8x16x128xf32, #tpu.memory_space<vmem>> -> memref<1x1x8x16x128xf32, #tpu.memory_space<vmem>>
    %dma_wait3A_997 = tpu.memref_squeeze %dma_wait3A_996 : memref<1x1x8x16x128xf32, #tpu.memory_space<vmem>> -> memref<8x16x128xf32, #tpu.memory_space<vmem>>
    %dma_wait3A_998 = arith.constant 0 : i32
    %dma_wait3A_999 = arith.constant 0 : i32
    %dma_wait3A_1000 = tpu.memref_slice %arg1[%mul3A_987, %dma_wait3A_988, %dma_wait3A_998, %dma_wait3A_999] : memref<512x64x16x128xf32, #tpu.memory_space<hbm>> -> memref<8x1x16x128xf32, #tpu.memory_space<hbm>>
    %dma_wait3A_1001 = tpu.memref_squeeze %dma_wait3A_1000 : memref<8x1x16x128xf32, #tpu.memory_space<hbm>> -> memref<8x16x128xf32, #tpu.memory_space<hbm>>
    tpu.wait_dma2 semaphore(%dma_wait3A_992 : memref<!tpu.dma_semaphore, #tpu.memory_space<semaphore_mem>>) src(%dma_wait3A_1001 : memref<8x16x128xf32, #tpu.memory_space<hbm>>) dst(%dma_wait3A_997 : memref<8x16x128xf32, #tpu.memory_space<vmem>>)
    %mul3A_1002 = arith.constant 8 : i32
    %mul3A_1003 = arith.muli %arg0, %mul3A_1002 : i32
    %dma_wait3A_1004 = arith.constant 62 : i32
    %dma_wait3A_1005 = arith.constant 62 : i32
    %dma_wait3A_1006 = arith.constant 62 : i32
    %dma_wait3A_1007 = tpu.memref_slice %arg12[%rem3A_0, %dma_wait3A_1006] : memref<2x64x!tpu.dma_semaphore, #tpu.memory_space<semaphore_mem>> -> memref<1x1x!tpu.dma_semaphore, #tpu.memory_space<semaphore_mem>>
    %dma_wait3A_1008 = tpu.memref_squeeze %dma_wait3A_1007 : memref<1x1x!tpu.dma_semaphore, #tpu.memory_space<semaphore_mem>> -> memref<!tpu.dma_semaphore, #tpu.memory_space<semaphore_mem>>
    %dma_wait3A_1009 = arith.constant 0 : i32
    %dma_wait3A_1010 = arith.constant 0 : i32
    %dma_wait3A_1011 = arith.constant 0 : i32
    %dma_wait3A_1012 = tpu.memref_slice %arg11[%rem3A_0, %dma_wait3A_1005, %dma_wait3A_1009, %dma_wait3A_1010, %dma_wait3A_1011] : memref<2x64x8x16x128xf32, #tpu.memory_space<vmem>> -> memref<1x1x8x16x128xf32, #tpu.memory_space<vmem>>
    %dma_wait3A_1013 = tpu.memref_squeeze %dma_wait3A_1012 : memref<1x1x8x16x128xf32, #tpu.memory_space<vmem>> -> memref<8x16x128xf32, #tpu.memory_space<vmem>>
    %dma_wait3A_1014 = arith.constant 0 : i32
    %dma_wait3A_1015 = arith.constant 0 : i32
    %dma_wait3A_1016 = tpu.memref_slice %arg1[%mul3A_1003, %dma_wait3A_1004, %dma_wait3A_1014, %dma_wait3A_1015] : memref<512x64x16x128xf32, #tpu.memory_space<hbm>> -> memref<8x1x16x128xf32, #tpu.memory_space<hbm>>
    %dma_wait3A_1017 = tpu.memref_squeeze %dma_wait3A_1016 : memref<8x1x16x128xf32, #tpu.memory_space<hbm>> -> memref<8x16x128xf32, #tpu.memory_space<hbm>>
    tpu.wait_dma2 semaphore(%dma_wait3A_1008 : memref<!tpu.dma_semaphore, #tpu.memory_space<semaphore_mem>>) src(%dma_wait3A_1017 : memref<8x16x128xf32, #tpu.memory_space<hbm>>) dst(%dma_wait3A_1013 : memref<8x16x128xf32, #tpu.memory_space<vmem>>)
    %mul3A_1018 = arith.constant 8 : i32
    %mul3A_1019 = arith.muli %arg0, %mul3A_1018 : i32
    %dma_wait3A_1020 = arith.constant 63 : i32
    %dma_wait3A_1021 = arith.constant 63 : i32
    %dma_wait3A_1022 = arith.constant 63 : i32
    %dma_wait3A_1023 = tpu.memref_slice %arg12[%rem3A_0, %dma_wait3A_1022] : memref<2x64x!tpu.dma_semaphore, #tpu.memory_space<semaphore_mem>> -> memref<1x1x!tpu.dma_semaphore, #tpu.memory_space<semaphore_mem>>
    %dma_wait3A_1024 = tpu.memref_squeeze %dma_wait3A_1023 : memref<1x1x!tpu.dma_semaphore, #tpu.memory_space<semaphore_mem>> -> memref<!tpu.dma_semaphore, #tpu.memory_space<semaphore_mem>>
    %dma_wait3A_1025 = arith.constant 0 : i32
    %dma_wait3A_1026 = arith.constant 0 : i32
    %dma_wait3A_1027 = arith.constant 0 : i32
    %dma_wait3A_1028 = tpu.memref_slice %arg11[%rem3A_0, %dma_wait3A_1021, %dma_wait3A_1025, %dma_wait3A_1026, %dma_wait3A_1027] : memref<2x64x8x16x128xf32, #tpu.memory_space<vmem>> -> memref<1x1x8x16x128xf32, #tpu.memory_space<vmem>>
    %dma_wait3A_1029 = tpu.memref_squeeze %dma_wait3A_1028 : memref<1x1x8x16x128xf32, #tpu.memory_space<vmem>> -> memref<8x16x128xf32, #tpu.memory_space<vmem>>
    %dma_wait3A_1030 = arith.constant 0 : i32
    %dma_wait3A_1031 = arith.constant 0 : i32
    %dma_wait3A_1032 = tpu.memref_slice %arg1[%mul3A_1019, %dma_wait3A_1020, %dma_wait3A_1030, %dma_wait3A_1031] : memref<512x64x16x128xf32, #tpu.memory_space<hbm>> -> memref<8x1x16x128xf32, #tpu.memory_space<hbm>>
    %dma_wait3A_1033 = tpu.memref_squeeze %dma_wait3A_1032 : memref<8x1x16x128xf32, #tpu.memory_space<hbm>> -> memref<8x16x128xf32, #tpu.memory_space<hbm>>
    tpu.wait_dma2 semaphore(%dma_wait3A_1024 : memref<!tpu.dma_semaphore, #tpu.memory_space<semaphore_mem>>) src(%dma_wait3A_1033 : memref<8x16x128xf32, #tpu.memory_space<hbm>>) dst(%dma_wait3A_1029 : memref<8x16x128xf32, #tpu.memory_space<vmem>>)
    %get3A = arith.constant 0 : index
    %get3A_1034 = arith.constant 0 : index
    %get3A_1035 = vector.load %arg2[%get3A, %get3A_1034] : memref<8192x256xbf16, #tpu.memory_space<vmem>>, vector<8192x256xbf16>
    %get3A_1036 = arith.constant 0 : index
    %get3A_1037 = arith.constant 0 : index
    %get3A_1038 = vector.load %arg3[%get3A_1036, %get3A_1037] : memref<1x256xf32, #tpu.memory_space<vmem>>, vector<1x256xf32>
    %get3A_1039 = arith.constant 0 : index
    %get3A_1040 = arith.constant 0 : index
    %get3A_1041 = vector.load %arg4[%get3A_1039, %get3A_1040] : memref<64x64xf32, #tpu.memory_space<vmem>>, vector<64x64xf32>
    %get3A_1042 = arith.constant 0 : index
    %get3A_1043 = arith.constant 0 : index
    %get3A_1044 = vector.load %arg5[%get3A_1042, %get3A_1043] : memref<64x64xbf16, #tpu.memory_space<vmem>>, vector<64x64xbf16>
    %get3A_1045 = arith.constant 0 : index
    %get3A_1046 = arith.constant 0 : index
    %get3A_1047 = vector.load %arg6[%get3A_1045, %get3A_1046] : memref<64x64xbf16, #tpu.memory_space<vmem>>, vector<64x64xbf16>
    %get3A_1048 = arith.constant 0 : index
    %get3A_1049 = arith.constant 0 : index
    %get3A_1050 = vector.load %arg7[%get3A_1048, %get3A_1049] : memref<1x64xf32, #tpu.memory_space<vmem>>, vector<1x64xf32>
    %get3A_1051 = arith.constant 0 : index
    %get3A_1052 = arith.constant 0 : index
    %get3A_1053 = vector.load %arg8[%get3A_1051, %get3A_1052] : memref<64x64xbf16, #tpu.memory_space<vmem>>, vector<64x64xbf16>
    %get3A_1054 = arith.constant 0 : index
    %get3A_1055 = arith.constant 0 : index
    %get3A_1056 = vector.load %arg9[%get3A_1054, %get3A_1055] : memref<1x64xf32, #tpu.memory_space<vmem>>, vector<1x64xf32>
    %mul3A_1057 = arith.mulf %get3A_1041, %get3A_1041 : vector<64x64xf32>
    %reduce_sum3A = arith.constant dense<0.000000e+00> : vector<64xf32>
    %reduce_sum3A_1058 = vector.multi_reduction <add>, %mul3A_1057, %reduce_sum3A [1] : vector<64x64xf32> to vector<64xf32>
    %broadcast_in_dim3A = vector.shape_cast %reduce_sum3A_1058 : vector<64xf32> to vector<64x1xf32>
    %transpose3A = tpu.transpose %broadcast_in_dim3A, [1, 0] : vector<64x1xf32> -> vector<1x64xf32>
    %get3A_1059 = arith.index_cast %rem3A_0 : i32 to index
    %get3A_1060 = arith.constant 0 : index
    %get3A_1061 = arith.constant 0 : index
    %get3A_1062 = arith.constant 0 : index
    %get3A_1063 = arith.constant 0 : index
    %get3A_1064 = vector.load %arg11[%get3A_1059, %get3A_1060, %get3A_1061, %get3A_1062, %get3A_1063] : memref<2x64x8x16x128xf32, #tpu.memory_space<vmem>>, vector<1x1x8x16x128xf32>
    %get3A_1065 = vector.shape_cast %get3A_1064 : vector<1x1x8x16x128xf32> to vector<8x16x128xf32>
    %reshape3A = vector.shape_cast %get3A_1065 : vector<8x16x128xf32> to vector<128x128xf32>
    %convert_element_type3A_1066 = arith.truncf %reshape3A : vector<128x128xf32> to vector<128x128xbf16>
    %slice3A = vector.extract_strided_slice %get3A_1035 {offsets = [0, 0], sizes = [128, 256], strides = [1, 1]} : vector<8192x256xbf16> to vector<128x256xbf16>
    %dot_general3A = arith.constant dense<0.000000e+00> : vector<128x256xf32>
    %dot_general3A_1067 = tpu.matmul %convert_element_type3A_1066, %slice3A, %dot_general3A {dimension_numbers = #tpu.dot_dimension_numbers<[1], [0], [0], [1], [0, 0, 1, 1], [], []>, transpose_lhs_hint = false} : vector<128x128xbf16>, vector<128x256xbf16>, vector<128x256xf32> -> vector<128x256xf32>
    %add3A_1068 = vector.broadcast %get3A_1038 : vector<1x256xf32> to vector<128x256xf32>
    %add3A_1069 = arith.addf %add3A_1068, %dot_general3A_1067 : vector<128x256xf32>
    %get3A_1070 = arith.index_cast %rem3A_0 : i32 to index
    %get3A_1071 = arith.constant 1 : index
    %get3A_1072 = arith.constant 0 : index
    %get3A_1073 = arith.constant 0 : index
    %get3A_1074 = arith.constant 0 : index
    %get3A_1075 = vector.load %arg11[%get3A_1070, %get3A_1071, %get3A_1072, %get3A_1073, %get3A_1074] : memref<2x64x8x16x128xf32, #tpu.memory_space<vmem>>, vector<1x1x8x16x128xf32>
    %get3A_1076 = vector.shape_cast %get3A_1075 : vector<1x1x8x16x128xf32> to vector<8x16x128xf32>
    %reshape3A_1077 = vector.shape_cast %get3A_1076 : vector<8x16x128xf32> to vector<128x128xf32>
    %convert_element_type3A_1078 = arith.truncf %reshape3A_1077 : vector<128x128xf32> to vector<128x128xbf16>
    %slice3A_1079 = vector.extract_strided_slice %get3A_1035 {offsets = [128, 0], sizes = [128, 256], strides = [1, 1]} : vector<8192x256xbf16> to vector<128x256xbf16>
    %dot_general3A_1080 = arith.constant dense<0.000000e+00> : vector<128x256xf32>
    %dot_general3A_1081 = tpu.matmul %convert_element_type3A_1078, %slice3A_1079, %dot_general3A_1080 {dimension_numbers = #tpu.dot_dimension_numbers<[1], [0], [0], [1], [0, 0, 1, 1], [], []>, transpose_lhs_hint = false} : vector<128x128xbf16>, vector<128x256xbf16>, vector<128x256xf32> -> vector<128x256xf32>
    %add3A_1082 = arith.addf %add3A_1069, %dot_general3A_1081 : vector<128x256xf32>
    %get3A_1083 = arith.index_cast %rem3A_0 : i32 to index
    %get3A_1084 = arith.constant 2 : index
    %get3A_1085 = arith.constant 0 : index
    %get3A_1086 = arith.constant 0 : index
    %get3A_1087 = arith.constant 0 : index
    %get3A_1088 = vector.load %arg11[%get3A_1083, %get3A_1084, %get3A_1085, %get3A_1086, %get3A_1087] : memref<2x64x8x16x128xf32, #tpu.memory_space<vmem>>, vector<1x1x8x16x128xf32>
    %get3A_1089 = vector.shape_cast %get3A_1088 : vector<1x1x8x16x128xf32> to vector<8x16x128xf32>
    %reshape3A_1090 = vector.shape_cast %get3A_1089 : vector<8x16x128xf32> to vector<128x128xf32>
    %convert_element_type3A_1091 = arith.truncf %reshape3A_1090 : vector<128x128xf32> to vector<128x128xbf16>
    %slice3A_1092 = vector.extract_strided_slice %get3A_1035 {offsets = [256, 0], sizes = [128, 256], strides = [1, 1]} : vector<8192x256xbf16> to vector<128x256xbf16>
    %dot_general3A_1093 = arith.constant dense<0.000000e+00> : vector<128x256xf32>
    %dot_general3A_1094 = tpu.matmul %convert_element_type3A_1091, %slice3A_1092, %dot_general3A_1093 {dimension_numbers = #tpu.dot_dimension_numbers<[1], [0], [0], [1], [0, 0, 1, 1], [], []>, transpose_lhs_hint = false} : vector<128x128xbf16>, vector<128x256xbf16>, vector<128x256xf32> -> vector<128x256xf32>
    %add3A_1095 = arith.addf %add3A_1082, %dot_general3A_1094 : vector<128x256xf32>
    %get3A_1096 = arith.index_cast %rem3A_0 : i32 to index
    %get3A_1097 = arith.constant 3 : index
    %get3A_1098 = arith.constant 0 : index
    %get3A_1099 = arith.constant 0 : index
    %get3A_1100 = arith.constant 0 : index
    %get3A_1101 = vector.load %arg11[%get3A_1096, %get3A_1097, %get3A_1098, %get3A_1099, %get3A_1100] : memref<2x64x8x16x128xf32, #tpu.memory_space<vmem>>, vector<1x1x8x16x128xf32>
    %get3A_1102 = vector.shape_cast %get3A_1101 : vector<1x1x8x16x128xf32> to vector<8x16x128xf32>
    %reshape3A_1103 = vector.shape_cast %get3A_1102 : vector<8x16x128xf32> to vector<128x128xf32>
    %convert_element_type3A_1104 = arith.truncf %reshape3A_1103 : vector<128x128xf32> to vector<128x128xbf16>
    %slice3A_1105 = vector.extract_strided_slice %get3A_1035 {offsets = [384, 0], sizes = [128, 256], strides = [1, 1]} : vector<8192x256xbf16> to vector<128x256xbf16>
    %dot_general3A_1106 = arith.constant dense<0.000000e+00> : vector<128x256xf32>
    %dot_general3A_1107 = tpu.matmul %convert_element_type3A_1104, %slice3A_1105, %dot_general3A_1106 {dimension_numbers = #tpu.dot_dimension_numbers<[1], [0], [0], [1], [0, 0, 1, 1], [], []>, transpose_lhs_hint = false} : vector<128x128xbf16>, vector<128x256xbf16>, vector<128x256xf32> -> vector<128x256xf32>
    %add3A_1108 = arith.addf %add3A_1095, %dot_general3A_1107 : vector<128x256xf32>
    %get3A_1109 = arith.index_cast %rem3A_0 : i32 to index
    %get3A_1110 = arith.constant 4 : index
    %get3A_1111 = arith.constant 0 : index
    %get3A_1112 = arith.constant 0 : index
    %get3A_1113 = arith.constant 0 : index
    %get3A_1114 = vector.load %arg11[%get3A_1109, %get3A_1110, %get3A_1111, %get3A_1112, %get3A_1113] : memref<2x64x8x16x128xf32, #tpu.memory_space<vmem>>, vector<1x1x8x16x128xf32>
    %get3A_1115 = vector.shape_cast %get3A_1114 : vector<1x1x8x16x128xf32> to vector<8x16x128xf32>
    %reshape3A_1116 = vector.shape_cast %get3A_1115 : vector<8x16x128xf32> to vector<128x128xf32>
    %convert_element_type3A_1117 = arith.truncf %reshape3A_1116 : vector<128x128xf32> to vector<128x128xbf16>
    %slice3A_1118 = vector.extract_strided_slice %get3A_1035 {offsets = [512, 0], sizes = [128, 256], strides = [1, 1]} : vector<8192x256xbf16> to vector<128x256xbf16>
    %dot_general3A_1119 = arith.constant dense<0.000000e+00> : vector<128x256xf32>
    %dot_general3A_1120 = tpu.matmul %convert_element_type3A_1117, %slice3A_1118, %dot_general3A_1119 {dimension_numbers = #tpu.dot_dimension_numbers<[1], [0], [0], [1], [0, 0, 1, 1], [], []>, transpose_lhs_hint = false} : vector<128x128xbf16>, vector<128x256xbf16>, vector<128x256xf32> -> vector<128x256xf32>
    %add3A_1121 = arith.addf %add3A_1108, %dot_general3A_1120 : vector<128x256xf32>
    %get3A_1122 = arith.index_cast %rem3A_0 : i32 to index
    %get3A_1123 = arith.constant 5 : index
    %get3A_1124 = arith.constant 0 : index
    %get3A_1125 = arith.constant 0 : index
    %get3A_1126 = arith.constant 0 : index
    %get3A_1127 = vector.load %arg11[%get3A_1122, %get3A_1123, %get3A_1124, %get3A_1125, %get3A_1126] : memref<2x64x8x16x128xf32, #tpu.memory_space<vmem>>, vector<1x1x8x16x128xf32>
    %get3A_1128 = vector.shape_cast %get3A_1127 : vector<1x1x8x16x128xf32> to vector<8x16x128xf32>
    %reshape3A_1129 = vector.shape_cast %get3A_1128 : vector<8x16x128xf32> to vector<128x128xf32>
    %convert_element_type3A_1130 = arith.truncf %reshape3A_1129 : vector<128x128xf32> to vector<128x128xbf16>
    %slice3A_1131 = vector.extract_strided_slice %get3A_1035 {offsets = [640, 0], sizes = [128, 256], strides = [1, 1]} : vector<8192x256xbf16> to vector<128x256xbf16>
    %dot_general3A_1132 = arith.constant dense<0.000000e+00> : vector<128x256xf32>
    %dot_general3A_1133 = tpu.matmul %convert_element_type3A_1130, %slice3A_1131, %dot_general3A_1132 {dimension_numbers = #tpu.dot_dimension_numbers<[1], [0], [0], [1], [0, 0, 1, 1], [], []>, transpose_lhs_hint = false} : vector<128x128xbf16>, vector<128x256xbf16>, vector<128x256xf32> -> vector<128x256xf32>
    %add3A_1134 = arith.addf %add3A_1121, %dot_general3A_1133 : vector<128x256xf32>
    %get3A_1135 = arith.index_cast %rem3A_0 : i32 to index
    %get3A_1136 = arith.constant 6 : index
    %get3A_1137 = arith.constant 0 : index
    %get3A_1138 = arith.constant 0 : index
    %get3A_1139 = arith.constant 0 : index
    %get3A_1140 = vector.load %arg11[%get3A_1135, %get3A_1136, %get3A_1137, %get3A_1138, %get3A_1139] : memref<2x64x8x16x128xf32, #tpu.memory_space<vmem>>, vector<1x1x8x16x128xf32>
    %get3A_1141 = vector.shape_cast %get3A_1140 : vector<1x1x8x16x128xf32> to vector<8x16x128xf32>
    %reshape3A_1142 = vector.shape_cast %get3A_1141 : vector<8x16x128xf32> to vector<128x128xf32>
    %convert_element_type3A_1143 = arith.truncf %reshape3A_1142 : vector<128x128xf32> to vector<128x128xbf16>
    %slice3A_1144 = vector.extract_strided_slice %get3A_1035 {offsets = [768, 0], sizes = [128, 256], strides = [1, 1]} : vector<8192x256xbf16> to vector<128x256xbf16>
    %dot_general3A_1145 = arith.constant dense<0.000000e+00> : vector<128x256xf32>
    %dot_general3A_1146 = tpu.matmul %convert_element_type3A_1143, %slice3A_1144, %dot_general3A_1145 {dimension_numbers = #tpu.dot_dimension_numbers<[1], [0], [0], [1], [0, 0, 1, 1], [], []>, transpose_lhs_hint = false} : vector<128x128xbf16>, vector<128x256xbf16>, vector<128x256xf32> -> vector<128x256xf32>
    %add3A_1147 = arith.addf %add3A_1134, %dot_general3A_1146 : vector<128x256xf32>
    %get3A_1148 = arith.index_cast %rem3A_0 : i32 to index
    %get3A_1149 = arith.constant 7 : index
    %get3A_1150 = arith.constant 0 : index
    %get3A_1151 = arith.constant 0 : index
    %get3A_1152 = arith.constant 0 : index
    %get3A_1153 = vector.load %arg11[%get3A_1148, %get3A_1149, %get3A_1150, %get3A_1151, %get3A_1152] : memref<2x64x8x16x128xf32, #tpu.memory_space<vmem>>, vector<1x1x8x16x128xf32>
    %get3A_1154 = vector.shape_cast %get3A_1153 : vector<1x1x8x16x128xf32> to vector<8x16x128xf32>
    %reshape3A_1155 = vector.shape_cast %get3A_1154 : vector<8x16x128xf32> to vector<128x128xf32>
    %convert_element_type3A_1156 = arith.truncf %reshape3A_1155 : vector<128x128xf32> to vector<128x128xbf16>
    %slice3A_1157 = vector.extract_strided_slice %get3A_1035 {offsets = [896, 0], sizes = [128, 256], strides = [1, 1]} : vector<8192x256xbf16> to vector<128x256xbf16>
    %dot_general3A_1158 = arith.constant dense<0.000000e+00> : vector<128x256xf32>
    %dot_general3A_1159 = tpu.matmul %convert_element_type3A_1156, %slice3A_1157, %dot_general3A_1158 {dimension_numbers = #tpu.dot_dimension_numbers<[1], [0], [0], [1], [0, 0, 1, 1], [], []>, transpose_lhs_hint = false} : vector<128x128xbf16>, vector<128x256xbf16>, vector<128x256xf32> -> vector<128x256xf32>
    %add3A_1160 = arith.addf %add3A_1147, %dot_general3A_1159 : vector<128x256xf32>
    %get3A_1161 = arith.index_cast %rem3A_0 : i32 to index
    %get3A_1162 = arith.constant 8 : index
    %get3A_1163 = arith.constant 0 : index
    %get3A_1164 = arith.constant 0 : index
    %get3A_1165 = arith.constant 0 : index
    %get3A_1166 = vector.load %arg11[%get3A_1161, %get3A_1162, %get3A_1163, %get3A_1164, %get3A_1165] : memref<2x64x8x16x128xf32, #tpu.memory_space<vmem>>, vector<1x1x8x16x128xf32>
    %get3A_1167 = vector.shape_cast %get3A_1166 : vector<1x1x8x16x128xf32> to vector<8x16x128xf32>
    %reshape3A_1168 = vector.shape_cast %get3A_1167 : vector<8x16x128xf32> to vector<128x128xf32>
    %convert_element_type3A_1169 = arith.truncf %reshape3A_1168 : vector<128x128xf32> to vector<128x128xbf16>
    %slice3A_1170 = vector.extract_strided_slice %get3A_1035 {offsets = [1024, 0], sizes = [128, 256], strides = [1, 1]} : vector<8192x256xbf16> to vector<128x256xbf16>
    %dot_general3A_1171 = arith.constant dense<0.000000e+00> : vector<128x256xf32>
    %dot_general3A_1172 = tpu.matmul %convert_element_type3A_1169, %slice3A_1170, %dot_general3A_1171 {dimension_numbers = #tpu.dot_dimension_numbers<[1], [0], [0], [1], [0, 0, 1, 1], [], []>, transpose_lhs_hint = false} : vector<128x128xbf16>, vector<128x256xbf16>, vector<128x256xf32> -> vector<128x256xf32>
    %add3A_1173 = arith.addf %add3A_1160, %dot_general3A_1172 : vector<128x256xf32>
    %get3A_1174 = arith.index_cast %rem3A_0 : i32 to index
    %get3A_1175 = arith.constant 9 : index
    %get3A_1176 = arith.constant 0 : index
    %get3A_1177 = arith.constant 0 : index
    %get3A_1178 = arith.constant 0 : index
    %get3A_1179 = vector.load %arg11[%get3A_1174, %get3A_1175, %get3A_1176, %get3A_1177, %get3A_1178] : memref<2x64x8x16x128xf32, #tpu.memory_space<vmem>>, vector<1x1x8x16x128xf32>
    %get3A_1180 = vector.shape_cast %get3A_1179 : vector<1x1x8x16x128xf32> to vector<8x16x128xf32>
    %reshape3A_1181 = vector.shape_cast %get3A_1180 : vector<8x16x128xf32> to vector<128x128xf32>
    %convert_element_type3A_1182 = arith.truncf %reshape3A_1181 : vector<128x128xf32> to vector<128x128xbf16>
    %slice3A_1183 = vector.extract_strided_slice %get3A_1035 {offsets = [1152, 0], sizes = [128, 256], strides = [1, 1]} : vector<8192x256xbf16> to vector<128x256xbf16>
    %dot_general3A_1184 = arith.constant dense<0.000000e+00> : vector<128x256xf32>
    %dot_general3A_1185 = tpu.matmul %convert_element_type3A_1182, %slice3A_1183, %dot_general3A_1184 {dimension_numbers = #tpu.dot_dimension_numbers<[1], [0], [0], [1], [0, 0, 1, 1], [], []>, transpose_lhs_hint = false} : vector<128x128xbf16>, vector<128x256xbf16>, vector<128x256xf32> -> vector<128x256xf32>
    %add3A_1186 = arith.addf %add3A_1173, %dot_general3A_1185 : vector<128x256xf32>
    %get3A_1187 = arith.index_cast %rem3A_0 : i32 to index
    %get3A_1188 = arith.constant 10 : index
    %get3A_1189 = arith.constant 0 : index
    %get3A_1190 = arith.constant 0 : index
    %get3A_1191 = arith.constant 0 : index
    %get3A_1192 = vector.load %arg11[%get3A_1187, %get3A_1188, %get3A_1189, %get3A_1190, %get3A_1191] : memref<2x64x8x16x128xf32, #tpu.memory_space<vmem>>, vector<1x1x8x16x128xf32>
    %get3A_1193 = vector.shape_cast %get3A_1192 : vector<1x1x8x16x128xf32> to vector<8x16x128xf32>
    %reshape3A_1194 = vector.shape_cast %get3A_1193 : vector<8x16x128xf32> to vector<128x128xf32>
    %convert_element_type3A_1195 = arith.truncf %reshape3A_1194 : vector<128x128xf32> to vector<128x128xbf16>
    %slice3A_1196 = vector.extract_strided_slice %get3A_1035 {offsets = [1280, 0], sizes = [128, 256], strides = [1, 1]} : vector<8192x256xbf16> to vector<128x256xbf16>
    %dot_general3A_1197 = arith.constant dense<0.000000e+00> : vector<128x256xf32>
    %dot_general3A_1198 = tpu.matmul %convert_element_type3A_1195, %slice3A_1196, %dot_general3A_1197 {dimension_numbers = #tpu.dot_dimension_numbers<[1], [0], [0], [1], [0, 0, 1, 1], [], []>, transpose_lhs_hint = false} : vector<128x128xbf16>, vector<128x256xbf16>, vector<128x256xf32> -> vector<128x256xf32>
    %add3A_1199 = arith.addf %add3A_1186, %dot_general3A_1198 : vector<128x256xf32>
    %get3A_1200 = arith.index_cast %rem3A_0 : i32 to index
    %get3A_1201 = arith.constant 11 : index
    %get3A_1202 = arith.constant 0 : index
    %get3A_1203 = arith.constant 0 : index
    %get3A_1204 = arith.constant 0 : index
    %get3A_1205 = vector.load %arg11[%get3A_1200, %get3A_1201, %get3A_1202, %get3A_1203, %get3A_1204] : memref<2x64x8x16x128xf32, #tpu.memory_space<vmem>>, vector<1x1x8x16x128xf32>
    %get3A_1206 = vector.shape_cast %get3A_1205 : vector<1x1x8x16x128xf32> to vector<8x16x128xf32>
    %reshape3A_1207 = vector.shape_cast %get3A_1206 : vector<8x16x128xf32> to vector<128x128xf32>
    %convert_element_type3A_1208 = arith.truncf %reshape3A_1207 : vector<128x128xf32> to vector<128x128xbf16>
    %slice3A_1209 = vector.extract_strided_slice %get3A_1035 {offsets = [1408, 0], sizes = [128, 256], strides = [1, 1]} : vector<8192x256xbf16> to vector<128x256xbf16>
    %dot_general3A_1210 = arith.constant dense<0.000000e+00> : vector<128x256xf32>
    %dot_general3A_1211 = tpu.matmul %convert_element_type3A_1208, %slice3A_1209, %dot_general3A_1210 {dimension_numbers = #tpu.dot_dimension_numbers<[1], [0], [0], [1], [0, 0, 1, 1], [], []>, transpose_lhs_hint = false} : vector<128x128xbf16>, vector<128x256xbf16>, vector<128x256xf32> -> vector<128x256xf32>
    %add3A_1212 = arith.addf %add3A_1199, %dot_general3A_1211 : vector<128x256xf32>
    %get3A_1213 = arith.index_cast %rem3A_0 : i32 to index
    %get3A_1214 = arith.constant 12 : index
    %get3A_1215 = arith.constant 0 : index
    %get3A_1216 = arith.constant 0 : index
    %get3A_1217 = arith.constant 0 : index
    %get3A_1218 = vector.load %arg11[%get3A_1213, %get3A_1214, %get3A_1215, %get3A_1216, %get3A_1217] : memref<2x64x8x16x128xf32, #tpu.memory_space<vmem>>, vector<1x1x8x16x128xf32>
    %get3A_1219 = vector.shape_cast %get3A_1218 : vector<1x1x8x16x128xf32> to vector<8x16x128xf32>
    %reshape3A_1220 = vector.shape_cast %get3A_1219 : vector<8x16x128xf32> to vector<128x128xf32>
    %convert_element_type3A_1221 = arith.truncf %reshape3A_1220 : vector<128x128xf32> to vector<128x128xbf16>
    %slice3A_1222 = vector.extract_strided_slice %get3A_1035 {offsets = [1536, 0], sizes = [128, 256], strides = [1, 1]} : vector<8192x256xbf16> to vector<128x256xbf16>
    %dot_general3A_1223 = arith.constant dense<0.000000e+00> : vector<128x256xf32>
    %dot_general3A_1224 = tpu.matmul %convert_element_type3A_1221, %slice3A_1222, %dot_general3A_1223 {dimension_numbers = #tpu.dot_dimension_numbers<[1], [0], [0], [1], [0, 0, 1, 1], [], []>, transpose_lhs_hint = false} : vector<128x128xbf16>, vector<128x256xbf16>, vector<128x256xf32> -> vector<128x256xf32>
    %add3A_1225 = arith.addf %add3A_1212, %dot_general3A_1224 : vector<128x256xf32>
    %get3A_1226 = arith.index_cast %rem3A_0 : i32 to index
    %get3A_1227 = arith.constant 13 : index
    %get3A_1228 = arith.constant 0 : index
    %get3A_1229 = arith.constant 0 : index
    %get3A_1230 = arith.constant 0 : index
    %get3A_1231 = vector.load %arg11[%get3A_1226, %get3A_1227, %get3A_1228, %get3A_1229, %get3A_1230] : memref<2x64x8x16x128xf32, #tpu.memory_space<vmem>>, vector<1x1x8x16x128xf32>
    %get3A_1232 = vector.shape_cast %get3A_1231 : vector<1x1x8x16x128xf32> to vector<8x16x128xf32>
    %reshape3A_1233 = vector.shape_cast %get3A_1232 : vector<8x16x128xf32> to vector<128x128xf32>
    %convert_element_type3A_1234 = arith.truncf %reshape3A_1233 : vector<128x128xf32> to vector<128x128xbf16>
    %slice3A_1235 = vector.extract_strided_slice %get3A_1035 {offsets = [1664, 0], sizes = [128, 256], strides = [1, 1]} : vector<8192x256xbf16> to vector<128x256xbf16>
    %dot_general3A_1236 = arith.constant dense<0.000000e+00> : vector<128x256xf32>
    %dot_general3A_1237 = tpu.matmul %convert_element_type3A_1234, %slice3A_1235, %dot_general3A_1236 {dimension_numbers = #tpu.dot_dimension_numbers<[1], [0], [0], [1], [0, 0, 1, 1], [], []>, transpose_lhs_hint = false} : vector<128x128xbf16>, vector<128x256xbf16>, vector<128x256xf32> -> vector<128x256xf32>
    %add3A_1238 = arith.addf %add3A_1225, %dot_general3A_1237 : vector<128x256xf32>
    %get3A_1239 = arith.index_cast %rem3A_0 : i32 to index
    %get3A_1240 = arith.constant 14 : index
    %get3A_1241 = arith.constant 0 : index
    %get3A_1242 = arith.constant 0 : index
    %get3A_1243 = arith.constant 0 : index
    %get3A_1244 = vector.load %arg11[%get3A_1239, %get3A_1240, %get3A_1241, %get3A_1242, %get3A_1243] : memref<2x64x8x16x128xf32, #tpu.memory_space<vmem>>, vector<1x1x8x16x128xf32>
    %get3A_1245 = vector.shape_cast %get3A_1244 : vector<1x1x8x16x128xf32> to vector<8x16x128xf32>
    %reshape3A_1246 = vector.shape_cast %get3A_1245 : vector<8x16x128xf32> to vector<128x128xf32>
    %convert_element_type3A_1247 = arith.truncf %reshape3A_1246 : vector<128x128xf32> to vector<128x128xbf16>
    %slice3A_1248 = vector.extract_strided_slice %get3A_1035 {offsets = [1792, 0], sizes = [128, 256], strides = [1, 1]} : vector<8192x256xbf16> to vector<128x256xbf16>
    %dot_general3A_1249 = arith.constant dense<0.000000e+00> : vector<128x256xf32>
    %dot_general3A_1250 = tpu.matmul %convert_element_type3A_1247, %slice3A_1248, %dot_general3A_1249 {dimension_numbers = #tpu.dot_dimension_numbers<[1], [0], [0], [1], [0, 0, 1, 1], [], []>, transpose_lhs_hint = false} : vector<128x128xbf16>, vector<128x256xbf16>, vector<128x256xf32> -> vector<128x256xf32>
    %add3A_1251 = arith.addf %add3A_1238, %dot_general3A_1250 : vector<128x256xf32>
    %get3A_1252 = arith.index_cast %rem3A_0 : i32 to index
    %get3A_1253 = arith.constant 15 : index
    %get3A_1254 = arith.constant 0 : index
    %get3A_1255 = arith.constant 0 : index
    %get3A_1256 = arith.constant 0 : index
    %get3A_1257 = vector.load %arg11[%get3A_1252, %get3A_1253, %get3A_1254, %get3A_1255, %get3A_1256] : memref<2x64x8x16x128xf32, #tpu.memory_space<vmem>>, vector<1x1x8x16x128xf32>
    %get3A_1258 = vector.shape_cast %get3A_1257 : vector<1x1x8x16x128xf32> to vector<8x16x128xf32>
    %reshape3A_1259 = vector.shape_cast %get3A_1258 : vector<8x16x128xf32> to vector<128x128xf32>
    %convert_element_type3A_1260 = arith.truncf %reshape3A_1259 : vector<128x128xf32> to vector<128x128xbf16>
    %slice3A_1261 = vector.extract_strided_slice %get3A_1035 {offsets = [1920, 0], sizes = [128, 256], strides = [1, 1]} : vector<8192x256xbf16> to vector<128x256xbf16>
    %dot_general3A_1262 = arith.constant dense<0.000000e+00> : vector<128x256xf32>
    %dot_general3A_1263 = tpu.matmul %convert_element_type3A_1260, %slice3A_1261, %dot_general3A_1262 {dimension_numbers = #tpu.dot_dimension_numbers<[1], [0], [0], [1], [0, 0, 1, 1], [], []>, transpose_lhs_hint = false} : vector<128x128xbf16>, vector<128x256xbf16>, vector<128x256xf32> -> vector<128x256xf32>
    %add3A_1264 = arith.addf %add3A_1251, %dot_general3A_1263 : vector<128x256xf32>
    %get3A_1265 = arith.index_cast %rem3A_0 : i32 to index
    %get3A_1266 = arith.constant 16 : index
    %get3A_1267 = arith.constant 0 : index
    %get3A_1268 = arith.constant 0 : index
    %get3A_1269 = arith.constant 0 : index
    %get3A_1270 = vector.load %arg11[%get3A_1265, %get3A_1266, %get3A_1267, %get3A_1268, %get3A_1269] : memref<2x64x8x16x128xf32, #tpu.memory_space<vmem>>, vector<1x1x8x16x128xf32>
    %get3A_1271 = vector.shape_cast %get3A_1270 : vector<1x1x8x16x128xf32> to vector<8x16x128xf32>
    %reshape3A_1272 = vector.shape_cast %get3A_1271 : vector<8x16x128xf32> to vector<128x128xf32>
    %convert_element_type3A_1273 = arith.truncf %reshape3A_1272 : vector<128x128xf32> to vector<128x128xbf16>
    %slice3A_1274 = vector.extract_strided_slice %get3A_1035 {offsets = [2048, 0], sizes = [128, 256], strides = [1, 1]} : vector<8192x256xbf16> to vector<128x256xbf16>
    %dot_general3A_1275 = arith.constant dense<0.000000e+00> : vector<128x256xf32>
    %dot_general3A_1276 = tpu.matmul %convert_element_type3A_1273, %slice3A_1274, %dot_general3A_1275 {dimension_numbers = #tpu.dot_dimension_numbers<[1], [0], [0], [1], [0, 0, 1, 1], [], []>, transpose_lhs_hint = false} : vector<128x128xbf16>, vector<128x256xbf16>, vector<128x256xf32> -> vector<128x256xf32>
    %add3A_1277 = arith.addf %add3A_1264, %dot_general3A_1276 : vector<128x256xf32>
    %get3A_1278 = arith.index_cast %rem3A_0 : i32 to index
    %get3A_1279 = arith.constant 17 : index
    %get3A_1280 = arith.constant 0 : index
    %get3A_1281 = arith.constant 0 : index
    %get3A_1282 = arith.constant 0 : index
    %get3A_1283 = vector.load %arg11[%get3A_1278, %get3A_1279, %get3A_1280, %get3A_1281, %get3A_1282] : memref<2x64x8x16x128xf32, #tpu.memory_space<vmem>>, vector<1x1x8x16x128xf32>
    %get3A_1284 = vector.shape_cast %get3A_1283 : vector<1x1x8x16x128xf32> to vector<8x16x128xf32>
    %reshape3A_1285 = vector.shape_cast %get3A_1284 : vector<8x16x128xf32> to vector<128x128xf32>
    %convert_element_type3A_1286 = arith.truncf %reshape3A_1285 : vector<128x128xf32> to vector<128x128xbf16>
    %slice3A_1287 = vector.extract_strided_slice %get3A_1035 {offsets = [2176, 0], sizes = [128, 256], strides = [1, 1]} : vector<8192x256xbf16> to vector<128x256xbf16>
    %dot_general3A_1288 = arith.constant dense<0.000000e+00> : vector<128x256xf32>
    %dot_general3A_1289 = tpu.matmul %convert_element_type3A_1286, %slice3A_1287, %dot_general3A_1288 {dimension_numbers = #tpu.dot_dimension_numbers<[1], [0], [0], [1], [0, 0, 1, 1], [], []>, transpose_lhs_hint = false} : vector<128x128xbf16>, vector<128x256xbf16>, vector<128x256xf32> -> vector<128x256xf32>
    %add3A_1290 = arith.addf %add3A_1277, %dot_general3A_1289 : vector<128x256xf32>
    %get3A_1291 = arith.index_cast %rem3A_0 : i32 to index
    %get3A_1292 = arith.constant 18 : index
    %get3A_1293 = arith.constant 0 : index
    %get3A_1294 = arith.constant 0 : index
    %get3A_1295 = arith.constant 0 : index
    %get3A_1296 = vector.load %arg11[%get3A_1291, %get3A_1292, %get3A_1293, %get3A_1294, %get3A_1295] : memref<2x64x8x16x128xf32, #tpu.memory_space<vmem>>, vector<1x1x8x16x128xf32>
    %get3A_1297 = vector.shape_cast %get3A_1296 : vector<1x1x8x16x128xf32> to vector<8x16x128xf32>
    %reshape3A_1298 = vector.shape_cast %get3A_1297 : vector<8x16x128xf32> to vector<128x128xf32>
    %convert_element_type3A_1299 = arith.truncf %reshape3A_1298 : vector<128x128xf32> to vector<128x128xbf16>
    %slice3A_1300 = vector.extract_strided_slice %get3A_1035 {offsets = [2304, 0], sizes = [128, 256], strides = [1, 1]} : vector<8192x256xbf16> to vector<128x256xbf16>
    %dot_general3A_1301 = arith.constant dense<0.000000e+00> : vector<128x256xf32>
    %dot_general3A_1302 = tpu.matmul %convert_element_type3A_1299, %slice3A_1300, %dot_general3A_1301 {dimension_numbers = #tpu.dot_dimension_numbers<[1], [0], [0], [1], [0, 0, 1, 1], [], []>, transpose_lhs_hint = false} : vector<128x128xbf16>, vector<128x256xbf16>, vector<128x256xf32> -> vector<128x256xf32>
    %add3A_1303 = arith.addf %add3A_1290, %dot_general3A_1302 : vector<128x256xf32>
    %get3A_1304 = arith.index_cast %rem3A_0 : i32 to index
    %get3A_1305 = arith.constant 19 : index
    %get3A_1306 = arith.constant 0 : index
    %get3A_1307 = arith.constant 0 : index
    %get3A_1308 = arith.constant 0 : index
    %get3A_1309 = vector.load %arg11[%get3A_1304, %get3A_1305, %get3A_1306, %get3A_1307, %get3A_1308] : memref<2x64x8x16x128xf32, #tpu.memory_space<vmem>>, vector<1x1x8x16x128xf32>
    %get3A_1310 = vector.shape_cast %get3A_1309 : vector<1x1x8x16x128xf32> to vector<8x16x128xf32>
    %reshape3A_1311 = vector.shape_cast %get3A_1310 : vector<8x16x128xf32> to vector<128x128xf32>
    %convert_element_type3A_1312 = arith.truncf %reshape3A_1311 : vector<128x128xf32> to vector<128x128xbf16>
    %slice3A_1313 = vector.extract_strided_slice %get3A_1035 {offsets = [2432, 0], sizes = [128, 256], strides = [1, 1]} : vector<8192x256xbf16> to vector<128x256xbf16>
    %dot_general3A_1314 = arith.constant dense<0.000000e+00> : vector<128x256xf32>
    %dot_general3A_1315 = tpu.matmul %convert_element_type3A_1312, %slice3A_1313, %dot_general3A_1314 {dimension_numbers = #tpu.dot_dimension_numbers<[1], [0], [0], [1], [0, 0, 1, 1], [], []>, transpose_lhs_hint = false} : vector<128x128xbf16>, vector<128x256xbf16>, vector<128x256xf32> -> vector<128x256xf32>
    %add3A_1316 = arith.addf %add3A_1303, %dot_general3A_1315 : vector<128x256xf32>
    %get3A_1317 = arith.index_cast %rem3A_0 : i32 to index
    %get3A_1318 = arith.constant 20 : index
    %get3A_1319 = arith.constant 0 : index
    %get3A_1320 = arith.constant 0 : index
    %get3A_1321 = arith.constant 0 : index
    %get3A_1322 = vector.load %arg11[%get3A_1317, %get3A_1318, %get3A_1319, %get3A_1320, %get3A_1321] : memref<2x64x8x16x128xf32, #tpu.memory_space<vmem>>, vector<1x1x8x16x128xf32>
    %get3A_1323 = vector.shape_cast %get3A_1322 : vector<1x1x8x16x128xf32> to vector<8x16x128xf32>
    %reshape3A_1324 = vector.shape_cast %get3A_1323 : vector<8x16x128xf32> to vector<128x128xf32>
    %convert_element_type3A_1325 = arith.truncf %reshape3A_1324 : vector<128x128xf32> to vector<128x128xbf16>
    %slice3A_1326 = vector.extract_strided_slice %get3A_1035 {offsets = [2560, 0], sizes = [128, 256], strides = [1, 1]} : vector<8192x256xbf16> to vector<128x256xbf16>
    %dot_general3A_1327 = arith.constant dense<0.000000e+00> : vector<128x256xf32>
    %dot_general3A_1328 = tpu.matmul %convert_element_type3A_1325, %slice3A_1326, %dot_general3A_1327 {dimension_numbers = #tpu.dot_dimension_numbers<[1], [0], [0], [1], [0, 0, 1, 1], [], []>, transpose_lhs_hint = false} : vector<128x128xbf16>, vector<128x256xbf16>, vector<128x256xf32> -> vector<128x256xf32>
    %add3A_1329 = arith.addf %add3A_1316, %dot_general3A_1328 : vector<128x256xf32>
    %get3A_1330 = arith.index_cast %rem3A_0 : i32 to index
    %get3A_1331 = arith.constant 21 : index
    %get3A_1332 = arith.constant 0 : index
    %get3A_1333 = arith.constant 0 : index
    %get3A_1334 = arith.constant 0 : index
    %get3A_1335 = vector.load %arg11[%get3A_1330, %get3A_1331, %get3A_1332, %get3A_1333, %get3A_1334] : memref<2x64x8x16x128xf32, #tpu.memory_space<vmem>>, vector<1x1x8x16x128xf32>
    %get3A_1336 = vector.shape_cast %get3A_1335 : vector<1x1x8x16x128xf32> to vector<8x16x128xf32>
    %reshape3A_1337 = vector.shape_cast %get3A_1336 : vector<8x16x128xf32> to vector<128x128xf32>
    %convert_element_type3A_1338 = arith.truncf %reshape3A_1337 : vector<128x128xf32> to vector<128x128xbf16>
    %slice3A_1339 = vector.extract_strided_slice %get3A_1035 {offsets = [2688, 0], sizes = [128, 256], strides = [1, 1]} : vector<8192x256xbf16> to vector<128x256xbf16>
    %dot_general3A_1340 = arith.constant dense<0.000000e+00> : vector<128x256xf32>
    %dot_general3A_1341 = tpu.matmul %convert_element_type3A_1338, %slice3A_1339, %dot_general3A_1340 {dimension_numbers = #tpu.dot_dimension_numbers<[1], [0], [0], [1], [0, 0, 1, 1], [], []>, transpose_lhs_hint = false} : vector<128x128xbf16>, vector<128x256xbf16>, vector<128x256xf32> -> vector<128x256xf32>
    %add3A_1342 = arith.addf %add3A_1329, %dot_general3A_1341 : vector<128x256xf32>
    %get3A_1343 = arith.index_cast %rem3A_0 : i32 to index
    %get3A_1344 = arith.constant 22 : index
    %get3A_1345 = arith.constant 0 : index
    %get3A_1346 = arith.constant 0 : index
    %get3A_1347 = arith.constant 0 : index
    %get3A_1348 = vector.load %arg11[%get3A_1343, %get3A_1344, %get3A_1345, %get3A_1346, %get3A_1347] : memref<2x64x8x16x128xf32, #tpu.memory_space<vmem>>, vector<1x1x8x16x128xf32>
    %get3A_1349 = vector.shape_cast %get3A_1348 : vector<1x1x8x16x128xf32> to vector<8x16x128xf32>
    %reshape3A_1350 = vector.shape_cast %get3A_1349 : vector<8x16x128xf32> to vector<128x128xf32>
    %convert_element_type3A_1351 = arith.truncf %reshape3A_1350 : vector<128x128xf32> to vector<128x128xbf16>
    %slice3A_1352 = vector.extract_strided_slice %get3A_1035 {offsets = [2816, 0], sizes = [128, 256], strides = [1, 1]} : vector<8192x256xbf16> to vector<128x256xbf16>
    %dot_general3A_1353 = arith.constant dense<0.000000e+00> : vector<128x256xf32>
    %dot_general3A_1354 = tpu.matmul %convert_element_type3A_1351, %slice3A_1352, %dot_general3A_1353 {dimension_numbers = #tpu.dot_dimension_numbers<[1], [0], [0], [1], [0, 0, 1, 1], [], []>, transpose_lhs_hint = false} : vector<128x128xbf16>, vector<128x256xbf16>, vector<128x256xf32> -> vector<128x256xf32>
    %add3A_1355 = arith.addf %add3A_1342, %dot_general3A_1354 : vector<128x256xf32>
    %get3A_1356 = arith.index_cast %rem3A_0 : i32 to index
    %get3A_1357 = arith.constant 23 : index
    %get3A_1358 = arith.constant 0 : index
    %get3A_1359 = arith.constant 0 : index
    %get3A_1360 = arith.constant 0 : index
    %get3A_1361 = vector.load %arg11[%get3A_1356, %get3A_1357, %get3A_1358, %get3A_1359, %get3A_1360] : memref<2x64x8x16x128xf32, #tpu.memory_space<vmem>>, vector<1x1x8x16x128xf32>
    %get3A_1362 = vector.shape_cast %get3A_1361 : vector<1x1x8x16x128xf32> to vector<8x16x128xf32>
    %reshape3A_1363 = vector.shape_cast %get3A_1362 : vector<8x16x128xf32> to vector<128x128xf32>
    %convert_element_type3A_1364 = arith.truncf %reshape3A_1363 : vector<128x128xf32> to vector<128x128xbf16>
    %slice3A_1365 = vector.extract_strided_slice %get3A_1035 {offsets = [2944, 0], sizes = [128, 256], strides = [1, 1]} : vector<8192x256xbf16> to vector<128x256xbf16>
    %dot_general3A_1366 = arith.constant dense<0.000000e+00> : vector<128x256xf32>
    %dot_general3A_1367 = tpu.matmul %convert_element_type3A_1364, %slice3A_1365, %dot_general3A_1366 {dimension_numbers = #tpu.dot_dimension_numbers<[1], [0], [0], [1], [0, 0, 1, 1], [], []>, transpose_lhs_hint = false} : vector<128x128xbf16>, vector<128x256xbf16>, vector<128x256xf32> -> vector<128x256xf32>
    %add3A_1368 = arith.addf %add3A_1355, %dot_general3A_1367 : vector<128x256xf32>
    %get3A_1369 = arith.index_cast %rem3A_0 : i32 to index
    %get3A_1370 = arith.constant 24 : index
    %get3A_1371 = arith.constant 0 : index
    %get3A_1372 = arith.constant 0 : index
    %get3A_1373 = arith.constant 0 : index
    %get3A_1374 = vector.load %arg11[%get3A_1369, %get3A_1370, %get3A_1371, %get3A_1372, %get3A_1373] : memref<2x64x8x16x128xf32, #tpu.memory_space<vmem>>, vector<1x1x8x16x128xf32>
    %get3A_1375 = vector.shape_cast %get3A_1374 : vector<1x1x8x16x128xf32> to vector<8x16x128xf32>
    %reshape3A_1376 = vector.shape_cast %get3A_1375 : vector<8x16x128xf32> to vector<128x128xf32>
    %convert_element_type3A_1377 = arith.truncf %reshape3A_1376 : vector<128x128xf32> to vector<128x128xbf16>
    %slice3A_1378 = vector.extract_strided_slice %get3A_1035 {offsets = [3072, 0], sizes = [128, 256], strides = [1, 1]} : vector<8192x256xbf16> to vector<128x256xbf16>
    %dot_general3A_1379 = arith.constant dense<0.000000e+00> : vector<128x256xf32>
    %dot_general3A_1380 = tpu.matmul %convert_element_type3A_1377, %slice3A_1378, %dot_general3A_1379 {dimension_numbers = #tpu.dot_dimension_numbers<[1], [0], [0], [1], [0, 0, 1, 1], [], []>, transpose_lhs_hint = false} : vector<128x128xbf16>, vector<128x256xbf16>, vector<128x256xf32> -> vector<128x256xf32>
    %add3A_1381 = arith.addf %add3A_1368, %dot_general3A_1380 : vector<128x256xf32>
    %get3A_1382 = arith.index_cast %rem3A_0 : i32 to index
    %get3A_1383 = arith.constant 25 : index
    %get3A_1384 = arith.constant 0 : index
    %get3A_1385 = arith.constant 0 : index
    %get3A_1386 = arith.constant 0 : index
    %get3A_1387 = vector.load %arg11[%get3A_1382, %get3A_1383, %get3A_1384, %get3A_1385, %get3A_1386] : memref<2x64x8x16x128xf32, #tpu.memory_space<vmem>>, vector<1x1x8x16x128xf32>
    %get3A_1388 = vector.shape_cast %get3A_1387 : vector<1x1x8x16x128xf32> to vector<8x16x128xf32>
    %reshape3A_1389 = vector.shape_cast %get3A_1388 : vector<8x16x128xf32> to vector<128x128xf32>
    %convert_element_type3A_1390 = arith.truncf %reshape3A_1389 : vector<128x128xf32> to vector<128x128xbf16>
    %slice3A_1391 = vector.extract_strided_slice %get3A_1035 {offsets = [3200, 0], sizes = [128, 256], strides = [1, 1]} : vector<8192x256xbf16> to vector<128x256xbf16>
    %dot_general3A_1392 = arith.constant dense<0.000000e+00> : vector<128x256xf32>
    %dot_general3A_1393 = tpu.matmul %convert_element_type3A_1390, %slice3A_1391, %dot_general3A_1392 {dimension_numbers = #tpu.dot_dimension_numbers<[1], [0], [0], [1], [0, 0, 1, 1], [], []>, transpose_lhs_hint = false} : vector<128x128xbf16>, vector<128x256xbf16>, vector<128x256xf32> -> vector<128x256xf32>
    %add3A_1394 = arith.addf %add3A_1381, %dot_general3A_1393 : vector<128x256xf32>
    %get3A_1395 = arith.index_cast %rem3A_0 : i32 to index
    %get3A_1396 = arith.constant 26 : index
    %get3A_1397 = arith.constant 0 : index
    %get3A_1398 = arith.constant 0 : index
    %get3A_1399 = arith.constant 0 : index
    %get3A_1400 = vector.load %arg11[%get3A_1395, %get3A_1396, %get3A_1397, %get3A_1398, %get3A_1399] : memref<2x64x8x16x128xf32, #tpu.memory_space<vmem>>, vector<1x1x8x16x128xf32>
    %get3A_1401 = vector.shape_cast %get3A_1400 : vector<1x1x8x16x128xf32> to vector<8x16x128xf32>
    %reshape3A_1402 = vector.shape_cast %get3A_1401 : vector<8x16x128xf32> to vector<128x128xf32>
    %convert_element_type3A_1403 = arith.truncf %reshape3A_1402 : vector<128x128xf32> to vector<128x128xbf16>
    %slice3A_1404 = vector.extract_strided_slice %get3A_1035 {offsets = [3328, 0], sizes = [128, 256], strides = [1, 1]} : vector<8192x256xbf16> to vector<128x256xbf16>
    %dot_general3A_1405 = arith.constant dense<0.000000e+00> : vector<128x256xf32>
    %dot_general3A_1406 = tpu.matmul %convert_element_type3A_1403, %slice3A_1404, %dot_general3A_1405 {dimension_numbers = #tpu.dot_dimension_numbers<[1], [0], [0], [1], [0, 0, 1, 1], [], []>, transpose_lhs_hint = false} : vector<128x128xbf16>, vector<128x256xbf16>, vector<128x256xf32> -> vector<128x256xf32>
    %add3A_1407 = arith.addf %add3A_1394, %dot_general3A_1406 : vector<128x256xf32>
    %get3A_1408 = arith.index_cast %rem3A_0 : i32 to index
    %get3A_1409 = arith.constant 27 : index
    %get3A_1410 = arith.constant 0 : index
    %get3A_1411 = arith.constant 0 : index
    %get3A_1412 = arith.constant 0 : index
    %get3A_1413 = vector.load %arg11[%get3A_1408, %get3A_1409, %get3A_1410, %get3A_1411, %get3A_1412] : memref<2x64x8x16x128xf32, #tpu.memory_space<vmem>>, vector<1x1x8x16x128xf32>
    %get3A_1414 = vector.shape_cast %get3A_1413 : vector<1x1x8x16x128xf32> to vector<8x16x128xf32>
    %reshape3A_1415 = vector.shape_cast %get3A_1414 : vector<8x16x128xf32> to vector<128x128xf32>
    %convert_element_type3A_1416 = arith.truncf %reshape3A_1415 : vector<128x128xf32> to vector<128x128xbf16>
    %slice3A_1417 = vector.extract_strided_slice %get3A_1035 {offsets = [3456, 0], sizes = [128, 256], strides = [1, 1]} : vector<8192x256xbf16> to vector<128x256xbf16>
    %dot_general3A_1418 = arith.constant dense<0.000000e+00> : vector<128x256xf32>
    %dot_general3A_1419 = tpu.matmul %convert_element_type3A_1416, %slice3A_1417, %dot_general3A_1418 {dimension_numbers = #tpu.dot_dimension_numbers<[1], [0], [0], [1], [0, 0, 1, 1], [], []>, transpose_lhs_hint = false} : vector<128x128xbf16>, vector<128x256xbf16>, vector<128x256xf32> -> vector<128x256xf32>
    %add3A_1420 = arith.addf %add3A_1407, %dot_general3A_1419 : vector<128x256xf32>
    %get3A_1421 = arith.index_cast %rem3A_0 : i32 to index
    %get3A_1422 = arith.constant 28 : index
    %get3A_1423 = arith.constant 0 : index
    %get3A_1424 = arith.constant 0 : index
    %get3A_1425 = arith.constant 0 : index
    %get3A_1426 = vector.load %arg11[%get3A_1421, %get3A_1422, %get3A_1423, %get3A_1424, %get3A_1425] : memref<2x64x8x16x128xf32, #tpu.memory_space<vmem>>, vector<1x1x8x16x128xf32>
    %get3A_1427 = vector.shape_cast %get3A_1426 : vector<1x1x8x16x128xf32> to vector<8x16x128xf32>
    %reshape3A_1428 = vector.shape_cast %get3A_1427 : vector<8x16x128xf32> to vector<128x128xf32>
    %convert_element_type3A_1429 = arith.truncf %reshape3A_1428 : vector<128x128xf32> to vector<128x128xbf16>
    %slice3A_1430 = vector.extract_strided_slice %get3A_1035 {offsets = [3584, 0], sizes = [128, 256], strides = [1, 1]} : vector<8192x256xbf16> to vector<128x256xbf16>
    %dot_general3A_1431 = arith.constant dense<0.000000e+00> : vector<128x256xf32>
    %dot_general3A_1432 = tpu.matmul %convert_element_type3A_1429, %slice3A_1430, %dot_general3A_1431 {dimension_numbers = #tpu.dot_dimension_numbers<[1], [0], [0], [1], [0, 0, 1, 1], [], []>, transpose_lhs_hint = false} : vector<128x128xbf16>, vector<128x256xbf16>, vector<128x256xf32> -> vector<128x256xf32>
    %add3A_1433 = arith.addf %add3A_1420, %dot_general3A_1432 : vector<128x256xf32>
    %get3A_1434 = arith.index_cast %rem3A_0 : i32 to index
    %get3A_1435 = arith.constant 29 : index
    %get3A_1436 = arith.constant 0 : index
    %get3A_1437 = arith.constant 0 : index
    %get3A_1438 = arith.constant 0 : index
    %get3A_1439 = vector.load %arg11[%get3A_1434, %get3A_1435, %get3A_1436, %get3A_1437, %get3A_1438] : memref<2x64x8x16x128xf32, #tpu.memory_space<vmem>>, vector<1x1x8x16x128xf32>
    %get3A_1440 = vector.shape_cast %get3A_1439 : vector<1x1x8x16x128xf32> to vector<8x16x128xf32>
    %reshape3A_1441 = vector.shape_cast %get3A_1440 : vector<8x16x128xf32> to vector<128x128xf32>
    %convert_element_type3A_1442 = arith.truncf %reshape3A_1441 : vector<128x128xf32> to vector<128x128xbf16>
    %slice3A_1443 = vector.extract_strided_slice %get3A_1035 {offsets = [3712, 0], sizes = [128, 256], strides = [1, 1]} : vector<8192x256xbf16> to vector<128x256xbf16>
    %dot_general3A_1444 = arith.constant dense<0.000000e+00> : vector<128x256xf32>
    %dot_general3A_1445 = tpu.matmul %convert_element_type3A_1442, %slice3A_1443, %dot_general3A_1444 {dimension_numbers = #tpu.dot_dimension_numbers<[1], [0], [0], [1], [0, 0, 1, 1], [], []>, transpose_lhs_hint = false} : vector<128x128xbf16>, vector<128x256xbf16>, vector<128x256xf32> -> vector<128x256xf32>
    %add3A_1446 = arith.addf %add3A_1433, %dot_general3A_1445 : vector<128x256xf32>
    %get3A_1447 = arith.index_cast %rem3A_0 : i32 to index
    %get3A_1448 = arith.constant 30 : index
    %get3A_1449 = arith.constant 0 : index
    %get3A_1450 = arith.constant 0 : index
    %get3A_1451 = arith.constant 0 : index
    %get3A_1452 = vector.load %arg11[%get3A_1447, %get3A_1448, %get3A_1449, %get3A_1450, %get3A_1451] : memref<2x64x8x16x128xf32, #tpu.memory_space<vmem>>, vector<1x1x8x16x128xf32>
    %get3A_1453 = vector.shape_cast %get3A_1452 : vector<1x1x8x16x128xf32> to vector<8x16x128xf32>
    %reshape3A_1454 = vector.shape_cast %get3A_1453 : vector<8x16x128xf32> to vector<128x128xf32>
    %convert_element_type3A_1455 = arith.truncf %reshape3A_1454 : vector<128x128xf32> to vector<128x128xbf16>
    %slice3A_1456 = vector.extract_strided_slice %get3A_1035 {offsets = [3840, 0], sizes = [128, 256], strides = [1, 1]} : vector<8192x256xbf16> to vector<128x256xbf16>
    %dot_general3A_1457 = arith.constant dense<0.000000e+00> : vector<128x256xf32>
    %dot_general3A_1458 = tpu.matmul %convert_element_type3A_1455, %slice3A_1456, %dot_general3A_1457 {dimension_numbers = #tpu.dot_dimension_numbers<[1], [0], [0], [1], [0, 0, 1, 1], [], []>, transpose_lhs_hint = false} : vector<128x128xbf16>, vector<128x256xbf16>, vector<128x256xf32> -> vector<128x256xf32>
    %add3A_1459 = arith.addf %add3A_1446, %dot_general3A_1458 : vector<128x256xf32>
    %get3A_1460 = arith.index_cast %rem3A_0 : i32 to index
    %get3A_1461 = arith.constant 31 : index
    %get3A_1462 = arith.constant 0 : index
    %get3A_1463 = arith.constant 0 : index
    %get3A_1464 = arith.constant 0 : index
    %get3A_1465 = vector.load %arg11[%get3A_1460, %get3A_1461, %get3A_1462, %get3A_1463, %get3A_1464] : memref<2x64x8x16x128xf32, #tpu.memory_space<vmem>>, vector<1x1x8x16x128xf32>
    %get3A_1466 = vector.shape_cast %get3A_1465 : vector<1x1x8x16x128xf32> to vector<8x16x128xf32>
    %reshape3A_1467 = vector.shape_cast %get3A_1466 : vector<8x16x128xf32> to vector<128x128xf32>
    %convert_element_type3A_1468 = arith.truncf %reshape3A_1467 : vector<128x128xf32> to vector<128x128xbf16>
    %slice3A_1469 = vector.extract_strided_slice %get3A_1035 {offsets = [3968, 0], sizes = [128, 256], strides = [1, 1]} : vector<8192x256xbf16> to vector<128x256xbf16>
    %dot_general3A_1470 = arith.constant dense<0.000000e+00> : vector<128x256xf32>
    %dot_general3A_1471 = tpu.matmul %convert_element_type3A_1468, %slice3A_1469, %dot_general3A_1470 {dimension_numbers = #tpu.dot_dimension_numbers<[1], [0], [0], [1], [0, 0, 1, 1], [], []>, transpose_lhs_hint = false} : vector<128x128xbf16>, vector<128x256xbf16>, vector<128x256xf32> -> vector<128x256xf32>
    %add3A_1472 = arith.addf %add3A_1459, %dot_general3A_1471 : vector<128x256xf32>
    %get3A_1473 = arith.index_cast %rem3A_0 : i32 to index
    %get3A_1474 = arith.constant 32 : index
    %get3A_1475 = arith.constant 0 : index
    %get3A_1476 = arith.constant 0 : index
    %get3A_1477 = arith.constant 0 : index
    %get3A_1478 = vector.load %arg11[%get3A_1473, %get3A_1474, %get3A_1475, %get3A_1476, %get3A_1477] : memref<2x64x8x16x128xf32, #tpu.memory_space<vmem>>, vector<1x1x8x16x128xf32>
    %get3A_1479 = vector.shape_cast %get3A_1478 : vector<1x1x8x16x128xf32> to vector<8x16x128xf32>
    %reshape3A_1480 = vector.shape_cast %get3A_1479 : vector<8x16x128xf32> to vector<128x128xf32>
    %convert_element_type3A_1481 = arith.truncf %reshape3A_1480 : vector<128x128xf32> to vector<128x128xbf16>
    %slice3A_1482 = vector.extract_strided_slice %get3A_1035 {offsets = [4096, 0], sizes = [128, 256], strides = [1, 1]} : vector<8192x256xbf16> to vector<128x256xbf16>
    %dot_general3A_1483 = arith.constant dense<0.000000e+00> : vector<128x256xf32>
    %dot_general3A_1484 = tpu.matmul %convert_element_type3A_1481, %slice3A_1482, %dot_general3A_1483 {dimension_numbers = #tpu.dot_dimension_numbers<[1], [0], [0], [1], [0, 0, 1, 1], [], []>, transpose_lhs_hint = false} : vector<128x128xbf16>, vector<128x256xbf16>, vector<128x256xf32> -> vector<128x256xf32>
    %add3A_1485 = arith.addf %add3A_1472, %dot_general3A_1484 : vector<128x256xf32>
    %get3A_1486 = arith.index_cast %rem3A_0 : i32 to index
    %get3A_1487 = arith.constant 33 : index
    %get3A_1488 = arith.constant 0 : index
    %get3A_1489 = arith.constant 0 : index
    %get3A_1490 = arith.constant 0 : index
    %get3A_1491 = vector.load %arg11[%get3A_1486, %get3A_1487, %get3A_1488, %get3A_1489, %get3A_1490] : memref<2x64x8x16x128xf32, #tpu.memory_space<vmem>>, vector<1x1x8x16x128xf32>
    %get3A_1492 = vector.shape_cast %get3A_1491 : vector<1x1x8x16x128xf32> to vector<8x16x128xf32>
    %reshape3A_1493 = vector.shape_cast %get3A_1492 : vector<8x16x128xf32> to vector<128x128xf32>
    %convert_element_type3A_1494 = arith.truncf %reshape3A_1493 : vector<128x128xf32> to vector<128x128xbf16>
    %slice3A_1495 = vector.extract_strided_slice %get3A_1035 {offsets = [4224, 0], sizes = [128, 256], strides = [1, 1]} : vector<8192x256xbf16> to vector<128x256xbf16>
    %dot_general3A_1496 = arith.constant dense<0.000000e+00> : vector<128x256xf32>
    %dot_general3A_1497 = tpu.matmul %convert_element_type3A_1494, %slice3A_1495, %dot_general3A_1496 {dimension_numbers = #tpu.dot_dimension_numbers<[1], [0], [0], [1], [0, 0, 1, 1], [], []>, transpose_lhs_hint = false} : vector<128x128xbf16>, vector<128x256xbf16>, vector<128x256xf32> -> vector<128x256xf32>
    %add3A_1498 = arith.addf %add3A_1485, %dot_general3A_1497 : vector<128x256xf32>
    %get3A_1499 = arith.index_cast %rem3A_0 : i32 to index
    %get3A_1500 = arith.constant 34 : index
    %get3A_1501 = arith.constant 0 : index
    %get3A_1502 = arith.constant 0 : index
    %get3A_1503 = arith.constant 0 : index
    %get3A_1504 = vector.load %arg11[%get3A_1499, %get3A_1500, %get3A_1501, %get3A_1502, %get3A_1503] : memref<2x64x8x16x128xf32, #tpu.memory_space<vmem>>, vector<1x1x8x16x128xf32>
    %get3A_1505 = vector.shape_cast %get3A_1504 : vector<1x1x8x16x128xf32> to vector<8x16x128xf32>
    %reshape3A_1506 = vector.shape_cast %get3A_1505 : vector<8x16x128xf32> to vector<128x128xf32>
    %convert_element_type3A_1507 = arith.truncf %reshape3A_1506 : vector<128x128xf32> to vector<128x128xbf16>
    %slice3A_1508 = vector.extract_strided_slice %get3A_1035 {offsets = [4352, 0], sizes = [128, 256], strides = [1, 1]} : vector<8192x256xbf16> to vector<128x256xbf16>
    %dot_general3A_1509 = arith.constant dense<0.000000e+00> : vector<128x256xf32>
    %dot_general3A_1510 = tpu.matmul %convert_element_type3A_1507, %slice3A_1508, %dot_general3A_1509 {dimension_numbers = #tpu.dot_dimension_numbers<[1], [0], [0], [1], [0, 0, 1, 1], [], []>, transpose_lhs_hint = false} : vector<128x128xbf16>, vector<128x256xbf16>, vector<128x256xf32> -> vector<128x256xf32>
    %add3A_1511 = arith.addf %add3A_1498, %dot_general3A_1510 : vector<128x256xf32>
    %get3A_1512 = arith.index_cast %rem3A_0 : i32 to index
    %get3A_1513 = arith.constant 35 : index
    %get3A_1514 = arith.constant 0 : index
    %get3A_1515 = arith.constant 0 : index
    %get3A_1516 = arith.constant 0 : index
    %get3A_1517 = vector.load %arg11[%get3A_1512, %get3A_1513, %get3A_1514, %get3A_1515, %get3A_1516] : memref<2x64x8x16x128xf32, #tpu.memory_space<vmem>>, vector<1x1x8x16x128xf32>
    %get3A_1518 = vector.shape_cast %get3A_1517 : vector<1x1x8x16x128xf32> to vector<8x16x128xf32>
    %reshape3A_1519 = vector.shape_cast %get3A_1518 : vector<8x16x128xf32> to vector<128x128xf32>
    %convert_element_type3A_1520 = arith.truncf %reshape3A_1519 : vector<128x128xf32> to vector<128x128xbf16>
    %slice3A_1521 = vector.extract_strided_slice %get3A_1035 {offsets = [4480, 0], sizes = [128, 256], strides = [1, 1]} : vector<8192x256xbf16> to vector<128x256xbf16>
    %dot_general3A_1522 = arith.constant dense<0.000000e+00> : vector<128x256xf32>
    %dot_general3A_1523 = tpu.matmul %convert_element_type3A_1520, %slice3A_1521, %dot_general3A_1522 {dimension_numbers = #tpu.dot_dimension_numbers<[1], [0], [0], [1], [0, 0, 1, 1], [], []>, transpose_lhs_hint = false} : vector<128x128xbf16>, vector<128x256xbf16>, vector<128x256xf32> -> vector<128x256xf32>
    %add3A_1524 = arith.addf %add3A_1511, %dot_general3A_1523 : vector<128x256xf32>
    %get3A_1525 = arith.index_cast %rem3A_0 : i32 to index
    %get3A_1526 = arith.constant 36 : index
    %get3A_1527 = arith.constant 0 : index
    %get3A_1528 = arith.constant 0 : index
    %get3A_1529 = arith.constant 0 : index
    %get3A_1530 = vector.load %arg11[%get3A_1525, %get3A_1526, %get3A_1527, %get3A_1528, %get3A_1529] : memref<2x64x8x16x128xf32, #tpu.memory_space<vmem>>, vector<1x1x8x16x128xf32>
    %get3A_1531 = vector.shape_cast %get3A_1530 : vector<1x1x8x16x128xf32> to vector<8x16x128xf32>
    %reshape3A_1532 = vector.shape_cast %get3A_1531 : vector<8x16x128xf32> to vector<128x128xf32>
    %convert_element_type3A_1533 = arith.truncf %reshape3A_1532 : vector<128x128xf32> to vector<128x128xbf16>
    %slice3A_1534 = vector.extract_strided_slice %get3A_1035 {offsets = [4608, 0], sizes = [128, 256], strides = [1, 1]} : vector<8192x256xbf16> to vector<128x256xbf16>
    %dot_general3A_1535 = arith.constant dense<0.000000e+00> : vector<128x256xf32>
    %dot_general3A_1536 = tpu.matmul %convert_element_type3A_1533, %slice3A_1534, %dot_general3A_1535 {dimension_numbers = #tpu.dot_dimension_numbers<[1], [0], [0], [1], [0, 0, 1, 1], [], []>, transpose_lhs_hint = false} : vector<128x128xbf16>, vector<128x256xbf16>, vector<128x256xf32> -> vector<128x256xf32>
    %add3A_1537 = arith.addf %add3A_1524, %dot_general3A_1536 : vector<128x256xf32>
    %get3A_1538 = arith.index_cast %rem3A_0 : i32 to index
    %get3A_1539 = arith.constant 37 : index
    %get3A_1540 = arith.constant 0 : index
    %get3A_1541 = arith.constant 0 : index
    %get3A_1542 = arith.constant 0 : index
    %get3A_1543 = vector.load %arg11[%get3A_1538, %get3A_1539, %get3A_1540, %get3A_1541, %get3A_1542] : memref<2x64x8x16x128xf32, #tpu.memory_space<vmem>>, vector<1x1x8x16x128xf32>
    %get3A_1544 = vector.shape_cast %get3A_1543 : vector<1x1x8x16x128xf32> to vector<8x16x128xf32>
    %reshape3A_1545 = vector.shape_cast %get3A_1544 : vector<8x16x128xf32> to vector<128x128xf32>
    %convert_element_type3A_1546 = arith.truncf %reshape3A_1545 : vector<128x128xf32> to vector<128x128xbf16>
    %slice3A_1547 = vector.extract_strided_slice %get3A_1035 {offsets = [4736, 0], sizes = [128, 256], strides = [1, 1]} : vector<8192x256xbf16> to vector<128x256xbf16>
    %dot_general3A_1548 = arith.constant dense<0.000000e+00> : vector<128x256xf32>
    %dot_general3A_1549 = tpu.matmul %convert_element_type3A_1546, %slice3A_1547, %dot_general3A_1548 {dimension_numbers = #tpu.dot_dimension_numbers<[1], [0], [0], [1], [0, 0, 1, 1], [], []>, transpose_lhs_hint = false} : vector<128x128xbf16>, vector<128x256xbf16>, vector<128x256xf32> -> vector<128x256xf32>
    %add3A_1550 = arith.addf %add3A_1537, %dot_general3A_1549 : vector<128x256xf32>
    %get3A_1551 = arith.index_cast %rem3A_0 : i32 to index
    %get3A_1552 = arith.constant 38 : index
    %get3A_1553 = arith.constant 0 : index
    %get3A_1554 = arith.constant 0 : index
    %get3A_1555 = arith.constant 0 : index
    %get3A_1556 = vector.load %arg11[%get3A_1551, %get3A_1552, %get3A_1553, %get3A_1554, %get3A_1555] : memref<2x64x8x16x128xf32, #tpu.memory_space<vmem>>, vector<1x1x8x16x128xf32>
    %get3A_1557 = vector.shape_cast %get3A_1556 : vector<1x1x8x16x128xf32> to vector<8x16x128xf32>
    %reshape3A_1558 = vector.shape_cast %get3A_1557 : vector<8x16x128xf32> to vector<128x128xf32>
    %convert_element_type3A_1559 = arith.truncf %reshape3A_1558 : vector<128x128xf32> to vector<128x128xbf16>
    %slice3A_1560 = vector.extract_strided_slice %get3A_1035 {offsets = [4864, 0], sizes = [128, 256], strides = [1, 1]} : vector<8192x256xbf16> to vector<128x256xbf16>
    %dot_general3A_1561 = arith.constant dense<0.000000e+00> : vector<128x256xf32>
    %dot_general3A_1562 = tpu.matmul %convert_element_type3A_1559, %slice3A_1560, %dot_general3A_1561 {dimension_numbers = #tpu.dot_dimension_numbers<[1], [0], [0], [1], [0, 0, 1, 1], [], []>, transpose_lhs_hint = false} : vector<128x128xbf16>, vector<128x256xbf16>, vector<128x256xf32> -> vector<128x256xf32>
    %add3A_1563 = arith.addf %add3A_1550, %dot_general3A_1562 : vector<128x256xf32>
    %get3A_1564 = arith.index_cast %rem3A_0 : i32 to index
    %get3A_1565 = arith.constant 39 : index
    %get3A_1566 = arith.constant 0 : index
    %get3A_1567 = arith.constant 0 : index
    %get3A_1568 = arith.constant 0 : index
    %get3A_1569 = vector.load %arg11[%get3A_1564, %get3A_1565, %get3A_1566, %get3A_1567, %get3A_1568] : memref<2x64x8x16x128xf32, #tpu.memory_space<vmem>>, vector<1x1x8x16x128xf32>
    %get3A_1570 = vector.shape_cast %get3A_1569 : vector<1x1x8x16x128xf32> to vector<8x16x128xf32>
    %reshape3A_1571 = vector.shape_cast %get3A_1570 : vector<8x16x128xf32> to vector<128x128xf32>
    %convert_element_type3A_1572 = arith.truncf %reshape3A_1571 : vector<128x128xf32> to vector<128x128xbf16>
    %slice3A_1573 = vector.extract_strided_slice %get3A_1035 {offsets = [4992, 0], sizes = [128, 256], strides = [1, 1]} : vector<8192x256xbf16> to vector<128x256xbf16>
    %dot_general3A_1574 = arith.constant dense<0.000000e+00> : vector<128x256xf32>
    %dot_general3A_1575 = tpu.matmul %convert_element_type3A_1572, %slice3A_1573, %dot_general3A_1574 {dimension_numbers = #tpu.dot_dimension_numbers<[1], [0], [0], [1], [0, 0, 1, 1], [], []>, transpose_lhs_hint = false} : vector<128x128xbf16>, vector<128x256xbf16>, vector<128x256xf32> -> vector<128x256xf32>
    %add3A_1576 = arith.addf %add3A_1563, %dot_general3A_1575 : vector<128x256xf32>
    %get3A_1577 = arith.index_cast %rem3A_0 : i32 to index
    %get3A_1578 = arith.constant 40 : index
    %get3A_1579 = arith.constant 0 : index
    %get3A_1580 = arith.constant 0 : index
    %get3A_1581 = arith.constant 0 : index
    %get3A_1582 = vector.load %arg11[%get3A_1577, %get3A_1578, %get3A_1579, %get3A_1580, %get3A_1581] : memref<2x64x8x16x128xf32, #tpu.memory_space<vmem>>, vector<1x1x8x16x128xf32>
    %get3A_1583 = vector.shape_cast %get3A_1582 : vector<1x1x8x16x128xf32> to vector<8x16x128xf32>
    %reshape3A_1584 = vector.shape_cast %get3A_1583 : vector<8x16x128xf32> to vector<128x128xf32>
    %convert_element_type3A_1585 = arith.truncf %reshape3A_1584 : vector<128x128xf32> to vector<128x128xbf16>
    %slice3A_1586 = vector.extract_strided_slice %get3A_1035 {offsets = [5120, 0], sizes = [128, 256], strides = [1, 1]} : vector<8192x256xbf16> to vector<128x256xbf16>
    %dot_general3A_1587 = arith.constant dense<0.000000e+00> : vector<128x256xf32>
    %dot_general3A_1588 = tpu.matmul %convert_element_type3A_1585, %slice3A_1586, %dot_general3A_1587 {dimension_numbers = #tpu.dot_dimension_numbers<[1], [0], [0], [1], [0, 0, 1, 1], [], []>, transpose_lhs_hint = false} : vector<128x128xbf16>, vector<128x256xbf16>, vector<128x256xf32> -> vector<128x256xf32>
    %add3A_1589 = arith.addf %add3A_1576, %dot_general3A_1588 : vector<128x256xf32>
    %get3A_1590 = arith.index_cast %rem3A_0 : i32 to index
    %get3A_1591 = arith.constant 41 : index
    %get3A_1592 = arith.constant 0 : index
    %get3A_1593 = arith.constant 0 : index
    %get3A_1594 = arith.constant 0 : index
    %get3A_1595 = vector.load %arg11[%get3A_1590, %get3A_1591, %get3A_1592, %get3A_1593, %get3A_1594] : memref<2x64x8x16x128xf32, #tpu.memory_space<vmem>>, vector<1x1x8x16x128xf32>
    %get3A_1596 = vector.shape_cast %get3A_1595 : vector<1x1x8x16x128xf32> to vector<8x16x128xf32>
    %reshape3A_1597 = vector.shape_cast %get3A_1596 : vector<8x16x128xf32> to vector<128x128xf32>
    %convert_element_type3A_1598 = arith.truncf %reshape3A_1597 : vector<128x128xf32> to vector<128x128xbf16>
    %slice3A_1599 = vector.extract_strided_slice %get3A_1035 {offsets = [5248, 0], sizes = [128, 256], strides = [1, 1]} : vector<8192x256xbf16> to vector<128x256xbf16>
    %dot_general3A_1600 = arith.constant dense<0.000000e+00> : vector<128x256xf32>
    %dot_general3A_1601 = tpu.matmul %convert_element_type3A_1598, %slice3A_1599, %dot_general3A_1600 {dimension_numbers = #tpu.dot_dimension_numbers<[1], [0], [0], [1], [0, 0, 1, 1], [], []>, transpose_lhs_hint = false} : vector<128x128xbf16>, vector<128x256xbf16>, vector<128x256xf32> -> vector<128x256xf32>
    %add3A_1602 = arith.addf %add3A_1589, %dot_general3A_1601 : vector<128x256xf32>
    %get3A_1603 = arith.index_cast %rem3A_0 : i32 to index
    %get3A_1604 = arith.constant 42 : index
    %get3A_1605 = arith.constant 0 : index
    %get3A_1606 = arith.constant 0 : index
    %get3A_1607 = arith.constant 0 : index
    %get3A_1608 = vector.load %arg11[%get3A_1603, %get3A_1604, %get3A_1605, %get3A_1606, %get3A_1607] : memref<2x64x8x16x128xf32, #tpu.memory_space<vmem>>, vector<1x1x8x16x128xf32>
    %get3A_1609 = vector.shape_cast %get3A_1608 : vector<1x1x8x16x128xf32> to vector<8x16x128xf32>
    %reshape3A_1610 = vector.shape_cast %get3A_1609 : vector<8x16x128xf32> to vector<128x128xf32>
    %convert_element_type3A_1611 = arith.truncf %reshape3A_1610 : vector<128x128xf32> to vector<128x128xbf16>
    %slice3A_1612 = vector.extract_strided_slice %get3A_1035 {offsets = [5376, 0], sizes = [128, 256], strides = [1, 1]} : vector<8192x256xbf16> to vector<128x256xbf16>
    %dot_general3A_1613 = arith.constant dense<0.000000e+00> : vector<128x256xf32>
    %dot_general3A_1614 = tpu.matmul %convert_element_type3A_1611, %slice3A_1612, %dot_general3A_1613 {dimension_numbers = #tpu.dot_dimension_numbers<[1], [0], [0], [1], [0, 0, 1, 1], [], []>, transpose_lhs_hint = false} : vector<128x128xbf16>, vector<128x256xbf16>, vector<128x256xf32> -> vector<128x256xf32>
    %add3A_1615 = arith.addf %add3A_1602, %dot_general3A_1614 : vector<128x256xf32>
    %get3A_1616 = arith.index_cast %rem3A_0 : i32 to index
    %get3A_1617 = arith.constant 43 : index
    %get3A_1618 = arith.constant 0 : index
    %get3A_1619 = arith.constant 0 : index
    %get3A_1620 = arith.constant 0 : index
    %get3A_1621 = vector.load %arg11[%get3A_1616, %get3A_1617, %get3A_1618, %get3A_1619, %get3A_1620] : memref<2x64x8x16x128xf32, #tpu.memory_space<vmem>>, vector<1x1x8x16x128xf32>
    %get3A_1622 = vector.shape_cast %get3A_1621 : vector<1x1x8x16x128xf32> to vector<8x16x128xf32>
    %reshape3A_1623 = vector.shape_cast %get3A_1622 : vector<8x16x128xf32> to vector<128x128xf32>
    %convert_element_type3A_1624 = arith.truncf %reshape3A_1623 : vector<128x128xf32> to vector<128x128xbf16>
    %slice3A_1625 = vector.extract_strided_slice %get3A_1035 {offsets = [5504, 0], sizes = [128, 256], strides = [1, 1]} : vector<8192x256xbf16> to vector<128x256xbf16>
    %dot_general3A_1626 = arith.constant dense<0.000000e+00> : vector<128x256xf32>
    %dot_general3A_1627 = tpu.matmul %convert_element_type3A_1624, %slice3A_1625, %dot_general3A_1626 {dimension_numbers = #tpu.dot_dimension_numbers<[1], [0], [0], [1], [0, 0, 1, 1], [], []>, transpose_lhs_hint = false} : vector<128x128xbf16>, vector<128x256xbf16>, vector<128x256xf32> -> vector<128x256xf32>
    %add3A_1628 = arith.addf %add3A_1615, %dot_general3A_1627 : vector<128x256xf32>
    %get3A_1629 = arith.index_cast %rem3A_0 : i32 to index
    %get3A_1630 = arith.constant 44 : index
    %get3A_1631 = arith.constant 0 : index
    %get3A_1632 = arith.constant 0 : index
    %get3A_1633 = arith.constant 0 : index
    %get3A_1634 = vector.load %arg11[%get3A_1629, %get3A_1630, %get3A_1631, %get3A_1632, %get3A_1633] : memref<2x64x8x16x128xf32, #tpu.memory_space<vmem>>, vector<1x1x8x16x128xf32>
    %get3A_1635 = vector.shape_cast %get3A_1634 : vector<1x1x8x16x128xf32> to vector<8x16x128xf32>
    %reshape3A_1636 = vector.shape_cast %get3A_1635 : vector<8x16x128xf32> to vector<128x128xf32>
    %convert_element_type3A_1637 = arith.truncf %reshape3A_1636 : vector<128x128xf32> to vector<128x128xbf16>
    %slice3A_1638 = vector.extract_strided_slice %get3A_1035 {offsets = [5632, 0], sizes = [128, 256], strides = [1, 1]} : vector<8192x256xbf16> to vector<128x256xbf16>
    %dot_general3A_1639 = arith.constant dense<0.000000e+00> : vector<128x256xf32>
    %dot_general3A_1640 = tpu.matmul %convert_element_type3A_1637, %slice3A_1638, %dot_general3A_1639 {dimension_numbers = #tpu.dot_dimension_numbers<[1], [0], [0], [1], [0, 0, 1, 1], [], []>, transpose_lhs_hint = false} : vector<128x128xbf16>, vector<128x256xbf16>, vector<128x256xf32> -> vector<128x256xf32>
    %add3A_1641 = arith.addf %add3A_1628, %dot_general3A_1640 : vector<128x256xf32>
    %get3A_1642 = arith.index_cast %rem3A_0 : i32 to index
    %get3A_1643 = arith.constant 45 : index
    %get3A_1644 = arith.constant 0 : index
    %get3A_1645 = arith.constant 0 : index
    %get3A_1646 = arith.constant 0 : index
    %get3A_1647 = vector.load %arg11[%get3A_1642, %get3A_1643, %get3A_1644, %get3A_1645, %get3A_1646] : memref<2x64x8x16x128xf32, #tpu.memory_space<vmem>>, vector<1x1x8x16x128xf32>
    %get3A_1648 = vector.shape_cast %get3A_1647 : vector<1x1x8x16x128xf32> to vector<8x16x128xf32>
    %reshape3A_1649 = vector.shape_cast %get3A_1648 : vector<8x16x128xf32> to vector<128x128xf32>
    %convert_element_type3A_1650 = arith.truncf %reshape3A_1649 : vector<128x128xf32> to vector<128x128xbf16>
    %slice3A_1651 = vector.extract_strided_slice %get3A_1035 {offsets = [5760, 0], sizes = [128, 256], strides = [1, 1]} : vector<8192x256xbf16> to vector<128x256xbf16>
    %dot_general3A_1652 = arith.constant dense<0.000000e+00> : vector<128x256xf32>
    %dot_general3A_1653 = tpu.matmul %convert_element_type3A_1650, %slice3A_1651, %dot_general3A_1652 {dimension_numbers = #tpu.dot_dimension_numbers<[1], [0], [0], [1], [0, 0, 1, 1], [], []>, transpose_lhs_hint = false} : vector<128x128xbf16>, vector<128x256xbf16>, vector<128x256xf32> -> vector<128x256xf32>
    %add3A_1654 = arith.addf %add3A_1641, %dot_general3A_1653 : vector<128x256xf32>
    %get3A_1655 = arith.index_cast %rem3A_0 : i32 to index
    %get3A_1656 = arith.constant 46 : index
    %get3A_1657 = arith.constant 0 : index
    %get3A_1658 = arith.constant 0 : index
    %get3A_1659 = arith.constant 0 : index
    %get3A_1660 = vector.load %arg11[%get3A_1655, %get3A_1656, %get3A_1657, %get3A_1658, %get3A_1659] : memref<2x64x8x16x128xf32, #tpu.memory_space<vmem>>, vector<1x1x8x16x128xf32>
    %get3A_1661 = vector.shape_cast %get3A_1660 : vector<1x1x8x16x128xf32> to vector<8x16x128xf32>
    %reshape3A_1662 = vector.shape_cast %get3A_1661 : vector<8x16x128xf32> to vector<128x128xf32>
    %convert_element_type3A_1663 = arith.truncf %reshape3A_1662 : vector<128x128xf32> to vector<128x128xbf16>
    %slice3A_1664 = vector.extract_strided_slice %get3A_1035 {offsets = [5888, 0], sizes = [128, 256], strides = [1, 1]} : vector<8192x256xbf16> to vector<128x256xbf16>
    %dot_general3A_1665 = arith.constant dense<0.000000e+00> : vector<128x256xf32>
    %dot_general3A_1666 = tpu.matmul %convert_element_type3A_1663, %slice3A_1664, %dot_general3A_1665 {dimension_numbers = #tpu.dot_dimension_numbers<[1], [0], [0], [1], [0, 0, 1, 1], [], []>, transpose_lhs_hint = false} : vector<128x128xbf16>, vector<128x256xbf16>, vector<128x256xf32> -> vector<128x256xf32>
    %add3A_1667 = arith.addf %add3A_1654, %dot_general3A_1666 : vector<128x256xf32>
    %get3A_1668 = arith.index_cast %rem3A_0 : i32 to index
    %get3A_1669 = arith.constant 47 : index
    %get3A_1670 = arith.constant 0 : index
    %get3A_1671 = arith.constant 0 : index
    %get3A_1672 = arith.constant 0 : index
    %get3A_1673 = vector.load %arg11[%get3A_1668, %get3A_1669, %get3A_1670, %get3A_1671, %get3A_1672] : memref<2x64x8x16x128xf32, #tpu.memory_space<vmem>>, vector<1x1x8x16x128xf32>
    %get3A_1674 = vector.shape_cast %get3A_1673 : vector<1x1x8x16x128xf32> to vector<8x16x128xf32>
    %reshape3A_1675 = vector.shape_cast %get3A_1674 : vector<8x16x128xf32> to vector<128x128xf32>
    %convert_element_type3A_1676 = arith.truncf %reshape3A_1675 : vector<128x128xf32> to vector<128x128xbf16>
    %slice3A_1677 = vector.extract_strided_slice %get3A_1035 {offsets = [6016, 0], sizes = [128, 256], strides = [1, 1]} : vector<8192x256xbf16> to vector<128x256xbf16>
    %dot_general3A_1678 = arith.constant dense<0.000000e+00> : vector<128x256xf32>
    %dot_general3A_1679 = tpu.matmul %convert_element_type3A_1676, %slice3A_1677, %dot_general3A_1678 {dimension_numbers = #tpu.dot_dimension_numbers<[1], [0], [0], [1], [0, 0, 1, 1], [], []>, transpose_lhs_hint = false} : vector<128x128xbf16>, vector<128x256xbf16>, vector<128x256xf32> -> vector<128x256xf32>
    %add3A_1680 = arith.addf %add3A_1667, %dot_general3A_1679 : vector<128x256xf32>
    %get3A_1681 = arith.index_cast %rem3A_0 : i32 to index
    %get3A_1682 = arith.constant 48 : index
    %get3A_1683 = arith.constant 0 : index
    %get3A_1684 = arith.constant 0 : index
    %get3A_1685 = arith.constant 0 : index
    %get3A_1686 = vector.load %arg11[%get3A_1681, %get3A_1682, %get3A_1683, %get3A_1684, %get3A_1685] : memref<2x64x8x16x128xf32, #tpu.memory_space<vmem>>, vector<1x1x8x16x128xf32>
    %get3A_1687 = vector.shape_cast %get3A_1686 : vector<1x1x8x16x128xf32> to vector<8x16x128xf32>
    %reshape3A_1688 = vector.shape_cast %get3A_1687 : vector<8x16x128xf32> to vector<128x128xf32>
    %convert_element_type3A_1689 = arith.truncf %reshape3A_1688 : vector<128x128xf32> to vector<128x128xbf16>
    %slice3A_1690 = vector.extract_strided_slice %get3A_1035 {offsets = [6144, 0], sizes = [128, 256], strides = [1, 1]} : vector<8192x256xbf16> to vector<128x256xbf16>
    %dot_general3A_1691 = arith.constant dense<0.000000e+00> : vector<128x256xf32>
    %dot_general3A_1692 = tpu.matmul %convert_element_type3A_1689, %slice3A_1690, %dot_general3A_1691 {dimension_numbers = #tpu.dot_dimension_numbers<[1], [0], [0], [1], [0, 0, 1, 1], [], []>, transpose_lhs_hint = false} : vector<128x128xbf16>, vector<128x256xbf16>, vector<128x256xf32> -> vector<128x256xf32>
    %add3A_1693 = arith.addf %add3A_1680, %dot_general3A_1692 : vector<128x256xf32>
    %get3A_1694 = arith.index_cast %rem3A_0 : i32 to index
    %get3A_1695 = arith.constant 49 : index
    %get3A_1696 = arith.constant 0 : index
    %get3A_1697 = arith.constant 0 : index
    %get3A_1698 = arith.constant 0 : index
    %get3A_1699 = vector.load %arg11[%get3A_1694, %get3A_1695, %get3A_1696, %get3A_1697, %get3A_1698] : memref<2x64x8x16x128xf32, #tpu.memory_space<vmem>>, vector<1x1x8x16x128xf32>
    %get3A_1700 = vector.shape_cast %get3A_1699 : vector<1x1x8x16x128xf32> to vector<8x16x128xf32>
    %reshape3A_1701 = vector.shape_cast %get3A_1700 : vector<8x16x128xf32> to vector<128x128xf32>
    %convert_element_type3A_1702 = arith.truncf %reshape3A_1701 : vector<128x128xf32> to vector<128x128xbf16>
    %slice3A_1703 = vector.extract_strided_slice %get3A_1035 {offsets = [6272, 0], sizes = [128, 256], strides = [1, 1]} : vector<8192x256xbf16> to vector<128x256xbf16>
    %dot_general3A_1704 = arith.constant dense<0.000000e+00> : vector<128x256xf32>
    %dot_general3A_1705 = tpu.matmul %convert_element_type3A_1702, %slice3A_1703, %dot_general3A_1704 {dimension_numbers = #tpu.dot_dimension_numbers<[1], [0], [0], [1], [0, 0, 1, 1], [], []>, transpose_lhs_hint = false} : vector<128x128xbf16>, vector<128x256xbf16>, vector<128x256xf32> -> vector<128x256xf32>
    %add3A_1706 = arith.addf %add3A_1693, %dot_general3A_1705 : vector<128x256xf32>
    %get3A_1707 = arith.index_cast %rem3A_0 : i32 to index
    %get3A_1708 = arith.constant 50 : index
    %get3A_1709 = arith.constant 0 : index
    %get3A_1710 = arith.constant 0 : index
    %get3A_1711 = arith.constant 0 : index
    %get3A_1712 = vector.load %arg11[%get3A_1707, %get3A_1708, %get3A_1709, %get3A_1710, %get3A_1711] : memref<2x64x8x16x128xf32, #tpu.memory_space<vmem>>, vector<1x1x8x16x128xf32>
    %get3A_1713 = vector.shape_cast %get3A_1712 : vector<1x1x8x16x128xf32> to vector<8x16x128xf32>
    %reshape3A_1714 = vector.shape_cast %get3A_1713 : vector<8x16x128xf32> to vector<128x128xf32>
    %convert_element_type3A_1715 = arith.truncf %reshape3A_1714 : vector<128x128xf32> to vector<128x128xbf16>
    %slice3A_1716 = vector.extract_strided_slice %get3A_1035 {offsets = [6400, 0], sizes = [128, 256], strides = [1, 1]} : vector<8192x256xbf16> to vector<128x256xbf16>
    %dot_general3A_1717 = arith.constant dense<0.000000e+00> : vector<128x256xf32>
    %dot_general3A_1718 = tpu.matmul %convert_element_type3A_1715, %slice3A_1716, %dot_general3A_1717 {dimension_numbers = #tpu.dot_dimension_numbers<[1], [0], [0], [1], [0, 0, 1, 1], [], []>, transpose_lhs_hint = false} : vector<128x128xbf16>, vector<128x256xbf16>, vector<128x256xf32> -> vector<128x256xf32>
    %add3A_1719 = arith.addf %add3A_1706, %dot_general3A_1718 : vector<128x256xf32>
    %get3A_1720 = arith.index_cast %rem3A_0 : i32 to index
    %get3A_1721 = arith.constant 51 : index
    %get3A_1722 = arith.constant 0 : index
    %get3A_1723 = arith.constant 0 : index
    %get3A_1724 = arith.constant 0 : index
    %get3A_1725 = vector.load %arg11[%get3A_1720, %get3A_1721, %get3A_1722, %get3A_1723, %get3A_1724] : memref<2x64x8x16x128xf32, #tpu.memory_space<vmem>>, vector<1x1x8x16x128xf32>
    %get3A_1726 = vector.shape_cast %get3A_1725 : vector<1x1x8x16x128xf32> to vector<8x16x128xf32>
    %reshape3A_1727 = vector.shape_cast %get3A_1726 : vector<8x16x128xf32> to vector<128x128xf32>
    %convert_element_type3A_1728 = arith.truncf %reshape3A_1727 : vector<128x128xf32> to vector<128x128xbf16>
    %slice3A_1729 = vector.extract_strided_slice %get3A_1035 {offsets = [6528, 0], sizes = [128, 256], strides = [1, 1]} : vector<8192x256xbf16> to vector<128x256xbf16>
    %dot_general3A_1730 = arith.constant dense<0.000000e+00> : vector<128x256xf32>
    %dot_general3A_1731 = tpu.matmul %convert_element_type3A_1728, %slice3A_1729, %dot_general3A_1730 {dimension_numbers = #tpu.dot_dimension_numbers<[1], [0], [0], [1], [0, 0, 1, 1], [], []>, transpose_lhs_hint = false} : vector<128x128xbf16>, vector<128x256xbf16>, vector<128x256xf32> -> vector<128x256xf32>
    %add3A_1732 = arith.addf %add3A_1719, %dot_general3A_1731 : vector<128x256xf32>
    %get3A_1733 = arith.index_cast %rem3A_0 : i32 to index
    %get3A_1734 = arith.constant 52 : index
    %get3A_1735 = arith.constant 0 : index
    %get3A_1736 = arith.constant 0 : index
    %get3A_1737 = arith.constant 0 : index
    %get3A_1738 = vector.load %arg11[%get3A_1733, %get3A_1734, %get3A_1735, %get3A_1736, %get3A_1737] : memref<2x64x8x16x128xf32, #tpu.memory_space<vmem>>, vector<1x1x8x16x128xf32>
    %get3A_1739 = vector.shape_cast %get3A_1738 : vector<1x1x8x16x128xf32> to vector<8x16x128xf32>
    %reshape3A_1740 = vector.shape_cast %get3A_1739 : vector<8x16x128xf32> to vector<128x128xf32>
    %convert_element_type3A_1741 = arith.truncf %reshape3A_1740 : vector<128x128xf32> to vector<128x128xbf16>
    %slice3A_1742 = vector.extract_strided_slice %get3A_1035 {offsets = [6656, 0], sizes = [128, 256], strides = [1, 1]} : vector<8192x256xbf16> to vector<128x256xbf16>
    %dot_general3A_1743 = arith.constant dense<0.000000e+00> : vector<128x256xf32>
    %dot_general3A_1744 = tpu.matmul %convert_element_type3A_1741, %slice3A_1742, %dot_general3A_1743 {dimension_numbers = #tpu.dot_dimension_numbers<[1], [0], [0], [1], [0, 0, 1, 1], [], []>, transpose_lhs_hint = false} : vector<128x128xbf16>, vector<128x256xbf16>, vector<128x256xf32> -> vector<128x256xf32>
    %add3A_1745 = arith.addf %add3A_1732, %dot_general3A_1744 : vector<128x256xf32>
    %get3A_1746 = arith.index_cast %rem3A_0 : i32 to index
    %get3A_1747 = arith.constant 53 : index
    %get3A_1748 = arith.constant 0 : index
    %get3A_1749 = arith.constant 0 : index
    %get3A_1750 = arith.constant 0 : index
    %get3A_1751 = vector.load %arg11[%get3A_1746, %get3A_1747, %get3A_1748, %get3A_1749, %get3A_1750] : memref<2x64x8x16x128xf32, #tpu.memory_space<vmem>>, vector<1x1x8x16x128xf32>
    %get3A_1752 = vector.shape_cast %get3A_1751 : vector<1x1x8x16x128xf32> to vector<8x16x128xf32>
    %reshape3A_1753 = vector.shape_cast %get3A_1752 : vector<8x16x128xf32> to vector<128x128xf32>
    %convert_element_type3A_1754 = arith.truncf %reshape3A_1753 : vector<128x128xf32> to vector<128x128xbf16>
    %slice3A_1755 = vector.extract_strided_slice %get3A_1035 {offsets = [6784, 0], sizes = [128, 256], strides = [1, 1]} : vector<8192x256xbf16> to vector<128x256xbf16>
    %dot_general3A_1756 = arith.constant dense<0.000000e+00> : vector<128x256xf32>
    %dot_general3A_1757 = tpu.matmul %convert_element_type3A_1754, %slice3A_1755, %dot_general3A_1756 {dimension_numbers = #tpu.dot_dimension_numbers<[1], [0], [0], [1], [0, 0, 1, 1], [], []>, transpose_lhs_hint = false} : vector<128x128xbf16>, vector<128x256xbf16>, vector<128x256xf32> -> vector<128x256xf32>
    %add3A_1758 = arith.addf %add3A_1745, %dot_general3A_1757 : vector<128x256xf32>
    %get3A_1759 = arith.index_cast %rem3A_0 : i32 to index
    %get3A_1760 = arith.constant 54 : index
    %get3A_1761 = arith.constant 0 : index
    %get3A_1762 = arith.constant 0 : index
    %get3A_1763 = arith.constant 0 : index
    %get3A_1764 = vector.load %arg11[%get3A_1759, %get3A_1760, %get3A_1761, %get3A_1762, %get3A_1763] : memref<2x64x8x16x128xf32, #tpu.memory_space<vmem>>, vector<1x1x8x16x128xf32>
    %get3A_1765 = vector.shape_cast %get3A_1764 : vector<1x1x8x16x128xf32> to vector<8x16x128xf32>
    %reshape3A_1766 = vector.shape_cast %get3A_1765 : vector<8x16x128xf32> to vector<128x128xf32>
    %convert_element_type3A_1767 = arith.truncf %reshape3A_1766 : vector<128x128xf32> to vector<128x128xbf16>
    %slice3A_1768 = vector.extract_strided_slice %get3A_1035 {offsets = [6912, 0], sizes = [128, 256], strides = [1, 1]} : vector<8192x256xbf16> to vector<128x256xbf16>
    %dot_general3A_1769 = arith.constant dense<0.000000e+00> : vector<128x256xf32>
    %dot_general3A_1770 = tpu.matmul %convert_element_type3A_1767, %slice3A_1768, %dot_general3A_1769 {dimension_numbers = #tpu.dot_dimension_numbers<[1], [0], [0], [1], [0, 0, 1, 1], [], []>, transpose_lhs_hint = false} : vector<128x128xbf16>, vector<128x256xbf16>, vector<128x256xf32> -> vector<128x256xf32>
    %add3A_1771 = arith.addf %add3A_1758, %dot_general3A_1770 : vector<128x256xf32>
    %get3A_1772 = arith.index_cast %rem3A_0 : i32 to index
    %get3A_1773 = arith.constant 55 : index
    %get3A_1774 = arith.constant 0 : index
    %get3A_1775 = arith.constant 0 : index
    %get3A_1776 = arith.constant 0 : index
    %get3A_1777 = vector.load %arg11[%get3A_1772, %get3A_1773, %get3A_1774, %get3A_1775, %get3A_1776] : memref<2x64x8x16x128xf32, #tpu.memory_space<vmem>>, vector<1x1x8x16x128xf32>
    %get3A_1778 = vector.shape_cast %get3A_1777 : vector<1x1x8x16x128xf32> to vector<8x16x128xf32>
    %reshape3A_1779 = vector.shape_cast %get3A_1778 : vector<8x16x128xf32> to vector<128x128xf32>
    %convert_element_type3A_1780 = arith.truncf %reshape3A_1779 : vector<128x128xf32> to vector<128x128xbf16>
    %slice3A_1781 = vector.extract_strided_slice %get3A_1035 {offsets = [7040, 0], sizes = [128, 256], strides = [1, 1]} : vector<8192x256xbf16> to vector<128x256xbf16>
    %dot_general3A_1782 = arith.constant dense<0.000000e+00> : vector<128x256xf32>
    %dot_general3A_1783 = tpu.matmul %convert_element_type3A_1780, %slice3A_1781, %dot_general3A_1782 {dimension_numbers = #tpu.dot_dimension_numbers<[1], [0], [0], [1], [0, 0, 1, 1], [], []>, transpose_lhs_hint = false} : vector<128x128xbf16>, vector<128x256xbf16>, vector<128x256xf32> -> vector<128x256xf32>
    %add3A_1784 = arith.addf %add3A_1771, %dot_general3A_1783 : vector<128x256xf32>
    %get3A_1785 = arith.index_cast %rem3A_0 : i32 to index
    %get3A_1786 = arith.constant 56 : index
    %get3A_1787 = arith.constant 0 : index
    %get3A_1788 = arith.constant 0 : index
    %get3A_1789 = arith.constant 0 : index
    %get3A_1790 = vector.load %arg11[%get3A_1785, %get3A_1786, %get3A_1787, %get3A_1788, %get3A_1789] : memref<2x64x8x16x128xf32, #tpu.memory_space<vmem>>, vector<1x1x8x16x128xf32>
    %get3A_1791 = vector.shape_cast %get3A_1790 : vector<1x1x8x16x128xf32> to vector<8x16x128xf32>
    %reshape3A_1792 = vector.shape_cast %get3A_1791 : vector<8x16x128xf32> to vector<128x128xf32>
    %convert_element_type3A_1793 = arith.truncf %reshape3A_1792 : vector<128x128xf32> to vector<128x128xbf16>
    %slice3A_1794 = vector.extract_strided_slice %get3A_1035 {offsets = [7168, 0], sizes = [128, 256], strides = [1, 1]} : vector<8192x256xbf16> to vector<128x256xbf16>
    %dot_general3A_1795 = arith.constant dense<0.000000e+00> : vector<128x256xf32>
    %dot_general3A_1796 = tpu.matmul %convert_element_type3A_1793, %slice3A_1794, %dot_general3A_1795 {dimension_numbers = #tpu.dot_dimension_numbers<[1], [0], [0], [1], [0, 0, 1, 1], [], []>, transpose_lhs_hint = false} : vector<128x128xbf16>, vector<128x256xbf16>, vector<128x256xf32> -> vector<128x256xf32>
    %add3A_1797 = arith.addf %add3A_1784, %dot_general3A_1796 : vector<128x256xf32>
    %get3A_1798 = arith.index_cast %rem3A_0 : i32 to index
    %get3A_1799 = arith.constant 57 : index
    %get3A_1800 = arith.constant 0 : index
    %get3A_1801 = arith.constant 0 : index
    %get3A_1802 = arith.constant 0 : index
    %get3A_1803 = vector.load %arg11[%get3A_1798, %get3A_1799, %get3A_1800, %get3A_1801, %get3A_1802] : memref<2x64x8x16x128xf32, #tpu.memory_space<vmem>>, vector<1x1x8x16x128xf32>
    %get3A_1804 = vector.shape_cast %get3A_1803 : vector<1x1x8x16x128xf32> to vector<8x16x128xf32>
    %reshape3A_1805 = vector.shape_cast %get3A_1804 : vector<8x16x128xf32> to vector<128x128xf32>
    %convert_element_type3A_1806 = arith.truncf %reshape3A_1805 : vector<128x128xf32> to vector<128x128xbf16>
    %slice3A_1807 = vector.extract_strided_slice %get3A_1035 {offsets = [7296, 0], sizes = [128, 256], strides = [1, 1]} : vector<8192x256xbf16> to vector<128x256xbf16>
    %dot_general3A_1808 = arith.constant dense<0.000000e+00> : vector<128x256xf32>
    %dot_general3A_1809 = tpu.matmul %convert_element_type3A_1806, %slice3A_1807, %dot_general3A_1808 {dimension_numbers = #tpu.dot_dimension_numbers<[1], [0], [0], [1], [0, 0, 1, 1], [], []>, transpose_lhs_hint = false} : vector<128x128xbf16>, vector<128x256xbf16>, vector<128x256xf32> -> vector<128x256xf32>
    %add3A_1810 = arith.addf %add3A_1797, %dot_general3A_1809 : vector<128x256xf32>
    %get3A_1811 = arith.index_cast %rem3A_0 : i32 to index
    %get3A_1812 = arith.constant 58 : index
    %get3A_1813 = arith.constant 0 : index
    %get3A_1814 = arith.constant 0 : index
    %get3A_1815 = arith.constant 0 : index
    %get3A_1816 = vector.load %arg11[%get3A_1811, %get3A_1812, %get3A_1813, %get3A_1814, %get3A_1815] : memref<2x64x8x16x128xf32, #tpu.memory_space<vmem>>, vector<1x1x8x16x128xf32>
    %get3A_1817 = vector.shape_cast %get3A_1816 : vector<1x1x8x16x128xf32> to vector<8x16x128xf32>
    %reshape3A_1818 = vector.shape_cast %get3A_1817 : vector<8x16x128xf32> to vector<128x128xf32>
    %convert_element_type3A_1819 = arith.truncf %reshape3A_1818 : vector<128x128xf32> to vector<128x128xbf16>
    %slice3A_1820 = vector.extract_strided_slice %get3A_1035 {offsets = [7424, 0], sizes = [128, 256], strides = [1, 1]} : vector<8192x256xbf16> to vector<128x256xbf16>
    %dot_general3A_1821 = arith.constant dense<0.000000e+00> : vector<128x256xf32>
    %dot_general3A_1822 = tpu.matmul %convert_element_type3A_1819, %slice3A_1820, %dot_general3A_1821 {dimension_numbers = #tpu.dot_dimension_numbers<[1], [0], [0], [1], [0, 0, 1, 1], [], []>, transpose_lhs_hint = false} : vector<128x128xbf16>, vector<128x256xbf16>, vector<128x256xf32> -> vector<128x256xf32>
    %add3A_1823 = arith.addf %add3A_1810, %dot_general3A_1822 : vector<128x256xf32>
    %get3A_1824 = arith.index_cast %rem3A_0 : i32 to index
    %get3A_1825 = arith.constant 59 : index
    %get3A_1826 = arith.constant 0 : index
    %get3A_1827 = arith.constant 0 : index
    %get3A_1828 = arith.constant 0 : index
    %get3A_1829 = vector.load %arg11[%get3A_1824, %get3A_1825, %get3A_1826, %get3A_1827, %get3A_1828] : memref<2x64x8x16x128xf32, #tpu.memory_space<vmem>>, vector<1x1x8x16x128xf32>
    %get3A_1830 = vector.shape_cast %get3A_1829 : vector<1x1x8x16x128xf32> to vector<8x16x128xf32>
    %reshape3A_1831 = vector.shape_cast %get3A_1830 : vector<8x16x128xf32> to vector<128x128xf32>
    %convert_element_type3A_1832 = arith.truncf %reshape3A_1831 : vector<128x128xf32> to vector<128x128xbf16>
    %slice3A_1833 = vector.extract_strided_slice %get3A_1035 {offsets = [7552, 0], sizes = [128, 256], strides = [1, 1]} : vector<8192x256xbf16> to vector<128x256xbf16>
    %dot_general3A_1834 = arith.constant dense<0.000000e+00> : vector<128x256xf32>
    %dot_general3A_1835 = tpu.matmul %convert_element_type3A_1832, %slice3A_1833, %dot_general3A_1834 {dimension_numbers = #tpu.dot_dimension_numbers<[1], [0], [0], [1], [0, 0, 1, 1], [], []>, transpose_lhs_hint = false} : vector<128x128xbf16>, vector<128x256xbf16>, vector<128x256xf32> -> vector<128x256xf32>
    %add3A_1836 = arith.addf %add3A_1823, %dot_general3A_1835 : vector<128x256xf32>
    %get3A_1837 = arith.index_cast %rem3A_0 : i32 to index
    %get3A_1838 = arith.constant 60 : index
    %get3A_1839 = arith.constant 0 : index
    %get3A_1840 = arith.constant 0 : index
    %get3A_1841 = arith.constant 0 : index
    %get3A_1842 = vector.load %arg11[%get3A_1837, %get3A_1838, %get3A_1839, %get3A_1840, %get3A_1841] : memref<2x64x8x16x128xf32, #tpu.memory_space<vmem>>, vector<1x1x8x16x128xf32>
    %get3A_1843 = vector.shape_cast %get3A_1842 : vector<1x1x8x16x128xf32> to vector<8x16x128xf32>
    %reshape3A_1844 = vector.shape_cast %get3A_1843 : vector<8x16x128xf32> to vector<128x128xf32>
    %convert_element_type3A_1845 = arith.truncf %reshape3A_1844 : vector<128x128xf32> to vector<128x128xbf16>
    %slice3A_1846 = vector.extract_strided_slice %get3A_1035 {offsets = [7680, 0], sizes = [128, 256], strides = [1, 1]} : vector<8192x256xbf16> to vector<128x256xbf16>
    %dot_general3A_1847 = arith.constant dense<0.000000e+00> : vector<128x256xf32>
    %dot_general3A_1848 = tpu.matmul %convert_element_type3A_1845, %slice3A_1846, %dot_general3A_1847 {dimension_numbers = #tpu.dot_dimension_numbers<[1], [0], [0], [1], [0, 0, 1, 1], [], []>, transpose_lhs_hint = false} : vector<128x128xbf16>, vector<128x256xbf16>, vector<128x256xf32> -> vector<128x256xf32>
    %add3A_1849 = arith.addf %add3A_1836, %dot_general3A_1848 : vector<128x256xf32>
    %get3A_1850 = arith.index_cast %rem3A_0 : i32 to index
    %get3A_1851 = arith.constant 61 : index
    %get3A_1852 = arith.constant 0 : index
    %get3A_1853 = arith.constant 0 : index
    %get3A_1854 = arith.constant 0 : index
    %get3A_1855 = vector.load %arg11[%get3A_1850, %get3A_1851, %get3A_1852, %get3A_1853, %get3A_1854] : memref<2x64x8x16x128xf32, #tpu.memory_space<vmem>>, vector<1x1x8x16x128xf32>
    %get3A_1856 = vector.shape_cast %get3A_1855 : vector<1x1x8x16x128xf32> to vector<8x16x128xf32>
    %reshape3A_1857 = vector.shape_cast %get3A_1856 : vector<8x16x128xf32> to vector<128x128xf32>
    %convert_element_type3A_1858 = arith.truncf %reshape3A_1857 : vector<128x128xf32> to vector<128x128xbf16>
    %slice3A_1859 = vector.extract_strided_slice %get3A_1035 {offsets = [7808, 0], sizes = [128, 256], strides = [1, 1]} : vector<8192x256xbf16> to vector<128x256xbf16>
    %dot_general3A_1860 = arith.constant dense<0.000000e+00> : vector<128x256xf32>
    %dot_general3A_1861 = tpu.matmul %convert_element_type3A_1858, %slice3A_1859, %dot_general3A_1860 {dimension_numbers = #tpu.dot_dimension_numbers<[1], [0], [0], [1], [0, 0, 1, 1], [], []>, transpose_lhs_hint = false} : vector<128x128xbf16>, vector<128x256xbf16>, vector<128x256xf32> -> vector<128x256xf32>
    %add3A_1862 = arith.addf %add3A_1849, %dot_general3A_1861 : vector<128x256xf32>
    %get3A_1863 = arith.index_cast %rem3A_0 : i32 to index
    %get3A_1864 = arith.constant 62 : index
    %get3A_1865 = arith.constant 0 : index
    %get3A_1866 = arith.constant 0 : index
    %get3A_1867 = arith.constant 0 : index
    %get3A_1868 = vector.load %arg11[%get3A_1863, %get3A_1864, %get3A_1865, %get3A_1866, %get3A_1867] : memref<2x64x8x16x128xf32, #tpu.memory_space<vmem>>, vector<1x1x8x16x128xf32>
    %get3A_1869 = vector.shape_cast %get3A_1868 : vector<1x1x8x16x128xf32> to vector<8x16x128xf32>
    %reshape3A_1870 = vector.shape_cast %get3A_1869 : vector<8x16x128xf32> to vector<128x128xf32>
    %convert_element_type3A_1871 = arith.truncf %reshape3A_1870 : vector<128x128xf32> to vector<128x128xbf16>
    %slice3A_1872 = vector.extract_strided_slice %get3A_1035 {offsets = [7936, 0], sizes = [128, 256], strides = [1, 1]} : vector<8192x256xbf16> to vector<128x256xbf16>
    %dot_general3A_1873 = arith.constant dense<0.000000e+00> : vector<128x256xf32>
    %dot_general3A_1874 = tpu.matmul %convert_element_type3A_1871, %slice3A_1872, %dot_general3A_1873 {dimension_numbers = #tpu.dot_dimension_numbers<[1], [0], [0], [1], [0, 0, 1, 1], [], []>, transpose_lhs_hint = false} : vector<128x128xbf16>, vector<128x256xbf16>, vector<128x256xf32> -> vector<128x256xf32>
    %add3A_1875 = arith.addf %add3A_1862, %dot_general3A_1874 : vector<128x256xf32>
    %get3A_1876 = arith.index_cast %rem3A_0 : i32 to index
    %get3A_1877 = arith.constant 63 : index
    %get3A_1878 = arith.constant 0 : index
    %get3A_1879 = arith.constant 0 : index
    %get3A_1880 = arith.constant 0 : index
    %get3A_1881 = vector.load %arg11[%get3A_1876, %get3A_1877, %get3A_1878, %get3A_1879, %get3A_1880] : memref<2x64x8x16x128xf32, #tpu.memory_space<vmem>>, vector<1x1x8x16x128xf32>
    %get3A_1882 = vector.shape_cast %get3A_1881 : vector<1x1x8x16x128xf32> to vector<8x16x128xf32>
    %reshape3A_1883 = vector.shape_cast %get3A_1882 : vector<8x16x128xf32> to vector<128x128xf32>
    %convert_element_type3A_1884 = arith.truncf %reshape3A_1883 : vector<128x128xf32> to vector<128x128xbf16>
    %slice3A_1885 = vector.extract_strided_slice %get3A_1035 {offsets = [8064, 0], sizes = [128, 256], strides = [1, 1]} : vector<8192x256xbf16> to vector<128x256xbf16>
    %dot_general3A_1886 = arith.constant dense<0.000000e+00> : vector<128x256xf32>
    %dot_general3A_1887 = tpu.matmul %convert_element_type3A_1884, %slice3A_1885, %dot_general3A_1886 {dimension_numbers = #tpu.dot_dimension_numbers<[1], [0], [0], [1], [0, 0, 1, 1], [], []>, transpose_lhs_hint = false} : vector<128x128xbf16>, vector<128x256xbf16>, vector<128x256xf32> -> vector<128x256xf32>
    %add3A_1888 = arith.addf %add3A_1875, %dot_general3A_1887 : vector<128x256xf32>
    %reshape3A_1889 = vector.shape_cast %add3A_1888 : vector<128x256xf32> to vector<8x16x64x4xf32>
    %transpose3A_1890 = tpu.transpose %reshape3A_1889, [0, 2, 1, 3] : vector<8x16x64x4xf32> -> vector<8x64x16x4xf32>
    %reshape3A_1891 = vector.shape_cast %transpose3A_1890 : vector<8x64x16x4xf32> to vector<512x64xf32>
    %convert_element_type3A_1892 = arith.truncf %reshape3A_1891 : vector<512x64xf32> to vector<512x64xbf16>
    %dot_general3A_1893 = arith.constant dense<0.000000e+00> : vector<512x64xf32>
    %dot_general3A_1894 = tpu.matmul %convert_element_type3A_1892, %get3A_1044, %dot_general3A_1893 {dimension_numbers = #tpu.dot_dimension_numbers<[1], [1], [0], [0], [0, 0, 1, 0], [], []>, transpose_lhs_hint = false} : vector<512x64xbf16>, vector<64x64xbf16>, vector<512x64xf32> -> vector<512x64xf32>
    %mul3A_1895 = arith.mulf %reshape3A_1891, %reshape3A_1891 : vector<512x64xf32>
    %reduce_sum3A_1896 = arith.constant dense<0.000000e+00> : vector<512xf32>
    %reduce_sum3A_1897 = vector.multi_reduction <add>, %mul3A_1895, %reduce_sum3A_1896 [1] : vector<512x64xf32> to vector<512xf32>
    %broadcast_in_dim3A_1898 = vector.shape_cast %reduce_sum3A_1897 : vector<512xf32> to vector<512x1xf32>
    %add3A_1899 = vector.broadcast %broadcast_in_dim3A_1898 : vector<512x1xf32> to vector<512x64xf32>
    %add3A_1900 = vector.broadcast %transpose3A : vector<1x64xf32> to vector<512x64xf32>
    %add3A_1901 = arith.addf %add3A_1899, %add3A_1900 : vector<512x64xf32>
    %mul3A_1902 = arith.constant 2.000000e+00 : f32
    %mul3A_1903 = vector.broadcast %mul3A_1902 : f32 to vector<512x64xf32>
    %mul3A_1904 = arith.mulf %mul3A_1903, %dot_general3A_1894 : vector<512x64xf32>
    %sub3A = arith.subf %add3A_1901, %mul3A_1904 : vector<512x64xf32>
    %max3A = arith.constant 0.000000e+00 : f32
    %max3A_1905 = vector.broadcast %max3A : f32 to vector<512x64xf32>
    %max3A_1906 = arith.maximumf %sub3A, %max3A_1905 : vector<512x64xf32>
    %argmin3A = tpu.reduce_index %max3A_1906 {axis = 1 : i32, kind = #tpu.reduction_kind<arg_min>} : vector<512x64xf32> -> vector<512xi32>
    %broadcast_in_dim3A_1907 = vector.shape_cast %argmin3A : vector<512xi32> to vector<512x1xi32>
    %iota3A = tpu.iota {dimensions = array<i32: 1>} : vector<512x64xi32>
    %eq3A_1908 = vector.broadcast %broadcast_in_dim3A_1907 : vector<512x1xi32> to vector<512x64xi32>
    %eq3A_1909 = arith.cmpi eq, %iota3A, %eq3A_1908 : vector<512x64xi32>
    %convert_element_type3A_1910 = arith.extui %eq3A_1909 : vector<512x64xi1> to vector<512x64xi32>
    %convert_element_type3A_1911 = arith.sitofp %convert_element_type3A_1910 : vector<512x64xi32> to vector<512x64xf32>
    %dot_general3A_1912 = arith.constant dense<0.000000e+00> : vector<512x64xf32>
    %dot_general3A_1913 = tpu.matmul %convert_element_type3A_1911, %get3A_1041, %dot_general3A_1912 {dimension_numbers = #tpu.dot_dimension_numbers<[1], [0], [0], [1], [0, 0, 1, 1], [], []>, transpose_lhs_hint = false} : vector<512x64xf32>, vector<64x64xf32>, vector<512x64xf32> -> vector<512x64xf32>
    %sub3A_1914 = arith.subf %reshape3A_1891, %dot_general3A_1913 : vector<512x64xf32>
    %reshape3A_1915 = vector.shape_cast %sub3A_1914 : vector<512x64xf32> to vector<8x64x64xf32>
    %transpose3A_1916 = tpu.transpose %reshape3A_1915, [0, 2, 1] : vector<8x64x64xf32> -> vector<8x64x64xf32>
    %reshape3A_1917 = vector.shape_cast %transpose3A_1916 : vector<8x64x64xf32> to vector<512x64xf32>
    %convert_element_type3A_1918 = arith.truncf %reshape3A_1917 : vector<512x64xf32> to vector<512x64xbf16>
    %dot_general3A_1919 = arith.constant dense<0.000000e+00> : vector<512x64xf32>
    %dot_general3A_1920 = tpu.matmul %convert_element_type3A_1918, %get3A_1047, %dot_general3A_1919 {dimension_numbers = #tpu.dot_dimension_numbers<[1], [1], [0], [0], [0, 0, 1, 0], [], []>, transpose_lhs_hint = false} : vector<512x64xbf16>, vector<64x64xbf16>, vector<512x64xf32> -> vector<512x64xf32>
    %add3A_1921 = vector.broadcast %get3A_1050 : vector<1x64xf32> to vector<512x64xf32>
    %add3A_1922 = arith.addf %dot_general3A_1920, %add3A_1921 : vector<512x64xf32>
    %max3A_1923 = arith.constant 0.000000e+00 : f32
    %max3A_1924 = vector.broadcast %max3A_1923 : f32 to vector<512x64xf32>
    %max3A_1925 = arith.maximumf %add3A_1922, %max3A_1924 : vector<512x64xf32>
    %convert_element_type3A_1926 = arith.truncf %max3A_1925 : vector<512x64xf32> to vector<512x64xbf16>
    %dot_general3A_1927 = arith.constant dense<0.000000e+00> : vector<512x64xf32>
    %dot_general3A_1928 = tpu.matmul %convert_element_type3A_1926, %get3A_1053, %dot_general3A_1927 {dimension_numbers = #tpu.dot_dimension_numbers<[1], [1], [0], [0], [0, 0, 1, 0], [], []>, transpose_lhs_hint = false} : vector<512x64xbf16>, vector<64x64xbf16>, vector<512x64xf32> -> vector<512x64xf32>
    %add3A_1929 = vector.broadcast %get3A_1056 : vector<1x64xf32> to vector<512x64xf32>
    %add3A_1930 = arith.addf %dot_general3A_1928, %add3A_1929 : vector<512x64xf32>
    %reshape3A_1931 = vector.shape_cast %add3A_1930 : vector<512x64xf32> to vector<8x64x64xf32>
    %transpose3A_1932 = tpu.transpose %reshape3A_1931, [0, 2, 1] : vector<8x64x64xf32> -> vector<8x64x64xf32>
    %reshape3A_1933 = vector.shape_cast %transpose3A_1932 : vector<8x64x64xf32> to vector<512x64xf32>
    %add3A_1934 = arith.addf %reshape3A_1933, %dot_general3A_1913 : vector<512x64xf32>
    %reshape3A_1935 = vector.shape_cast %add3A_1934 : vector<512x64xf32> to vector<8x64x64xf32>
    %swap3A = arith.constant 0 : index
    %swap3A_1936 = arith.constant 0 : index
    %swap3A_1937 = arith.constant 0 : index
    %swap3A_1938 = vector.load %arg10[%swap3A, %swap3A_1936, %swap3A_1937] : memref<8x64x64xf32, #tpu.memory_space<vmem>>, vector<8x64x64xf32>
    tpu.vector_store %arg10[%swap3A, %swap3A_1936, %swap3A_1937], %reshape3A_1935 {strides = array<i32>} : memref<8x64x64xf32, #tpu.memory_space<vmem>>, vector<8x64x64xf32>,
    return
  }
  func.func @transform_1(%arg0: i32) -> (i32, i32) {
    %c0_i32 = arith.constant 0 : i32
    %c0_i32_0 = arith.constant 0 : i32
    %c0_i32_1 = arith.constant 0 : i32
    return %c0_i32, %c0_i32_0 : i32, i32
  }
  func.func @transform_2(%arg0: i32) -> (i32, i32) {
    %c0_i32 = arith.constant 0 : i32
    %c0_i32_0 = arith.constant 0 : i32
    %c0_i32_1 = arith.constant 0 : i32
    return %c0_i32, %c0_i32_0 : i32, i32
  }
  func.func @transform_3(%arg0: i32) -> (i32, i32) {
    %c0_i32 = arith.constant 0 : i32
    %c0_i32_0 = arith.constant 0 : i32
    %c0_i32_1 = arith.constant 0 : i32
    return %c0_i32, %c0_i32_0 : i32, i32
  }
  func.func @transform_4(%arg0: i32) -> (i32, i32) {
    %c0_i32 = arith.constant 0 : i32
    %c0_i32_0 = arith.constant 0 : i32
    %c0_i32_1 = arith.constant 0 : i32
    return %c0_i32, %c0_i32_0 : i32, i32
  }
  func.func @transform_5(%arg0: i32) -> (i32, i32) {
    %c0_i32 = arith.constant 0 : i32
    %c0_i32_0 = arith.constant 0 : i32
    %c0_i32_1 = arith.constant 0 : i32
    return %c0_i32, %c0_i32_0 : i32, i32
  }
  func.func @transform_6(%arg0: i32) -> (i32, i32) {
    %c0_i32 = arith.constant 0 : i32
    %c0_i32_0 = arith.constant 0 : i32
    %c0_i32_1 = arith.constant 0 : i32
    return %c0_i32, %c0_i32_0 : i32, i32
  }
  func.func @transform_7(%arg0: i32) -> (i32, i32) {
    %c0_i32 = arith.constant 0 : i32
    %c0_i32_0 = arith.constant 0 : i32
    %c0_i32_1 = arith.constant 0 : i32
    return %c0_i32, %c0_i32_0 : i32, i32
  }
  func.func @transform_8(%arg0: i32) -> (i32, i32) {
    %c0_i32 = arith.constant 0 : i32
    %c0_i32_0 = arith.constant 0 : i32
    %c0_i32_1 = arith.constant 0 : i32
    return %c0_i32, %c0_i32_0 : i32, i32
  }
  func.func @transform_9(%arg0: i32) -> (i32, i32, i32) {
    %c0_i32 = arith.constant 0 : i32
    %c0_i32_0 = arith.constant 0 : i32
    %c0_i32_1 = arith.constant 0 : i32
    return %arg0, %c0_i32, %c0_i32_0 : i32, i32, i32
  }
}

</mosaic_0001>

<sc_bundles>
// kernel: sparse-core-data-format-call.cloned.1.call-start
scs
called_computation_lowered:
.L_overlay_start_0:
0x0: {  	s2 =	sld [smem:$0x3FD9]  }
0x1: {  	s3 =	sld [smem:$0x3FFE];
	_ =	sdelay $0x1  }
0x2: {  	s1 =	srdreg.scid  }
0x3: {  	s0 =	sand.u32 $0x1, s1  }
0x4: {  	s18 =	sshll.u32 s0, $0xA;
	s2 =	sadd.s32 s3, s2  }
0x5: {  	s2 =	sadd.s32 s2, s18  }
0x6: {  	[smem:$0x3FC0] =	sst s2  }
0x7: {  	_ = 	snop  }
0x8: {  	s2 =	sld [smem:$0x3FC9];
	(tm) =	ssettm $0x1  }
0x9: {  	s19 =	sld [smem:$0x3FFB];
	_ =	sdelay $0x3  }
0xa: {  	_ =	strace s19  }
0xb: {  	s3 =	sld [smem:$0x3FFC];
	_ =	sdelay $0x3  }
0xc: {  	_ =	strace s3  }
0xd: {  	s3 =	sld [smem:$0x3FFD];
	_ =	sdelay $0x3  }
0xe: {  	_ =	strace s3  }
0xf: {  	_ =	strace $0x8FFFFFFF  }
0x10: {  	s20 =	sld [smem:$0x3FDB];
	_ =	sdelay $0x1  }
0x11: {  	s4 =	simm.s32 $_scs_section_size  }
0x12: {  	s5 =	simm.s32 $_size__tile_overlayer_lowered;
	s6 =	simm.s32 $_tile_overlayer_lowered  }
0x13: {  	s23 =	simm.s32 $0x1BFF;
	s22 =	sshll.u32 s6, $0x1;
	s3 =	sadd.s32 s4, s20  }
0x14: {  	s7 =	simm.s32 $0x0;
	s21 =	sshll.u32 s5, $0x1;
	s5 =	sadd.s32 s22, s3  }
0x15: {  	[timem:s7], [sflag:s23] =	dma.local [hbm:s5], s21  }
0x16: {  	_ =	swait.ge [sflag:s23], s21  }
0x17: {  	s4 =	ssub.s32 $0x0, s21;
	[sflag:s23] =	ssyncset.done $0x0  }
0x18: {  	[sflag:s23] =	ssyncadd.s32 s4;
	_ =	sdelay $0x1  }
0x19: {  	s24 =	simm.s32 $0x1B8B  }
0x1a: {  	_ =	swait.ge [sflag:s24], $0x1  }
0x1b: {  	[sflag:s24] =	ssyncset.done $0x0  }
0x1c: {  	s26 =	simm.s32 $0x1B8E;
	s25 =	sld [smem:$0x3FFE];
	[sflag:s24] =	ssyncadd.s32 $0xFFFFFFFF  }
0x1d: {  	s27 =	simm.s32 $execute0_lowered;
	[smem:$0x3FD2] =	sst s26  }
0x1e: {  	s5 =	sshll.u32 s27, $0x1;
	_ =	strace $0x80000046;
	[dreg:$0x1] =	wrdreg $0xFFFFFFFF  }
0x1f: {  	s28 =	simm.s32 $_size_execute0_lowered;
	s3 =	sadd.s32 s3, s5;
	[dreg:$0x0] =	wrdreg $0x0  }
0x20: {  	s5 =	sshll.u32 s28, $0x1;
	[dreg:$0x2] =	wrdreg s3  }
0x21: {  	[dreg:$0x3] =	wrdreg s5  }
0x22: {  	[dreg:$0x4] =	wrdreg $0xC0  }
0x23: {  	_ =	task [dreg:s7], $0x5FFFF  }
0x24: {  	[dreg:$0x1] =	wrdreg $0xFFFFFFFF  }
0x25: {  	[dreg:$0x0] =	wrdreg $0x60  }
0x26: {  	[dreg:$0x2] =	wrdreg s2  }
0x27: {  	[dreg:$0x3] =	wrdreg s25  }
0x28: {  	[dreg:$0x4] =	wrdreg $0x9  }
0x29: {  	_ =	task.clear_ibuf [dreg:s7], $0x5FFFF;
	_ =	strace $0x90000046  }
0x2a: {  	s29 =	simm.s32 $0x9;
	_ =	strace $0x80000048  }
0x2b: {  	_ =	swait.ge [sflag:s29], $0x1  }
0x2c: {  	[sflag:s29] =	ssyncadd.s32 $0xFFFFFFFF  }
0x2d: {  	_ =	strace $0x90000048  }
0x2e: {  	_ =	sfence  }
0x2f: {  	s30 =	sld [smem:$0x0];
	_ =	sdelay $0x2  }
0x30: {  	s31 =	sshll.u32 s1, $0xD;
	s1 =	sshrl.u32 s1, $0x2  }
0x31: {  	s3 =	sand.u32 $0x4000, s31;
	s1 =	sadd.s32 s1, s30  }
0x32: {  	s0 =	sor.u32 s3, s0;
	s1 =	sshll.u32 s1, $0x11  }
0x33: {  	s0 =	sor.u32 s1, s0  }
0x34: {  	s0 =	sadd.s32 $0x8F2B, s0  }
0x35: {  	[sflag:s0] =	ssyncadd.remote.s32 $0x1  }
0x36: {  	_ =	sfence.sel $0xFFFF  }
0x37: {  	[dreg:$0x0] =	wrdreg $0xFFFFFFFF;
	(pc) =	sbr.abs _section_cstart, $3  }
0x38: {  	[dreg:$0x1] =	wrdreg $0xFFFFFFFF  }
0x39: {  	_ =	task.clear_ibuf [dreg:s7], $0x2FFFF;
	_ =	strace $0x9FFFFFFF  }
0x3a: {  	(tm) =	ssettm $0x7FFFFFFF  }
0x3b: {  	_ =	shalt  }
tec
execute0_lowered:
.L_overlay_start_1:
0x0: {  	(tag) =	ssettag $0x1  }
0x1: {  	s2 =	rddreg [dreg:$0x0]  }
0x2: {  	s1 =	rddreg [dreg:$0x1]  }
0x3: {  	s0 =	rddreg [dreg:$0x2];
	_ =	strace $0x80000047;
	s4 =	srdreg.scid  }
.Ltmp0:
0x4: {  	s6 =	simm.s32 $0x2;
	p0 =	por $0x0, $0x0;
	(pc) =	sbr.rel .LBB1_1-.Ltmp0, $4  }
0x5: {  	s9 =	simm.s32 $0x0;
	s3 =	sadd.s32 $0x1200, s1;
	s5 =	sshll.u32 s4, $0x4  }
0x6: {  	s1 =	stileid.u32;
	s4 =	simm.s32 $0x1;
	s5 =	sand.u32 $0x10, s5  }
0x7: {  	s7 =	simm.s32 $0x0;
	[sflag:s4] =	ssyncpa.u1 $0x0;
	s5 =	sor.u32 s1, s5  }
0x8: {  	[sflag:s6] =	ssyncpa.u1 $0x0;
	s6 =	simm.s32 $0x0;
	s8 =	smov.u32 s5  }
.LBB1_7:
0x9: {  	s11 =	sadd.s32 $0x20, s8  }
0xa: {  	p1 =	slt.u32 s7, $0x2;
	s7 =	sadd.s32 $0x1, s7;
	p2 =	sgt.s32 s11, $0xFFF  }
0xb: {  	s11 =	smov.u32 @p2 s5;
	p2 =	sne.s32 s7, $0x82  }
.Ltmp1:
0xc: {  	_ = 	snop;
	(pc) =	sbr.rel @!p2 .LBB1_8-.Ltmp1, $4  }
0xd: {  	s10 =	simm.s32 @!p1 $0x2  }
0xe: {  	_ =	swait.ge @!p1 [sflag:s10], $0x4000  }
0xf: {  	s9 =	smov.u32 s8;
	[sflag:s10] =	ssyncset.done @!p1 $0x0  }
0x10: {  	p0 =	por !p0, !p0;
	s8 =	smov.u32 s11;
	[sflag:s10] =	ssyncadd.s32 @!p1 $0xFFFFC000  }
.LBB1_1:
0x11: {  	p1 =	sgt.u32 s7, $0x7F  }
0x12: {  	s10 =	sxor.u32 @!p1 $0xFFFFFFFF, s7  }
0x13: {  	s11 =	sshll.u32 @!p1 s8, $0xB;
	s10 =	sshll.u32 @!p1 s10, $0xE  }
0x14: {  	s12 =	simm.s32 @!p1 $0x0;
	s11 =	sadd.s32 @!p1 s2, s11;
	s10 =	sand.u32 @!p1 $0x4000, s10  }
0x15: {  	[tilespmem:s10], [sflag:$0x1] =	stream.linear.gather @!p1 [hbm4b:s11+s12], $0x4000, $0x38;
	[tilespmem:$0x10000] =	vst v63  }
0x16: {  	p1 =	seq.s32 s7, $0x0  }
0x17: {  	p2 =	seq.s32 @!p1 s7, $0x81  }
0x18: {  	p1 =	por p1, p2  }
.Ltmp2:
0x19: {  	_ = 	snop;
	(pc) =	sbr.rel @p1 .LBB1_7-.Ltmp2, $1  }
0x1a: {  	_ =	sdelay $0x3  }
0x1b: {  	s10 =	simm.s32 $0x1;
	_ =	swait.ge [sflag:s4], $0x4000;
	s12 =	sshll.u32 s7, $0xE  }
0x1c: {  	s13 =	simm.s32 $0x0;
	s10 =	simm.s32 @!p0 $0x0;
	[sflag:s4] =	ssyncset.done $0x0  }
0x1d: {  	s12 =	sand.u32 $0x4000, s12;
	s11 =	sshll.u32 s10, $0xE;
	[sflag:s4] =	ssyncadd.s32 $0xFFFFC000  }
0x1e: {  	s12 =	sor.u32 $0x8000, s12;
	s10 =	sor.u32 $0x8040, s11;
	s11 =	sor.u32 $0x40, s11  }
.LBB1_3:
0x1f: {  	v0 =	vmov s11;
	_ =	sdelay $0x3  }
0x20: {  	s15 =	simm.s32 $0x0  }
0x21: {  	v6 =	vld.idx.msk [tilespmem:v0+s15+$0x30 ss:$0x1], $0xffff  }
0x22: {  	v7 =	vld.idx.msk [tilespmem:v0+s15+$0xFFFFFFC0 ss:$0x1], $0xffff  }
0x23: {  	v5 =	vld.idx.msk [tilespmem:v0+s15+$0xFFFFFFD0 ss:$0x1], $0xffff  }
0x24: {  	v4 =	vld.idx.msk [tilespmem:v0+s15+$0xFFFFFFE0 ss:$0x1], $0xffff  }
0x25: {  	v3 =	vld.idx.msk [tilespmem:v0+s15+$0xFFFFFFF0 ss:$0x1], $0xffff  }
0x26: {  	v1 =	vld.idx.msk [tilespmem:v0+s15+$0x0 ss:$0x1], $0xffff  }
0x27: {  	v2 =	vld.idx.msk [tilespmem:v0+s15+$0x10 ss:$0x1], $0xffff;
	[tilespmem:s10+$0x30] =	vst v6  }
0x28: {  	s14 =	simm.s32 $0x80;
	s16 =	simm.s32 $0x400;
	[tilespmem:s10+$0xFFFFFFC0] =	vst v7;
	v6 =	vld.idx.msk [tilespmem:v0+s15+$0x20 ss:$0x1], $0xffff;
	s15 =	smov.u32 s10  }
.LBB1_4:
0x29: {  	p1 =	sne.s32 s16, $0xE00;
	v7 =	vld.idx.msk [tilespmem:v0+s14+$0x30 ss:$0x1], $0xffff;
	[tilespmem:s15+$0xFFFFFFD0] =	vst v5  }
0x2a: {  	v8 =	vld.idx.msk [tilespmem:v0+s14+$0xFFFFFFC0 ss:$0x1], $0xffff;
	[tilespmem:s15+$0xFFFFFFE0] =	vst v4  }
0x2b: {  	v5 =	vld.idx.msk [tilespmem:v0+s14+$0xFFFFFFD0 ss:$0x1], $0xffff;
	[tilespmem:s15+$0xFFFFFFF0] =	vst v3  }
.Ltmp3:
0x2c: {  	v4 =	vld.idx.msk [tilespmem:v0+s14+$0xFFFFFFE0 ss:$0x1], $0xffff;
	[tilespmem:s15+$0x0] =	vst v1;
	(pc) =	sbr.rel @p1 .LBB1_4-.Ltmp3, $4  }
0x2d: {  	v3 =	vld.idx.msk [tilespmem:v0+s14+$0xFFFFFFF0 ss:$0x1], $0xffff;
	[tilespmem:s15+$0x10] =	vst v2  }
0x2e: {  	v1 =	vld.idx.msk [tilespmem:v0+s14+$0x0 ss:$0x1], $0xffff;
	[tilespmem:s15+$0x20] =	vst v6;
	s15 =	sadd.s32 $0x800, s15  }
0x2f: {  	v2 =	vld.idx.msk [tilespmem:v0+s14+$0x10 ss:$0x1], $0xffff;
	[tilespmem:s15+$0x30] =	vst v7  }
0x30: {  	[tilespmem:s15+$0xFFFFFFC0] =	vst v8;
	v6 =	vld.idx.msk [tilespmem:v0+s14+$0x20 ss:$0x1], $0xffff;
	s14 =	sshra.s32 s16, $0x2;
	s16 =	sadd.s32 $0x200, s16  }
0x31: {  	_ =	sdelay $0x2  }
0x32: {  	[tilespmem:s15+$0xFFFFFFD0] =	vst v5  }
0x33: {  	v56 =	vld.idx.msk [tilespmem:v0+s14+$0x30 ss:$0x1], $0xffff;
	[tilespmem:s15+$0xFFFFFFE0] =	vst v4  }
0x34: {  	v57 =	vld.idx.msk [tilespmem:v0+s14+$0xFFFFFFC0 ss:$0x1], $0xffff;
	[tilespmem:s15+$0xFFFFFFF0] =	vst v3  }
0x35: {  	v58 =	vld.idx.msk [tilespmem:v0+s14+$0xFFFFFFD0 ss:$0x1], $0xffff;
	[tilespmem:s15+$0x0] =	vst v1  }
0x36: {  	v59 =	vld.idx.msk [tilespmem:v0+s14+$0xFFFFFFE0 ss:$0x1], $0xffff;
	[tilespmem:s15+$0x10] =	vst v2  }
0x37: {  	v60 =	vld.idx.msk [tilespmem:v0+s14+$0xFFFFFFF0 ss:$0x1], $0xffff;
	s31 =	sadd.s32 $0x800, s15;
	[tilespmem:s15+$0x20] =	vst v6  }
0x38: {  	v61 =	vld.idx.msk [tilespmem:v0+s14+$0x0 ss:$0x1], $0xffff;
	[tilespmem:s31+$0x30] =	vst v56  }
0x39: {  	v62 =	vld.idx.msk [tilespmem:v0+s14+$0x10 ss:$0x1], $0xffff;
	s13 =	sadd.s32 $0x1, s13;
	[tilespmem:s31+$0xFFFFFFC0] =	vst v57  }
0x3a: {  	v63 =	vld.idx.msk [tilespmem:v0+s14+$0x20 ss:$0x1], $0xffff;
	p1 =	sne.s32 s13, $0x10;
	[tilespmem:s31+$0xFFFFFFD0] =	vst v58  }
.Ltmp4:
0x3b: {  	[tilespmem:s31+$0xFFFFFFE0] =	vst v59;
	(pc) =	sbr.rel @p1 .LBB1_3-.Ltmp4, $4  }
0x3c: {  	[tilespmem:s31+$0xFFFFFFF0] =	vst v60  }
0x3d: {  	[tilespmem:s31+$0x0] =	vst v61  }
0x3e: {  	[tilespmem:s31+$0x10] =	vst v62  }
0x3f: {  	s10 =	sadd.s32 $0x80, s10;
	s11 =	sadd.s32 $0x400, s11;
	[tilespmem:s31+$0x20] =	vst v63  }
.Ltmp5:
0x40: {  	(pc) =	sbr.rel .LBB1_7-.Ltmp5, $4  }
0x41: {  	_ = 	snop  }
0x42: {  	s9 =	sshll.u32 s9, $0xB  }
0x43: {  	s9 =	sadd.s32 s3, s9  }
0x44: {  	[hbm4b:s9+s6] =	stream.linear.scatter [tilespmem:s12], [sflag:$0x2], $0x4000, $0x38;
	[tilespmem:$0x10000] =	vst v63  }
.LBB1_8:
0x45: {  	_ =	sfence.sel $0x180000  }
0x46: {  	s2 =	simm.s32 $0x1;
	[bflag:$0x0] =	sbarrier.arrive $0xFFFF  }
0x47: {  	s31 =	simm.s32 $0x2;
	[sflag:s2] =	ssyncpa.u1 $0x1  }
0x48: {  	[sflag:s31] =	ssyncpa.u1 $0x1  }
0x49: {  	p0 =	sne.s32 s1, $0x0;
	_ =	strace $0x90000047  }
0x4a: {  	s0 =	sadd.s32 @!p0 $0x100000, s0;
	[bflag:$0x2] =	sbarrier.arrive $0xFFFF  }
0x4b: {  	[sflag:s0] =	ssyncadd.tile.s32 @!p0 $0x1;
	_ =	shalt  }
.Lfunc_end1:
_tile_overlayer_lowered:
.L_overlay_start_2:
0x4c: {  	(tag) =	ssettag $0x2  }
0x4d: {  	s0 =	rddreg [dreg:$0x0];
	s2 =	stileid.u32  }
0x4e: {  	s1 =	rddreg [dreg:$0x1];
	p0 =	sne.s32 s2, $0x0  }
0x4f: {  	s3 =	rddreg [dreg:$0x2];
	[bflag:$0x3] =	sbarrier.arrive $0xFFFF;
	s2 =	simm.s32 @!p0 $0x1C01  }
0x50: {  	[timem:s3], [sflag:s2] =	dma.local @!p0 [hbm:s0], s1  }
0x51: {  	s0 =	simm.s32 @!p0 $0x1  }
0x52: {  	_ =	swait.ge @!p0 [sflag:s0], s1  }
0x53: {  	s1 =	ssub.s32 @!p0 $0x0, s1;
	[sflag:s0] =	ssyncset.done @!p0 $0x0  }
0x54: {  	[sflag:s0] =	ssyncadd.s32 @!p0 s1  }
0x55: {  	[bflag:$0x3] =	sbarrier.arrive $0xFFFF  }
0x56: {  	_ =	shalt  }

</sc_bundles>
